<compile_context>
chip_gen: v7x
topology: tpu7x:2x2x1
jax: 0.10.2.dev20260603
libtpu: 0.0.44.dev20260713+nightly
codegen_flags: <defaults>
</compile_context>

<pallas_src>
import functools

import jax
import jax.numpy as jnp
from jax import lax
from jax.experimental import pallas as pl
from jax.experimental.pallas import tpu as pltpu
from jax.experimental.pallas import tpu_sc as plsc

D = 64
DP = 128
V = 1000000
BATCH = 16384
HIST = 50
B = BATCH * HIST
NC, NS = 2, 16
NW = NC * NS
B_PER_W = B // NW
E_PER_W = B_PER_W // HIST

E_PER_CHUNK = 4
CHUNK = E_PER_CHUNK * HIST
N_CHUNKS = B_PER_W // CHUNK
NB = 4
FL = NB // 2
G_OUTER = N_CHUNKS // NB

PAD_BLK = 16384

_mesh = plsc.VectorSubcoreMesh(core_axis_name="c", subcore_axis_name="s")
_params = pltpu.CompilerParams(use_tc_tiling_on_sc=True)


def _pad_body(tab_t_ref, out_ref):
    out_ref[:, :D] = tab_t_ref[...].T


_pad_table_t = pl.pallas_call(
    _pad_body,
    grid=(pl.cdiv(V, PAD_BLK),),
    in_specs=[pl.BlockSpec((D, PAD_BLK), lambda i: (0, i))],
    out_specs=pl.BlockSpec((PAD_BLK, DP), lambda i: (i, 0)),
    out_shape=jax.ShapeDtypeStruct((V, DP), jnp.float32),
)


@functools.partial(
    pl.kernel,
    mesh=_mesh,
    compiler_params=_params,
    out_type=jax.ShapeDtypeStruct((BATCH, HIST, DP), jnp.float32),
    scratch_types=[
        pltpu.VMEM((B_PER_W,), jnp.int32),
        pltpu.VMEM((NB, CHUNK, DP), jnp.float32),
        pltpu.SemaphoreType.DMA,
        pltpu.SemaphoreType.DMA,
        pltpu.SemaphoreType.DMA,
        pltpu.SemaphoreType.DMA,
        pltpu.SemaphoreType.DMA,
        pltpu.SemaphoreType.DMA,
        pltpu.SemaphoreType.DMA,
        pltpu.SemaphoreType.DMA,
    ],
)
def _gather(table_hbm, idx_hbm, out_hbm, idx_v, rows_v,
            sg0, sg1, sg2, sg3, so0, so1, so2, so3):
    sem_g = [sg0, sg1, sg2, sg3]
    sem_o = [so0, so1, so2, so3]
    wid = lax.axis_index("s") * NC + lax.axis_index("c")
    base = wid * B_PER_W
    ebase = wid * E_PER_W

    pltpu.sync_copy(idx_hbm.at[pl.ds(base, B_PER_W)], idx_v)

    def g_start(i, b):
        idx_slice = idx_v.at[pl.ds(i * CHUNK, CHUNK)]
        pltpu.async_copy(table_hbm.at[idx_slice], rows_v.at[b], sem_g[b])

    def g_wait(i, b):
        idx_slice = idx_v.at[pl.ds(i * CHUNK, CHUNK)]
        pltpu.make_async_copy(table_hbm.at[idx_slice], rows_v.at[b], sem_g[b]).wait()

    def o_start(i, b):
        e0 = ebase + i * E_PER_CHUNK
        for e in range(E_PER_CHUNK):
            pltpu.async_copy(rows_v.at[b].at[pl.ds(e * HIST, HIST)],
                             out_hbm.at[e0 + e], sem_o[b])

    def o_wait(i, b):
        e0 = ebase + i * E_PER_CHUNK
        for e in range(E_PER_CHUNK):
            pltpu.make_async_copy(rows_v.at[b].at[pl.ds(e * HIST, HIST)],
                                  out_hbm.at[e0 + e], sem_o[b]).wait()

    for b in range(FL):
        g_start(b, b)
    for b in range(NB):
        g_wait(b, b)
        o_start(b, b)
        j = b + FL
        bj = j % NB
        if j >= NB:
            o_wait(j - NB, bj)
        g_start(j, bj)

    def body(g, carry):
        i0 = g * NB
        for b in range(NB):
            i = i0 + b
            g_wait(i, b)
            o_start(i, b)
            j = i + FL
            bj = (b + FL) % NB
            o_wait(j - NB, bj)
            g_start(j, bj)
        return carry

    lax.fori_loop(1, G_OUTER - 1, body, 0)

    i0 = (G_OUTER - 1) * NB
    for b in range(NB):
        i = i0 + b
        g_wait(i, b)
        o_start(i, b)
        j = i + FL
        if j < N_CHUNKS:
            bj = (b + FL) % NB
            o_wait(j - NB, bj)
            g_start(j, bj)
    for b in range(NB):
        o_wait(N_CHUNKS - NB + b, b)


def kernel(idx, table):
    tab_padded = _pad_table_t(table.T)
    out = _gather(tab_padded, idx.reshape(-1))
    return out[:, :, :D]

# --- scband reference (transcript-rebuilt; emitter-appended) ---
"""Pipeline reference for scband-embedding-31894427140158 (READ-ONLY COPY).

The authoritative reference and input builder live on the scoring server;
editing this copy changes nothing except your own understanding.
"""

import jax, jax.numpy as jnp
import numpy as np

VOCAB = 1000000
EMBED_DIM = 64
BATCH = 16384
HIST = 50

def setup_inputs(seed: int = 0) -> dict:
    key = jax.random.key(seed)
    k_idx, k_tab = jax.random.split(key)
    idx = jax.random.randint(k_idx, (BATCH, HIST), 0, VOCAB, dtype=jnp.int64 if jax.config.jax_enable_x64 else jnp.int32)
    table = jax.random.normal(k_tab, (VOCAB, EMBED_DIM), dtype=jnp.float32)
    return {"idx": idx, "table": table}

def reference(idx, table):
    # nn.Embedding forward: row gather from the embedding table
    return jnp.take(table, idx, axis=0)

if __name__ == "__main__":
    import jax
    _d = setup_inputs()
    print(jax.jit(kernel)(*tuple(_d.values())))

</pallas_src>

<mosaic_0001>
#map = affine_map<(d0, d1) -> (0, 0)>
#map1 = affine_map<(d0, d1) -> (0)>
#map2 = affine_map<(d0, d1) -> (0, 0, 0)>
module attributes {stable_mosaic.version = 14 : i64} {
  func.func @_gather(%arg0: i32, %arg1: i32, %arg2: memref<1000000x128xf32, #tpu.memory_space<hbm>>, %arg3: memref<819200xi32, #tpu.memory_space<hbm>>, %arg4: memref<16384x50x128xf32, #tpu.memory_space<hbm>>, %arg5: memref<25600xi32, #tpu.memory_space<vmem>>, %arg6: memref<4x200x128xf32, #tpu.memory_space<vmem>>, %arg7: memref<!tpu.dma_semaphore, #tpu.memory_space<semaphore_mem>>, %arg8: memref<!tpu.dma_semaphore, #tpu.memory_space<semaphore_mem>>, %arg9: memref<!tpu.dma_semaphore, #tpu.memory_space<semaphore_mem>>, %arg10: memref<!tpu.dma_semaphore, #tpu.memory_space<semaphore_mem>>, %arg11: memref<!tpu.dma_semaphore, #tpu.memory_space<semaphore_mem>>, %arg12: memref<!tpu.dma_semaphore, #tpu.memory_space<semaphore_mem>>, %arg13: memref<!tpu.dma_semaphore, #tpu.memory_space<semaphore_mem>>, %arg14: memref<!tpu.dma_semaphore, #tpu.memory_space<semaphore_mem>>) attributes {dimension_semantics = [#tpu.dimension_semantics<core_parallel>, #tpu.dimension_semantics<subcore_parallel>], iteration_bounds = array<i64: 2, 16>, scalar_prefetch = 0 : i64, scratch_operands = 10 : i64, tpu.core_type = #tpu.core_type<sc_vector_subcore>, window_params = [{transform_indices = #map}, {transform_indices = #map1}, {transform_indices = #map2}]} {
    %mul3A = arith.constant 2 : i32
    %mul3A_0 = arith.muli %arg1, %mul3A : i32
    %add3A = arith.addi %mul3A_0, %arg0 : i32
    %mul3A_1 = arith.constant 25600 : i32
    %mul3A_2 = arith.muli %add3A, %mul3A_1 : i32
    %mul3A_3 = arith.constant 512 : i32
    %mul3A_4 = arith.muli %add3A, %mul3A_3 : i32
    "tpu.region"() ({
      %run_scoped3A = tpu.sem_alloc : memref<!tpu.dma_semaphore, #tpu.memory_space<semaphore_mem>>
      %dma_start3A_1800 = tpu.memref_slice %arg3[%mul3A_2] : memref<819200xi32, #tpu.memory_space<hbm>> -> memref<25600xi32, #tpu.memory_space<hbm>>
      %dma_start3A_1801 = tpu.memref_slice %arg3[%mul3A_2] : memref<819200xi32, #tpu.memory_space<hbm>> -> memref<25600xi32, #tpu.memory_space<hbm>>
      tpu.enqueue_dma source(%dma_start3A_1801 : memref<25600xi32, #tpu.memory_space<hbm>>) target(%arg5 : memref<25600xi32, #tpu.memory_space<vmem>>) target_semaphore(%run_scoped3A : memref<!tpu.dma_semaphore, #tpu.memory_space<semaphore_mem>>)
      %dma_wait3A_1802 = tpu.memref_slice %arg3[%mul3A_2] : memref<819200xi32, #tpu.memory_space<hbm>> -> memref<25600xi32, #tpu.memory_space<hbm>>
      %dma_wait3A_1803 = tpu.memref_slice %arg3[%mul3A_2] : memref<819200xi32, #tpu.memory_space<hbm>> -> memref<25600xi32, #tpu.memory_space<hbm>>
      tpu.wait_dma2 semaphore(%run_scoped3A : memref<!tpu.dma_semaphore, #tpu.memory_space<semaphore_mem>>) src(%dma_wait3A_1803 : memref<25600xi32, #tpu.memory_space<hbm>>) dst(%arg5 : memref<25600xi32, #tpu.memory_space<vmem>>)
      tpu.yield
    }) : () -> ()
    %dma_start3A = arith.constant 0 : i32
    %dma_start3A_5 = arith.constant 0 : i32
    %dma_start3A_6 = arith.constant 0 : i32
    %dma_start3A_7 = tpu.memref_slice %arg6[%dma_start3A, %dma_start3A_5, %dma_start3A_6] : memref<4x200x128xf32, #tpu.memory_space<vmem>> -> memref<1x200x128xf32, #tpu.memory_space<vmem>>
    %dma_start3A_8 = tpu.memref_squeeze %dma_start3A_7 : memref<1x200x128xf32, #tpu.memory_space<vmem>> -> memref<200x128xf32, #tpu.memory_space<vmem>>
    %dma_start3A_9 = arith.constant 0 : i32
    %dma_start3A_10 = tpu.memref_slice %arg5[%dma_start3A_9] : memref<25600xi32, #tpu.memory_space<vmem>> -> memref<200xi32, #tpu.memory_space<vmem>>
    %dma_start3A_11 = arith.constant 0 : i32
    %dma_start3A_12 = arith.constant 0 : i32
    %dma_start3A_13 = tpu.memref_slice %arg2[%dma_start3A_11, %dma_start3A_12] : memref<1000000x128xf32, #tpu.memory_space<hbm>> -> memref<1000000x128xf32, #tpu.memory_space<hbm>>
    tpu.enqueue_indirect_dma source(%dma_start3A_13 : memref<1000000x128xf32, #tpu.memory_space<hbm>>) target(%dma_start3A_8 : memref<200x128xf32, #tpu.memory_space<vmem>>) offsets(%dma_start3A_10 : memref<200xi32, #tpu.memory_space<vmem>>) semaphore(%arg7 : memref<!tpu.dma_semaphore, #tpu.memory_space<semaphore_mem>>)
    %dma_start3A_14 = arith.constant 1 : i32
    %dma_start3A_15 = arith.constant 0 : i32
    %dma_start3A_16 = arith.constant 0 : i32
    %dma_start3A_17 = tpu.memref_slice %arg6[%dma_start3A_14, %dma_start3A_15, %dma_start3A_16] : memref<4x200x128xf32, #tpu.memory_space<vmem>> -> memref<1x200x128xf32, #tpu.memory_space<vmem>>
    %dma_start3A_18 = tpu.memref_squeeze %dma_start3A_17 : memref<1x200x128xf32, #tpu.memory_space<vmem>> -> memref<200x128xf32, #tpu.memory_space<vmem>>
    %dma_start3A_19 = arith.constant 200 : i32
    %dma_start3A_20 = tpu.memref_slice %arg5[%dma_start3A_19] : memref<25600xi32, #tpu.memory_space<vmem>> -> memref<200xi32, #tpu.memory_space<vmem>>
    %dma_start3A_21 = arith.constant 0 : i32
    %dma_start3A_22 = arith.constant 0 : i32
    %dma_start3A_23 = tpu.memref_slice %arg2[%dma_start3A_21, %dma_start3A_22] : memref<1000000x128xf32, #tpu.memory_space<hbm>> -> memref<1000000x128xf32, #tpu.memory_space<hbm>>
    tpu.enqueue_indirect_dma source(%dma_start3A_23 : memref<1000000x128xf32, #tpu.memory_space<hbm>>) target(%dma_start3A_18 : memref<200x128xf32, #tpu.memory_space<vmem>>) offsets(%dma_start3A_20 : memref<200xi32, #tpu.memory_space<vmem>>) semaphore(%arg8 : memref<!tpu.dma_semaphore, #tpu.memory_space<semaphore_mem>>)
    %dma_wait3A = arith.constant 0 : i32
    %dma_wait3A_24 = arith.constant 0 : i32
    %dma_wait3A_25 = arith.constant 0 : i32
    %dma_wait3A_26 = tpu.memref_slice %arg6[%dma_wait3A, %dma_wait3A_24, %dma_wait3A_25] : memref<4x200x128xf32, #tpu.memory_space<vmem>> -> memref<1x200x128xf32, #tpu.memory_space<vmem>>
    %dma_wait3A_27 = tpu.memref_squeeze %dma_wait3A_26 : memref<1x200x128xf32, #tpu.memory_space<vmem>> -> memref<200x128xf32, #tpu.memory_space<vmem>>
    %dma_wait3A_28 = arith.constant 0 : i32
    %dma_wait3A_29 = tpu.memref_slice %arg5[%dma_wait3A_28] : memref<25600xi32, #tpu.memory_space<vmem>> -> memref<200xi32, #tpu.memory_space<vmem>>
    %dma_wait3A_30 = arith.constant 0 : i32
    %dma_wait3A_31 = arith.constant 0 : i32
    %dma_wait3A_32 = tpu.memref_slice %arg2[%dma_wait3A_30, %dma_wait3A_31] : memref<1000000x128xf32, #tpu.memory_space<hbm>> -> memref<1000000x128xf32, #tpu.memory_space<hbm>>
    tpu.wait_indirect_dma semaphore(%arg7 : memref<!tpu.dma_semaphore, #tpu.memory_space<semaphore_mem>>) src(%dma_wait3A_32 : memref<1000000x128xf32, #tpu.memory_space<hbm>>) dst(%dma_wait3A_27 : memref<200x128xf32, #tpu.memory_space<vmem>>)
    %add3A_33 = arith.constant 0 : i32
    %add3A_34 = arith.addi %mul3A_4, %add3A_33 : i32
    %add3A_35 = arith.constant 0 : i32
    %add3A_36 = arith.addi %add3A_34, %add3A_35 : i32
    %dma_start3A_37 = arith.constant 0 : i32
    %dma_start3A_38 = arith.constant 0 : i32
    %dma_start3A_39 = arith.constant 0 : i32
    %dma_start3A_40 = tpu.memref_slice %arg6[%dma_start3A_37, %dma_start3A_38, %dma_start3A_39] : memref<4x200x128xf32, #tpu.memory_space<vmem>> -> memref<1x200x128xf32, #tpu.memory_space<vmem>>
    %dma_start3A_41 = tpu.memref_squeeze %dma_start3A_40 : memref<1x200x128xf32, #tpu.memory_space<vmem>> -> memref<200x128xf32, #tpu.memory_space<vmem>>
    %dma_start3A_42 = arith.constant 0 : i32
    %dma_start3A_43 = arith.constant 0 : i32
    %dma_start3A_44 = tpu.memref_slice %dma_start3A_41[%dma_start3A_42, %dma_start3A_43] : memref<200x128xf32, #tpu.memory_space<vmem>> -> memref<50x128xf32, #tpu.memory_space<vmem>>
    %dma_start3A_45 = arith.constant 0 : i32
    %dma_start3A_46 = arith.constant 0 : i32
    %dma_start3A_47 = tpu.memref_slice %arg4[%add3A_36, %dma_start3A_45, %dma_start3A_46] : memref<16384x50x128xf32, #tpu.memory_space<hbm>> -> memref<1x50x128xf32, #tpu.memory_space<hbm>>
    %dma_start3A_48 = tpu.memref_squeeze %dma_start3A_47 : memref<1x50x128xf32, #tpu.memory_space<hbm>> -> memref<50x128xf32, #tpu.memory_space<hbm>>
    %dma_start3A_49 = arith.constant 0 : i32
    %dma_start3A_50 = arith.constant 0 : i32
    %dma_start3A_51 = tpu.memref_slice %arg4[%add3A_36, %dma_start3A_49, %dma_start3A_50] : memref<16384x50x128xf32, #tpu.memory_space<hbm>> -> memref<1x50x128xf32, #tpu.memory_space<hbm>>
    %dma_start3A_52 = tpu.memref_squeeze %dma_start3A_51 : memref<1x50x128xf32, #tpu.memory_space<hbm>> -> memref<50x128xf32, #tpu.memory_space<hbm>>
    %dma_start3A_53 = arith.constant 0 : i32
    %dma_start3A_54 = arith.constant 0 : i32
    %dma_start3A_55 = tpu.memref_slice %arg6[%dma_start3A_37, %dma_start3A_53, %dma_start3A_54] : memref<4x200x128xf32, #tpu.memory_space<vmem>> -> memref<1x200x128xf32, #tpu.memory_space<vmem>>
    %dma_start3A_56 = tpu.memref_squeeze %dma_start3A_55 : memref<1x200x128xf32, #tpu.memory_space<vmem>> -> memref<200x128xf32, #tpu.memory_space<vmem>>
    %dma_start3A_57 = arith.constant 0 : i32
    %dma_start3A_58 = arith.constant 0 : i32
    %dma_start3A_59 = tpu.memref_slice %dma_start3A_56[%dma_start3A_57, %dma_start3A_58] : memref<200x128xf32, #tpu.memory_space<vmem>> -> memref<50x128xf32, #tpu.memory_space<vmem>>
    tpu.enqueue_dma source(%dma_start3A_59 : memref<50x128xf32, #tpu.memory_space<vmem>>) target(%dma_start3A_52 : memref<50x128xf32, #tpu.memory_space<hbm>>) target_semaphore(%arg11 : memref<!tpu.dma_semaphore, #tpu.memory_space<semaphore_mem>>)
    %add3A_60 = arith.constant 1 : i32
    %add3A_61 = arith.addi %add3A_34, %add3A_60 : i32
    %dma_start3A_62 = arith.constant 0 : i32
    %dma_start3A_63 = arith.constant 0 : i32
    %dma_start3A_64 = arith.constant 0 : i32
    %dma_start3A_65 = tpu.memref_slice %arg6[%dma_start3A_62, %dma_start3A_63, %dma_start3A_64] : memref<4x200x128xf32, #tpu.memory_space<vmem>> -> memref<1x200x128xf32, #tpu.memory_space<vmem>>
    %dma_start3A_66 = tpu.memref_squeeze %dma_start3A_65 : memref<1x200x128xf32, #tpu.memory_space<vmem>> -> memref<200x128xf32, #tpu.memory_space<vmem>>
    %dma_start3A_67 = arith.constant 50 : i32
    %dma_start3A_68 = arith.constant 0 : i32
    %dma_start3A_69 = tpu.memref_slice %dma_start3A_66[%dma_start3A_67, %dma_start3A_68] : memref<200x128xf32, #tpu.memory_space<vmem>> -> memref<50x128xf32, #tpu.memory_space<vmem>>
    %dma_start3A_70 = arith.constant 0 : i32
    %dma_start3A_71 = arith.constant 0 : i32
    %dma_start3A_72 = tpu.memref_slice %arg4[%add3A_61, %dma_start3A_70, %dma_start3A_71] : memref<16384x50x128xf32, #tpu.memory_space<hbm>> -> memref<1x50x128xf32, #tpu.memory_space<hbm>>
    %dma_start3A_73 = tpu.memref_squeeze %dma_start3A_72 : memref<1x50x128xf32, #tpu.memory_space<hbm>> -> memref<50x128xf32, #tpu.memory_space<hbm>>
    %dma_start3A_74 = arith.constant 0 : i32
    %dma_start3A_75 = arith.constant 0 : i32
    %dma_start3A_76 = tpu.memref_slice %arg4[%add3A_61, %dma_start3A_74, %dma_start3A_75] : memref<16384x50x128xf32, #tpu.memory_space<hbm>> -> memref<1x50x128xf32, #tpu.memory_space<hbm>>
    %dma_start3A_77 = tpu.memref_squeeze %dma_start3A_76 : memref<1x50x128xf32, #tpu.memory_space<hbm>> -> memref<50x128xf32, #tpu.memory_space<hbm>>
    %dma_start3A_78 = arith.constant 0 : i32
    %dma_start3A_79 = arith.constant 0 : i32
    %dma_start3A_80 = tpu.memref_slice %arg6[%dma_start3A_62, %dma_start3A_78, %dma_start3A_79] : memref<4x200x128xf32, #tpu.memory_space<vmem>> -> memref<1x200x128xf32, #tpu.memory_space<vmem>>
    %dma_start3A_81 = tpu.memref_squeeze %dma_start3A_80 : memref<1x200x128xf32, #tpu.memory_space<vmem>> -> memref<200x128xf32, #tpu.memory_space<vmem>>
    %dma_start3A_82 = arith.constant 50 : i32
    %dma_start3A_83 = arith.constant 0 : i32
    %dma_start3A_84 = tpu.memref_slice %dma_start3A_81[%dma_start3A_82, %dma_start3A_83] : memref<200x128xf32, #tpu.memory_space<vmem>> -> memref<50x128xf32, #tpu.memory_space<vmem>>
    tpu.enqueue_dma source(%dma_start3A_84 : memref<50x128xf32, #tpu.memory_space<vmem>>) target(%dma_start3A_77 : memref<50x128xf32, #tpu.memory_space<hbm>>) target_semaphore(%arg11 : memref<!tpu.dma_semaphore, #tpu.memory_space<semaphore_mem>>)
    %add3A_85 = arith.constant 2 : i32
    %add3A_86 = arith.addi %add3A_34, %add3A_85 : i32
    %dma_start3A_87 = arith.constant 0 : i32
    %dma_start3A_88 = arith.constant 0 : i32
    %dma_start3A_89 = arith.constant 0 : i32
    %dma_start3A_90 = tpu.memref_slice %arg6[%dma_start3A_87, %dma_start3A_88, %dma_start3A_89] : memref<4x200x128xf32, #tpu.memory_space<vmem>> -> memref<1x200x128xf32, #tpu.memory_space<vmem>>
    %dma_start3A_91 = tpu.memref_squeeze %dma_start3A_90 : memref<1x200x128xf32, #tpu.memory_space<vmem>> -> memref<200x128xf32, #tpu.memory_space<vmem>>
    %dma_start3A_92 = arith.constant 100 : i32
    %dma_start3A_93 = arith.constant 0 : i32
    %dma_start3A_94 = tpu.memref_slice %dma_start3A_91[%dma_start3A_92, %dma_start3A_93] : memref<200x128xf32, #tpu.memory_space<vmem>> -> memref<50x128xf32, #tpu.memory_space<vmem>>
    %dma_start3A_95 = arith.constant 0 : i32
    %dma_start3A_96 = arith.constant 0 : i32
    %dma_start3A_97 = tpu.memref_slice %arg4[%add3A_86, %dma_start3A_95, %dma_start3A_96] : memref<16384x50x128xf32, #tpu.memory_space<hbm>> -> memref<1x50x128xf32, #tpu.memory_space<hbm>>
    %dma_start3A_98 = tpu.memref_squeeze %dma_start3A_97 : memref<1x50x128xf32, #tpu.memory_space<hbm>> -> memref<50x128xf32, #tpu.memory_space<hbm>>
    %dma_start3A_99 = arith.constant 0 : i32
    %dma_start3A_100 = arith.constant 0 : i32
    %dma_start3A_101 = tpu.memref_slice %arg4[%add3A_86, %dma_start3A_99, %dma_start3A_100] : memref<16384x50x128xf32, #tpu.memory_space<hbm>> -> memref<1x50x128xf32, #tpu.memory_space<hbm>>
    %dma_start3A_102 = tpu.memref_squeeze %dma_start3A_101 : memref<1x50x128xf32, #tpu.memory_space<hbm>> -> memref<50x128xf32, #tpu.memory_space<hbm>>
    %dma_start3A_103 = arith.constant 0 : i32
    %dma_start3A_104 = arith.constant 0 : i32
    %dma_start3A_105 = tpu.memref_slice %arg6[%dma_start3A_87, %dma_start3A_103, %dma_start3A_104] : memref<4x200x128xf32, #tpu.memory_space<vmem>> -> memref<1x200x128xf32, #tpu.memory_space<vmem>>
    %dma_start3A_106 = tpu.memref_squeeze %dma_start3A_105 : memref<1x200x128xf32, #tpu.memory_space<vmem>> -> memref<200x128xf32, #tpu.memory_space<vmem>>
    %dma_start3A_107 = arith.constant 100 : i32
    %dma_start3A_108 = arith.constant 0 : i32
    %dma_start3A_109 = tpu.memref_slice %dma_start3A_106[%dma_start3A_107, %dma_start3A_108] : memref<200x128xf32, #tpu.memory_space<vmem>> -> memref<50x128xf32, #tpu.memory_space<vmem>>
    tpu.enqueue_dma source(%dma_start3A_109 : memref<50x128xf32, #tpu.memory_space<vmem>>) target(%dma_start3A_102 : memref<50x128xf32, #tpu.memory_space<hbm>>) target_semaphore(%arg11 : memref<!tpu.dma_semaphore, #tpu.memory_space<semaphore_mem>>)
    %add3A_110 = arith.constant 3 : i32
    %add3A_111 = arith.addi %add3A_34, %add3A_110 : i32
    %dma_start3A_112 = arith.constant 0 : i32
    %dma_start3A_113 = arith.constant 0 : i32
    %dma_start3A_114 = arith.constant 0 : i32
    %dma_start3A_115 = tpu.memref_slice %arg6[%dma_start3A_112, %dma_start3A_113, %dma_start3A_114] : memref<4x200x128xf32, #tpu.memory_space<vmem>> -> memref<1x200x128xf32, #tpu.memory_space<vmem>>
    %dma_start3A_116 = tpu.memref_squeeze %dma_start3A_115 : memref<1x200x128xf32, #tpu.memory_space<vmem>> -> memref<200x128xf32, #tpu.memory_space<vmem>>
    %dma_start3A_117 = arith.constant 150 : i32
    %dma_start3A_118 = arith.constant 0 : i32
    %dma_start3A_119 = tpu.memref_slice %dma_start3A_116[%dma_start3A_117, %dma_start3A_118] : memref<200x128xf32, #tpu.memory_space<vmem>> -> memref<50x128xf32, #tpu.memory_space<vmem>>
    %dma_start3A_120 = arith.constant 0 : i32
    %dma_start3A_121 = arith.constant 0 : i32
    %dma_start3A_122 = tpu.memref_slice %arg4[%add3A_111, %dma_start3A_120, %dma_start3A_121] : memref<16384x50x128xf32, #tpu.memory_space<hbm>> -> memref<1x50x128xf32, #tpu.memory_space<hbm>>
    %dma_start3A_123 = tpu.memref_squeeze %dma_start3A_122 : memref<1x50x128xf32, #tpu.memory_space<hbm>> -> memref<50x128xf32, #tpu.memory_space<hbm>>
    %dma_start3A_124 = arith.constant 0 : i32
    %dma_start3A_125 = arith.constant 0 : i32
    %dma_start3A_126 = tpu.memref_slice %arg4[%add3A_111, %dma_start3A_124, %dma_start3A_125] : memref<16384x50x128xf32, #tpu.memory_space<hbm>> -> memref<1x50x128xf32, #tpu.memory_space<hbm>>
    %dma_start3A_127 = tpu.memref_squeeze %dma_start3A_126 : memref<1x50x128xf32, #tpu.memory_space<hbm>> -> memref<50x128xf32, #tpu.memory_space<hbm>>
    %dma_start3A_128 = arith.constant 0 : i32
    %dma_start3A_129 = arith.constant 0 : i32
    %dma_start3A_130 = tpu.memref_slice %arg6[%dma_start3A_112, %dma_start3A_128, %dma_start3A_129] : memref<4x200x128xf32, #tpu.memory_space<vmem>> -> memref<1x200x128xf32, #tpu.memory_space<vmem>>
    %dma_start3A_131 = tpu.memref_squeeze %dma_start3A_130 : memref<1x200x128xf32, #tpu.memory_space<vmem>> -> memref<200x128xf32, #tpu.memory_space<vmem>>
    %dma_start3A_132 = arith.constant 150 : i32
    %dma_start3A_133 = arith.constant 0 : i32
    %dma_start3A_134 = tpu.memref_slice %dma_start3A_131[%dma_start3A_132, %dma_start3A_133] : memref<200x128xf32, #tpu.memory_space<vmem>> -> memref<50x128xf32, #tpu.memory_space<vmem>>
    tpu.enqueue_dma source(%dma_start3A_134 : memref<50x128xf32, #tpu.memory_space<vmem>>) target(%dma_start3A_127 : memref<50x128xf32, #tpu.memory_space<hbm>>) target_semaphore(%arg11 : memref<!tpu.dma_semaphore, #tpu.memory_space<semaphore_mem>>)
    %dma_start3A_135 = arith.constant 2 : i32
    %dma_start3A_136 = arith.constant 0 : i32
    %dma_start3A_137 = arith.constant 0 : i32
    %dma_start3A_138 = tpu.memref_slice %arg6[%dma_start3A_135, %dma_start3A_136, %dma_start3A_137] : memref<4x200x128xf32, #tpu.memory_space<vmem>> -> memref<1x200x128xf32, #tpu.memory_space<vmem>>
    %dma_start3A_139 = tpu.memref_squeeze %dma_start3A_138 : memref<1x200x128xf32, #tpu.memory_space<vmem>> -> memref<200x128xf32, #tpu.memory_space<vmem>>
    %dma_start3A_140 = arith.constant 400 : i32
    %dma_start3A_141 = tpu.memref_slice %arg5[%dma_start3A_140] : memref<25600xi32, #tpu.memory_space<vmem>> -> memref<200xi32, #tpu.memory_space<vmem>>
    %dma_start3A_142 = arith.constant 0 : i32
    %dma_start3A_143 = arith.constant 0 : i32
    %dma_start3A_144 = tpu.memref_slice %arg2[%dma_start3A_142, %dma_start3A_143] : memref<1000000x128xf32, #tpu.memory_space<hbm>> -> memref<1000000x128xf32, #tpu.memory_space<hbm>>
    tpu.enqueue_indirect_dma source(%dma_start3A_144 : memref<1000000x128xf32, #tpu.memory_space<hbm>>) target(%dma_start3A_139 : memref<200x128xf32, #tpu.memory_space<vmem>>) offsets(%dma_start3A_141 : memref<200xi32, #tpu.memory_space<vmem>>) semaphore(%arg9 : memref<!tpu.dma_semaphore, #tpu.memory_space<semaphore_mem>>)
    %dma_wait3A_145 = arith.constant 1 : i32
    %dma_wait3A_146 = arith.constant 0 : i32
    %dma_wait3A_147 = arith.constant 0 : i32
    %dma_wait3A_148 = tpu.memref_slice %arg6[%dma_wait3A_145, %dma_wait3A_146, %dma_wait3A_147] : memref<4x200x128xf32, #tpu.memory_space<vmem>> -> memref<1x200x128xf32, #tpu.memory_space<vmem>>
    %dma_wait3A_149 = tpu.memref_squeeze %dma_wait3A_148 : memref<1x200x128xf32, #tpu.memory_space<vmem>> -> memref<200x128xf32, #tpu.memory_space<vmem>>
    %dma_wait3A_150 = arith.constant 200 : i32
    %dma_wait3A_151 = tpu.memref_slice %arg5[%dma_wait3A_150] : memref<25600xi32, #tpu.memory_space<vmem>> -> memref<200xi32, #tpu.memory_space<vmem>>
    %dma_wait3A_152 = arith.constant 0 : i32
    %dma_wait3A_153 = arith.constant 0 : i32
    %dma_wait3A_154 = tpu.memref_slice %arg2[%dma_wait3A_152, %dma_wait3A_153] : memref<1000000x128xf32, #tpu.memory_space<hbm>> -> memref<1000000x128xf32, #tpu.memory_space<hbm>>
    tpu.wait_indirect_dma semaphore(%arg8 : memref<!tpu.dma_semaphore, #tpu.memory_space<semaphore_mem>>) src(%dma_wait3A_154 : memref<1000000x128xf32, #tpu.memory_space<hbm>>) dst(%dma_wait3A_149 : memref<200x128xf32, #tpu.memory_space<vmem>>)
    %add3A_155 = arith.constant 4 : i32
    %add3A_156 = arith.addi %mul3A_4, %add3A_155 : i32
    %add3A_157 = arith.constant 0 : i32
    %add3A_158 = arith.addi %add3A_156, %add3A_157 : i32
    %dma_start3A_159 = arith.constant 1 : i32
    %dma_start3A_160 = arith.constant 0 : i32
    %dma_start3A_161 = arith.constant 0 : i32
    %dma_start3A_162 = tpu.memref_slice %arg6[%dma_start3A_159, %dma_start3A_160, %dma_start3A_161] : memref<4x200x128xf32, #tpu.memory_space<vmem>> -> memref<1x200x128xf32, #tpu.memory_space<vmem>>
    %dma_start3A_163 = tpu.memref_squeeze %dma_start3A_162 : memref<1x200x128xf32, #tpu.memory_space<vmem>> -> memref<200x128xf32, #tpu.memory_space<vmem>>
    %dma_start3A_164 = arith.constant 0 : i32
    %dma_start3A_165 = arith.constant 0 : i32
    %dma_start3A_166 = tpu.memref_slice %dma_start3A_163[%dma_start3A_164, %dma_start3A_165] : memref<200x128xf32, #tpu.memory_space<vmem>> -> memref<50x128xf32, #tpu.memory_space<vmem>>
    %dma_start3A_167 = arith.constant 0 : i32
    %dma_start3A_168 = arith.constant 0 : i32
    %dma_start3A_169 = tpu.memref_slice %arg4[%add3A_158, %dma_start3A_167, %dma_start3A_168] : memref<16384x50x128xf32, #tpu.memory_space<hbm>> -> memref<1x50x128xf32, #tpu.memory_space<hbm>>
    %dma_start3A_170 = tpu.memref_squeeze %dma_start3A_169 : memref<1x50x128xf32, #tpu.memory_space<hbm>> -> memref<50x128xf32, #tpu.memory_space<hbm>>
    %dma_start3A_171 = arith.constant 0 : i32
    %dma_start3A_172 = arith.constant 0 : i32
    %dma_start3A_173 = tpu.memref_slice %arg4[%add3A_158, %dma_start3A_171, %dma_start3A_172] : memref<16384x50x128xf32, #tpu.memory_space<hbm>> -> memref<1x50x128xf32, #tpu.memory_space<hbm>>
    %dma_start3A_174 = tpu.memref_squeeze %dma_start3A_173 : memref<1x50x128xf32, #tpu.memory_space<hbm>> -> memref<50x128xf32, #tpu.memory_space<hbm>>
    %dma_start3A_175 = arith.constant 0 : i32
    %dma_start3A_176 = arith.constant 0 : i32
    %dma_start3A_177 = tpu.memref_slice %arg6[%dma_start3A_159, %dma_start3A_175, %dma_start3A_176] : memref<4x200x128xf32, #tpu.memory_space<vmem>> -> memref<1x200x128xf32, #tpu.memory_space<vmem>>
    %dma_start3A_178 = tpu.memref_squeeze %dma_start3A_177 : memref<1x200x128xf32, #tpu.memory_space<vmem>> -> memref<200x128xf32, #tpu.memory_space<vmem>>
    %dma_start3A_179 = arith.constant 0 : i32
    %dma_start3A_180 = arith.constant 0 : i32
    %dma_start3A_181 = tpu.memref_slice %dma_start3A_178[%dma_start3A_179, %dma_start3A_180] : memref<200x128xf32, #tpu.memory_space<vmem>> -> memref<50x128xf32, #tpu.memory_space<vmem>>
    tpu.enqueue_dma source(%dma_start3A_181 : memref<50x128xf32, #tpu.memory_space<vmem>>) target(%dma_start3A_174 : memref<50x128xf32, #tpu.memory_space<hbm>>) target_semaphore(%arg12 : memref<!tpu.dma_semaphore, #tpu.memory_space<semaphore_mem>>)
    %add3A_182 = arith.constant 1 : i32
    %add3A_183 = arith.addi %add3A_156, %add3A_182 : i32
    %dma_start3A_184 = arith.constant 1 : i32
    %dma_start3A_185 = arith.constant 0 : i32
    %dma_start3A_186 = arith.constant 0 : i32
    %dma_start3A_187 = tpu.memref_slice %arg6[%dma_start3A_184, %dma_start3A_185, %dma_start3A_186] : memref<4x200x128xf32, #tpu.memory_space<vmem>> -> memref<1x200x128xf32, #tpu.memory_space<vmem>>
    %dma_start3A_188 = tpu.memref_squeeze %dma_start3A_187 : memref<1x200x128xf32, #tpu.memory_space<vmem>> -> memref<200x128xf32, #tpu.memory_space<vmem>>
    %dma_start3A_189 = arith.constant 50 : i32
    %dma_start3A_190 = arith.constant 0 : i32
    %dma_start3A_191 = tpu.memref_slice %dma_start3A_188[%dma_start3A_189, %dma_start3A_190] : memref<200x128xf32, #tpu.memory_space<vmem>> -> memref<50x128xf32, #tpu.memory_space<vmem>>
    %dma_start3A_192 = arith.constant 0 : i32
    %dma_start3A_193 = arith.constant 0 : i32
    %dma_start3A_194 = tpu.memref_slice %arg4[%add3A_183, %dma_start3A_192, %dma_start3A_193] : memref<16384x50x128xf32, #tpu.memory_space<hbm>> -> memref<1x50x128xf32, #tpu.memory_space<hbm>>
    %dma_start3A_195 = tpu.memref_squeeze %dma_start3A_194 : memref<1x50x128xf32, #tpu.memory_space<hbm>> -> memref<50x128xf32, #tpu.memory_space<hbm>>
    %dma_start3A_196 = arith.constant 0 : i32
    %dma_start3A_197 = arith.constant 0 : i32
    %dma_start3A_198 = tpu.memref_slice %arg4[%add3A_183, %dma_start3A_196, %dma_start3A_197] : memref<16384x50x128xf32, #tpu.memory_space<hbm>> -> memref<1x50x128xf32, #tpu.memory_space<hbm>>
    %dma_start3A_199 = tpu.memref_squeeze %dma_start3A_198 : memref<1x50x128xf32, #tpu.memory_space<hbm>> -> memref<50x128xf32, #tpu.memory_space<hbm>>
    %dma_start3A_200 = arith.constant 0 : i32
    %dma_start3A_201 = arith.constant 0 : i32
    %dma_start3A_202 = tpu.memref_slice %arg6[%dma_start3A_184, %dma_start3A_200, %dma_start3A_201] : memref<4x200x128xf32, #tpu.memory_space<vmem>> -> memref<1x200x128xf32, #tpu.memory_space<vmem>>
    %dma_start3A_203 = tpu.memref_squeeze %dma_start3A_202 : memref<1x200x128xf32, #tpu.memory_space<vmem>> -> memref<200x128xf32, #tpu.memory_space<vmem>>
    %dma_start3A_204 = arith.constant 50 : i32
    %dma_start3A_205 = arith.constant 0 : i32
    %dma_start3A_206 = tpu.memref_slice %dma_start3A_203[%dma_start3A_204, %dma_start3A_205] : memref<200x128xf32, #tpu.memory_space<vmem>> -> memref<50x128xf32, #tpu.memory_space<vmem>>
    tpu.enqueue_dma source(%dma_start3A_206 : memref<50x128xf32, #tpu.memory_space<vmem>>) target(%dma_start3A_199 : memref<50x128xf32, #tpu.memory_space<hbm>>) target_semaphore(%arg12 : memref<!tpu.dma_semaphore, #tpu.memory_space<semaphore_mem>>)
    %add3A_207 = arith.constant 2 : i32
    %add3A_208 = arith.addi %add3A_156, %add3A_207 : i32
    %dma_start3A_209 = arith.constant 1 : i32
    %dma_start3A_210 = arith.constant 0 : i32
    %dma_start3A_211 = arith.constant 0 : i32
    %dma_start3A_212 = tpu.memref_slice %arg6[%dma_start3A_209, %dma_start3A_210, %dma_start3A_211] : memref<4x200x128xf32, #tpu.memory_space<vmem>> -> memref<1x200x128xf32, #tpu.memory_space<vmem>>
    %dma_start3A_213 = tpu.memref_squeeze %dma_start3A_212 : memref<1x200x128xf32, #tpu.memory_space<vmem>> -> memref<200x128xf32, #tpu.memory_space<vmem>>
    %dma_start3A_214 = arith.constant 100 : i32
    %dma_start3A_215 = arith.constant 0 : i32
    %dma_start3A_216 = tpu.memref_slice %dma_start3A_213[%dma_start3A_214, %dma_start3A_215] : memref<200x128xf32, #tpu.memory_space<vmem>> -> memref<50x128xf32, #tpu.memory_space<vmem>>
    %dma_start3A_217 = arith.constant 0 : i32
    %dma_start3A_218 = arith.constant 0 : i32
    %dma_start3A_219 = tpu.memref_slice %arg4[%add3A_208, %dma_start3A_217, %dma_start3A_218] : memref<16384x50x128xf32, #tpu.memory_space<hbm>> -> memref<1x50x128xf32, #tpu.memory_space<hbm>>
    %dma_start3A_220 = tpu.memref_squeeze %dma_start3A_219 : memref<1x50x128xf32, #tpu.memory_space<hbm>> -> memref<50x128xf32, #tpu.memory_space<hbm>>
    %dma_start3A_221 = arith.constant 0 : i32
    %dma_start3A_222 = arith.constant 0 : i32
    %dma_start3A_223 = tpu.memref_slice %arg4[%add3A_208, %dma_start3A_221, %dma_start3A_222] : memref<16384x50x128xf32, #tpu.memory_space<hbm>> -> memref<1x50x128xf32, #tpu.memory_space<hbm>>
    %dma_start3A_224 = tpu.memref_squeeze %dma_start3A_223 : memref<1x50x128xf32, #tpu.memory_space<hbm>> -> memref<50x128xf32, #tpu.memory_space<hbm>>
    %dma_start3A_225 = arith.constant 0 : i32
    %dma_start3A_226 = arith.constant 0 : i32
    %dma_start3A_227 = tpu.memref_slice %arg6[%dma_start3A_209, %dma_start3A_225, %dma_start3A_226] : memref<4x200x128xf32, #tpu.memory_space<vmem>> -> memref<1x200x128xf32, #tpu.memory_space<vmem>>
    %dma_start3A_228 = tpu.memref_squeeze %dma_start3A_227 : memref<1x200x128xf32, #tpu.memory_space<vmem>> -> memref<200x128xf32, #tpu.memory_space<vmem>>
    %dma_start3A_229 = arith.constant 100 : i32
    %dma_start3A_230 = arith.constant 0 : i32
    %dma_start3A_231 = tpu.memref_slice %dma_start3A_228[%dma_start3A_229, %dma_start3A_230] : memref<200x128xf32, #tpu.memory_space<vmem>> -> memref<50x128xf32, #tpu.memory_space<vmem>>
    tpu.enqueue_dma source(%dma_start3A_231 : memref<50x128xf32, #tpu.memory_space<vmem>>) target(%dma_start3A_224 : memref<50x128xf32, #tpu.memory_space<hbm>>) target_semaphore(%arg12 : memref<!tpu.dma_semaphore, #tpu.memory_space<semaphore_mem>>)
    %add3A_232 = arith.constant 3 : i32
    %add3A_233 = arith.addi %add3A_156, %add3A_232 : i32
    %dma_start3A_234 = arith.constant 1 : i32
    %dma_start3A_235 = arith.constant 0 : i32
    %dma_start3A_236 = arith.constant 0 : i32
    %dma_start3A_237 = tpu.memref_slice %arg6[%dma_start3A_234, %dma_start3A_235, %dma_start3A_236] : memref<4x200x128xf32, #tpu.memory_space<vmem>> -> memref<1x200x128xf32, #tpu.memory_space<vmem>>
    %dma_start3A_238 = tpu.memref_squeeze %dma_start3A_237 : memref<1x200x128xf32, #tpu.memory_space<vmem>> -> memref<200x128xf32, #tpu.memory_space<vmem>>
    %dma_start3A_239 = arith.constant 150 : i32
    %dma_start3A_240 = arith.constant 0 : i32
    %dma_start3A_241 = tpu.memref_slice %dma_start3A_238[%dma_start3A_239, %dma_start3A_240] : memref<200x128xf32, #tpu.memory_space<vmem>> -> memref<50x128xf32, #tpu.memory_space<vmem>>
    %dma_start3A_242 = arith.constant 0 : i32
    %dma_start3A_243 = arith.constant 0 : i32
    %dma_start3A_244 = tpu.memref_slice %arg4[%add3A_233, %dma_start3A_242, %dma_start3A_243] : memref<16384x50x128xf32, #tpu.memory_space<hbm>> -> memref<1x50x128xf32, #tpu.memory_space<hbm>>
    %dma_start3A_245 = tpu.memref_squeeze %dma_start3A_244 : memref<1x50x128xf32, #tpu.memory_space<hbm>> -> memref<50x128xf32, #tpu.memory_space<hbm>>
    %dma_start3A_246 = arith.constant 0 : i32
    %dma_start3A_247 = arith.constant 0 : i32
    %dma_start3A_248 = tpu.memref_slice %arg4[%add3A_233, %dma_start3A_246, %dma_start3A_247] : memref<16384x50x128xf32, #tpu.memory_space<hbm>> -> memref<1x50x128xf32, #tpu.memory_space<hbm>>
    %dma_start3A_249 = tpu.memref_squeeze %dma_start3A_248 : memref<1x50x128xf32, #tpu.memory_space<hbm>> -> memref<50x128xf32, #tpu.memory_space<hbm>>
    %dma_start3A_250 = arith.constant 0 : i32
    %dma_start3A_251 = arith.constant 0 : i32
    %dma_start3A_252 = tpu.memref_slice %arg6[%dma_start3A_234, %dma_start3A_250, %dma_start3A_251] : memref<4x200x128xf32, #tpu.memory_space<vmem>> -> memref<1x200x128xf32, #tpu.memory_space<vmem>>
    %dma_start3A_253 = tpu.memref_squeeze %dma_start3A_252 : memref<1x200x128xf32, #tpu.memory_space<vmem>> -> memref<200x128xf32, #tpu.memory_space<vmem>>
    %dma_start3A_254 = arith.constant 150 : i32
    %dma_start3A_255 = arith.constant 0 : i32
    %dma_start3A_256 = tpu.memref_slice %dma_start3A_253[%dma_start3A_254, %dma_start3A_255] : memref<200x128xf32, #tpu.memory_space<vmem>> -> memref<50x128xf32, #tpu.memory_space<vmem>>
    tpu.enqueue_dma source(%dma_start3A_256 : memref<50x128xf32, #tpu.memory_space<vmem>>) target(%dma_start3A_249 : memref<50x128xf32, #tpu.memory_space<hbm>>) target_semaphore(%arg12 : memref<!tpu.dma_semaphore, #tpu.memory_space<semaphore_mem>>)
    %dma_start3A_257 = arith.constant 3 : i32
    %dma_start3A_258 = arith.constant 0 : i32
    %dma_start3A_259 = arith.constant 0 : i32
    %dma_start3A_260 = tpu.memref_slice %arg6[%dma_start3A_257, %dma_start3A_258, %dma_start3A_259] : memref<4x200x128xf32, #tpu.memory_space<vmem>> -> memref<1x200x128xf32, #tpu.memory_space<vmem>>
    %dma_start3A_261 = tpu.memref_squeeze %dma_start3A_260 : memref<1x200x128xf32, #tpu.memory_space<vmem>> -> memref<200x128xf32, #tpu.memory_space<vmem>>
    %dma_start3A_262 = arith.constant 600 : i32
    %dma_start3A_263 = tpu.memref_slice %arg5[%dma_start3A_262] : memref<25600xi32, #tpu.memory_space<vmem>> -> memref<200xi32, #tpu.memory_space<vmem>>
    %dma_start3A_264 = arith.constant 0 : i32
    %dma_start3A_265 = arith.constant 0 : i32
    %dma_start3A_266 = tpu.memref_slice %arg2[%dma_start3A_264, %dma_start3A_265] : memref<1000000x128xf32, #tpu.memory_space<hbm>> -> memref<1000000x128xf32, #tpu.memory_space<hbm>>
    tpu.enqueue_indirect_dma source(%dma_start3A_266 : memref<1000000x128xf32, #tpu.memory_space<hbm>>) target(%dma_start3A_261 : memref<200x128xf32, #tpu.memory_space<vmem>>) offsets(%dma_start3A_263 : memref<200xi32, #tpu.memory_space<vmem>>) semaphore(%arg10 : memref<!tpu.dma_semaphore, #tpu.memory_space<semaphore_mem>>)
    %dma_wait3A_267 = arith.constant 2 : i32
    %dma_wait3A_268 = arith.constant 0 : i32
    %dma_wait3A_269 = arith.constant 0 : i32
    %dma_wait3A_270 = tpu.memref_slice %arg6[%dma_wait3A_267, %dma_wait3A_268, %dma_wait3A_269] : memref<4x200x128xf32, #tpu.memory_space<vmem>> -> memref<1x200x128xf32, #tpu.memory_space<vmem>>
    %dma_wait3A_271 = tpu.memref_squeeze %dma_wait3A_270 : memref<1x200x128xf32, #tpu.memory_space<vmem>> -> memref<200x128xf32, #tpu.memory_space<vmem>>
    %dma_wait3A_272 = arith.constant 400 : i32
    %dma_wait3A_273 = tpu.memref_slice %arg5[%dma_wait3A_272] : memref<25600xi32, #tpu.memory_space<vmem>> -> memref<200xi32, #tpu.memory_space<vmem>>
    %dma_wait3A_274 = arith.constant 0 : i32
    %dma_wait3A_275 = arith.constant 0 : i32
    %dma_wait3A_276 = tpu.memref_slice %arg2[%dma_wait3A_274, %dma_wait3A_275] : memref<1000000x128xf32, #tpu.memory_space<hbm>> -> memref<1000000x128xf32, #tpu.memory_space<hbm>>
    tpu.wait_indirect_dma semaphore(%arg9 : memref<!tpu.dma_semaphore, #tpu.memory_space<semaphore_mem>>) src(%dma_wait3A_276 : memref<1000000x128xf32, #tpu.memory_space<hbm>>) dst(%dma_wait3A_271 : memref<200x128xf32, #tpu.memory_space<vmem>>)
    %add3A_277 = arith.constant 8 : i32
    %add3A_278 = arith.addi %mul3A_4, %add3A_277 : i32
    %add3A_279 = arith.constant 0 : i32
    %add3A_280 = arith.addi %add3A_278, %add3A_279 : i32
    %dma_start3A_281 = arith.constant 2 : i32
    %dma_start3A_282 = arith.constant 0 : i32
    %dma_start3A_283 = arith.constant 0 : i32
    %dma_start3A_284 = tpu.memref_slice %arg6[%dma_start3A_281, %dma_start3A_282, %dma_start3A_283] : memref<4x200x128xf32, #tpu.memory_space<vmem>> -> memref<1x200x128xf32, #tpu.memory_space<vmem>>
    %dma_start3A_285 = tpu.memref_squeeze %dma_start3A_284 : memref<1x200x128xf32, #tpu.memory_space<vmem>> -> memref<200x128xf32, #tpu.memory_space<vmem>>
    %dma_start3A_286 = arith.constant 0 : i32
    %dma_start3A_287 = arith.constant 0 : i32
    %dma_start3A_288 = tpu.memref_slice %dma_start3A_285[%dma_start3A_286, %dma_start3A_287] : memref<200x128xf32, #tpu.memory_space<vmem>> -> memref<50x128xf32, #tpu.memory_space<vmem>>
    %dma_start3A_289 = arith.constant 0 : i32
    %dma_start3A_290 = arith.constant 0 : i32
    %dma_start3A_291 = tpu.memref_slice %arg4[%add3A_280, %dma_start3A_289, %dma_start3A_290] : memref<16384x50x128xf32, #tpu.memory_space<hbm>> -> memref<1x50x128xf32, #tpu.memory_space<hbm>>
    %dma_start3A_292 = tpu.memref_squeeze %dma_start3A_291 : memref<1x50x128xf32, #tpu.memory_space<hbm>> -> memref<50x128xf32, #tpu.memory_space<hbm>>
    %dma_start3A_293 = arith.constant 0 : i32
    %dma_start3A_294 = arith.constant 0 : i32
    %dma_start3A_295 = tpu.memref_slice %arg4[%add3A_280, %dma_start3A_293, %dma_start3A_294] : memref<16384x50x128xf32, #tpu.memory_space<hbm>> -> memref<1x50x128xf32, #tpu.memory_space<hbm>>
    %dma_start3A_296 = tpu.memref_squeeze %dma_start3A_295 : memref<1x50x128xf32, #tpu.memory_space<hbm>> -> memref<50x128xf32, #tpu.memory_space<hbm>>
    %dma_start3A_297 = arith.constant 0 : i32
    %dma_start3A_298 = arith.constant 0 : i32
    %dma_start3A_299 = tpu.memref_slice %arg6[%dma_start3A_281, %dma_start3A_297, %dma_start3A_298] : memref<4x200x128xf32, #tpu.memory_space<vmem>> -> memref<1x200x128xf32, #tpu.memory_space<vmem>>
    %dma_start3A_300 = tpu.memref_squeeze %dma_start3A_299 : memref<1x200x128xf32, #tpu.memory_space<vmem>> -> memref<200x128xf32, #tpu.memory_space<vmem>>
    %dma_start3A_301 = arith.constant 0 : i32
    %dma_start3A_302 = arith.constant 0 : i32
    %dma_start3A_303 = tpu.memref_slice %dma_start3A_300[%dma_start3A_301, %dma_start3A_302] : memref<200x128xf32, #tpu.memory_space<vmem>> -> memref<50x128xf32, #tpu.memory_space<vmem>>
    tpu.enqueue_dma source(%dma_start3A_303 : memref<50x128xf32, #tpu.memory_space<vmem>>) target(%dma_start3A_296 : memref<50x128xf32, #tpu.memory_space<hbm>>) target_semaphore(%arg13 : memref<!tpu.dma_semaphore, #tpu.memory_space<semaphore_mem>>)
    %add3A_304 = arith.constant 1 : i32
    %add3A_305 = arith.addi %add3A_278, %add3A_304 : i32
    %dma_start3A_306 = arith.constant 2 : i32
    %dma_start3A_307 = arith.constant 0 : i32
    %dma_start3A_308 = arith.constant 0 : i32
    %dma_start3A_309 = tpu.memref_slice %arg6[%dma_start3A_306, %dma_start3A_307, %dma_start3A_308] : memref<4x200x128xf32, #tpu.memory_space<vmem>> -> memref<1x200x128xf32, #tpu.memory_space<vmem>>
    %dma_start3A_310 = tpu.memref_squeeze %dma_start3A_309 : memref<1x200x128xf32, #tpu.memory_space<vmem>> -> memref<200x128xf32, #tpu.memory_space<vmem>>
    %dma_start3A_311 = arith.constant 50 : i32
    %dma_start3A_312 = arith.constant 0 : i32
    %dma_start3A_313 = tpu.memref_slice %dma_start3A_310[%dma_start3A_311, %dma_start3A_312] : memref<200x128xf32, #tpu.memory_space<vmem>> -> memref<50x128xf32, #tpu.memory_space<vmem>>
    %dma_start3A_314 = arith.constant 0 : i32
    %dma_start3A_315 = arith.constant 0 : i32
    %dma_start3A_316 = tpu.memref_slice %arg4[%add3A_305, %dma_start3A_314, %dma_start3A_315] : memref<16384x50x128xf32, #tpu.memory_space<hbm>> -> memref<1x50x128xf32, #tpu.memory_space<hbm>>
    %dma_start3A_317 = tpu.memref_squeeze %dma_start3A_316 : memref<1x50x128xf32, #tpu.memory_space<hbm>> -> memref<50x128xf32, #tpu.memory_space<hbm>>
    %dma_start3A_318 = arith.constant 0 : i32
    %dma_start3A_319 = arith.constant 0 : i32
    %dma_start3A_320 = tpu.memref_slice %arg4[%add3A_305, %dma_start3A_318, %dma_start3A_319] : memref<16384x50x128xf32, #tpu.memory_space<hbm>> -> memref<1x50x128xf32, #tpu.memory_space<hbm>>
    %dma_start3A_321 = tpu.memref_squeeze %dma_start3A_320 : memref<1x50x128xf32, #tpu.memory_space<hbm>> -> memref<50x128xf32, #tpu.memory_space<hbm>>
    %dma_start3A_322 = arith.constant 0 : i32
    %dma_start3A_323 = arith.constant 0 : i32
    %dma_start3A_324 = tpu.memref_slice %arg6[%dma_start3A_306, %dma_start3A_322, %dma_start3A_323] : memref<4x200x128xf32, #tpu.memory_space<vmem>> -> memref<1x200x128xf32, #tpu.memory_space<vmem>>
    %dma_start3A_325 = tpu.memref_squeeze %dma_start3A_324 : memref<1x200x128xf32, #tpu.memory_space<vmem>> -> memref<200x128xf32, #tpu.memory_space<vmem>>
    %dma_start3A_326 = arith.constant 50 : i32
    %dma_start3A_327 = arith.constant 0 : i32
    %dma_start3A_328 = tpu.memref_slice %dma_start3A_325[%dma_start3A_326, %dma_start3A_327] : memref<200x128xf32, #tpu.memory_space<vmem>> -> memref<50x128xf32, #tpu.memory_space<vmem>>
    tpu.enqueue_dma source(%dma_start3A_328 : memref<50x128xf32, #tpu.memory_space<vmem>>) target(%dma_start3A_321 : memref<50x128xf32, #tpu.memory_space<hbm>>) target_semaphore(%arg13 : memref<!tpu.dma_semaphore, #tpu.memory_space<semaphore_mem>>)
    %add3A_329 = arith.constant 2 : i32
    %add3A_330 = arith.addi %add3A_278, %add3A_329 : i32
    %dma_start3A_331 = arith.constant 2 : i32
    %dma_start3A_332 = arith.constant 0 : i32
    %dma_start3A_333 = arith.constant 0 : i32
    %dma_start3A_334 = tpu.memref_slice %arg6[%dma_start3A_331, %dma_start3A_332, %dma_start3A_333] : memref<4x200x128xf32, #tpu.memory_space<vmem>> -> memref<1x200x128xf32, #tpu.memory_space<vmem>>
    %dma_start3A_335 = tpu.memref_squeeze %dma_start3A_334 : memref<1x200x128xf32, #tpu.memory_space<vmem>> -> memref<200x128xf32, #tpu.memory_space<vmem>>
    %dma_start3A_336 = arith.constant 100 : i32
    %dma_start3A_337 = arith.constant 0 : i32
    %dma_start3A_338 = tpu.memref_slice %dma_start3A_335[%dma_start3A_336, %dma_start3A_337] : memref<200x128xf32, #tpu.memory_space<vmem>> -> memref<50x128xf32, #tpu.memory_space<vmem>>
    %dma_start3A_339 = arith.constant 0 : i32
    %dma_start3A_340 = arith.constant 0 : i32
    %dma_start3A_341 = tpu.memref_slice %arg4[%add3A_330, %dma_start3A_339, %dma_start3A_340] : memref<16384x50x128xf32, #tpu.memory_space<hbm>> -> memref<1x50x128xf32, #tpu.memory_space<hbm>>
    %dma_start3A_342 = tpu.memref_squeeze %dma_start3A_341 : memref<1x50x128xf32, #tpu.memory_space<hbm>> -> memref<50x128xf32, #tpu.memory_space<hbm>>
    %dma_start3A_343 = arith.constant 0 : i32
    %dma_start3A_344 = arith.constant 0 : i32
    %dma_start3A_345 = tpu.memref_slice %arg4[%add3A_330, %dma_start3A_343, %dma_start3A_344] : memref<16384x50x128xf32, #tpu.memory_space<hbm>> -> memref<1x50x128xf32, #tpu.memory_space<hbm>>
    %dma_start3A_346 = tpu.memref_squeeze %dma_start3A_345 : memref<1x50x128xf32, #tpu.memory_space<hbm>> -> memref<50x128xf32, #tpu.memory_space<hbm>>
    %dma_start3A_347 = arith.constant 0 : i32
    %dma_start3A_348 = arith.constant 0 : i32
    %dma_start3A_349 = tpu.memref_slice %arg6[%dma_start3A_331, %dma_start3A_347, %dma_start3A_348] : memref<4x200x128xf32, #tpu.memory_space<vmem>> -> memref<1x200x128xf32, #tpu.memory_space<vmem>>
    %dma_start3A_350 = tpu.memref_squeeze %dma_start3A_349 : memref<1x200x128xf32, #tpu.memory_space<vmem>> -> memref<200x128xf32, #tpu.memory_space<vmem>>
    %dma_start3A_351 = arith.constant 100 : i32
    %dma_start3A_352 = arith.constant 0 : i32
    %dma_start3A_353 = tpu.memref_slice %dma_start3A_350[%dma_start3A_351, %dma_start3A_352] : memref<200x128xf32, #tpu.memory_space<vmem>> -> memref<50x128xf32, #tpu.memory_space<vmem>>
    tpu.enqueue_dma source(%dma_start3A_353 : memref<50x128xf32, #tpu.memory_space<vmem>>) target(%dma_start3A_346 : memref<50x128xf32, #tpu.memory_space<hbm>>) target_semaphore(%arg13 : memref<!tpu.dma_semaphore, #tpu.memory_space<semaphore_mem>>)
    %add3A_354 = arith.constant 3 : i32
    %add3A_355 = arith.addi %add3A_278, %add3A_354 : i32
    %dma_start3A_356 = arith.constant 2 : i32
    %dma_start3A_357 = arith.constant 0 : i32
    %dma_start3A_358 = arith.constant 0 : i32
    %dma_start3A_359 = tpu.memref_slice %arg6[%dma_start3A_356, %dma_start3A_357, %dma_start3A_358] : memref<4x200x128xf32, #tpu.memory_space<vmem>> -> memref<1x200x128xf32, #tpu.memory_space<vmem>>
    %dma_start3A_360 = tpu.memref_squeeze %dma_start3A_359 : memref<1x200x128xf32, #tpu.memory_space<vmem>> -> memref<200x128xf32, #tpu.memory_space<vmem>>
    %dma_start3A_361 = arith.constant 150 : i32
    %dma_start3A_362 = arith.constant 0 : i32
    %dma_start3A_363 = tpu.memref_slice %dma_start3A_360[%dma_start3A_361, %dma_start3A_362] : memref<200x128xf32, #tpu.memory_space<vmem>> -> memref<50x128xf32, #tpu.memory_space<vmem>>
    %dma_start3A_364 = arith.constant 0 : i32
    %dma_start3A_365 = arith.constant 0 : i32
    %dma_start3A_366 = tpu.memref_slice %arg4[%add3A_355, %dma_start3A_364, %dma_start3A_365] : memref<16384x50x128xf32, #tpu.memory_space<hbm>> -> memref<1x50x128xf32, #tpu.memory_space<hbm>>
    %dma_start3A_367 = tpu.memref_squeeze %dma_start3A_366 : memref<1x50x128xf32, #tpu.memory_space<hbm>> -> memref<50x128xf32, #tpu.memory_space<hbm>>
    %dma_start3A_368 = arith.constant 0 : i32
    %dma_start3A_369 = arith.constant 0 : i32
    %dma_start3A_370 = tpu.memref_slice %arg4[%add3A_355, %dma_start3A_368, %dma_start3A_369] : memref<16384x50x128xf32, #tpu.memory_space<hbm>> -> memref<1x50x128xf32, #tpu.memory_space<hbm>>
    %dma_start3A_371 = tpu.memref_squeeze %dma_start3A_370 : memref<1x50x128xf32, #tpu.memory_space<hbm>> -> memref<50x128xf32, #tpu.memory_space<hbm>>
    %dma_start3A_372 = arith.constant 0 : i32
    %dma_start3A_373 = arith.constant 0 : i32
    %dma_start3A_374 = tpu.memref_slice %arg6[%dma_start3A_356, %dma_start3A_372, %dma_start3A_373] : memref<4x200x128xf32, #tpu.memory_space<vmem>> -> memref<1x200x128xf32, #tpu.memory_space<vmem>>
    %dma_start3A_375 = tpu.memref_squeeze %dma_start3A_374 : memref<1x200x128xf32, #tpu.memory_space<vmem>> -> memref<200x128xf32, #tpu.memory_space<vmem>>
    %dma_start3A_376 = arith.constant 150 : i32
    %dma_start3A_377 = arith.constant 0 : i32
    %dma_start3A_378 = tpu.memref_slice %dma_start3A_375[%dma_start3A_376, %dma_start3A_377] : memref<200x128xf32, #tpu.memory_space<vmem>> -> memref<50x128xf32, #tpu.memory_space<vmem>>
    tpu.enqueue_dma source(%dma_start3A_378 : memref<50x128xf32, #tpu.memory_space<vmem>>) target(%dma_start3A_371 : memref<50x128xf32, #tpu.memory_space<hbm>>) target_semaphore(%arg13 : memref<!tpu.dma_semaphore, #tpu.memory_space<semaphore_mem>>)
    %add3A_379 = arith.constant 0 : i32
    %add3A_380 = arith.addi %mul3A_4, %add3A_379 : i32
    %add3A_381 = arith.constant 0 : i32
    %add3A_382 = arith.addi %add3A_380, %add3A_381 : i32
    %dma_wait3A_383 = arith.constant 0 : i32
    %dma_wait3A_384 = arith.constant 0 : i32
    %dma_wait3A_385 = arith.constant 0 : i32
    %dma_wait3A_386 = tpu.memref_slice %arg6[%dma_wait3A_383, %dma_wait3A_384, %dma_wait3A_385] : memref<4x200x128xf32, #tpu.memory_space<vmem>> -> memref<1x200x128xf32, #tpu.memory_space<vmem>>
    %dma_wait3A_387 = tpu.memref_squeeze %dma_wait3A_386 : memref<1x200x128xf32, #tpu.memory_space<vmem>> -> memref<200x128xf32, #tpu.memory_space<vmem>>
    %dma_wait3A_388 = arith.constant 0 : i32
    %dma_wait3A_389 = arith.constant 0 : i32
    %dma_wait3A_390 = tpu.memref_slice %dma_wait3A_387[%dma_wait3A_388, %dma_wait3A_389] : memref<200x128xf32, #tpu.memory_space<vmem>> -> memref<50x128xf32, #tpu.memory_space<vmem>>
    %dma_wait3A_391 = arith.constant 0 : i32
    %dma_wait3A_392 = arith.constant 0 : i32
    %dma_wait3A_393 = tpu.memref_slice %arg4[%add3A_382, %dma_wait3A_391, %dma_wait3A_392] : memref<16384x50x128xf32, #tpu.memory_space<hbm>> -> memref<1x50x128xf32, #tpu.memory_space<hbm>>
    %dma_wait3A_394 = tpu.memref_squeeze %dma_wait3A_393 : memref<1x50x128xf32, #tpu.memory_space<hbm>> -> memref<50x128xf32, #tpu.memory_space<hbm>>
    %dma_wait3A_395 = arith.constant 0 : i32
    %dma_wait3A_396 = arith.constant 0 : i32
    %dma_wait3A_397 = tpu.memref_slice %arg4[%add3A_382, %dma_wait3A_395, %dma_wait3A_396] : memref<16384x50x128xf32, #tpu.memory_space<hbm>> -> memref<1x50x128xf32, #tpu.memory_space<hbm>>
    %dma_wait3A_398 = tpu.memref_squeeze %dma_wait3A_397 : memref<1x50x128xf32, #tpu.memory_space<hbm>> -> memref<50x128xf32, #tpu.memory_space<hbm>>
    %dma_wait3A_399 = arith.constant 0 : i32
    %dma_wait3A_400 = arith.constant 0 : i32
    %dma_wait3A_401 = tpu.memref_slice %arg6[%dma_wait3A_383, %dma_wait3A_399, %dma_wait3A_400] : memref<4x200x128xf32, #tpu.memory_space<vmem>> -> memref<1x200x128xf32, #tpu.memory_space<vmem>>
    %dma_wait3A_402 = tpu.memref_squeeze %dma_wait3A_401 : memref<1x200x128xf32, #tpu.memory_space<vmem>> -> memref<200x128xf32, #tpu.memory_space<vmem>>
    %dma_wait3A_403 = arith.constant 0 : i32
    %dma_wait3A_404 = arith.constant 0 : i32
    %dma_wait3A_405 = tpu.memref_slice %dma_wait3A_402[%dma_wait3A_403, %dma_wait3A_404] : memref<200x128xf32, #tpu.memory_space<vmem>> -> memref<50x128xf32, #tpu.memory_space<vmem>>
    tpu.wait_dma2 semaphore(%arg11 : memref<!tpu.dma_semaphore, #tpu.memory_space<semaphore_mem>>) src(%dma_wait3A_405 : memref<50x128xf32, #tpu.memory_space<vmem>>) dst(%dma_wait3A_398 : memref<50x128xf32, #tpu.memory_space<hbm>>)
    %add3A_406 = arith.constant 1 : i32
    %add3A_407 = arith.addi %add3A_380, %add3A_406 : i32
    %dma_wait3A_408 = arith.constant 0 : i32
    %dma_wait3A_409 = arith.constant 0 : i32
    %dma_wait3A_410 = arith.constant 0 : i32
    %dma_wait3A_411 = tpu.memref_slice %arg6[%dma_wait3A_408, %dma_wait3A_409, %dma_wait3A_410] : memref<4x200x128xf32, #tpu.memory_space<vmem>> -> memref<1x200x128xf32, #tpu.memory_space<vmem>>
    %dma_wait3A_412 = tpu.memref_squeeze %dma_wait3A_411 : memref<1x200x128xf32, #tpu.memory_space<vmem>> -> memref<200x128xf32, #tpu.memory_space<vmem>>
    %dma_wait3A_413 = arith.constant 50 : i32
    %dma_wait3A_414 = arith.constant 0 : i32
    %dma_wait3A_415 = tpu.memref_slice %dma_wait3A_412[%dma_wait3A_413, %dma_wait3A_414] : memref<200x128xf32, #tpu.memory_space<vmem>> -> memref<50x128xf32, #tpu.memory_space<vmem>>
    %dma_wait3A_416 = arith.constant 0 : i32
    %dma_wait3A_417 = arith.constant 0 : i32
    %dma_wait3A_418 = tpu.memref_slice %arg4[%add3A_407, %dma_wait3A_416, %dma_wait3A_417] : memref<16384x50x128xf32, #tpu.memory_space<hbm>> -> memref<1x50x128xf32, #tpu.memory_space<hbm>>
    %dma_wait3A_419 = tpu.memref_squeeze %dma_wait3A_418 : memref<1x50x128xf32, #tpu.memory_space<hbm>> -> memref<50x128xf32, #tpu.memory_space<hbm>>
    %dma_wait3A_420 = arith.constant 0 : i32
    %dma_wait3A_421 = arith.constant 0 : i32
    %dma_wait3A_422 = tpu.memref_slice %arg4[%add3A_407, %dma_wait3A_420, %dma_wait3A_421] : memref<16384x50x128xf32, #tpu.memory_space<hbm>> -> memref<1x50x128xf32, #tpu.memory_space<hbm>>
    %dma_wait3A_423 = tpu.memref_squeeze %dma_wait3A_422 : memref<1x50x128xf32, #tpu.memory_space<hbm>> -> memref<50x128xf32, #tpu.memory_space<hbm>>
    %dma_wait3A_424 = arith.constant 0 : i32
    %dma_wait3A_425 = arith.constant 0 : i32
    %dma_wait3A_426 = tpu.memref_slice %arg6[%dma_wait3A_408, %dma_wait3A_424, %dma_wait3A_425] : memref<4x200x128xf32, #tpu.memory_space<vmem>> -> memref<1x200x128xf32, #tpu.memory_space<vmem>>
    %dma_wait3A_427 = tpu.memref_squeeze %dma_wait3A_426 : memref<1x200x128xf32, #tpu.memory_space<vmem>> -> memref<200x128xf32, #tpu.memory_space<vmem>>
    %dma_wait3A_428 = arith.constant 50 : i32
    %dma_wait3A_429 = arith.constant 0 : i32
    %dma_wait3A_430 = tpu.memref_slice %dma_wait3A_427[%dma_wait3A_428, %dma_wait3A_429] : memref<200x128xf32, #tpu.memory_space<vmem>> -> memref<50x128xf32, #tpu.memory_space<vmem>>
    tpu.wait_dma2 semaphore(%arg11 : memref<!tpu.dma_semaphore, #tpu.memory_space<semaphore_mem>>) src(%dma_wait3A_430 : memref<50x128xf32, #tpu.memory_space<vmem>>) dst(%dma_wait3A_423 : memref<50x128xf32, #tpu.memory_space<hbm>>)
    %add3A_431 = arith.constant 2 : i32
    %add3A_432 = arith.addi %add3A_380, %add3A_431 : i32
    %dma_wait3A_433 = arith.constant 0 : i32
    %dma_wait3A_434 = arith.constant 0 : i32
    %dma_wait3A_435 = arith.constant 0 : i32
    %dma_wait3A_436 = tpu.memref_slice %arg6[%dma_wait3A_433, %dma_wait3A_434, %dma_wait3A_435] : memref<4x200x128xf32, #tpu.memory_space<vmem>> -> memref<1x200x128xf32, #tpu.memory_space<vmem>>
    %dma_wait3A_437 = tpu.memref_squeeze %dma_wait3A_436 : memref<1x200x128xf32, #tpu.memory_space<vmem>> -> memref<200x128xf32, #tpu.memory_space<vmem>>
    %dma_wait3A_438 = arith.constant 100 : i32
    %dma_wait3A_439 = arith.constant 0 : i32
    %dma_wait3A_440 = tpu.memref_slice %dma_wait3A_437[%dma_wait3A_438, %dma_wait3A_439] : memref<200x128xf32, #tpu.memory_space<vmem>> -> memref<50x128xf32, #tpu.memory_space<vmem>>
    %dma_wait3A_441 = arith.constant 0 : i32
    %dma_wait3A_442 = arith.constant 0 : i32
    %dma_wait3A_443 = tpu.memref_slice %arg4[%add3A_432, %dma_wait3A_441, %dma_wait3A_442] : memref<16384x50x128xf32, #tpu.memory_space<hbm>> -> memref<1x50x128xf32, #tpu.memory_space<hbm>>
    %dma_wait3A_444 = tpu.memref_squeeze %dma_wait3A_443 : memref<1x50x128xf32, #tpu.memory_space<hbm>> -> memref<50x128xf32, #tpu.memory_space<hbm>>
    %dma_wait3A_445 = arith.constant 0 : i32
    %dma_wait3A_446 = arith.constant 0 : i32
    %dma_wait3A_447 = tpu.memref_slice %arg4[%add3A_432, %dma_wait3A_445, %dma_wait3A_446] : memref<16384x50x128xf32, #tpu.memory_space<hbm>> -> memref<1x50x128xf32, #tpu.memory_space<hbm>>
    %dma_wait3A_448 = tpu.memref_squeeze %dma_wait3A_447 : memref<1x50x128xf32, #tpu.memory_space<hbm>> -> memref<50x128xf32, #tpu.memory_space<hbm>>
    %dma_wait3A_449 = arith.constant 0 : i32
    %dma_wait3A_450 = arith.constant 0 : i32
    %dma_wait3A_451 = tpu.memref_slice %arg6[%dma_wait3A_433, %dma_wait3A_449, %dma_wait3A_450] : memref<4x200x128xf32, #tpu.memory_space<vmem>> -> memref<1x200x128xf32, #tpu.memory_space<vmem>>
    %dma_wait3A_452 = tpu.memref_squeeze %dma_wait3A_451 : memref<1x200x128xf32, #tpu.memory_space<vmem>> -> memref<200x128xf32, #tpu.memory_space<vmem>>
    %dma_wait3A_453 = arith.constant 100 : i32
    %dma_wait3A_454 = arith.constant 0 : i32
    %dma_wait3A_455 = tpu.memref_slice %dma_wait3A_452[%dma_wait3A_453, %dma_wait3A_454] : memref<200x128xf32, #tpu.memory_space<vmem>> -> memref<50x128xf32, #tpu.memory_space<vmem>>
    tpu.wait_dma2 semaphore(%arg11 : memref<!tpu.dma_semaphore, #tpu.memory_space<semaphore_mem>>) src(%dma_wait3A_455 : memref<50x128xf32, #tpu.memory_space<vmem>>) dst(%dma_wait3A_448 : memref<50x128xf32, #tpu.memory_space<hbm>>)
    %add3A_456 = arith.constant 3 : i32
    %add3A_457 = arith.addi %add3A_380, %add3A_456 : i32
    %dma_wait3A_458 = arith.constant 0 : i32
    %dma_wait3A_459 = arith.constant 0 : i32
    %dma_wait3A_460 = arith.constant 0 : i32
    %dma_wait3A_461 = tpu.memref_slice %arg6[%dma_wait3A_458, %dma_wait3A_459, %dma_wait3A_460] : memref<4x200x128xf32, #tpu.memory_space<vmem>> -> memref<1x200x128xf32, #tpu.memory_space<vmem>>
    %dma_wait3A_462 = tpu.memref_squeeze %dma_wait3A_461 : memref<1x200x128xf32, #tpu.memory_space<vmem>> -> memref<200x128xf32, #tpu.memory_space<vmem>>
    %dma_wait3A_463 = arith.constant 150 : i32
    %dma_wait3A_464 = arith.constant 0 : i32
    %dma_wait3A_465 = tpu.memref_slice %dma_wait3A_462[%dma_wait3A_463, %dma_wait3A_464] : memref<200x128xf32, #tpu.memory_space<vmem>> -> memref<50x128xf32, #tpu.memory_space<vmem>>
    %dma_wait3A_466 = arith.constant 0 : i32
    %dma_wait3A_467 = arith.constant 0 : i32
    %dma_wait3A_468 = tpu.memref_slice %arg4[%add3A_457, %dma_wait3A_466, %dma_wait3A_467] : memref<16384x50x128xf32, #tpu.memory_space<hbm>> -> memref<1x50x128xf32, #tpu.memory_space<hbm>>
    %dma_wait3A_469 = tpu.memref_squeeze %dma_wait3A_468 : memref<1x50x128xf32, #tpu.memory_space<hbm>> -> memref<50x128xf32, #tpu.memory_space<hbm>>
    %dma_wait3A_470 = arith.constant 0 : i32
    %dma_wait3A_471 = arith.constant 0 : i32
    %dma_wait3A_472 = tpu.memref_slice %arg4[%add3A_457, %dma_wait3A_470, %dma_wait3A_471] : memref<16384x50x128xf32, #tpu.memory_space<hbm>> -> memref<1x50x128xf32, #tpu.memory_space<hbm>>
    %dma_wait3A_473 = tpu.memref_squeeze %dma_wait3A_472 : memref<1x50x128xf32, #tpu.memory_space<hbm>> -> memref<50x128xf32, #tpu.memory_space<hbm>>
    %dma_wait3A_474 = arith.constant 0 : i32
    %dma_wait3A_475 = arith.constant 0 : i32
    %dma_wait3A_476 = tpu.memref_slice %arg6[%dma_wait3A_458, %dma_wait3A_474, %dma_wait3A_475] : memref<4x200x128xf32, #tpu.memory_space<vmem>> -> memref<1x200x128xf32, #tpu.memory_space<vmem>>
    %dma_wait3A_477 = tpu.memref_squeeze %dma_wait3A_476 : memref<1x200x128xf32, #tpu.memory_space<vmem>> -> memref<200x128xf32, #tpu.memory_space<vmem>>
    %dma_wait3A_478 = arith.constant 150 : i32
    %dma_wait3A_479 = arith.constant 0 : i32
    %dma_wait3A_480 = tpu.memref_slice %dma_wait3A_477[%dma_wait3A_478, %dma_wait3A_479] : memref<200x128xf32, #tpu.memory_space<vmem>> -> memref<50x128xf32, #tpu.memory_space<vmem>>
    tpu.wait_dma2 semaphore(%arg11 : memref<!tpu.dma_semaphore, #tpu.memory_space<semaphore_mem>>) src(%dma_wait3A_480 : memref<50x128xf32, #tpu.memory_space<vmem>>) dst(%dma_wait3A_473 : memref<50x128xf32, #tpu.memory_space<hbm>>)
    %dma_start3A_481 = arith.constant 0 : i32
    %dma_start3A_482 = arith.constant 0 : i32
    %dma_start3A_483 = arith.constant 0 : i32
    %dma_start3A_484 = tpu.memref_slice %arg6[%dma_start3A_481, %dma_start3A_482, %dma_start3A_483] : memref<4x200x128xf32, #tpu.memory_space<vmem>> -> memref<1x200x128xf32, #tpu.memory_space<vmem>>
    %dma_start3A_485 = tpu.memref_squeeze %dma_start3A_484 : memref<1x200x128xf32, #tpu.memory_space<vmem>> -> memref<200x128xf32, #tpu.memory_space<vmem>>
    %dma_start3A_486 = arith.constant 800 : i32
    %dma_start3A_487 = tpu.memref_slice %arg5[%dma_start3A_486] : memref<25600xi32, #tpu.memory_space<vmem>> -> memref<200xi32, #tpu.memory_space<vmem>>
    %dma_start3A_488 = arith.constant 0 : i32
    %dma_start3A_489 = arith.constant 0 : i32
    %dma_start3A_490 = tpu.memref_slice %arg2[%dma_start3A_488, %dma_start3A_489] : memref<1000000x128xf32, #tpu.memory_space<hbm>> -> memref<1000000x128xf32, #tpu.memory_space<hbm>>
    tpu.enqueue_indirect_dma source(%dma_start3A_490 : memref<1000000x128xf32, #tpu.memory_space<hbm>>) target(%dma_start3A_485 : memref<200x128xf32, #tpu.memory_space<vmem>>) offsets(%dma_start3A_487 : memref<200xi32, #tpu.memory_space<vmem>>) semaphore(%arg7 : memref<!tpu.dma_semaphore, #tpu.memory_space<semaphore_mem>>)
    %dma_wait3A_491 = arith.constant 3 : i32
    %dma_wait3A_492 = arith.constant 0 : i32
    %dma_wait3A_493 = arith.constant 0 : i32
    %dma_wait3A_494 = tpu.memref_slice %arg6[%dma_wait3A_491, %dma_wait3A_492, %dma_wait3A_493] : memref<4x200x128xf32, #tpu.memory_space<vmem>> -> memref<1x200x128xf32, #tpu.memory_space<vmem>>
    %dma_wait3A_495 = tpu.memref_squeeze %dma_wait3A_494 : memref<1x200x128xf32, #tpu.memory_space<vmem>> -> memref<200x128xf32, #tpu.memory_space<vmem>>
    %dma_wait3A_496 = arith.constant 600 : i32
    %dma_wait3A_497 = tpu.memref_slice %arg5[%dma_wait3A_496] : memref<25600xi32, #tpu.memory_space<vmem>> -> memref<200xi32, #tpu.memory_space<vmem>>
    %dma_wait3A_498 = arith.constant 0 : i32
    %dma_wait3A_499 = arith.constant 0 : i32
    %dma_wait3A_500 = tpu.memref_slice %arg2[%dma_wait3A_498, %dma_wait3A_499] : memref<1000000x128xf32, #tpu.memory_space<hbm>> -> memref<1000000x128xf32, #tpu.memory_space<hbm>>
    tpu.wait_indirect_dma semaphore(%arg10 : memref<!tpu.dma_semaphore, #tpu.memory_space<semaphore_mem>>) src(%dma_wait3A_500 : memref<1000000x128xf32, #tpu.memory_space<hbm>>) dst(%dma_wait3A_495 : memref<200x128xf32, #tpu.memory_space<vmem>>)
    %add3A_501 = arith.constant 12 : i32
    %add3A_502 = arith.addi %mul3A_4, %add3A_501 : i32
    %add3A_503 = arith.constant 0 : i32
    %add3A_504 = arith.addi %add3A_502, %add3A_503 : i32
    %dma_start3A_505 = arith.constant 3 : i32
    %dma_start3A_506 = arith.constant 0 : i32
    %dma_start3A_507 = arith.constant 0 : i32
    %dma_start3A_508 = tpu.memref_slice %arg6[%dma_start3A_505, %dma_start3A_506, %dma_start3A_507] : memref<4x200x128xf32, #tpu.memory_space<vmem>> -> memref<1x200x128xf32, #tpu.memory_space<vmem>>
    %dma_start3A_509 = tpu.memref_squeeze %dma_start3A_508 : memref<1x200x128xf32, #tpu.memory_space<vmem>> -> memref<200x128xf32, #tpu.memory_space<vmem>>
    %dma_start3A_510 = arith.constant 0 : i32
    %dma_start3A_511 = arith.constant 0 : i32
    %dma_start3A_512 = tpu.memref_slice %dma_start3A_509[%dma_start3A_510, %dma_start3A_511] : memref<200x128xf32, #tpu.memory_space<vmem>> -> memref<50x128xf32, #tpu.memory_space<vmem>>
    %dma_start3A_513 = arith.constant 0 : i32
    %dma_start3A_514 = arith.constant 0 : i32
    %dma_start3A_515 = tpu.memref_slice %arg4[%add3A_504, %dma_start3A_513, %dma_start3A_514] : memref<16384x50x128xf32, #tpu.memory_space<hbm>> -> memref<1x50x128xf32, #tpu.memory_space<hbm>>
    %dma_start3A_516 = tpu.memref_squeeze %dma_start3A_515 : memref<1x50x128xf32, #tpu.memory_space<hbm>> -> memref<50x128xf32, #tpu.memory_space<hbm>>
    %dma_start3A_517 = arith.constant 0 : i32
    %dma_start3A_518 = arith.constant 0 : i32
    %dma_start3A_519 = tpu.memref_slice %arg4[%add3A_504, %dma_start3A_517, %dma_start3A_518] : memref<16384x50x128xf32, #tpu.memory_space<hbm>> -> memref<1x50x128xf32, #tpu.memory_space<hbm>>
    %dma_start3A_520 = tpu.memref_squeeze %dma_start3A_519 : memref<1x50x128xf32, #tpu.memory_space<hbm>> -> memref<50x128xf32, #tpu.memory_space<hbm>>
    %dma_start3A_521 = arith.constant 0 : i32
    %dma_start3A_522 = arith.constant 0 : i32
    %dma_start3A_523 = tpu.memref_slice %arg6[%dma_start3A_505, %dma_start3A_521, %dma_start3A_522] : memref<4x200x128xf32, #tpu.memory_space<vmem>> -> memref<1x200x128xf32, #tpu.memory_space<vmem>>
    %dma_start3A_524 = tpu.memref_squeeze %dma_start3A_523 : memref<1x200x128xf32, #tpu.memory_space<vmem>> -> memref<200x128xf32, #tpu.memory_space<vmem>>
    %dma_start3A_525 = arith.constant 0 : i32
    %dma_start3A_526 = arith.constant 0 : i32
    %dma_start3A_527 = tpu.memref_slice %dma_start3A_524[%dma_start3A_525, %dma_start3A_526] : memref<200x128xf32, #tpu.memory_space<vmem>> -> memref<50x128xf32, #tpu.memory_space<vmem>>
    tpu.enqueue_dma source(%dma_start3A_527 : memref<50x128xf32, #tpu.memory_space<vmem>>) target(%dma_start3A_520 : memref<50x128xf32, #tpu.memory_space<hbm>>) target_semaphore(%arg14 : memref<!tpu.dma_semaphore, #tpu.memory_space<semaphore_mem>>)
    %add3A_528 = arith.constant 1 : i32
    %add3A_529 = arith.addi %add3A_502, %add3A_528 : i32
    %dma_start3A_530 = arith.constant 3 : i32
    %dma_start3A_531 = arith.constant 0 : i32
    %dma_start3A_532 = arith.constant 0 : i32
    %dma_start3A_533 = tpu.memref_slice %arg6[%dma_start3A_530, %dma_start3A_531, %dma_start3A_532] : memref<4x200x128xf32, #tpu.memory_space<vmem>> -> memref<1x200x128xf32, #tpu.memory_space<vmem>>
    %dma_start3A_534 = tpu.memref_squeeze %dma_start3A_533 : memref<1x200x128xf32, #tpu.memory_space<vmem>> -> memref<200x128xf32, #tpu.memory_space<vmem>>
    %dma_start3A_535 = arith.constant 50 : i32
    %dma_start3A_536 = arith.constant 0 : i32
    %dma_start3A_537 = tpu.memref_slice %dma_start3A_534[%dma_start3A_535, %dma_start3A_536] : memref<200x128xf32, #tpu.memory_space<vmem>> -> memref<50x128xf32, #tpu.memory_space<vmem>>
    %dma_start3A_538 = arith.constant 0 : i32
    %dma_start3A_539 = arith.constant 0 : i32
    %dma_start3A_540 = tpu.memref_slice %arg4[%add3A_529, %dma_start3A_538, %dma_start3A_539] : memref<16384x50x128xf32, #tpu.memory_space<hbm>> -> memref<1x50x128xf32, #tpu.memory_space<hbm>>
    %dma_start3A_541 = tpu.memref_squeeze %dma_start3A_540 : memref<1x50x128xf32, #tpu.memory_space<hbm>> -> memref<50x128xf32, #tpu.memory_space<hbm>>
    %dma_start3A_542 = arith.constant 0 : i32
    %dma_start3A_543 = arith.constant 0 : i32
    %dma_start3A_544 = tpu.memref_slice %arg4[%add3A_529, %dma_start3A_542, %dma_start3A_543] : memref<16384x50x128xf32, #tpu.memory_space<hbm>> -> memref<1x50x128xf32, #tpu.memory_space<hbm>>
    %dma_start3A_545 = tpu.memref_squeeze %dma_start3A_544 : memref<1x50x128xf32, #tpu.memory_space<hbm>> -> memref<50x128xf32, #tpu.memory_space<hbm>>
    %dma_start3A_546 = arith.constant 0 : i32
    %dma_start3A_547 = arith.constant 0 : i32
    %dma_start3A_548 = tpu.memref_slice %arg6[%dma_start3A_530, %dma_start3A_546, %dma_start3A_547] : memref<4x200x128xf32, #tpu.memory_space<vmem>> -> memref<1x200x128xf32, #tpu.memory_space<vmem>>
    %dma_start3A_549 = tpu.memref_squeeze %dma_start3A_548 : memref<1x200x128xf32, #tpu.memory_space<vmem>> -> memref<200x128xf32, #tpu.memory_space<vmem>>
    %dma_start3A_550 = arith.constant 50 : i32
    %dma_start3A_551 = arith.constant 0 : i32
    %dma_start3A_552 = tpu.memref_slice %dma_start3A_549[%dma_start3A_550, %dma_start3A_551] : memref<200x128xf32, #tpu.memory_space<vmem>> -> memref<50x128xf32, #tpu.memory_space<vmem>>
    tpu.enqueue_dma source(%dma_start3A_552 : memref<50x128xf32, #tpu.memory_space<vmem>>) target(%dma_start3A_545 : memref<50x128xf32, #tpu.memory_space<hbm>>) target_semaphore(%arg14 : memref<!tpu.dma_semaphore, #tpu.memory_space<semaphore_mem>>)
    %add3A_553 = arith.constant 2 : i32
    %add3A_554 = arith.addi %add3A_502, %add3A_553 : i32
    %dma_start3A_555 = arith.constant 3 : i32
    %dma_start3A_556 = arith.constant 0 : i32
    %dma_start3A_557 = arith.constant 0 : i32
    %dma_start3A_558 = tpu.memref_slice %arg6[%dma_start3A_555, %dma_start3A_556, %dma_start3A_557] : memref<4x200x128xf32, #tpu.memory_space<vmem>> -> memref<1x200x128xf32, #tpu.memory_space<vmem>>
    %dma_start3A_559 = tpu.memref_squeeze %dma_start3A_558 : memref<1x200x128xf32, #tpu.memory_space<vmem>> -> memref<200x128xf32, #tpu.memory_space<vmem>>
    %dma_start3A_560 = arith.constant 100 : i32
    %dma_start3A_561 = arith.constant 0 : i32
    %dma_start3A_562 = tpu.memref_slice %dma_start3A_559[%dma_start3A_560, %dma_start3A_561] : memref<200x128xf32, #tpu.memory_space<vmem>> -> memref<50x128xf32, #tpu.memory_space<vmem>>
    %dma_start3A_563 = arith.constant 0 : i32
    %dma_start3A_564 = arith.constant 0 : i32
    %dma_start3A_565 = tpu.memref_slice %arg4[%add3A_554, %dma_start3A_563, %dma_start3A_564] : memref<16384x50x128xf32, #tpu.memory_space<hbm>> -> memref<1x50x128xf32, #tpu.memory_space<hbm>>
    %dma_start3A_566 = tpu.memref_squeeze %dma_start3A_565 : memref<1x50x128xf32, #tpu.memory_space<hbm>> -> memref<50x128xf32, #tpu.memory_space<hbm>>
    %dma_start3A_567 = arith.constant 0 : i32
    %dma_start3A_568 = arith.constant 0 : i32
    %dma_start3A_569 = tpu.memref_slice %arg4[%add3A_554, %dma_start3A_567, %dma_start3A_568] : memref<16384x50x128xf32, #tpu.memory_space<hbm>> -> memref<1x50x128xf32, #tpu.memory_space<hbm>>
    %dma_start3A_570 = tpu.memref_squeeze %dma_start3A_569 : memref<1x50x128xf32, #tpu.memory_space<hbm>> -> memref<50x128xf32, #tpu.memory_space<hbm>>
    %dma_start3A_571 = arith.constant 0 : i32
    %dma_start3A_572 = arith.constant 0 : i32
    %dma_start3A_573 = tpu.memref_slice %arg6[%dma_start3A_555, %dma_start3A_571, %dma_start3A_572] : memref<4x200x128xf32, #tpu.memory_space<vmem>> -> memref<1x200x128xf32, #tpu.memory_space<vmem>>
    %dma_start3A_574 = tpu.memref_squeeze %dma_start3A_573 : memref<1x200x128xf32, #tpu.memory_space<vmem>> -> memref<200x128xf32, #tpu.memory_space<vmem>>
    %dma_start3A_575 = arith.constant 100 : i32
    %dma_start3A_576 = arith.constant 0 : i32
    %dma_start3A_577 = tpu.memref_slice %dma_start3A_574[%dma_start3A_575, %dma_start3A_576] : memref<200x128xf32, #tpu.memory_space<vmem>> -> memref<50x128xf32, #tpu.memory_space<vmem>>
    tpu.enqueue_dma source(%dma_start3A_577 : memref<50x128xf32, #tpu.memory_space<vmem>>) target(%dma_start3A_570 : memref<50x128xf32, #tpu.memory_space<hbm>>) target_semaphore(%arg14 : memref<!tpu.dma_semaphore, #tpu.memory_space<semaphore_mem>>)
    %add3A_578 = arith.constant 3 : i32
    %add3A_579 = arith.addi %add3A_502, %add3A_578 : i32
    %dma_start3A_580 = arith.constant 3 : i32
    %dma_start3A_581 = arith.constant 0 : i32
    %dma_start3A_582 = arith.constant 0 : i32
    %dma_start3A_583 = tpu.memref_slice %arg6[%dma_start3A_580, %dma_start3A_581, %dma_start3A_582] : memref<4x200x128xf32, #tpu.memory_space<vmem>> -> memref<1x200x128xf32, #tpu.memory_space<vmem>>
    %dma_start3A_584 = tpu.memref_squeeze %dma_start3A_583 : memref<1x200x128xf32, #tpu.memory_space<vmem>> -> memref<200x128xf32, #tpu.memory_space<vmem>>
    %dma_start3A_585 = arith.constant 150 : i32
    %dma_start3A_586 = arith.constant 0 : i32
    %dma_start3A_587 = tpu.memref_slice %dma_start3A_584[%dma_start3A_585, %dma_start3A_586] : memref<200x128xf32, #tpu.memory_space<vmem>> -> memref<50x128xf32, #tpu.memory_space<vmem>>
    %dma_start3A_588 = arith.constant 0 : i32
    %dma_start3A_589 = arith.constant 0 : i32
    %dma_start3A_590 = tpu.memref_slice %arg4[%add3A_579, %dma_start3A_588, %dma_start3A_589] : memref<16384x50x128xf32, #tpu.memory_space<hbm>> -> memref<1x50x128xf32, #tpu.memory_space<hbm>>
    %dma_start3A_591 = tpu.memref_squeeze %dma_start3A_590 : memref<1x50x128xf32, #tpu.memory_space<hbm>> -> memref<50x128xf32, #tpu.memory_space<hbm>>
    %dma_start3A_592 = arith.constant 0 : i32
    %dma_start3A_593 = arith.constant 0 : i32
    %dma_start3A_594 = tpu.memref_slice %arg4[%add3A_579, %dma_start3A_592, %dma_start3A_593] : memref<16384x50x128xf32, #tpu.memory_space<hbm>> -> memref<1x50x128xf32, #tpu.memory_space<hbm>>
    %dma_start3A_595 = tpu.memref_squeeze %dma_start3A_594 : memref<1x50x128xf32, #tpu.memory_space<hbm>> -> memref<50x128xf32, #tpu.memory_space<hbm>>
    %dma_start3A_596 = arith.constant 0 : i32
    %dma_start3A_597 = arith.constant 0 : i32
    %dma_start3A_598 = tpu.memref_slice %arg6[%dma_start3A_580, %dma_start3A_596, %dma_start3A_597] : memref<4x200x128xf32, #tpu.memory_space<vmem>> -> memref<1x200x128xf32, #tpu.memory_space<vmem>>
    %dma_start3A_599 = tpu.memref_squeeze %dma_start3A_598 : memref<1x200x128xf32, #tpu.memory_space<vmem>> -> memref<200x128xf32, #tpu.memory_space<vmem>>
    %dma_start3A_600 = arith.constant 150 : i32
    %dma_start3A_601 = arith.constant 0 : i32
    %dma_start3A_602 = tpu.memref_slice %dma_start3A_599[%dma_start3A_600, %dma_start3A_601] : memref<200x128xf32, #tpu.memory_space<vmem>> -> memref<50x128xf32, #tpu.memory_space<vmem>>
    tpu.enqueue_dma source(%dma_start3A_602 : memref<50x128xf32, #tpu.memory_space<vmem>>) target(%dma_start3A_595 : memref<50x128xf32, #tpu.memory_space<hbm>>) target_semaphore(%arg14 : memref<!tpu.dma_semaphore, #tpu.memory_space<semaphore_mem>>)
    %add3A_603 = arith.constant 4 : i32
    %add3A_604 = arith.addi %mul3A_4, %add3A_603 : i32
    %add3A_605 = arith.constant 0 : i32
    %add3A_606 = arith.addi %add3A_604, %add3A_605 : i32
    %dma_wait3A_607 = arith.constant 1 : i32
    %dma_wait3A_608 = arith.constant 0 : i32
    %dma_wait3A_609 = arith.constant 0 : i32
    %dma_wait3A_610 = tpu.memref_slice %arg6[%dma_wait3A_607, %dma_wait3A_608, %dma_wait3A_609] : memref<4x200x128xf32, #tpu.memory_space<vmem>> -> memref<1x200x128xf32, #tpu.memory_space<vmem>>
    %dma_wait3A_611 = tpu.memref_squeeze %dma_wait3A_610 : memref<1x200x128xf32, #tpu.memory_space<vmem>> -> memref<200x128xf32, #tpu.memory_space<vmem>>
    %dma_wait3A_612 = arith.constant 0 : i32
    %dma_wait3A_613 = arith.constant 0 : i32
    %dma_wait3A_614 = tpu.memref_slice %dma_wait3A_611[%dma_wait3A_612, %dma_wait3A_613] : memref<200x128xf32, #tpu.memory_space<vmem>> -> memref<50x128xf32, #tpu.memory_space<vmem>>
    %dma_wait3A_615 = arith.constant 0 : i32
    %dma_wait3A_616 = arith.constant 0 : i32
    %dma_wait3A_617 = tpu.memref_slice %arg4[%add3A_606, %dma_wait3A_615, %dma_wait3A_616] : memref<16384x50x128xf32, #tpu.memory_space<hbm>> -> memref<1x50x128xf32, #tpu.memory_space<hbm>>
    %dma_wait3A_618 = tpu.memref_squeeze %dma_wait3A_617 : memref<1x50x128xf32, #tpu.memory_space<hbm>> -> memref<50x128xf32, #tpu.memory_space<hbm>>
    %dma_wait3A_619 = arith.constant 0 : i32
    %dma_wait3A_620 = arith.constant 0 : i32
    %dma_wait3A_621 = tpu.memref_slice %arg4[%add3A_606, %dma_wait3A_619, %dma_wait3A_620] : memref<16384x50x128xf32, #tpu.memory_space<hbm>> -> memref<1x50x128xf32, #tpu.memory_space<hbm>>
    %dma_wait3A_622 = tpu.memref_squeeze %dma_wait3A_621 : memref<1x50x128xf32, #tpu.memory_space<hbm>> -> memref<50x128xf32, #tpu.memory_space<hbm>>
    %dma_wait3A_623 = arith.constant 0 : i32
    %dma_wait3A_624 = arith.constant 0 : i32
    %dma_wait3A_625 = tpu.memref_slice %arg6[%dma_wait3A_607, %dma_wait3A_623, %dma_wait3A_624] : memref<4x200x128xf32, #tpu.memory_space<vmem>> -> memref<1x200x128xf32, #tpu.memory_space<vmem>>
    %dma_wait3A_626 = tpu.memref_squeeze %dma_wait3A_625 : memref<1x200x128xf32, #tpu.memory_space<vmem>> -> memref<200x128xf32, #tpu.memory_space<vmem>>
    %dma_wait3A_627 = arith.constant 0 : i32
    %dma_wait3A_628 = arith.constant 0 : i32
    %dma_wait3A_629 = tpu.memref_slice %dma_wait3A_626[%dma_wait3A_627, %dma_wait3A_628] : memref<200x128xf32, #tpu.memory_space<vmem>> -> memref<50x128xf32, #tpu.memory_space<vmem>>
    tpu.wait_dma2 semaphore(%arg12 : memref<!tpu.dma_semaphore, #tpu.memory_space<semaphore_mem>>) src(%dma_wait3A_629 : memref<50x128xf32, #tpu.memory_space<vmem>>) dst(%dma_wait3A_622 : memref<50x128xf32, #tpu.memory_space<hbm>>)
    %add3A_630 = arith.constant 1 : i32
    %add3A_631 = arith.addi %add3A_604, %add3A_630 : i32
    %dma_wait3A_632 = arith.constant 1 : i32
    %dma_wait3A_633 = arith.constant 0 : i32
    %dma_wait3A_634 = arith.constant 0 : i32
    %dma_wait3A_635 = tpu.memref_slice %arg6[%dma_wait3A_632, %dma_wait3A_633, %dma_wait3A_634] : memref<4x200x128xf32, #tpu.memory_space<vmem>> -> memref<1x200x128xf32, #tpu.memory_space<vmem>>
    %dma_wait3A_636 = tpu.memref_squeeze %dma_wait3A_635 : memref<1x200x128xf32, #tpu.memory_space<vmem>> -> memref<200x128xf32, #tpu.memory_space<vmem>>
    %dma_wait3A_637 = arith.constant 50 : i32
    %dma_wait3A_638 = arith.constant 0 : i32
    %dma_wait3A_639 = tpu.memref_slice %dma_wait3A_636[%dma_wait3A_637, %dma_wait3A_638] : memref<200x128xf32, #tpu.memory_space<vmem>> -> memref<50x128xf32, #tpu.memory_space<vmem>>
    %dma_wait3A_640 = arith.constant 0 : i32
    %dma_wait3A_641 = arith.constant 0 : i32
    %dma_wait3A_642 = tpu.memref_slice %arg4[%add3A_631, %dma_wait3A_640, %dma_wait3A_641] : memref<16384x50x128xf32, #tpu.memory_space<hbm>> -> memref<1x50x128xf32, #tpu.memory_space<hbm>>
    %dma_wait3A_643 = tpu.memref_squeeze %dma_wait3A_642 : memref<1x50x128xf32, #tpu.memory_space<hbm>> -> memref<50x128xf32, #tpu.memory_space<hbm>>
    %dma_wait3A_644 = arith.constant 0 : i32
    %dma_wait3A_645 = arith.constant 0 : i32
    %dma_wait3A_646 = tpu.memref_slice %arg4[%add3A_631, %dma_wait3A_644, %dma_wait3A_645] : memref<16384x50x128xf32, #tpu.memory_space<hbm>> -> memref<1x50x128xf32, #tpu.memory_space<hbm>>
    %dma_wait3A_647 = tpu.memref_squeeze %dma_wait3A_646 : memref<1x50x128xf32, #tpu.memory_space<hbm>> -> memref<50x128xf32, #tpu.memory_space<hbm>>
    %dma_wait3A_648 = arith.constant 0 : i32
    %dma_wait3A_649 = arith.constant 0 : i32
    %dma_wait3A_650 = tpu.memref_slice %arg6[%dma_wait3A_632, %dma_wait3A_648, %dma_wait3A_649] : memref<4x200x128xf32, #tpu.memory_space<vmem>> -> memref<1x200x128xf32, #tpu.memory_space<vmem>>
    %dma_wait3A_651 = tpu.memref_squeeze %dma_wait3A_650 : memref<1x200x128xf32, #tpu.memory_space<vmem>> -> memref<200x128xf32, #tpu.memory_space<vmem>>
    %dma_wait3A_652 = arith.constant 50 : i32
    %dma_wait3A_653 = arith.constant 0 : i32
    %dma_wait3A_654 = tpu.memref_slice %dma_wait3A_651[%dma_wait3A_652, %dma_wait3A_653] : memref<200x128xf32, #tpu.memory_space<vmem>> -> memref<50x128xf32, #tpu.memory_space<vmem>>
    tpu.wait_dma2 semaphore(%arg12 : memref<!tpu.dma_semaphore, #tpu.memory_space<semaphore_mem>>) src(%dma_wait3A_654 : memref<50x128xf32, #tpu.memory_space<vmem>>) dst(%dma_wait3A_647 : memref<50x128xf32, #tpu.memory_space<hbm>>)
    %add3A_655 = arith.constant 2 : i32
    %add3A_656 = arith.addi %add3A_604, %add3A_655 : i32
    %dma_wait3A_657 = arith.constant 1 : i32
    %dma_wait3A_658 = arith.constant 0 : i32
    %dma_wait3A_659 = arith.constant 0 : i32
    %dma_wait3A_660 = tpu.memref_slice %arg6[%dma_wait3A_657, %dma_wait3A_658, %dma_wait3A_659] : memref<4x200x128xf32, #tpu.memory_space<vmem>> -> memref<1x200x128xf32, #tpu.memory_space<vmem>>
    %dma_wait3A_661 = tpu.memref_squeeze %dma_wait3A_660 : memref<1x200x128xf32, #tpu.memory_space<vmem>> -> memref<200x128xf32, #tpu.memory_space<vmem>>
    %dma_wait3A_662 = arith.constant 100 : i32
    %dma_wait3A_663 = arith.constant 0 : i32
    %dma_wait3A_664 = tpu.memref_slice %dma_wait3A_661[%dma_wait3A_662, %dma_wait3A_663] : memref<200x128xf32, #tpu.memory_space<vmem>> -> memref<50x128xf32, #tpu.memory_space<vmem>>
    %dma_wait3A_665 = arith.constant 0 : i32
    %dma_wait3A_666 = arith.constant 0 : i32
    %dma_wait3A_667 = tpu.memref_slice %arg4[%add3A_656, %dma_wait3A_665, %dma_wait3A_666] : memref<16384x50x128xf32, #tpu.memory_space<hbm>> -> memref<1x50x128xf32, #tpu.memory_space<hbm>>
    %dma_wait3A_668 = tpu.memref_squeeze %dma_wait3A_667 : memref<1x50x128xf32, #tpu.memory_space<hbm>> -> memref<50x128xf32, #tpu.memory_space<hbm>>
    %dma_wait3A_669 = arith.constant 0 : i32
    %dma_wait3A_670 = arith.constant 0 : i32
    %dma_wait3A_671 = tpu.memref_slice %arg4[%add3A_656, %dma_wait3A_669, %dma_wait3A_670] : memref<16384x50x128xf32, #tpu.memory_space<hbm>> -> memref<1x50x128xf32, #tpu.memory_space<hbm>>
    %dma_wait3A_672 = tpu.memref_squeeze %dma_wait3A_671 : memref<1x50x128xf32, #tpu.memory_space<hbm>> -> memref<50x128xf32, #tpu.memory_space<hbm>>
    %dma_wait3A_673 = arith.constant 0 : i32
    %dma_wait3A_674 = arith.constant 0 : i32
    %dma_wait3A_675 = tpu.memref_slice %arg6[%dma_wait3A_657, %dma_wait3A_673, %dma_wait3A_674] : memref<4x200x128xf32, #tpu.memory_space<vmem>> -> memref<1x200x128xf32, #tpu.memory_space<vmem>>
    %dma_wait3A_676 = tpu.memref_squeeze %dma_wait3A_675 : memref<1x200x128xf32, #tpu.memory_space<vmem>> -> memref<200x128xf32, #tpu.memory_space<vmem>>
    %dma_wait3A_677 = arith.constant 100 : i32
    %dma_wait3A_678 = arith.constant 0 : i32
    %dma_wait3A_679 = tpu.memref_slice %dma_wait3A_676[%dma_wait3A_677, %dma_wait3A_678] : memref<200x128xf32, #tpu.memory_space<vmem>> -> memref<50x128xf32, #tpu.memory_space<vmem>>
    tpu.wait_dma2 semaphore(%arg12 : memref<!tpu.dma_semaphore, #tpu.memory_space<semaphore_mem>>) src(%dma_wait3A_679 : memref<50x128xf32, #tpu.memory_space<vmem>>) dst(%dma_wait3A_672 : memref<50x128xf32, #tpu.memory_space<hbm>>)
    %add3A_680 = arith.constant 3 : i32
    %add3A_681 = arith.addi %add3A_604, %add3A_680 : i32
    %dma_wait3A_682 = arith.constant 1 : i32
    %dma_wait3A_683 = arith.constant 0 : i32
    %dma_wait3A_684 = arith.constant 0 : i32
    %dma_wait3A_685 = tpu.memref_slice %arg6[%dma_wait3A_682, %dma_wait3A_683, %dma_wait3A_684] : memref<4x200x128xf32, #tpu.memory_space<vmem>> -> memref<1x200x128xf32, #tpu.memory_space<vmem>>
    %dma_wait3A_686 = tpu.memref_squeeze %dma_wait3A_685 : memref<1x200x128xf32, #tpu.memory_space<vmem>> -> memref<200x128xf32, #tpu.memory_space<vmem>>
    %dma_wait3A_687 = arith.constant 150 : i32
    %dma_wait3A_688 = arith.constant 0 : i32
    %dma_wait3A_689 = tpu.memref_slice %dma_wait3A_686[%dma_wait3A_687, %dma_wait3A_688] : memref<200x128xf32, #tpu.memory_space<vmem>> -> memref<50x128xf32, #tpu.memory_space<vmem>>
    %dma_wait3A_690 = arith.constant 0 : i32
    %dma_wait3A_691 = arith.constant 0 : i32
    %dma_wait3A_692 = tpu.memref_slice %arg4[%add3A_681, %dma_wait3A_690, %dma_wait3A_691] : memref<16384x50x128xf32, #tpu.memory_space<hbm>> -> memref<1x50x128xf32, #tpu.memory_space<hbm>>
    %dma_wait3A_693 = tpu.memref_squeeze %dma_wait3A_692 : memref<1x50x128xf32, #tpu.memory_space<hbm>> -> memref<50x128xf32, #tpu.memory_space<hbm>>
    %dma_wait3A_694 = arith.constant 0 : i32
    %dma_wait3A_695 = arith.constant 0 : i32
    %dma_wait3A_696 = tpu.memref_slice %arg4[%add3A_681, %dma_wait3A_694, %dma_wait3A_695] : memref<16384x50x128xf32, #tpu.memory_space<hbm>> -> memref<1x50x128xf32, #tpu.memory_space<hbm>>
    %dma_wait3A_697 = tpu.memref_squeeze %dma_wait3A_696 : memref<1x50x128xf32, #tpu.memory_space<hbm>> -> memref<50x128xf32, #tpu.memory_space<hbm>>
    %dma_wait3A_698 = arith.constant 0 : i32
    %dma_wait3A_699 = arith.constant 0 : i32
    %dma_wait3A_700 = tpu.memref_slice %arg6[%dma_wait3A_682, %dma_wait3A_698, %dma_wait3A_699] : memref<4x200x128xf32, #tpu.memory_space<vmem>> -> memref<1x200x128xf32, #tpu.memory_space<vmem>>
    %dma_wait3A_701 = tpu.memref_squeeze %dma_wait3A_700 : memref<1x200x128xf32, #tpu.memory_space<vmem>> -> memref<200x128xf32, #tpu.memory_space<vmem>>
    %dma_wait3A_702 = arith.constant 150 : i32
    %dma_wait3A_703 = arith.constant 0 : i32
    %dma_wait3A_704 = tpu.memref_slice %dma_wait3A_701[%dma_wait3A_702, %dma_wait3A_703] : memref<200x128xf32, #tpu.memory_space<vmem>> -> memref<50x128xf32, #tpu.memory_space<vmem>>
    tpu.wait_dma2 semaphore(%arg12 : memref<!tpu.dma_semaphore, #tpu.memory_space<semaphore_mem>>) src(%dma_wait3A_704 : memref<50x128xf32, #tpu.memory_space<vmem>>) dst(%dma_wait3A_697 : memref<50x128xf32, #tpu.memory_space<hbm>>)
    %dma_start3A_705 = arith.constant 1 : i32
    %dma_start3A_706 = arith.constant 0 : i32
    %dma_start3A_707 = arith.constant 0 : i32
    %dma_start3A_708 = tpu.memref_slice %arg6[%dma_start3A_705, %dma_start3A_706, %dma_start3A_707] : memref<4x200x128xf32, #tpu.memory_space<vmem>> -> memref<1x200x128xf32, #tpu.memory_space<vmem>>
    %dma_start3A_709 = tpu.memref_squeeze %dma_start3A_708 : memref<1x200x128xf32, #tpu.memory_space<vmem>> -> memref<200x128xf32, #tpu.memory_space<vmem>>
    %dma_start3A_710 = arith.constant 1000 : i32
    %dma_start3A_711 = tpu.memref_slice %arg5[%dma_start3A_710] : memref<25600xi32, #tpu.memory_space<vmem>> -> memref<200xi32, #tpu.memory_space<vmem>>
    %dma_start3A_712 = arith.constant 0 : i32
    %dma_start3A_713 = arith.constant 0 : i32
    %dma_start3A_714 = tpu.memref_slice %arg2[%dma_start3A_712, %dma_start3A_713] : memref<1000000x128xf32, #tpu.memory_space<hbm>> -> memref<1000000x128xf32, #tpu.memory_space<hbm>>
    tpu.enqueue_indirect_dma source(%dma_start3A_714 : memref<1000000x128xf32, #tpu.memory_space<hbm>>) target(%dma_start3A_709 : memref<200x128xf32, #tpu.memory_space<vmem>>) offsets(%dma_start3A_711 : memref<200xi32, #tpu.memory_space<vmem>>) semaphore(%arg8 : memref<!tpu.dma_semaphore, #tpu.memory_space<semaphore_mem>>)
    %scan3A = arith.constant 0 : i32
    %scan3A_715 = arith.constant 1 : i32
    %scan3A_716 = arith.constant 30 : i32
    %scan3A_717 = arith.addi %scan3A_715, %scan3A_716 : i32
    %scan3A_718 = arith.constant 1 : i32
    scf.for %scan3A_1800 = %scan3A_715 to %scan3A_717 step %scan3A_718  : i32 {
      %mul3A_1801 = arith.constant 4 : i32
      %mul3A_1802 = arith.muli %scan3A_1800, %mul3A_1801 : i32
      %add3A_1803 = arith.constant 0 : i32
      %add3A_1804 = arith.addi %mul3A_1802, %add3A_1803 : i32
      %mul3A_1805 = arith.constant 200 : i32
      %mul3A_1806 = arith.muli %add3A_1804, %mul3A_1805 : i32
      %dma_wait3A_1807 = arith.constant 0 : i32
      %dma_wait3A_1808 = arith.constant 0 : i32
      %dma_wait3A_1809 = arith.constant 0 : i32
      %dma_wait3A_1810 = tpu.memref_slice %arg6[%dma_wait3A_1807, %dma_wait3A_1808, %dma_wait3A_1809] : memref<4x200x128xf32, #tpu.memory_space<vmem>> -> memref<1x200x128xf32, #tpu.memory_space<vmem>>
      %dma_wait3A_1811 = tpu.memref_squeeze %dma_wait3A_1810 : memref<1x200x128xf32, #tpu.memory_space<vmem>> -> memref<200x128xf32, #tpu.memory_space<vmem>>
      %dma_wait3A_1812 = tpu.memref_slice %arg5[%mul3A_1806] : memref<25600xi32, #tpu.memory_space<vmem>> -> memref<200xi32, #tpu.memory_space<vmem>>
      %dma_wait3A_1813 = arith.constant 0 : i32
      %dma_wait3A_1814 = arith.constant 0 : i32
      %dma_wait3A_1815 = tpu.memref_slice %arg2[%dma_wait3A_1813, %dma_wait3A_1814] : memref<1000000x128xf32, #tpu.memory_space<hbm>> -> memref<1000000x128xf32, #tpu.memory_space<hbm>>
      tpu.wait_indirect_dma semaphore(%arg7 : memref<!tpu.dma_semaphore, #tpu.memory_space<semaphore_mem>>) src(%dma_wait3A_1815 : memref<1000000x128xf32, #tpu.memory_space<hbm>>) dst(%dma_wait3A_1811 : memref<200x128xf32, #tpu.memory_space<vmem>>)
      %mul3A_1816 = arith.constant 4 : i32
      %mul3A_1817 = arith.muli %add3A_1804, %mul3A_1816 : i32
      %add3A_1818 = arith.addi %mul3A_4, %mul3A_1817 : i32
      %add3A_1819 = arith.constant 0 : i32
      %add3A_1820 = arith.addi %add3A_1818, %add3A_1819 : i32
      %dma_start3A_1821 = arith.constant 0 : i32
      %dma_start3A_1822 = arith.constant 0 : i32
      %dma_start3A_1823 = arith.constant 0 : i32
      %dma_start3A_1824 = tpu.memref_slice %arg6[%dma_start3A_1821, %dma_start3A_1822, %dma_start3A_1823] : memref<4x200x128xf32, #tpu.memory_space<vmem>> -> memref<1x200x128xf32, #tpu.memory_space<vmem>>
      %dma_start3A_1825 = tpu.memref_squeeze %dma_start3A_1824 : memref<1x200x128xf32, #tpu.memory_space<vmem>> -> memref<200x128xf32, #tpu.memory_space<vmem>>
      %dma_start3A_1826 = arith.constant 0 : i32
      %dma_start3A_1827 = arith.constant 0 : i32
      %dma_start3A_1828 = tpu.memref_slice %dma_start3A_1825[%dma_start3A_1826, %dma_start3A_1827] : memref<200x128xf32, #tpu.memory_space<vmem>> -> memref<50x128xf32, #tpu.memory_space<vmem>>
      %dma_start3A_1829 = arith.constant 0 : i32
      %dma_start3A_1830 = arith.constant 0 : i32
      %dma_start3A_1831 = tpu.memref_slice %arg4[%add3A_1820, %dma_start3A_1829, %dma_start3A_1830] : memref<16384x50x128xf32, #tpu.memory_space<hbm>> -> memref<1x50x128xf32, #tpu.memory_space<hbm>>
      %dma_start3A_1832 = tpu.memref_squeeze %dma_start3A_1831 : memref<1x50x128xf32, #tpu.memory_space<hbm>> -> memref<50x128xf32, #tpu.memory_space<hbm>>
      %dma_start3A_1833 = arith.constant 0 : i32
      %dma_start3A_1834 = arith.constant 0 : i32
      %dma_start3A_1835 = tpu.memref_slice %arg4[%add3A_1820, %dma_start3A_1833, %dma_start3A_1834] : memref<16384x50x128xf32, #tpu.memory_space<hbm>> -> memref<1x50x128xf32, #tpu.memory_space<hbm>>
      %dma_start3A_1836 = tpu.memref_squeeze %dma_start3A_1835 : memref<1x50x128xf32, #tpu.memory_space<hbm>> -> memref<50x128xf32, #tpu.memory_space<hbm>>
      %dma_start3A_1837 = arith.constant 0 : i32
      %dma_start3A_1838 = arith.constant 0 : i32
      %dma_start3A_1839 = tpu.memref_slice %arg6[%dma_start3A_1821, %dma_start3A_1837, %dma_start3A_1838] : memref<4x200x128xf32, #tpu.memory_space<vmem>> -> memref<1x200x128xf32, #tpu.memory_space<vmem>>
      %dma_start3A_1840 = tpu.memref_squeeze %dma_start3A_1839 : memref<1x200x128xf32, #tpu.memory_space<vmem>> -> memref<200x128xf32, #tpu.memory_space<vmem>>
      %dma_start3A_1841 = arith.constant 0 : i32
      %dma_start3A_1842 = arith.constant 0 : i32
      %dma_start3A_1843 = tpu.memref_slice %dma_start3A_1840[%dma_start3A_1841, %dma_start3A_1842] : memref<200x128xf32, #tpu.memory_space<vmem>> -> memref<50x128xf32, #tpu.memory_space<vmem>>
      tpu.enqueue_dma source(%dma_start3A_1843 : memref<50x128xf32, #tpu.memory_space<vmem>>) target(%dma_start3A_1836 : memref<50x128xf32, #tpu.memory_space<hbm>>) target_semaphore(%arg11 : memref<!tpu.dma_semaphore, #tpu.memory_space<semaphore_mem>>)
      %add3A_1844 = arith.constant 1 : i32
      %add3A_1845 = arith.addi %add3A_1818, %add3A_1844 : i32
      %dma_start3A_1846 = arith.constant 0 : i32
      %dma_start3A_1847 = arith.constant 0 : i32
      %dma_start3A_1848 = arith.constant 0 : i32
      %dma_start3A_1849 = tpu.memref_slice %arg6[%dma_start3A_1846, %dma_start3A_1847, %dma_start3A_1848] : memref<4x200x128xf32, #tpu.memory_space<vmem>> -> memref<1x200x128xf32, #tpu.memory_space<vmem>>
      %dma_start3A_1850 = tpu.memref_squeeze %dma_start3A_1849 : memref<1x200x128xf32, #tpu.memory_space<vmem>> -> memref<200x128xf32, #tpu.memory_space<vmem>>
      %dma_start3A_1851 = arith.constant 50 : i32
      %dma_start3A_1852 = arith.constant 0 : i32
      %dma_start3A_1853 = tpu.memref_slice %dma_start3A_1850[%dma_start3A_1851, %dma_start3A_1852] : memref<200x128xf32, #tpu.memory_space<vmem>> -> memref<50x128xf32, #tpu.memory_space<vmem>>
      %dma_start3A_1854 = arith.constant 0 : i32
      %dma_start3A_1855 = arith.constant 0 : i32
      %dma_start3A_1856 = tpu.memref_slice %arg4[%add3A_1845, %dma_start3A_1854, %dma_start3A_1855] : memref<16384x50x128xf32, #tpu.memory_space<hbm>> -> memref<1x50x128xf32, #tpu.memory_space<hbm>>
      %dma_start3A_1857 = tpu.memref_squeeze %dma_start3A_1856 : memref<1x50x128xf32, #tpu.memory_space<hbm>> -> memref<50x128xf32, #tpu.memory_space<hbm>>
      %dma_start3A_1858 = arith.constant 0 : i32
      %dma_start3A_1859 = arith.constant 0 : i32
      %dma_start3A_1860 = tpu.memref_slice %arg4[%add3A_1845, %dma_start3A_1858, %dma_start3A_1859] : memref<16384x50x128xf32, #tpu.memory_space<hbm>> -> memref<1x50x128xf32, #tpu.memory_space<hbm>>
      %dma_start3A_1861 = tpu.memref_squeeze %dma_start3A_1860 : memref<1x50x128xf32, #tpu.memory_space<hbm>> -> memref<50x128xf32, #tpu.memory_space<hbm>>
      %dma_start3A_1862 = arith.constant 0 : i32
      %dma_start3A_1863 = arith.constant 0 : i32
      %dma_start3A_1864 = tpu.memref_slice %arg6[%dma_start3A_1846, %dma_start3A_1862, %dma_start3A_1863] : memref<4x200x128xf32, #tpu.memory_space<vmem>> -> memref<1x200x128xf32, #tpu.memory_space<vmem>>
      %dma_start3A_1865 = tpu.memref_squeeze %dma_start3A_1864 : memref<1x200x128xf32, #tpu.memory_space<vmem>> -> memref<200x128xf32, #tpu.memory_space<vmem>>
      %dma_start3A_1866 = arith.constant 50 : i32
      %dma_start3A_1867 = arith.constant 0 : i32
      %dma_start3A_1868 = tpu.memref_slice %dma_start3A_1865[%dma_start3A_1866, %dma_start3A_1867] : memref<200x128xf32, #tpu.memory_space<vmem>> -> memref<50x128xf32, #tpu.memory_space<vmem>>
      tpu.enqueue_dma source(%dma_start3A_1868 : memref<50x128xf32, #tpu.memory_space<vmem>>) target(%dma_start3A_1861 : memref<50x128xf32, #tpu.memory_space<hbm>>) target_semaphore(%arg11 : memref<!tpu.dma_semaphore, #tpu.memory_space<semaphore_mem>>)
      %add3A_1869 = arith.constant 2 : i32
      %add3A_1870 = arith.addi %add3A_1818, %add3A_1869 : i32
      %dma_start3A_1871 = arith.constant 0 : i32
      %dma_start3A_1872 = arith.constant 0 : i32
      %dma_start3A_1873 = arith.constant 0 : i32
      %dma_start3A_1874 = tpu.memref_slice %arg6[%dma_start3A_1871, %dma_start3A_1872, %dma_start3A_1873] : memref<4x200x128xf32, #tpu.memory_space<vmem>> -> memref<1x200x128xf32, #tpu.memory_space<vmem>>
      %dma_start3A_1875 = tpu.memref_squeeze %dma_start3A_1874 : memref<1x200x128xf32, #tpu.memory_space<vmem>> -> memref<200x128xf32, #tpu.memory_space<vmem>>
      %dma_start3A_1876 = arith.constant 100 : i32
      %dma_start3A_1877 = arith.constant 0 : i32
      %dma_start3A_1878 = tpu.memref_slice %dma_start3A_1875[%dma_start3A_1876, %dma_start3A_1877] : memref<200x128xf32, #tpu.memory_space<vmem>> -> memref<50x128xf32, #tpu.memory_space<vmem>>
      %dma_start3A_1879 = arith.constant 0 : i32
      %dma_start3A_1880 = arith.constant 0 : i32
      %dma_start3A_1881 = tpu.memref_slice %arg4[%add3A_1870, %dma_start3A_1879, %dma_start3A_1880] : memref<16384x50x128xf32, #tpu.memory_space<hbm>> -> memref<1x50x128xf32, #tpu.memory_space<hbm>>
      %dma_start3A_1882 = tpu.memref_squeeze %dma_start3A_1881 : memref<1x50x128xf32, #tpu.memory_space<hbm>> -> memref<50x128xf32, #tpu.memory_space<hbm>>
      %dma_start3A_1883 = arith.constant 0 : i32
      %dma_start3A_1884 = arith.constant 0 : i32
      %dma_start3A_1885 = tpu.memref_slice %arg4[%add3A_1870, %dma_start3A_1883, %dma_start3A_1884] : memref<16384x50x128xf32, #tpu.memory_space<hbm>> -> memref<1x50x128xf32, #tpu.memory_space<hbm>>
      %dma_start3A_1886 = tpu.memref_squeeze %dma_start3A_1885 : memref<1x50x128xf32, #tpu.memory_space<hbm>> -> memref<50x128xf32, #tpu.memory_space<hbm>>
      %dma_start3A_1887 = arith.constant 0 : i32
      %dma_start3A_1888 = arith.constant 0 : i32
      %dma_start3A_1889 = tpu.memref_slice %arg6[%dma_start3A_1871, %dma_start3A_1887, %dma_start3A_1888] : memref<4x200x128xf32, #tpu.memory_space<vmem>> -> memref<1x200x128xf32, #tpu.memory_space<vmem>>
      %dma_start3A_1890 = tpu.memref_squeeze %dma_start3A_1889 : memref<1x200x128xf32, #tpu.memory_space<vmem>> -> memref<200x128xf32, #tpu.memory_space<vmem>>
      %dma_start3A_1891 = arith.constant 100 : i32
      %dma_start3A_1892 = arith.constant 0 : i32
      %dma_start3A_1893 = tpu.memref_slice %dma_start3A_1890[%dma_start3A_1891, %dma_start3A_1892] : memref<200x128xf32, #tpu.memory_space<vmem>> -> memref<50x128xf32, #tpu.memory_space<vmem>>
      tpu.enqueue_dma source(%dma_start3A_1893 : memref<50x128xf32, #tpu.memory_space<vmem>>) target(%dma_start3A_1886 : memref<50x128xf32, #tpu.memory_space<hbm>>) target_semaphore(%arg11 : memref<!tpu.dma_semaphore, #tpu.memory_space<semaphore_mem>>)
      %add3A_1894 = arith.constant 3 : i32
      %add3A_1895 = arith.addi %add3A_1818, %add3A_1894 : i32
      %dma_start3A_1896 = arith.constant 0 : i32
      %dma_start3A_1897 = arith.constant 0 : i32
      %dma_start3A_1898 = arith.constant 0 : i32
      %dma_start3A_1899 = tpu.memref_slice %arg6[%dma_start3A_1896, %dma_start3A_1897, %dma_start3A_1898] : memref<4x200x128xf32, #tpu.memory_space<vmem>> -> memref<1x200x128xf32, #tpu.memory_space<vmem>>
      %dma_start3A_1900 = tpu.memref_squeeze %dma_start3A_1899 : memref<1x200x128xf32, #tpu.memory_space<vmem>> -> memref<200x128xf32, #tpu.memory_space<vmem>>
      %dma_start3A_1901 = arith.constant 150 : i32
      %dma_start3A_1902 = arith.constant 0 : i32
      %dma_start3A_1903 = tpu.memref_slice %dma_start3A_1900[%dma_start3A_1901, %dma_start3A_1902] : memref<200x128xf32, #tpu.memory_space<vmem>> -> memref<50x128xf32, #tpu.memory_space<vmem>>
      %dma_start3A_1904 = arith.constant 0 : i32
      %dma_start3A_1905 = arith.constant 0 : i32
      %dma_start3A_1906 = tpu.memref_slice %arg4[%add3A_1895, %dma_start3A_1904, %dma_start3A_1905] : memref<16384x50x128xf32, #tpu.memory_space<hbm>> -> memref<1x50x128xf32, #tpu.memory_space<hbm>>
      %dma_start3A_1907 = tpu.memref_squeeze %dma_start3A_1906 : memref<1x50x128xf32, #tpu.memory_space<hbm>> -> memref<50x128xf32, #tpu.memory_space<hbm>>
      %dma_start3A_1908 = arith.constant 0 : i32
      %dma_start3A_1909 = arith.constant 0 : i32
      %dma_start3A_1910 = tpu.memref_slice %arg4[%add3A_1895, %dma_start3A_1908, %dma_start3A_1909] : memref<16384x50x128xf32, #tpu.memory_space<hbm>> -> memref<1x50x128xf32, #tpu.memory_space<hbm>>
      %dma_start3A_1911 = tpu.memref_squeeze %dma_start3A_1910 : memref<1x50x128xf32, #tpu.memory_space<hbm>> -> memref<50x128xf32, #tpu.memory_space<hbm>>
      %dma_start3A_1912 = arith.constant 0 : i32
      %dma_start3A_1913 = arith.constant 0 : i32
      %dma_start3A_1914 = tpu.memref_slice %arg6[%dma_start3A_1896, %dma_start3A_1912, %dma_start3A_1913] : memref<4x200x128xf32, #tpu.memory_space<vmem>> -> memref<1x200x128xf32, #tpu.memory_space<vmem>>
      %dma_start3A_1915 = tpu.memref_squeeze %dma_start3A_1914 : memref<1x200x128xf32, #tpu.memory_space<vmem>> -> memref<200x128xf32, #tpu.memory_space<vmem>>
      %dma_start3A_1916 = arith.constant 150 : i32
      %dma_start3A_1917 = arith.constant 0 : i32
      %dma_start3A_1918 = tpu.memref_slice %dma_start3A_1915[%dma_start3A_1916, %dma_start3A_1917] : memref<200x128xf32, #tpu.memory_space<vmem>> -> memref<50x128xf32, #tpu.memory_space<vmem>>
      tpu.enqueue_dma source(%dma_start3A_1918 : memref<50x128xf32, #tpu.memory_space<vmem>>) target(%dma_start3A_1911 : memref<50x128xf32, #tpu.memory_space<hbm>>) target_semaphore(%arg11 : memref<!tpu.dma_semaphore, #tpu.memory_space<semaphore_mem>>)
      %add3A_1919 = arith.constant 2 : i32
      %add3A_1920 = arith.addi %add3A_1804, %add3A_1919 : i32
      %sub3A = arith.constant 4 : i32
      %sub3A_1921 = arith.subi %add3A_1920, %sub3A : i32
      %mul3A_1922 = arith.constant 4 : i32
      %mul3A_1923 = arith.muli %sub3A_1921, %mul3A_1922 : i32
      %add3A_1924 = arith.addi %mul3A_4, %mul3A_1923 : i32
      %add3A_1925 = arith.constant 0 : i32
      %add3A_1926 = arith.addi %add3A_1924, %add3A_1925 : i32
      %dma_wait3A_1927 = arith.constant 2 : i32
      %dma_wait3A_1928 = arith.constant 0 : i32
      %dma_wait3A_1929 = arith.constant 0 : i32
      %dma_wait3A_1930 = tpu.memref_slice %arg6[%dma_wait3A_1927, %dma_wait3A_1928, %dma_wait3A_1929] : memref<4x200x128xf32, #tpu.memory_space<vmem>> -> memref<1x200x128xf32, #tpu.memory_space<vmem>>
      %dma_wait3A_1931 = tpu.memref_squeeze %dma_wait3A_1930 : memref<1x200x128xf32, #tpu.memory_space<vmem>> -> memref<200x128xf32, #tpu.memory_space<vmem>>
      %dma_wait3A_1932 = arith.constant 0 : i32
      %dma_wait3A_1933 = arith.constant 0 : i32
      %dma_wait3A_1934 = tpu.memref_slice %dma_wait3A_1931[%dma_wait3A_1932, %dma_wait3A_1933] : memref<200x128xf32, #tpu.memory_space<vmem>> -> memref<50x128xf32, #tpu.memory_space<vmem>>
      %dma_wait3A_1935 = arith.constant 0 : i32
      %dma_wait3A_1936 = arith.constant 0 : i32
      %dma_wait3A_1937 = tpu.memref_slice %arg4[%add3A_1926, %dma_wait3A_1935, %dma_wait3A_1936] : memref<16384x50x128xf32, #tpu.memory_space<hbm>> -> memref<1x50x128xf32, #tpu.memory_space<hbm>>
      %dma_wait3A_1938 = tpu.memref_squeeze %dma_wait3A_1937 : memref<1x50x128xf32, #tpu.memory_space<hbm>> -> memref<50x128xf32, #tpu.memory_space<hbm>>
      %dma_wait3A_1939 = arith.constant 0 : i32
      %dma_wait3A_1940 = arith.constant 0 : i32
      %dma_wait3A_1941 = tpu.memref_slice %arg4[%add3A_1926, %dma_wait3A_1939, %dma_wait3A_1940] : memref<16384x50x128xf32, #tpu.memory_space<hbm>> -> memref<1x50x128xf32, #tpu.memory_space<hbm>>
      %dma_wait3A_1942 = tpu.memref_squeeze %dma_wait3A_1941 : memref<1x50x128xf32, #tpu.memory_space<hbm>> -> memref<50x128xf32, #tpu.memory_space<hbm>>
      %dma_wait3A_1943 = arith.constant 0 : i32
      %dma_wait3A_1944 = arith.constant 0 : i32
      %dma_wait3A_1945 = tpu.memref_slice %arg6[%dma_wait3A_1927, %dma_wait3A_1943, %dma_wait3A_1944] : memref<4x200x128xf32, #tpu.memory_space<vmem>> -> memref<1x200x128xf32, #tpu.memory_space<vmem>>
      %dma_wait3A_1946 = tpu.memref_squeeze %dma_wait3A_1945 : memref<1x200x128xf32, #tpu.memory_space<vmem>> -> memref<200x128xf32, #tpu.memory_space<vmem>>
      %dma_wait3A_1947 = arith.constant 0 : i32
      %dma_wait3A_1948 = arith.constant 0 : i32
      %dma_wait3A_1949 = tpu.memref_slice %dma_wait3A_1946[%dma_wait3A_1947, %dma_wait3A_1948] : memref<200x128xf32, #tpu.memory_space<vmem>> -> memref<50x128xf32, #tpu.memory_space<vmem>>
      tpu.wait_dma2 semaphore(%arg13 : memref<!tpu.dma_semaphore, #tpu.memory_space<semaphore_mem>>) src(%dma_wait3A_1949 : memref<50x128xf32, #tpu.memory_space<vmem>>) dst(%dma_wait3A_1942 : memref<50x128xf32, #tpu.memory_space<hbm>>)
      %add3A_1950 = arith.constant 1 : i32
      %add3A_1951 = arith.addi %add3A_1924, %add3A_1950 : i32
      %dma_wait3A_1952 = arith.constant 2 : i32
      %dma_wait3A_1953 = arith.constant 0 : i32
      %dma_wait3A_1954 = arith.constant 0 : i32
      %dma_wait3A_1955 = tpu.memref_slice %arg6[%dma_wait3A_1952, %dma_wait3A_1953, %dma_wait3A_1954] : memref<4x200x128xf32, #tpu.memory_space<vmem>> -> memref<1x200x128xf32, #tpu.memory_space<vmem>>
      %dma_wait3A_1956 = tpu.memref_squeeze %dma_wait3A_1955 : memref<1x200x128xf32, #tpu.memory_space<vmem>> -> memref<200x128xf32, #tpu.memory_space<vmem>>
      %dma_wait3A_1957 = arith.constant 50 : i32
      %dma_wait3A_1958 = arith.constant 0 : i32
      %dma_wait3A_1959 = tpu.memref_slice %dma_wait3A_1956[%dma_wait3A_1957, %dma_wait3A_1958] : memref<200x128xf32, #tpu.memory_space<vmem>> -> memref<50x128xf32, #tpu.memory_space<vmem>>
      %dma_wait3A_1960 = arith.constant 0 : i32
      %dma_wait3A_1961 = arith.constant 0 : i32
      %dma_wait3A_1962 = tpu.memref_slice %arg4[%add3A_1951, %dma_wait3A_1960, %dma_wait3A_1961] : memref<16384x50x128xf32, #tpu.memory_space<hbm>> -> memref<1x50x128xf32, #tpu.memory_space<hbm>>
      %dma_wait3A_1963 = tpu.memref_squeeze %dma_wait3A_1962 : memref<1x50x128xf32, #tpu.memory_space<hbm>> -> memref<50x128xf32, #tpu.memory_space<hbm>>
      %dma_wait3A_1964 = arith.constant 0 : i32
      %dma_wait3A_1965 = arith.constant 0 : i32
      %dma_wait3A_1966 = tpu.memref_slice %arg4[%add3A_1951, %dma_wait3A_1964, %dma_wait3A_1965] : memref<16384x50x128xf32, #tpu.memory_space<hbm>> -> memref<1x50x128xf32, #tpu.memory_space<hbm>>
      %dma_wait3A_1967 = tpu.memref_squeeze %dma_wait3A_1966 : memref<1x50x128xf32, #tpu.memory_space<hbm>> -> memref<50x128xf32, #tpu.memory_space<hbm>>
      %dma_wait3A_1968 = arith.constant 0 : i32
      %dma_wait3A_1969 = arith.constant 0 : i32
      %dma_wait3A_1970 = tpu.memref_slice %arg6[%dma_wait3A_1952, %dma_wait3A_1968, %dma_wait3A_1969] : memref<4x200x128xf32, #tpu.memory_space<vmem>> -> memref<1x200x128xf32, #tpu.memory_space<vmem>>
      %dma_wait3A_1971 = tpu.memref_squeeze %dma_wait3A_1970 : memref<1x200x128xf32, #tpu.memory_space<vmem>> -> memref<200x128xf32, #tpu.memory_space<vmem>>
      %dma_wait3A_1972 = arith.constant 50 : i32
      %dma_wait3A_1973 = arith.constant 0 : i32
      %dma_wait3A_1974 = tpu.memref_slice %dma_wait3A_1971[%dma_wait3A_1972, %dma_wait3A_1973] : memref<200x128xf32, #tpu.memory_space<vmem>> -> memref<50x128xf32, #tpu.memory_space<vmem>>
      tpu.wait_dma2 semaphore(%arg13 : memref<!tpu.dma_semaphore, #tpu.memory_space<semaphore_mem>>) src(%dma_wait3A_1974 : memref<50x128xf32, #tpu.memory_space<vmem>>) dst(%dma_wait3A_1967 : memref<50x128xf32, #tpu.memory_space<hbm>>)
      %add3A_1975 = arith.constant 2 : i32
      %add3A_1976 = arith.addi %add3A_1924, %add3A_1975 : i32
      %dma_wait3A_1977 = arith.constant 2 : i32
      %dma_wait3A_1978 = arith.constant 0 : i32
      %dma_wait3A_1979 = arith.constant 0 : i32
      %dma_wait3A_1980 = tpu.memref_slice %arg6[%dma_wait3A_1977, %dma_wait3A_1978, %dma_wait3A_1979] : memref<4x200x128xf32, #tpu.memory_space<vmem>> -> memref<1x200x128xf32, #tpu.memory_space<vmem>>
      %dma_wait3A_1981 = tpu.memref_squeeze %dma_wait3A_1980 : memref<1x200x128xf32, #tpu.memory_space<vmem>> -> memref<200x128xf32, #tpu.memory_space<vmem>>
      %dma_wait3A_1982 = arith.constant 100 : i32
      %dma_wait3A_1983 = arith.constant 0 : i32
      %dma_wait3A_1984 = tpu.memref_slice %dma_wait3A_1981[%dma_wait3A_1982, %dma_wait3A_1983] : memref<200x128xf32, #tpu.memory_space<vmem>> -> memref<50x128xf32, #tpu.memory_space<vmem>>
      %dma_wait3A_1985 = arith.constant 0 : i32
      %dma_wait3A_1986 = arith.constant 0 : i32
      %dma_wait3A_1987 = tpu.memref_slice %arg4[%add3A_1976, %dma_wait3A_1985, %dma_wait3A_1986] : memref<16384x50x128xf32, #tpu.memory_space<hbm>> -> memref<1x50x128xf32, #tpu.memory_space<hbm>>
      %dma_wait3A_1988 = tpu.memref_squeeze %dma_wait3A_1987 : memref<1x50x128xf32, #tpu.memory_space<hbm>> -> memref<50x128xf32, #tpu.memory_space<hbm>>
      %dma_wait3A_1989 = arith.constant 0 : i32
      %dma_wait3A_1990 = arith.constant 0 : i32
      %dma_wait3A_1991 = tpu.memref_slice %arg4[%add3A_1976, %dma_wait3A_1989, %dma_wait3A_1990] : memref<16384x50x128xf32, #tpu.memory_space<hbm>> -> memref<1x50x128xf32, #tpu.memory_space<hbm>>
      %dma_wait3A_1992 = tpu.memref_squeeze %dma_wait3A_1991 : memref<1x50x128xf32, #tpu.memory_space<hbm>> -> memref<50x128xf32, #tpu.memory_space<hbm>>
      %dma_wait3A_1993 = arith.constant 0 : i32
      %dma_wait3A_1994 = arith.constant 0 : i32
      %dma_wait3A_1995 = tpu.memref_slice %arg6[%dma_wait3A_1977, %dma_wait3A_1993, %dma_wait3A_1994] : memref<4x200x128xf32, #tpu.memory_space<vmem>> -> memref<1x200x128xf32, #tpu.memory_space<vmem>>
      %dma_wait3A_1996 = tpu.memref_squeeze %dma_wait3A_1995 : memref<1x200x128xf32, #tpu.memory_space<vmem>> -> memref<200x128xf32, #tpu.memory_space<vmem>>
      %dma_wait3A_1997 = arith.constant 100 : i32
      %dma_wait3A_1998 = arith.constant 0 : i32
      %dma_wait3A_1999 = tpu.memref_slice %dma_wait3A_1996[%dma_wait3A_1997, %dma_wait3A_1998] : memref<200x128xf32, #tpu.memory_space<vmem>> -> memref<50x128xf32, #tpu.memory_space<vmem>>
      tpu.wait_dma2 semaphore(%arg13 : memref<!tpu.dma_semaphore, #tpu.memory_space<semaphore_mem>>) src(%dma_wait3A_1999 : memref<50x128xf32, #tpu.memory_space<vmem>>) dst(%dma_wait3A_1992 : memref<50x128xf32, #tpu.memory_space<hbm>>)
      %add3A_2000 = arith.constant 3 : i32
      %add3A_2001 = arith.addi %add3A_1924, %add3A_2000 : i32
      %dma_wait3A_2002 = arith.constant 2 : i32
      %dma_wait3A_2003 = arith.constant 0 : i32
      %dma_wait3A_2004 = arith.constant 0 : i32
      %dma_wait3A_2005 = tpu.memref_slice %arg6[%dma_wait3A_2002, %dma_wait3A_2003, %dma_wait3A_2004] : memref<4x200x128xf32, #tpu.memory_space<vmem>> -> memref<1x200x128xf32, #tpu.memory_space<vmem>>
      %dma_wait3A_2006 = tpu.memref_squeeze %dma_wait3A_2005 : memref<1x200x128xf32, #tpu.memory_space<vmem>> -> memref<200x128xf32, #tpu.memory_space<vmem>>
      %dma_wait3A_2007 = arith.constant 150 : i32
      %dma_wait3A_2008 = arith.constant 0 : i32
      %dma_wait3A_2009 = tpu.memref_slice %dma_wait3A_2006[%dma_wait3A_2007, %dma_wait3A_2008] : memref<200x128xf32, #tpu.memory_space<vmem>> -> memref<50x128xf32, #tpu.memory_space<vmem>>
      %dma_wait3A_2010 = arith.constant 0 : i32
      %dma_wait3A_2011 = arith.constant 0 : i32
      %dma_wait3A_2012 = tpu.memref_slice %arg4[%add3A_2001, %dma_wait3A_2010, %dma_wait3A_2011] : memref<16384x50x128xf32, #tpu.memory_space<hbm>> -> memref<1x50x128xf32, #tpu.memory_space<hbm>>
      %dma_wait3A_2013 = tpu.memref_squeeze %dma_wait3A_2012 : memref<1x50x128xf32, #tpu.memory_space<hbm>> -> memref<50x128xf32, #tpu.memory_space<hbm>>
      %dma_wait3A_2014 = arith.constant 0 : i32
      %dma_wait3A_2015 = arith.constant 0 : i32
      %dma_wait3A_2016 = tpu.memref_slice %arg4[%add3A_2001, %dma_wait3A_2014, %dma_wait3A_2015] : memref<16384x50x128xf32, #tpu.memory_space<hbm>> -> memref<1x50x128xf32, #tpu.memory_space<hbm>>
      %dma_wait3A_2017 = tpu.memref_squeeze %dma_wait3A_2016 : memref<1x50x128xf32, #tpu.memory_space<hbm>> -> memref<50x128xf32, #tpu.memory_space<hbm>>
      %dma_wait3A_2018 = arith.constant 0 : i32
      %dma_wait3A_2019 = arith.constant 0 : i32
      %dma_wait3A_2020 = tpu.memref_slice %arg6[%dma_wait3A_2002, %dma_wait3A_2018, %dma_wait3A_2019] : memref<4x200x128xf32, #tpu.memory_space<vmem>> -> memref<1x200x128xf32, #tpu.memory_space<vmem>>
      %dma_wait3A_2021 = tpu.memref_squeeze %dma_wait3A_2020 : memref<1x200x128xf32, #tpu.memory_space<vmem>> -> memref<200x128xf32, #tpu.memory_space<vmem>>
      %dma_wait3A_2022 = arith.constant 150 : i32
      %dma_wait3A_2023 = arith.constant 0 : i32
      %dma_wait3A_2024 = tpu.memref_slice %dma_wait3A_2021[%dma_wait3A_2022, %dma_wait3A_2023] : memref<200x128xf32, #tpu.memory_space<vmem>> -> memref<50x128xf32, #tpu.memory_space<vmem>>
      tpu.wait_dma2 semaphore(%arg13 : memref<!tpu.dma_semaphore, #tpu.memory_space<semaphore_mem>>) src(%dma_wait3A_2024 : memref<50x128xf32, #tpu.memory_space<vmem>>) dst(%dma_wait3A_2017 : memref<50x128xf32, #tpu.memory_space<hbm>>)
      %mul3A_2025 = arith.constant 200 : i32
      %mul3A_2026 = arith.muli %add3A_1920, %mul3A_2025 : i32
      %dma_start3A_2027 = arith.constant 2 : i32
      %dma_start3A_2028 = arith.constant 0 : i32
      %dma_start3A_2029 = arith.constant 0 : i32
      %dma_start3A_2030 = tpu.memref_slice %arg6[%dma_start3A_2027, %dma_start3A_2028, %dma_start3A_2029] : memref<4x200x128xf32, #tpu.memory_space<vmem>> -> memref<1x200x128xf32, #tpu.memory_space<vmem>>
      %dma_start3A_2031 = tpu.memref_squeeze %dma_start3A_2030 : memref<1x200x128xf32, #tpu.memory_space<vmem>> -> memref<200x128xf32, #tpu.memory_space<vmem>>
      %dma_start3A_2032 = tpu.memref_slice %arg5[%mul3A_2026] : memref<25600xi32, #tpu.memory_space<vmem>> -> memref<200xi32, #tpu.memory_space<vmem>>
      %dma_start3A_2033 = arith.constant 0 : i32
      %dma_start3A_2034 = arith.constant 0 : i32
      %dma_start3A_2035 = tpu.memref_slice %arg2[%dma_start3A_2033, %dma_start3A_2034] : memref<1000000x128xf32, #tpu.memory_space<hbm>> -> memref<1000000x128xf32, #tpu.memory_space<hbm>>
      tpu.enqueue_indirect_dma source(%dma_start3A_2035 : memref<1000000x128xf32, #tpu.memory_space<hbm>>) target(%dma_start3A_2031 : memref<200x128xf32, #tpu.memory_space<vmem>>) offsets(%dma_start3A_2032 : memref<200xi32, #tpu.memory_space<vmem>>) semaphore(%arg9 : memref<!tpu.dma_semaphore, #tpu.memory_space<semaphore_mem>>)
      %add3A_2036 = arith.constant 1 : i32
      %add3A_2037 = arith.addi %mul3A_1802, %add3A_2036 : i32
      %mul3A_2038 = arith.constant 200 : i32
      %mul3A_2039 = arith.muli %add3A_2037, %mul3A_2038 : i32
      %dma_wait3A_2040 = arith.constant 1 : i32
      %dma_wait3A_2041 = arith.constant 0 : i32
      %dma_wait3A_2042 = arith.constant 0 : i32
      %dma_wait3A_2043 = tpu.memref_slice %arg6[%dma_wait3A_2040, %dma_wait3A_2041, %dma_wait3A_2042] : memref<4x200x128xf32, #tpu.memory_space<vmem>> -> memref<1x200x128xf32, #tpu.memory_space<vmem>>
      %dma_wait3A_2044 = tpu.memref_squeeze %dma_wait3A_2043 : memref<1x200x128xf32, #tpu.memory_space<vmem>> -> memref<200x128xf32, #tpu.memory_space<vmem>>
      %dma_wait3A_2045 = tpu.memref_slice %arg5[%mul3A_2039] : memref<25600xi32, #tpu.memory_space<vmem>> -> memref<200xi32, #tpu.memory_space<vmem>>
      %dma_wait3A_2046 = arith.constant 0 : i32
      %dma_wait3A_2047 = arith.constant 0 : i32
      %dma_wait3A_2048 = tpu.memref_slice %arg2[%dma_wait3A_2046, %dma_wait3A_2047] : memref<1000000x128xf32, #tpu.memory_space<hbm>> -> memref<1000000x128xf32, #tpu.memory_space<hbm>>
      tpu.wait_indirect_dma semaphore(%arg8 : memref<!tpu.dma_semaphore, #tpu.memory_space<semaphore_mem>>) src(%dma_wait3A_2048 : memref<1000000x128xf32, #tpu.memory_space<hbm>>) dst(%dma_wait3A_2044 : memref<200x128xf32, #tpu.memory_space<vmem>>)
      %mul3A_2049 = arith.constant 4 : i32
      %mul3A_2050 = arith.muli %add3A_2037, %mul3A_2049 : i32
      %add3A_2051 = arith.addi %mul3A_4, %mul3A_2050 : i32
      %add3A_2052 = arith.constant 0 : i32
      %add3A_2053 = arith.addi %add3A_2051, %add3A_2052 : i32
      %dma_start3A_2054 = arith.constant 1 : i32
      %dma_start3A_2055 = arith.constant 0 : i32
      %dma_start3A_2056 = arith.constant 0 : i32
      %dma_start3A_2057 = tpu.memref_slice %arg6[%dma_start3A_2054, %dma_start3A_2055, %dma_start3A_2056] : memref<4x200x128xf32, #tpu.memory_space<vmem>> -> memref<1x200x128xf32, #tpu.memory_space<vmem>>
      %dma_start3A_2058 = tpu.memref_squeeze %dma_start3A_2057 : memref<1x200x128xf32, #tpu.memory_space<vmem>> -> memref<200x128xf32, #tpu.memory_space<vmem>>
      %dma_start3A_2059 = arith.constant 0 : i32
      %dma_start3A_2060 = arith.constant 0 : i32
      %dma_start3A_2061 = tpu.memref_slice %dma_start3A_2058[%dma_start3A_2059, %dma_start3A_2060] : memref<200x128xf32, #tpu.memory_space<vmem>> -> memref<50x128xf32, #tpu.memory_space<vmem>>
      %dma_start3A_2062 = arith.constant 0 : i32
      %dma_start3A_2063 = arith.constant 0 : i32
      %dma_start3A_2064 = tpu.memref_slice %arg4[%add3A_2053, %dma_start3A_2062, %dma_start3A_2063] : memref<16384x50x128xf32, #tpu.memory_space<hbm>> -> memref<1x50x128xf32, #tpu.memory_space<hbm>>
      %dma_start3A_2065 = tpu.memref_squeeze %dma_start3A_2064 : memref<1x50x128xf32, #tpu.memory_space<hbm>> -> memref<50x128xf32, #tpu.memory_space<hbm>>
      %dma_start3A_2066 = arith.constant 0 : i32
      %dma_start3A_2067 = arith.constant 0 : i32
      %dma_start3A_2068 = tpu.memref_slice %arg4[%add3A_2053, %dma_start3A_2066, %dma_start3A_2067] : memref<16384x50x128xf32, #tpu.memory_space<hbm>> -> memref<1x50x128xf32, #tpu.memory_space<hbm>>
      %dma_start3A_2069 = tpu.memref_squeeze %dma_start3A_2068 : memref<1x50x128xf32, #tpu.memory_space<hbm>> -> memref<50x128xf32, #tpu.memory_space<hbm>>
      %dma_start3A_2070 = arith.constant 0 : i32
      %dma_start3A_2071 = arith.constant 0 : i32
      %dma_start3A_2072 = tpu.memref_slice %arg6[%dma_start3A_2054, %dma_start3A_2070, %dma_start3A_2071] : memref<4x200x128xf32, #tpu.memory_space<vmem>> -> memref<1x200x128xf32, #tpu.memory_space<vmem>>
      %dma_start3A_2073 = tpu.memref_squeeze %dma_start3A_2072 : memref<1x200x128xf32, #tpu.memory_space<vmem>> -> memref<200x128xf32, #tpu.memory_space<vmem>>
      %dma_start3A_2074 = arith.constant 0 : i32
      %dma_start3A_2075 = arith.constant 0 : i32
      %dma_start3A_2076 = tpu.memref_slice %dma_start3A_2073[%dma_start3A_2074, %dma_start3A_2075] : memref<200x128xf32, #tpu.memory_space<vmem>> -> memref<50x128xf32, #tpu.memory_space<vmem>>
      tpu.enqueue_dma source(%dma_start3A_2076 : memref<50x128xf32, #tpu.memory_space<vmem>>) target(%dma_start3A_2069 : memref<50x128xf32, #tpu.memory_space<hbm>>) target_semaphore(%arg12 : memref<!tpu.dma_semaphore, #tpu.memory_space<semaphore_mem>>)
      %add3A_2077 = arith.constant 1 : i32
      %add3A_2078 = arith.addi %add3A_2051, %add3A_2077 : i32
      %dma_start3A_2079 = arith.constant 1 : i32
      %dma_start3A_2080 = arith.constant 0 : i32
      %dma_start3A_2081 = arith.constant 0 : i32
      %dma_start3A_2082 = tpu.memref_slice %arg6[%dma_start3A_2079, %dma_start3A_2080, %dma_start3A_2081] : memref<4x200x128xf32, #tpu.memory_space<vmem>> -> memref<1x200x128xf32, #tpu.memory_space<vmem>>
      %dma_start3A_2083 = tpu.memref_squeeze %dma_start3A_2082 : memref<1x200x128xf32, #tpu.memory_space<vmem>> -> memref<200x128xf32, #tpu.memory_space<vmem>>
      %dma_start3A_2084 = arith.constant 50 : i32
      %dma_start3A_2085 = arith.constant 0 : i32
      %dma_start3A_2086 = tpu.memref_slice %dma_start3A_2083[%dma_start3A_2084, %dma_start3A_2085] : memref<200x128xf32, #tpu.memory_space<vmem>> -> memref<50x128xf32, #tpu.memory_space<vmem>>
      %dma_start3A_2087 = arith.constant 0 : i32
      %dma_start3A_2088 = arith.constant 0 : i32
      %dma_start3A_2089 = tpu.memref_slice %arg4[%add3A_2078, %dma_start3A_2087, %dma_start3A_2088] : memref<16384x50x128xf32, #tpu.memory_space<hbm>> -> memref<1x50x128xf32, #tpu.memory_space<hbm>>
      %dma_start3A_2090 = tpu.memref_squeeze %dma_start3A_2089 : memref<1x50x128xf32, #tpu.memory_space<hbm>> -> memref<50x128xf32, #tpu.memory_space<hbm>>
      %dma_start3A_2091 = arith.constant 0 : i32
      %dma_start3A_2092 = arith.constant 0 : i32
      %dma_start3A_2093 = tpu.memref_slice %arg4[%add3A_2078, %dma_start3A_2091, %dma_start3A_2092] : memref<16384x50x128xf32, #tpu.memory_space<hbm>> -> memref<1x50x128xf32, #tpu.memory_space<hbm>>
      %dma_start3A_2094 = tpu.memref_squeeze %dma_start3A_2093 : memref<1x50x128xf32, #tpu.memory_space<hbm>> -> memref<50x128xf32, #tpu.memory_space<hbm>>
      %dma_start3A_2095 = arith.constant 0 : i32
      %dma_start3A_2096 = arith.constant 0 : i32
      %dma_start3A_2097 = tpu.memref_slice %arg6[%dma_start3A_2079, %dma_start3A_2095, %dma_start3A_2096] : memref<4x200x128xf32, #tpu.memory_space<vmem>> -> memref<1x200x128xf32, #tpu.memory_space<vmem>>
      %dma_start3A_2098 = tpu.memref_squeeze %dma_start3A_2097 : memref<1x200x128xf32, #tpu.memory_space<vmem>> -> memref<200x128xf32, #tpu.memory_space<vmem>>
      %dma_start3A_2099 = arith.constant 50 : i32
      %dma_start3A_2100 = arith.constant 0 : i32
      %dma_start3A_2101 = tpu.memref_slice %dma_start3A_2098[%dma_start3A_2099, %dma_start3A_2100] : memref<200x128xf32, #tpu.memory_space<vmem>> -> memref<50x128xf32, #tpu.memory_space<vmem>>
      tpu.enqueue_dma source(%dma_start3A_2101 : memref<50x128xf32, #tpu.memory_space<vmem>>) target(%dma_start3A_2094 : memref<50x128xf32, #tpu.memory_space<hbm>>) target_semaphore(%arg12 : memref<!tpu.dma_semaphore, #tpu.memory_space<semaphore_mem>>)
      %add3A_2102 = arith.constant 2 : i32
      %add3A_2103 = arith.addi %add3A_2051, %add3A_2102 : i32
      %dma_start3A_2104 = arith.constant 1 : i32
      %dma_start3A_2105 = arith.constant 0 : i32
      %dma_start3A_2106 = arith.constant 0 : i32
      %dma_start3A_2107 = tpu.memref_slice %arg6[%dma_start3A_2104, %dma_start3A_2105, %dma_start3A_2106] : memref<4x200x128xf32, #tpu.memory_space<vmem>> -> memref<1x200x128xf32, #tpu.memory_space<vmem>>
      %dma_start3A_2108 = tpu.memref_squeeze %dma_start3A_2107 : memref<1x200x128xf32, #tpu.memory_space<vmem>> -> memref<200x128xf32, #tpu.memory_space<vmem>>
      %dma_start3A_2109 = arith.constant 100 : i32
      %dma_start3A_2110 = arith.constant 0 : i32
      %dma_start3A_2111 = tpu.memref_slice %dma_start3A_2108[%dma_start3A_2109, %dma_start3A_2110] : memref<200x128xf32, #tpu.memory_space<vmem>> -> memref<50x128xf32, #tpu.memory_space<vmem>>
      %dma_start3A_2112 = arith.constant 0 : i32
      %dma_start3A_2113 = arith.constant 0 : i32
      %dma_start3A_2114 = tpu.memref_slice %arg4[%add3A_2103, %dma_start3A_2112, %dma_start3A_2113] : memref<16384x50x128xf32, #tpu.memory_space<hbm>> -> memref<1x50x128xf32, #tpu.memory_space<hbm>>
      %dma_start3A_2115 = tpu.memref_squeeze %dma_start3A_2114 : memref<1x50x128xf32, #tpu.memory_space<hbm>> -> memref<50x128xf32, #tpu.memory_space<hbm>>
      %dma_start3A_2116 = arith.constant 0 : i32
      %dma_start3A_2117 = arith.constant 0 : i32
      %dma_start3A_2118 = tpu.memref_slice %arg4[%add3A_2103, %dma_start3A_2116, %dma_start3A_2117] : memref<16384x50x128xf32, #tpu.memory_space<hbm>> -> memref<1x50x128xf32, #tpu.memory_space<hbm>>
      %dma_start3A_2119 = tpu.memref_squeeze %dma_start3A_2118 : memref<1x50x128xf32, #tpu.memory_space<hbm>> -> memref<50x128xf32, #tpu.memory_space<hbm>>
      %dma_start3A_2120 = arith.constant 0 : i32
      %dma_start3A_2121 = arith.constant 0 : i32
      %dma_start3A_2122 = tpu.memref_slice %arg6[%dma_start3A_2104, %dma_start3A_2120, %dma_start3A_2121] : memref<4x200x128xf32, #tpu.memory_space<vmem>> -> memref<1x200x128xf32, #tpu.memory_space<vmem>>
      %dma_start3A_2123 = tpu.memref_squeeze %dma_start3A_2122 : memref<1x200x128xf32, #tpu.memory_space<vmem>> -> memref<200x128xf32, #tpu.memory_space<vmem>>
      %dma_start3A_2124 = arith.constant 100 : i32
      %dma_start3A_2125 = arith.constant 0 : i32
      %dma_start3A_2126 = tpu.memref_slice %dma_start3A_2123[%dma_start3A_2124, %dma_start3A_2125] : memref<200x128xf32, #tpu.memory_space<vmem>> -> memref<50x128xf32, #tpu.memory_space<vmem>>
      tpu.enqueue_dma source(%dma_start3A_2126 : memref<50x128xf32, #tpu.memory_space<vmem>>) target(%dma_start3A_2119 : memref<50x128xf32, #tpu.memory_space<hbm>>) target_semaphore(%arg12 : memref<!tpu.dma_semaphore, #tpu.memory_space<semaphore_mem>>)
      %add3A_2127 = arith.constant 3 : i32
      %add3A_2128 = arith.addi %add3A_2051, %add3A_2127 : i32
      %dma_start3A_2129 = arith.constant 1 : i32
      %dma_start3A_2130 = arith.constant 0 : i32
      %dma_start3A_2131 = arith.constant 0 : i32
      %dma_start3A_2132 = tpu.memref_slice %arg6[%dma_start3A_2129, %dma_start3A_2130, %dma_start3A_2131] : memref<4x200x128xf32, #tpu.memory_space<vmem>> -> memref<1x200x128xf32, #tpu.memory_space<vmem>>
      %dma_start3A_2133 = tpu.memref_squeeze %dma_start3A_2132 : memref<1x200x128xf32, #tpu.memory_space<vmem>> -> memref<200x128xf32, #tpu.memory_space<vmem>>
      %dma_start3A_2134 = arith.constant 150 : i32
      %dma_start3A_2135 = arith.constant 0 : i32
      %dma_start3A_2136 = tpu.memref_slice %dma_start3A_2133[%dma_start3A_2134, %dma_start3A_2135] : memref<200x128xf32, #tpu.memory_space<vmem>> -> memref<50x128xf32, #tpu.memory_space<vmem>>
      %dma_start3A_2137 = arith.constant 0 : i32
      %dma_start3A_2138 = arith.constant 0 : i32
      %dma_start3A_2139 = tpu.memref_slice %arg4[%add3A_2128, %dma_start3A_2137, %dma_start3A_2138] : memref<16384x50x128xf32, #tpu.memory_space<hbm>> -> memref<1x50x128xf32, #tpu.memory_space<hbm>>
      %dma_start3A_2140 = tpu.memref_squeeze %dma_start3A_2139 : memref<1x50x128xf32, #tpu.memory_space<hbm>> -> memref<50x128xf32, #tpu.memory_space<hbm>>
      %dma_start3A_2141 = arith.constant 0 : i32
      %dma_start3A_2142 = arith.constant 0 : i32
      %dma_start3A_2143 = tpu.memref_slice %arg4[%add3A_2128, %dma_start3A_2141, %dma_start3A_2142] : memref<16384x50x128xf32, #tpu.memory_space<hbm>> -> memref<1x50x128xf32, #tpu.memory_space<hbm>>
      %dma_start3A_2144 = tpu.memref_squeeze %dma_start3A_2143 : memref<1x50x128xf32, #tpu.memory_space<hbm>> -> memref<50x128xf32, #tpu.memory_space<hbm>>
      %dma_start3A_2145 = arith.constant 0 : i32
      %dma_start3A_2146 = arith.constant 0 : i32
      %dma_start3A_2147 = tpu.memref_slice %arg6[%dma_start3A_2129, %dma_start3A_2145, %dma_start3A_2146] : memref<4x200x128xf32, #tpu.memory_space<vmem>> -> memref<1x200x128xf32, #tpu.memory_space<vmem>>
      %dma_start3A_2148 = tpu.memref_squeeze %dma_start3A_2147 : memref<1x200x128xf32, #tpu.memory_space<vmem>> -> memref<200x128xf32, #tpu.memory_space<vmem>>
      %dma_start3A_2149 = arith.constant 150 : i32
      %dma_start3A_2150 = arith.constant 0 : i32
      %dma_start3A_2151 = tpu.memref_slice %dma_start3A_2148[%dma_start3A_2149, %dma_start3A_2150] : memref<200x128xf32, #tpu.memory_space<vmem>> -> memref<50x128xf32, #tpu.memory_space<vmem>>
      tpu.enqueue_dma source(%dma_start3A_2151 : memref<50x128xf32, #tpu.memory_space<vmem>>) target(%dma_start3A_2144 : memref<50x128xf32, #tpu.memory_space<hbm>>) target_semaphore(%arg12 : memref<!tpu.dma_semaphore, #tpu.memory_space<semaphore_mem>>)
      %add3A_2152 = arith.constant 2 : i32
      %add3A_2153 = arith.addi %add3A_2037, %add3A_2152 : i32
      %sub3A_2154 = arith.constant 4 : i32
      %sub3A_2155 = arith.subi %add3A_2153, %sub3A_2154 : i32
      %mul3A_2156 = arith.constant 4 : i32
      %mul3A_2157 = arith.muli %sub3A_2155, %mul3A_2156 : i32
      %add3A_2158 = arith.addi %mul3A_4, %mul3A_2157 : i32
      %add3A_2159 = arith.constant 0 : i32
      %add3A_2160 = arith.addi %add3A_2158, %add3A_2159 : i32
      %dma_wait3A_2161 = arith.constant 3 : i32
      %dma_wait3A_2162 = arith.constant 0 : i32
      %dma_wait3A_2163 = arith.constant 0 : i32
      %dma_wait3A_2164 = tpu.memref_slice %arg6[%dma_wait3A_2161, %dma_wait3A_2162, %dma_wait3A_2163] : memref<4x200x128xf32, #tpu.memory_space<vmem>> -> memref<1x200x128xf32, #tpu.memory_space<vmem>>
      %dma_wait3A_2165 = tpu.memref_squeeze %dma_wait3A_2164 : memref<1x200x128xf32, #tpu.memory_space<vmem>> -> memref<200x128xf32, #tpu.memory_space<vmem>>
      %dma_wait3A_2166 = arith.constant 0 : i32
      %dma_wait3A_2167 = arith.constant 0 : i32
      %dma_wait3A_2168 = tpu.memref_slice %dma_wait3A_2165[%dma_wait3A_2166, %dma_wait3A_2167] : memref<200x128xf32, #tpu.memory_space<vmem>> -> memref<50x128xf32, #tpu.memory_space<vmem>>
      %dma_wait3A_2169 = arith.constant 0 : i32
      %dma_wait3A_2170 = arith.constant 0 : i32
      %dma_wait3A_2171 = tpu.memref_slice %arg4[%add3A_2160, %dma_wait3A_2169, %dma_wait3A_2170] : memref<16384x50x128xf32, #tpu.memory_space<hbm>> -> memref<1x50x128xf32, #tpu.memory_space<hbm>>
      %dma_wait3A_2172 = tpu.memref_squeeze %dma_wait3A_2171 : memref<1x50x128xf32, #tpu.memory_space<hbm>> -> memref<50x128xf32, #tpu.memory_space<hbm>>
      %dma_wait3A_2173 = arith.constant 0 : i32
      %dma_wait3A_2174 = arith.constant 0 : i32
      %dma_wait3A_2175 = tpu.memref_slice %arg4[%add3A_2160, %dma_wait3A_2173, %dma_wait3A_2174] : memref<16384x50x128xf32, #tpu.memory_space<hbm>> -> memref<1x50x128xf32, #tpu.memory_space<hbm>>
      %dma_wait3A_2176 = tpu.memref_squeeze %dma_wait3A_2175 : memref<1x50x128xf32, #tpu.memory_space<hbm>> -> memref<50x128xf32, #tpu.memory_space<hbm>>
      %dma_wait3A_2177 = arith.constant 0 : i32
      %dma_wait3A_2178 = arith.constant 0 : i32
      %dma_wait3A_2179 = tpu.memref_slice %arg6[%dma_wait3A_2161, %dma_wait3A_2177, %dma_wait3A_2178] : memref<4x200x128xf32, #tpu.memory_space<vmem>> -> memref<1x200x128xf32, #tpu.memory_space<vmem>>
      %dma_wait3A_2180 = tpu.memref_squeeze %dma_wait3A_2179 : memref<1x200x128xf32, #tpu.memory_space<vmem>> -> memref<200x128xf32, #tpu.memory_space<vmem>>
      %dma_wait3A_2181 = arith.constant 0 : i32
      %dma_wait3A_2182 = arith.constant 0 : i32
      %dma_wait3A_2183 = tpu.memref_slice %dma_wait3A_2180[%dma_wait3A_2181, %dma_wait3A_2182] : memref<200x128xf32, #tpu.memory_space<vmem>> -> memref<50x128xf32, #tpu.memory_space<vmem>>
      tpu.wait_dma2 semaphore(%arg14 : memref<!tpu.dma_semaphore, #tpu.memory_space<semaphore_mem>>) src(%dma_wait3A_2183 : memref<50x128xf32, #tpu.memory_space<vmem>>) dst(%dma_wait3A_2176 : memref<50x128xf32, #tpu.memory_space<hbm>>)
      %add3A_2184 = arith.constant 1 : i32
      %add3A_2185 = arith.addi %add3A_2158, %add3A_2184 : i32
      %dma_wait3A_2186 = arith.constant 3 : i32
      %dma_wait3A_2187 = arith.constant 0 : i32
      %dma_wait3A_2188 = arith.constant 0 : i32
      %dma_wait3A_2189 = tpu.memref_slice %arg6[%dma_wait3A_2186, %dma_wait3A_2187, %dma_wait3A_2188] : memref<4x200x128xf32, #tpu.memory_space<vmem>> -> memref<1x200x128xf32, #tpu.memory_space<vmem>>
      %dma_wait3A_2190 = tpu.memref_squeeze %dma_wait3A_2189 : memref<1x200x128xf32, #tpu.memory_space<vmem>> -> memref<200x128xf32, #tpu.memory_space<vmem>>
      %dma_wait3A_2191 = arith.constant 50 : i32
      %dma_wait3A_2192 = arith.constant 0 : i32
      %dma_wait3A_2193 = tpu.memref_slice %dma_wait3A_2190[%dma_wait3A_2191, %dma_wait3A_2192] : memref<200x128xf32, #tpu.memory_space<vmem>> -> memref<50x128xf32, #tpu.memory_space<vmem>>
      %dma_wait3A_2194 = arith.constant 0 : i32
      %dma_wait3A_2195 = arith.constant 0 : i32
      %dma_wait3A_2196 = tpu.memref_slice %arg4[%add3A_2185, %dma_wait3A_2194, %dma_wait3A_2195] : memref<16384x50x128xf32, #tpu.memory_space<hbm>> -> memref<1x50x128xf32, #tpu.memory_space<hbm>>
      %dma_wait3A_2197 = tpu.memref_squeeze %dma_wait3A_2196 : memref<1x50x128xf32, #tpu.memory_space<hbm>> -> memref<50x128xf32, #tpu.memory_space<hbm>>
      %dma_wait3A_2198 = arith.constant 0 : i32
      %dma_wait3A_2199 = arith.constant 0 : i32
      %dma_wait3A_2200 = tpu.memref_slice %arg4[%add3A_2185, %dma_wait3A_2198, %dma_wait3A_2199] : memref<16384x50x128xf32, #tpu.memory_space<hbm>> -> memref<1x50x128xf32, #tpu.memory_space<hbm>>
      %dma_wait3A_2201 = tpu.memref_squeeze %dma_wait3A_2200 : memref<1x50x128xf32, #tpu.memory_space<hbm>> -> memref<50x128xf32, #tpu.memory_space<hbm>>
      %dma_wait3A_2202 = arith.constant 0 : i32
      %dma_wait3A_2203 = arith.constant 0 : i32
      %dma_wait3A_2204 = tpu.memref_slice %arg6[%dma_wait3A_2186, %dma_wait3A_2202, %dma_wait3A_2203] : memref<4x200x128xf32, #tpu.memory_space<vmem>> -> memref<1x200x128xf32, #tpu.memory_space<vmem>>
      %dma_wait3A_2205 = tpu.memref_squeeze %dma_wait3A_2204 : memref<1x200x128xf32, #tpu.memory_space<vmem>> -> memref<200x128xf32, #tpu.memory_space<vmem>>
      %dma_wait3A_2206 = arith.constant 50 : i32
      %dma_wait3A_2207 = arith.constant 0 : i32
      %dma_wait3A_2208 = tpu.memref_slice %dma_wait3A_2205[%dma_wait3A_2206, %dma_wait3A_2207] : memref<200x128xf32, #tpu.memory_space<vmem>> -> memref<50x128xf32, #tpu.memory_space<vmem>>
      tpu.wait_dma2 semaphore(%arg14 : memref<!tpu.dma_semaphore, #tpu.memory_space<semaphore_mem>>) src(%dma_wait3A_2208 : memref<50x128xf32, #tpu.memory_space<vmem>>) dst(%dma_wait3A_2201 : memref<50x128xf32, #tpu.memory_space<hbm>>)
      %add3A_2209 = arith.constant 2 : i32
      %add3A_2210 = arith.addi %add3A_2158, %add3A_2209 : i32
      %dma_wait3A_2211 = arith.constant 3 : i32
      %dma_wait3A_2212 = arith.constant 0 : i32
      %dma_wait3A_2213 = arith.constant 0 : i32
      %dma_wait3A_2214 = tpu.memref_slice %arg6[%dma_wait3A_2211, %dma_wait3A_2212, %dma_wait3A_2213] : memref<4x200x128xf32, #tpu.memory_space<vmem>> -> memref<1x200x128xf32, #tpu.memory_space<vmem>>
      %dma_wait3A_2215 = tpu.memref_squeeze %dma_wait3A_2214 : memref<1x200x128xf32, #tpu.memory_space<vmem>> -> memref<200x128xf32, #tpu.memory_space<vmem>>
      %dma_wait3A_2216 = arith.constant 100 : i32
      %dma_wait3A_2217 = arith.constant 0 : i32
      %dma_wait3A_2218 = tpu.memref_slice %dma_wait3A_2215[%dma_wait3A_2216, %dma_wait3A_2217] : memref<200x128xf32, #tpu.memory_space<vmem>> -> memref<50x128xf32, #tpu.memory_space<vmem>>
      %dma_wait3A_2219 = arith.constant 0 : i32
      %dma_wait3A_2220 = arith.constant 0 : i32
      %dma_wait3A_2221 = tpu.memref_slice %arg4[%add3A_2210, %dma_wait3A_2219, %dma_wait3A_2220] : memref<16384x50x128xf32, #tpu.memory_space<hbm>> -> memref<1x50x128xf32, #tpu.memory_space<hbm>>
      %dma_wait3A_2222 = tpu.memref_squeeze %dma_wait3A_2221 : memref<1x50x128xf32, #tpu.memory_space<hbm>> -> memref<50x128xf32, #tpu.memory_space<hbm>>
      %dma_wait3A_2223 = arith.constant 0 : i32
      %dma_wait3A_2224 = arith.constant 0 : i32
      %dma_wait3A_2225 = tpu.memref_slice %arg4[%add3A_2210, %dma_wait3A_2223, %dma_wait3A_2224] : memref<16384x50x128xf32, #tpu.memory_space<hbm>> -> memref<1x50x128xf32, #tpu.memory_space<hbm>>
      %dma_wait3A_2226 = tpu.memref_squeeze %dma_wait3A_2225 : memref<1x50x128xf32, #tpu.memory_space<hbm>> -> memref<50x128xf32, #tpu.memory_space<hbm>>
      %dma_wait3A_2227 = arith.constant 0 : i32
      %dma_wait3A_2228 = arith.constant 0 : i32
      %dma_wait3A_2229 = tpu.memref_slice %arg6[%dma_wait3A_2211, %dma_wait3A_2227, %dma_wait3A_2228] : memref<4x200x128xf32, #tpu.memory_space<vmem>> -> memref<1x200x128xf32, #tpu.memory_space<vmem>>
      %dma_wait3A_2230 = tpu.memref_squeeze %dma_wait3A_2229 : memref<1x200x128xf32, #tpu.memory_space<vmem>> -> memref<200x128xf32, #tpu.memory_space<vmem>>
      %dma_wait3A_2231 = arith.constant 100 : i32
      %dma_wait3A_2232 = arith.constant 0 : i32
      %dma_wait3A_2233 = tpu.memref_slice %dma_wait3A_2230[%dma_wait3A_2231, %dma_wait3A_2232] : memref<200x128xf32, #tpu.memory_space<vmem>> -> memref<50x128xf32, #tpu.memory_space<vmem>>
      tpu.wait_dma2 semaphore(%arg14 : memref<!tpu.dma_semaphore, #tpu.memory_space<semaphore_mem>>) src(%dma_wait3A_2233 : memref<50x128xf32, #tpu.memory_space<vmem>>) dst(%dma_wait3A_2226 : memref<50x128xf32, #tpu.memory_space<hbm>>)
      %add3A_2234 = arith.constant 3 : i32
      %add3A_2235 = arith.addi %add3A_2158, %add3A_2234 : i32
      %dma_wait3A_2236 = arith.constant 3 : i32
      %dma_wait3A_2237 = arith.constant 0 : i32
      %dma_wait3A_2238 = arith.constant 0 : i32
      %dma_wait3A_2239 = tpu.memref_slice %arg6[%dma_wait3A_2236, %dma_wait3A_2237, %dma_wait3A_2238] : memref<4x200x128xf32, #tpu.memory_space<vmem>> -> memref<1x200x128xf32, #tpu.memory_space<vmem>>
      %dma_wait3A_2240 = tpu.memref_squeeze %dma_wait3A_2239 : memref<1x200x128xf32, #tpu.memory_space<vmem>> -> memref<200x128xf32, #tpu.memory_space<vmem>>
      %dma_wait3A_2241 = arith.constant 150 : i32
      %dma_wait3A_2242 = arith.constant 0 : i32
      %dma_wait3A_2243 = tpu.memref_slice %dma_wait3A_2240[%dma_wait3A_2241, %dma_wait3A_2242] : memref<200x128xf32, #tpu.memory_space<vmem>> -> memref<50x128xf32, #tpu.memory_space<vmem>>
      %dma_wait3A_2244 = arith.constant 0 : i32
      %dma_wait3A_2245 = arith.constant 0 : i32
      %dma_wait3A_2246 = tpu.memref_slice %arg4[%add3A_2235, %dma_wait3A_2244, %dma_wait3A_2245] : memref<16384x50x128xf32, #tpu.memory_space<hbm>> -> memref<1x50x128xf32, #tpu.memory_space<hbm>>
      %dma_wait3A_2247 = tpu.memref_squeeze %dma_wait3A_2246 : memref<1x50x128xf32, #tpu.memory_space<hbm>> -> memref<50x128xf32, #tpu.memory_space<hbm>>
      %dma_wait3A_2248 = arith.constant 0 : i32
      %dma_wait3A_2249 = arith.constant 0 : i32
      %dma_wait3A_2250 = tpu.memref_slice %arg4[%add3A_2235, %dma_wait3A_2248, %dma_wait3A_2249] : memref<16384x50x128xf32, #tpu.memory_space<hbm>> -> memref<1x50x128xf32, #tpu.memory_space<hbm>>
      %dma_wait3A_2251 = tpu.memref_squeeze %dma_wait3A_2250 : memref<1x50x128xf32, #tpu.memory_space<hbm>> -> memref<50x128xf32, #tpu.memory_space<hbm>>
      %dma_wait3A_2252 = arith.constant 0 : i32
      %dma_wait3A_2253 = arith.constant 0 : i32
      %dma_wait3A_2254 = tpu.memref_slice %arg6[%dma_wait3A_2236, %dma_wait3A_2252, %dma_wait3A_2253] : memref<4x200x128xf32, #tpu.memory_space<vmem>> -> memref<1x200x128xf32, #tpu.memory_space<vmem>>
      %dma_wait3A_2255 = tpu.memref_squeeze %dma_wait3A_2254 : memref<1x200x128xf32, #tpu.memory_space<vmem>> -> memref<200x128xf32, #tpu.memory_space<vmem>>
      %dma_wait3A_2256 = arith.constant 150 : i32
      %dma_wait3A_2257 = arith.constant 0 : i32
      %dma_wait3A_2258 = tpu.memref_slice %dma_wait3A_2255[%dma_wait3A_2256, %dma_wait3A_2257] : memref<200x128xf32, #tpu.memory_space<vmem>> -> memref<50x128xf32, #tpu.memory_space<vmem>>
      tpu.wait_dma2 semaphore(%arg14 : memref<!tpu.dma_semaphore, #tpu.memory_space<semaphore_mem>>) src(%dma_wait3A_2258 : memref<50x128xf32, #tpu.memory_space<vmem>>) dst(%dma_wait3A_2251 : memref<50x128xf32, #tpu.memory_space<hbm>>)
      %mul3A_2259 = arith.constant 200 : i32
      %mul3A_2260 = arith.muli %add3A_2153, %mul3A_2259 : i32
      %dma_start3A_2261 = arith.constant 3 : i32
      %dma_start3A_2262 = arith.constant 0 : i32
      %dma_start3A_2263 = arith.constant 0 : i32
      %dma_start3A_2264 = tpu.memref_slice %arg6[%dma_start3A_2261, %dma_start3A_2262, %dma_start3A_2263] : memref<4x200x128xf32, #tpu.memory_space<vmem>> -> memref<1x200x128xf32, #tpu.memory_space<vmem>>
      %dma_start3A_2265 = tpu.memref_squeeze %dma_start3A_2264 : memref<1x200x128xf32, #tpu.memory_space<vmem>> -> memref<200x128xf32, #tpu.memory_space<vmem>>
      %dma_start3A_2266 = tpu.memref_slice %arg5[%mul3A_2260] : memref<25600xi32, #tpu.memory_space<vmem>> -> memref<200xi32, #tpu.memory_space<vmem>>
      %dma_start3A_2267 = arith.constant 0 : i32
      %dma_start3A_2268 = arith.constant 0 : i32
      %dma_start3A_2269 = tpu.memref_slice %arg2[%dma_start3A_2267, %dma_start3A_2268] : memref<1000000x128xf32, #tpu.memory_space<hbm>> -> memref<1000000x128xf32, #tpu.memory_space<hbm>>
      tpu.enqueue_indirect_dma source(%dma_start3A_2269 : memref<1000000x128xf32, #tpu.memory_space<hbm>>) target(%dma_start3A_2265 : memref<200x128xf32, #tpu.memory_space<vmem>>) offsets(%dma_start3A_2266 : memref<200xi32, #tpu.memory_space<vmem>>) semaphore(%arg10 : memref<!tpu.dma_semaphore, #tpu.memory_space<semaphore_mem>>)
      %add3A_2270 = arith.constant 2 : i32
      %add3A_2271 = arith.addi %mul3A_1802, %add3A_2270 : i32
      %mul3A_2272 = arith.constant 200 : i32
      %mul3A_2273 = arith.muli %add3A_2271, %mul3A_2272 : i32
      %dma_wait3A_2274 = arith.constant 2 : i32
      %dma_wait3A_2275 = arith.constant 0 : i32
      %dma_wait3A_2276 = arith.constant 0 : i32
      %dma_wait3A_2277 = tpu.memref_slice %arg6[%dma_wait3A_2274, %dma_wait3A_2275, %dma_wait3A_2276] : memref<4x200x128xf32, #tpu.memory_space<vmem>> -> memref<1x200x128xf32, #tpu.memory_space<vmem>>
      %dma_wait3A_2278 = tpu.memref_squeeze %dma_wait3A_2277 : memref<1x200x128xf32, #tpu.memory_space<vmem>> -> memref<200x128xf32, #tpu.memory_space<vmem>>
      %dma_wait3A_2279 = tpu.memref_slice %arg5[%mul3A_2273] : memref<25600xi32, #tpu.memory_space<vmem>> -> memref<200xi32, #tpu.memory_space<vmem>>
      %dma_wait3A_2280 = arith.constant 0 : i32
      %dma_wait3A_2281 = arith.constant 0 : i32
      %dma_wait3A_2282 = tpu.memref_slice %arg2[%dma_wait3A_2280, %dma_wait3A_2281] : memref<1000000x128xf32, #tpu.memory_space<hbm>> -> memref<1000000x128xf32, #tpu.memory_space<hbm>>
      tpu.wait_indirect_dma semaphore(%arg9 : memref<!tpu.dma_semaphore, #tpu.memory_space<semaphore_mem>>) src(%dma_wait3A_2282 : memref<1000000x128xf32, #tpu.memory_space<hbm>>) dst(%dma_wait3A_2278 : memref<200x128xf32, #tpu.memory_space<vmem>>)
      %mul3A_2283 = arith.constant 4 : i32
      %mul3A_2284 = arith.muli %add3A_2271, %mul3A_2283 : i32
      %add3A_2285 = arith.addi %mul3A_4, %mul3A_2284 : i32
      %add3A_2286 = arith.constant 0 : i32
      %add3A_2287 = arith.addi %add3A_2285, %add3A_2286 : i32
      %dma_start3A_2288 = arith.constant 2 : i32
      %dma_start3A_2289 = arith.constant 0 : i32
      %dma_start3A_2290 = arith.constant 0 : i32
      %dma_start3A_2291 = tpu.memref_slice %arg6[%dma_start3A_2288, %dma_start3A_2289, %dma_start3A_2290] : memref<4x200x128xf32, #tpu.memory_space<vmem>> -> memref<1x200x128xf32, #tpu.memory_space<vmem>>
      %dma_start3A_2292 = tpu.memref_squeeze %dma_start3A_2291 : memref<1x200x128xf32, #tpu.memory_space<vmem>> -> memref<200x128xf32, #tpu.memory_space<vmem>>
      %dma_start3A_2293 = arith.constant 0 : i32
      %dma_start3A_2294 = arith.constant 0 : i32
      %dma_start3A_2295 = tpu.memref_slice %dma_start3A_2292[%dma_start3A_2293, %dma_start3A_2294] : memref<200x128xf32, #tpu.memory_space<vmem>> -> memref<50x128xf32, #tpu.memory_space<vmem>>
      %dma_start3A_2296 = arith.constant 0 : i32
      %dma_start3A_2297 = arith.constant 0 : i32
      %dma_start3A_2298 = tpu.memref_slice %arg4[%add3A_2287, %dma_start3A_2296, %dma_start3A_2297] : memref<16384x50x128xf32, #tpu.memory_space<hbm>> -> memref<1x50x128xf32, #tpu.memory_space<hbm>>
      %dma_start3A_2299 = tpu.memref_squeeze %dma_start3A_2298 : memref<1x50x128xf32, #tpu.memory_space<hbm>> -> memref<50x128xf32, #tpu.memory_space<hbm>>
      %dma_start3A_2300 = arith.constant 0 : i32
      %dma_start3A_2301 = arith.constant 0 : i32
      %dma_start3A_2302 = tpu.memref_slice %arg4[%add3A_2287, %dma_start3A_2300, %dma_start3A_2301] : memref<16384x50x128xf32, #tpu.memory_space<hbm>> -> memref<1x50x128xf32, #tpu.memory_space<hbm>>
      %dma_start3A_2303 = tpu.memref_squeeze %dma_start3A_2302 : memref<1x50x128xf32, #tpu.memory_space<hbm>> -> memref<50x128xf32, #tpu.memory_space<hbm>>
      %dma_start3A_2304 = arith.constant 0 : i32
      %dma_start3A_2305 = arith.constant 0 : i32
      %dma_start3A_2306 = tpu.memref_slice %arg6[%dma_start3A_2288, %dma_start3A_2304, %dma_start3A_2305] : memref<4x200x128xf32, #tpu.memory_space<vmem>> -> memref<1x200x128xf32, #tpu.memory_space<vmem>>
      %dma_start3A_2307 = tpu.memref_squeeze %dma_start3A_2306 : memref<1x200x128xf32, #tpu.memory_space<vmem>> -> memref<200x128xf32, #tpu.memory_space<vmem>>
      %dma_start3A_2308 = arith.constant 0 : i32
      %dma_start3A_2309 = arith.constant 0 : i32
      %dma_start3A_2310 = tpu.memref_slice %dma_start3A_2307[%dma_start3A_2308, %dma_start3A_2309] : memref<200x128xf32, #tpu.memory_space<vmem>> -> memref<50x128xf32, #tpu.memory_space<vmem>>
      tpu.enqueue_dma source(%dma_start3A_2310 : memref<50x128xf32, #tpu.memory_space<vmem>>) target(%dma_start3A_2303 : memref<50x128xf32, #tpu.memory_space<hbm>>) target_semaphore(%arg13 : memref<!tpu.dma_semaphore, #tpu.memory_space<semaphore_mem>>)
      %add3A_2311 = arith.constant 1 : i32
      %add3A_2312 = arith.addi %add3A_2285, %add3A_2311 : i32
      %dma_start3A_2313 = arith.constant 2 : i32
      %dma_start3A_2314 = arith.constant 0 : i32
      %dma_start3A_2315 = arith.constant 0 : i32
      %dma_start3A_2316 = tpu.memref_slice %arg6[%dma_start3A_2313, %dma_start3A_2314, %dma_start3A_2315] : memref<4x200x128xf32, #tpu.memory_space<vmem>> -> memref<1x200x128xf32, #tpu.memory_space<vmem>>
      %dma_start3A_2317 = tpu.memref_squeeze %dma_start3A_2316 : memref<1x200x128xf32, #tpu.memory_space<vmem>> -> memref<200x128xf32, #tpu.memory_space<vmem>>
      %dma_start3A_2318 = arith.constant 50 : i32
      %dma_start3A_2319 = arith.constant 0 : i32
      %dma_start3A_2320 = tpu.memref_slice %dma_start3A_2317[%dma_start3A_2318, %dma_start3A_2319] : memref<200x128xf32, #tpu.memory_space<vmem>> -> memref<50x128xf32, #tpu.memory_space<vmem>>
      %dma_start3A_2321 = arith.constant 0 : i32
      %dma_start3A_2322 = arith.constant 0 : i32
      %dma_start3A_2323 = tpu.memref_slice %arg4[%add3A_2312, %dma_start3A_2321, %dma_start3A_2322] : memref<16384x50x128xf32, #tpu.memory_space<hbm>> -> memref<1x50x128xf32, #tpu.memory_space<hbm>>
      %dma_start3A_2324 = tpu.memref_squeeze %dma_start3A_2323 : memref<1x50x128xf32, #tpu.memory_space<hbm>> -> memref<50x128xf32, #tpu.memory_space<hbm>>
      %dma_start3A_2325 = arith.constant 0 : i32
      %dma_start3A_2326 = arith.constant 0 : i32
      %dma_start3A_2327 = tpu.memref_slice %arg4[%add3A_2312, %dma_start3A_2325, %dma_start3A_2326] : memref<16384x50x128xf32, #tpu.memory_space<hbm>> -> memref<1x50x128xf32, #tpu.memory_space<hbm>>
      %dma_start3A_2328 = tpu.memref_squeeze %dma_start3A_2327 : memref<1x50x128xf32, #tpu.memory_space<hbm>> -> memref<50x128xf32, #tpu.memory_space<hbm>>
      %dma_start3A_2329 = arith.constant 0 : i32
      %dma_start3A_2330 = arith.constant 0 : i32
      %dma_start3A_2331 = tpu.memref_slice %arg6[%dma_start3A_2313, %dma_start3A_2329, %dma_start3A_2330] : memref<4x200x128xf32, #tpu.memory_space<vmem>> -> memref<1x200x128xf32, #tpu.memory_space<vmem>>
      %dma_start3A_2332 = tpu.memref_squeeze %dma_start3A_2331 : memref<1x200x128xf32, #tpu.memory_space<vmem>> -> memref<200x128xf32, #tpu.memory_space<vmem>>
      %dma_start3A_2333 = arith.constant 50 : i32
      %dma_start3A_2334 = arith.constant 0 : i32
      %dma_start3A_2335 = tpu.memref_slice %dma_start3A_2332[%dma_start3A_2333, %dma_start3A_2334] : memref<200x128xf32, #tpu.memory_space<vmem>> -> memref<50x128xf32, #tpu.memory_space<vmem>>
      tpu.enqueue_dma source(%dma_start3A_2335 : memref<50x128xf32, #tpu.memory_space<vmem>>) target(%dma_start3A_2328 : memref<50x128xf32, #tpu.memory_space<hbm>>) target_semaphore(%arg13 : memref<!tpu.dma_semaphore, #tpu.memory_space<semaphore_mem>>)
      %add3A_2336 = arith.constant 2 : i32
      %add3A_2337 = arith.addi %add3A_2285, %add3A_2336 : i32
      %dma_start3A_2338 = arith.constant 2 : i32
      %dma_start3A_2339 = arith.constant 0 : i32
      %dma_start3A_2340 = arith.constant 0 : i32
      %dma_start3A_2341 = tpu.memref_slice %arg6[%dma_start3A_2338, %dma_start3A_2339, %dma_start3A_2340] : memref<4x200x128xf32, #tpu.memory_space<vmem>> -> memref<1x200x128xf32, #tpu.memory_space<vmem>>
      %dma_start3A_2342 = tpu.memref_squeeze %dma_start3A_2341 : memref<1x200x128xf32, #tpu.memory_space<vmem>> -> memref<200x128xf32, #tpu.memory_space<vmem>>
      %dma_start3A_2343 = arith.constant 100 : i32
      %dma_start3A_2344 = arith.constant 0 : i32
      %dma_start3A_2345 = tpu.memref_slice %dma_start3A_2342[%dma_start3A_2343, %dma_start3A_2344] : memref<200x128xf32, #tpu.memory_space<vmem>> -> memref<50x128xf32, #tpu.memory_space<vmem>>
      %dma_start3A_2346 = arith.constant 0 : i32
      %dma_start3A_2347 = arith.constant 0 : i32
      %dma_start3A_2348 = tpu.memref_slice %arg4[%add3A_2337, %dma_start3A_2346, %dma_start3A_2347] : memref<16384x50x128xf32, #tpu.memory_space<hbm>> -> memref<1x50x128xf32, #tpu.memory_space<hbm>>
      %dma_start3A_2349 = tpu.memref_squeeze %dma_start3A_2348 : memref<1x50x128xf32, #tpu.memory_space<hbm>> -> memref<50x128xf32, #tpu.memory_space<hbm>>
      %dma_start3A_2350 = arith.constant 0 : i32
      %dma_start3A_2351 = arith.constant 0 : i32
      %dma_start3A_2352 = tpu.memref_slice %arg4[%add3A_2337, %dma_start3A_2350, %dma_start3A_2351] : memref<16384x50x128xf32, #tpu.memory_space<hbm>> -> memref<1x50x128xf32, #tpu.memory_space<hbm>>
      %dma_start3A_2353 = tpu.memref_squeeze %dma_start3A_2352 : memref<1x50x128xf32, #tpu.memory_space<hbm>> -> memref<50x128xf32, #tpu.memory_space<hbm>>
      %dma_start3A_2354 = arith.constant 0 : i32
      %dma_start3A_2355 = arith.constant 0 : i32
      %dma_start3A_2356 = tpu.memref_slice %arg6[%dma_start3A_2338, %dma_start3A_2354, %dma_start3A_2355] : memref<4x200x128xf32, #tpu.memory_space<vmem>> -> memref<1x200x128xf32, #tpu.memory_space<vmem>>
      %dma_start3A_2357 = tpu.memref_squeeze %dma_start3A_2356 : memref<1x200x128xf32, #tpu.memory_space<vmem>> -> memref<200x128xf32, #tpu.memory_space<vmem>>
      %dma_start3A_2358 = arith.constant 100 : i32
      %dma_start3A_2359 = arith.constant 0 : i32
      %dma_start3A_2360 = tpu.memref_slice %dma_start3A_2357[%dma_start3A_2358, %dma_start3A_2359] : memref<200x128xf32, #tpu.memory_space<vmem>> -> memref<50x128xf32, #tpu.memory_space<vmem>>
      tpu.enqueue_dma source(%dma_start3A_2360 : memref<50x128xf32, #tpu.memory_space<vmem>>) target(%dma_start3A_2353 : memref<50x128xf32, #tpu.memory_space<hbm>>) target_semaphore(%arg13 : memref<!tpu.dma_semaphore, #tpu.memory_space<semaphore_mem>>)
      %add3A_2361 = arith.constant 3 : i32
      %add3A_2362 = arith.addi %add3A_2285, %add3A_2361 : i32
      %dma_start3A_2363 = arith.constant 2 : i32
      %dma_start3A_2364 = arith.constant 0 : i32
      %dma_start3A_2365 = arith.constant 0 : i32
      %dma_start3A_2366 = tpu.memref_slice %arg6[%dma_start3A_2363, %dma_start3A_2364, %dma_start3A_2365] : memref<4x200x128xf32, #tpu.memory_space<vmem>> -> memref<1x200x128xf32, #tpu.memory_space<vmem>>
      %dma_start3A_2367 = tpu.memref_squeeze %dma_start3A_2366 : memref<1x200x128xf32, #tpu.memory_space<vmem>> -> memref<200x128xf32, #tpu.memory_space<vmem>>
      %dma_start3A_2368 = arith.constant 150 : i32
      %dma_start3A_2369 = arith.constant 0 : i32
      %dma_start3A_2370 = tpu.memref_slice %dma_start3A_2367[%dma_start3A_2368, %dma_start3A_2369] : memref<200x128xf32, #tpu.memory_space<vmem>> -> memref<50x128xf32, #tpu.memory_space<vmem>>
      %dma_start3A_2371 = arith.constant 0 : i32
      %dma_start3A_2372 = arith.constant 0 : i32
      %dma_start3A_2373 = tpu.memref_slice %arg4[%add3A_2362, %dma_start3A_2371, %dma_start3A_2372] : memref<16384x50x128xf32, #tpu.memory_space<hbm>> -> memref<1x50x128xf32, #tpu.memory_space<hbm>>
      %dma_start3A_2374 = tpu.memref_squeeze %dma_start3A_2373 : memref<1x50x128xf32, #tpu.memory_space<hbm>> -> memref<50x128xf32, #tpu.memory_space<hbm>>
      %dma_start3A_2375 = arith.constant 0 : i32
      %dma_start3A_2376 = arith.constant 0 : i32
      %dma_start3A_2377 = tpu.memref_slice %arg4[%add3A_2362, %dma_start3A_2375, %dma_start3A_2376] : memref<16384x50x128xf32, #tpu.memory_space<hbm>> -> memref<1x50x128xf32, #tpu.memory_space<hbm>>
      %dma_start3A_2378 = tpu.memref_squeeze %dma_start3A_2377 : memref<1x50x128xf32, #tpu.memory_space<hbm>> -> memref<50x128xf32, #tpu.memory_space<hbm>>
      %dma_start3A_2379 = arith.constant 0 : i32
      %dma_start3A_2380 = arith.constant 0 : i32
      %dma_start3A_2381 = tpu.memref_slice %arg6[%dma_start3A_2363, %dma_start3A_2379, %dma_start3A_2380] : memref<4x200x128xf32, #tpu.memory_space<vmem>> -> memref<1x200x128xf32, #tpu.memory_space<vmem>>
      %dma_start3A_2382 = tpu.memref_squeeze %dma_start3A_2381 : memref<1x200x128xf32, #tpu.memory_space<vmem>> -> memref<200x128xf32, #tpu.memory_space<vmem>>
      %dma_start3A_2383 = arith.constant 150 : i32
      %dma_start3A_2384 = arith.constant 0 : i32
      %dma_start3A_2385 = tpu.memref_slice %dma_start3A_2382[%dma_start3A_2383, %dma_start3A_2384] : memref<200x128xf32, #tpu.memory_space<vmem>> -> memref<50x128xf32, #tpu.memory_space<vmem>>
      tpu.enqueue_dma source(%dma_start3A_2385 : memref<50x128xf32, #tpu.memory_space<vmem>>) target(%dma_start3A_2378 : memref<50x128xf32, #tpu.memory_space<hbm>>) target_semaphore(%arg13 : memref<!tpu.dma_semaphore, #tpu.memory_space<semaphore_mem>>)
      %add3A_2386 = arith.constant 2 : i32
      %add3A_2387 = arith.addi %add3A_2271, %add3A_2386 : i32
      %sub3A_2388 = arith.constant 4 : i32
      %sub3A_2389 = arith.subi %add3A_2387, %sub3A_2388 : i32
      %mul3A_2390 = arith.constant 4 : i32
      %mul3A_2391 = arith.muli %sub3A_2389, %mul3A_2390 : i32
      %add3A_2392 = arith.addi %mul3A_4, %mul3A_2391 : i32
      %add3A_2393 = arith.constant 0 : i32
      %add3A_2394 = arith.addi %add3A_2392, %add3A_2393 : i32
      %dma_wait3A_2395 = arith.constant 0 : i32
      %dma_wait3A_2396 = arith.constant 0 : i32
      %dma_wait3A_2397 = arith.constant 0 : i32
      %dma_wait3A_2398 = tpu.memref_slice %arg6[%dma_wait3A_2395, %dma_wait3A_2396, %dma_wait3A_2397] : memref<4x200x128xf32, #tpu.memory_space<vmem>> -> memref<1x200x128xf32, #tpu.memory_space<vmem>>
      %dma_wait3A_2399 = tpu.memref_squeeze %dma_wait3A_2398 : memref<1x200x128xf32, #tpu.memory_space<vmem>> -> memref<200x128xf32, #tpu.memory_space<vmem>>
      %dma_wait3A_2400 = arith.constant 0 : i32
      %dma_wait3A_2401 = arith.constant 0 : i32
      %dma_wait3A_2402 = tpu.memref_slice %dma_wait3A_2399[%dma_wait3A_2400, %dma_wait3A_2401] : memref<200x128xf32, #tpu.memory_space<vmem>> -> memref<50x128xf32, #tpu.memory_space<vmem>>
      %dma_wait3A_2403 = arith.constant 0 : i32
      %dma_wait3A_2404 = arith.constant 0 : i32
      %dma_wait3A_2405 = tpu.memref_slice %arg4[%add3A_2394, %dma_wait3A_2403, %dma_wait3A_2404] : memref<16384x50x128xf32, #tpu.memory_space<hbm>> -> memref<1x50x128xf32, #tpu.memory_space<hbm>>
      %dma_wait3A_2406 = tpu.memref_squeeze %dma_wait3A_2405 : memref<1x50x128xf32, #tpu.memory_space<hbm>> -> memref<50x128xf32, #tpu.memory_space<hbm>>
      %dma_wait3A_2407 = arith.constant 0 : i32
      %dma_wait3A_2408 = arith.constant 0 : i32
      %dma_wait3A_2409 = tpu.memref_slice %arg4[%add3A_2394, %dma_wait3A_2407, %dma_wait3A_2408] : memref<16384x50x128xf32, #tpu.memory_space<hbm>> -> memref<1x50x128xf32, #tpu.memory_space<hbm>>
      %dma_wait3A_2410 = tpu.memref_squeeze %dma_wait3A_2409 : memref<1x50x128xf32, #tpu.memory_space<hbm>> -> memref<50x128xf32, #tpu.memory_space<hbm>>
      %dma_wait3A_2411 = arith.constant 0 : i32
      %dma_wait3A_2412 = arith.constant 0 : i32
      %dma_wait3A_2413 = tpu.memref_slice %arg6[%dma_wait3A_2395, %dma_wait3A_2411, %dma_wait3A_2412] : memref<4x200x128xf32, #tpu.memory_space<vmem>> -> memref<1x200x128xf32, #tpu.memory_space<vmem>>
      %dma_wait3A_2414 = tpu.memref_squeeze %dma_wait3A_2413 : memref<1x200x128xf32, #tpu.memory_space<vmem>> -> memref<200x128xf32, #tpu.memory_space<vmem>>
      %dma_wait3A_2415 = arith.constant 0 : i32
      %dma_wait3A_2416 = arith.constant 0 : i32
      %dma_wait3A_2417 = tpu.memref_slice %dma_wait3A_2414[%dma_wait3A_2415, %dma_wait3A_2416] : memref<200x128xf32, #tpu.memory_space<vmem>> -> memref<50x128xf32, #tpu.memory_space<vmem>>
      tpu.wait_dma2 semaphore(%arg11 : memref<!tpu.dma_semaphore, #tpu.memory_space<semaphore_mem>>) src(%dma_wait3A_2417 : memref<50x128xf32, #tpu.memory_space<vmem>>) dst(%dma_wait3A_2410 : memref<50x128xf32, #tpu.memory_space<hbm>>)
      %add3A_2418 = arith.constant 1 : i32
      %add3A_2419 = arith.addi %add3A_2392, %add3A_2418 : i32
      %dma_wait3A_2420 = arith.constant 0 : i32
      %dma_wait3A_2421 = arith.constant 0 : i32
      %dma_wait3A_2422 = arith.constant 0 : i32
      %dma_wait3A_2423 = tpu.memref_slice %arg6[%dma_wait3A_2420, %dma_wait3A_2421, %dma_wait3A_2422] : memref<4x200x128xf32, #tpu.memory_space<vmem>> -> memref<1x200x128xf32, #tpu.memory_space<vmem>>
      %dma_wait3A_2424 = tpu.memref_squeeze %dma_wait3A_2423 : memref<1x200x128xf32, #tpu.memory_space<vmem>> -> memref<200x128xf32, #tpu.memory_space<vmem>>
      %dma_wait3A_2425 = arith.constant 50 : i32
      %dma_wait3A_2426 = arith.constant 0 : i32
      %dma_wait3A_2427 = tpu.memref_slice %dma_wait3A_2424[%dma_wait3A_2425, %dma_wait3A_2426] : memref<200x128xf32, #tpu.memory_space<vmem>> -> memref<50x128xf32, #tpu.memory_space<vmem>>
      %dma_wait3A_2428 = arith.constant 0 : i32
      %dma_wait3A_2429 = arith.constant 0 : i32
      %dma_wait3A_2430 = tpu.memref_slice %arg4[%add3A_2419, %dma_wait3A_2428, %dma_wait3A_2429] : memref<16384x50x128xf32, #tpu.memory_space<hbm>> -> memref<1x50x128xf32, #tpu.memory_space<hbm>>
      %dma_wait3A_2431 = tpu.memref_squeeze %dma_wait3A_2430 : memref<1x50x128xf32, #tpu.memory_space<hbm>> -> memref<50x128xf32, #tpu.memory_space<hbm>>
      %dma_wait3A_2432 = arith.constant 0 : i32
      %dma_wait3A_2433 = arith.constant 0 : i32
      %dma_wait3A_2434 = tpu.memref_slice %arg4[%add3A_2419, %dma_wait3A_2432, %dma_wait3A_2433] : memref<16384x50x128xf32, #tpu.memory_space<hbm>> -> memref<1x50x128xf32, #tpu.memory_space<hbm>>
      %dma_wait3A_2435 = tpu.memref_squeeze %dma_wait3A_2434 : memref<1x50x128xf32, #tpu.memory_space<hbm>> -> memref<50x128xf32, #tpu.memory_space<hbm>>
      %dma_wait3A_2436 = arith.constant 0 : i32
      %dma_wait3A_2437 = arith.constant 0 : i32
      %dma_wait3A_2438 = tpu.memref_slice %arg6[%dma_wait3A_2420, %dma_wait3A_2436, %dma_wait3A_2437] : memref<4x200x128xf32, #tpu.memory_space<vmem>> -> memref<1x200x128xf32, #tpu.memory_space<vmem>>
      %dma_wait3A_2439 = tpu.memref_squeeze %dma_wait3A_2438 : memref<1x200x128xf32, #tpu.memory_space<vmem>> -> memref<200x128xf32, #tpu.memory_space<vmem>>
      %dma_wait3A_2440 = arith.constant 50 : i32
      %dma_wait3A_2441 = arith.constant 0 : i32
      %dma_wait3A_2442 = tpu.memref_slice %dma_wait3A_2439[%dma_wait3A_2440, %dma_wait3A_2441] : memref<200x128xf32, #tpu.memory_space<vmem>> -> memref<50x128xf32, #tpu.memory_space<vmem>>
      tpu.wait_dma2 semaphore(%arg11 : memref<!tpu.dma_semaphore, #tpu.memory_space<semaphore_mem>>) src(%dma_wait3A_2442 : memref<50x128xf32, #tpu.memory_space<vmem>>) dst(%dma_wait3A_2435 : memref<50x128xf32, #tpu.memory_space<hbm>>)
      %add3A_2443 = arith.constant 2 : i32
      %add3A_2444 = arith.addi %add3A_2392, %add3A_2443 : i32
      %dma_wait3A_2445 = arith.constant 0 : i32
      %dma_wait3A_2446 = arith.constant 0 : i32
      %dma_wait3A_2447 = arith.constant 0 : i32
      %dma_wait3A_2448 = tpu.memref_slice %arg6[%dma_wait3A_2445, %dma_wait3A_2446, %dma_wait3A_2447] : memref<4x200x128xf32, #tpu.memory_space<vmem>> -> memref<1x200x128xf32, #tpu.memory_space<vmem>>
      %dma_wait3A_2449 = tpu.memref_squeeze %dma_wait3A_2448 : memref<1x200x128xf32, #tpu.memory_space<vmem>> -> memref<200x128xf32, #tpu.memory_space<vmem>>
      %dma_wait3A_2450 = arith.constant 100 : i32
      %dma_wait3A_2451 = arith.constant 0 : i32
      %dma_wait3A_2452 = tpu.memref_slice %dma_wait3A_2449[%dma_wait3A_2450, %dma_wait3A_2451] : memref<200x128xf32, #tpu.memory_space<vmem>> -> memref<50x128xf32, #tpu.memory_space<vmem>>
      %dma_wait3A_2453 = arith.constant 0 : i32
      %dma_wait3A_2454 = arith.constant 0 : i32
      %dma_wait3A_2455 = tpu.memref_slice %arg4[%add3A_2444, %dma_wait3A_2453, %dma_wait3A_2454] : memref<16384x50x128xf32, #tpu.memory_space<hbm>> -> memref<1x50x128xf32, #tpu.memory_space<hbm>>
      %dma_wait3A_2456 = tpu.memref_squeeze %dma_wait3A_2455 : memref<1x50x128xf32, #tpu.memory_space<hbm>> -> memref<50x128xf32, #tpu.memory_space<hbm>>
      %dma_wait3A_2457 = arith.constant 0 : i32
      %dma_wait3A_2458 = arith.constant 0 : i32
      %dma_wait3A_2459 = tpu.memref_slice %arg4[%add3A_2444, %dma_wait3A_2457, %dma_wait3A_2458] : memref<16384x50x128xf32, #tpu.memory_space<hbm>> -> memref<1x50x128xf32, #tpu.memory_space<hbm>>
      %dma_wait3A_2460 = tpu.memref_squeeze %dma_wait3A_2459 : memref<1x50x128xf32, #tpu.memory_space<hbm>> -> memref<50x128xf32, #tpu.memory_space<hbm>>
      %dma_wait3A_2461 = arith.constant 0 : i32
      %dma_wait3A_2462 = arith.constant 0 : i32
      %dma_wait3A_2463 = tpu.memref_slice %arg6[%dma_wait3A_2445, %dma_wait3A_2461, %dma_wait3A_2462] : memref<4x200x128xf32, #tpu.memory_space<vmem>> -> memref<1x200x128xf32, #tpu.memory_space<vmem>>
      %dma_wait3A_2464 = tpu.memref_squeeze %dma_wait3A_2463 : memref<1x200x128xf32, #tpu.memory_space<vmem>> -> memref<200x128xf32, #tpu.memory_space<vmem>>
      %dma_wait3A_2465 = arith.constant 100 : i32
      %dma_wait3A_2466 = arith.constant 0 : i32
      %dma_wait3A_2467 = tpu.memref_slice %dma_wait3A_2464[%dma_wait3A_2465, %dma_wait3A_2466] : memref<200x128xf32, #tpu.memory_space<vmem>> -> memref<50x128xf32, #tpu.memory_space<vmem>>
      tpu.wait_dma2 semaphore(%arg11 : memref<!tpu.dma_semaphore, #tpu.memory_space<semaphore_mem>>) src(%dma_wait3A_2467 : memref<50x128xf32, #tpu.memory_space<vmem>>) dst(%dma_wait3A_2460 : memref<50x128xf32, #tpu.memory_space<hbm>>)
      %add3A_2468 = arith.constant 3 : i32
      %add3A_2469 = arith.addi %add3A_2392, %add3A_2468 : i32
      %dma_wait3A_2470 = arith.constant 0 : i32
      %dma_wait3A_2471 = arith.constant 0 : i32
      %dma_wait3A_2472 = arith.constant 0 : i32
      %dma_wait3A_2473 = tpu.memref_slice %arg6[%dma_wait3A_2470, %dma_wait3A_2471, %dma_wait3A_2472] : memref<4x200x128xf32, #tpu.memory_space<vmem>> -> memref<1x200x128xf32, #tpu.memory_space<vmem>>
      %dma_wait3A_2474 = tpu.memref_squeeze %dma_wait3A_2473 : memref<1x200x128xf32, #tpu.memory_space<vmem>> -> memref<200x128xf32, #tpu.memory_space<vmem>>
      %dma_wait3A_2475 = arith.constant 150 : i32
      %dma_wait3A_2476 = arith.constant 0 : i32
      %dma_wait3A_2477 = tpu.memref_slice %dma_wait3A_2474[%dma_wait3A_2475, %dma_wait3A_2476] : memref<200x128xf32, #tpu.memory_space<vmem>> -> memref<50x128xf32, #tpu.memory_space<vmem>>
      %dma_wait3A_2478 = arith.constant 0 : i32
      %dma_wait3A_2479 = arith.constant 0 : i32
      %dma_wait3A_2480 = tpu.memref_slice %arg4[%add3A_2469, %dma_wait3A_2478, %dma_wait3A_2479] : memref<16384x50x128xf32, #tpu.memory_space<hbm>> -> memref<1x50x128xf32, #tpu.memory_space<hbm>>
      %dma_wait3A_2481 = tpu.memref_squeeze %dma_wait3A_2480 : memref<1x50x128xf32, #tpu.memory_space<hbm>> -> memref<50x128xf32, #tpu.memory_space<hbm>>
      %dma_wait3A_2482 = arith.constant 0 : i32
      %dma_wait3A_2483 = arith.constant 0 : i32
      %dma_wait3A_2484 = tpu.memref_slice %arg4[%add3A_2469, %dma_wait3A_2482, %dma_wait3A_2483] : memref<16384x50x128xf32, #tpu.memory_space<hbm>> -> memref<1x50x128xf32, #tpu.memory_space<hbm>>
      %dma_wait3A_2485 = tpu.memref_squeeze %dma_wait3A_2484 : memref<1x50x128xf32, #tpu.memory_space<hbm>> -> memref<50x128xf32, #tpu.memory_space<hbm>>
      %dma_wait3A_2486 = arith.constant 0 : i32
      %dma_wait3A_2487 = arith.constant 0 : i32
      %dma_wait3A_2488 = tpu.memref_slice %arg6[%dma_wait3A_2470, %dma_wait3A_2486, %dma_wait3A_2487] : memref<4x200x128xf32, #tpu.memory_space<vmem>> -> memref<1x200x128xf32, #tpu.memory_space<vmem>>
      %dma_wait3A_2489 = tpu.memref_squeeze %dma_wait3A_2488 : memref<1x200x128xf32, #tpu.memory_space<vmem>> -> memref<200x128xf32, #tpu.memory_space<vmem>>
      %dma_wait3A_2490 = arith.constant 150 : i32
      %dma_wait3A_2491 = arith.constant 0 : i32
      %dma_wait3A_2492 = tpu.memref_slice %dma_wait3A_2489[%dma_wait3A_2490, %dma_wait3A_2491] : memref<200x128xf32, #tpu.memory_space<vmem>> -> memref<50x128xf32, #tpu.memory_space<vmem>>
      tpu.wait_dma2 semaphore(%arg11 : memref<!tpu.dma_semaphore, #tpu.memory_space<semaphore_mem>>) src(%dma_wait3A_2492 : memref<50x128xf32, #tpu.memory_space<vmem>>) dst(%dma_wait3A_2485 : memref<50x128xf32, #tpu.memory_space<hbm>>)
      %mul3A_2493 = arith.constant 200 : i32
      %mul3A_2494 = arith.muli %add3A_2387, %mul3A_2493 : i32
      %dma_start3A_2495 = arith.constant 0 : i32
      %dma_start3A_2496 = arith.constant 0 : i32
      %dma_start3A_2497 = arith.constant 0 : i32
      %dma_start3A_2498 = tpu.memref_slice %arg6[%dma_start3A_2495, %dma_start3A_2496, %dma_start3A_2497] : memref<4x200x128xf32, #tpu.memory_space<vmem>> -> memref<1x200x128xf32, #tpu.memory_space<vmem>>
      %dma_start3A_2499 = tpu.memref_squeeze %dma_start3A_2498 : memref<1x200x128xf32, #tpu.memory_space<vmem>> -> memref<200x128xf32, #tpu.memory_space<vmem>>
      %dma_start3A_2500 = tpu.memref_slice %arg5[%mul3A_2494] : memref<25600xi32, #tpu.memory_space<vmem>> -> memref<200xi32, #tpu.memory_space<vmem>>
      %dma_start3A_2501 = arith.constant 0 : i32
      %dma_start3A_2502 = arith.constant 0 : i32
      %dma_start3A_2503 = tpu.memref_slice %arg2[%dma_start3A_2501, %dma_start3A_2502] : memref<1000000x128xf32, #tpu.memory_space<hbm>> -> memref<1000000x128xf32, #tpu.memory_space<hbm>>
      tpu.enqueue_indirect_dma source(%dma_start3A_2503 : memref<1000000x128xf32, #tpu.memory_space<hbm>>) target(%dma_start3A_2499 : memref<200x128xf32, #tpu.memory_space<vmem>>) offsets(%dma_start3A_2500 : memref<200xi32, #tpu.memory_space<vmem>>) semaphore(%arg7 : memref<!tpu.dma_semaphore, #tpu.memory_space<semaphore_mem>>)
      %add3A_2504 = arith.constant 3 : i32
      %add3A_2505 = arith.addi %mul3A_1802, %add3A_2504 : i32
      %mul3A_2506 = arith.constant 200 : i32
      %mul3A_2507 = arith.muli %add3A_2505, %mul3A_2506 : i32
      %dma_wait3A_2508 = arith.constant 3 : i32
      %dma_wait3A_2509 = arith.constant 0 : i32
      %dma_wait3A_2510 = arith.constant 0 : i32
      %dma_wait3A_2511 = tpu.memref_slice %arg6[%dma_wait3A_2508, %dma_wait3A_2509, %dma_wait3A_2510] : memref<4x200x128xf32, #tpu.memory_space<vmem>> -> memref<1x200x128xf32, #tpu.memory_space<vmem>>
      %dma_wait3A_2512 = tpu.memref_squeeze %dma_wait3A_2511 : memref<1x200x128xf32, #tpu.memory_space<vmem>> -> memref<200x128xf32, #tpu.memory_space<vmem>>
      %dma_wait3A_2513 = tpu.memref_slice %arg5[%mul3A_2507] : memref<25600xi32, #tpu.memory_space<vmem>> -> memref<200xi32, #tpu.memory_space<vmem>>
      %dma_wait3A_2514 = arith.constant 0 : i32
      %dma_wait3A_2515 = arith.constant 0 : i32
      %dma_wait3A_2516 = tpu.memref_slice %arg2[%dma_wait3A_2514, %dma_wait3A_2515] : memref<1000000x128xf32, #tpu.memory_space<hbm>> -> memref<1000000x128xf32, #tpu.memory_space<hbm>>
      tpu.wait_indirect_dma semaphore(%arg10 : memref<!tpu.dma_semaphore, #tpu.memory_space<semaphore_mem>>) src(%dma_wait3A_2516 : memref<1000000x128xf32, #tpu.memory_space<hbm>>) dst(%dma_wait3A_2512 : memref<200x128xf32, #tpu.memory_space<vmem>>)
      %mul3A_2517 = arith.constant 4 : i32
      %mul3A_2518 = arith.muli %add3A_2505, %mul3A_2517 : i32
      %add3A_2519 = arith.addi %mul3A_4, %mul3A_2518 : i32
      %add3A_2520 = arith.constant 0 : i32
      %add3A_2521 = arith.addi %add3A_2519, %add3A_2520 : i32
      %dma_start3A_2522 = arith.constant 3 : i32
      %dma_start3A_2523 = arith.constant 0 : i32
      %dma_start3A_2524 = arith.constant 0 : i32
      %dma_start3A_2525 = tpu.memref_slice %arg6[%dma_start3A_2522, %dma_start3A_2523, %dma_start3A_2524] : memref<4x200x128xf32, #tpu.memory_space<vmem>> -> memref<1x200x128xf32, #tpu.memory_space<vmem>>
      %dma_start3A_2526 = tpu.memref_squeeze %dma_start3A_2525 : memref<1x200x128xf32, #tpu.memory_space<vmem>> -> memref<200x128xf32, #tpu.memory_space<vmem>>
      %dma_start3A_2527 = arith.constant 0 : i32
      %dma_start3A_2528 = arith.constant 0 : i32
      %dma_start3A_2529 = tpu.memref_slice %dma_start3A_2526[%dma_start3A_2527, %dma_start3A_2528] : memref<200x128xf32, #tpu.memory_space<vmem>> -> memref<50x128xf32, #tpu.memory_space<vmem>>
      %dma_start3A_2530 = arith.constant 0 : i32
      %dma_start3A_2531 = arith.constant 0 : i32
      %dma_start3A_2532 = tpu.memref_slice %arg4[%add3A_2521, %dma_start3A_2530, %dma_start3A_2531] : memref<16384x50x128xf32, #tpu.memory_space<hbm>> -> memref<1x50x128xf32, #tpu.memory_space<hbm>>
      %dma_start3A_2533 = tpu.memref_squeeze %dma_start3A_2532 : memref<1x50x128xf32, #tpu.memory_space<hbm>> -> memref<50x128xf32, #tpu.memory_space<hbm>>
      %dma_start3A_2534 = arith.constant 0 : i32
      %dma_start3A_2535 = arith.constant 0 : i32
      %dma_start3A_2536 = tpu.memref_slice %arg4[%add3A_2521, %dma_start3A_2534, %dma_start3A_2535] : memref<16384x50x128xf32, #tpu.memory_space<hbm>> -> memref<1x50x128xf32, #tpu.memory_space<hbm>>
      %dma_start3A_2537 = tpu.memref_squeeze %dma_start3A_2536 : memref<1x50x128xf32, #tpu.memory_space<hbm>> -> memref<50x128xf32, #tpu.memory_space<hbm>>
      %dma_start3A_2538 = arith.constant 0 : i32
      %dma_start3A_2539 = arith.constant 0 : i32
      %dma_start3A_2540 = tpu.memref_slice %arg6[%dma_start3A_2522, %dma_start3A_2538, %dma_start3A_2539] : memref<4x200x128xf32, #tpu.memory_space<vmem>> -> memref<1x200x128xf32, #tpu.memory_space<vmem>>
      %dma_start3A_2541 = tpu.memref_squeeze %dma_start3A_2540 : memref<1x200x128xf32, #tpu.memory_space<vmem>> -> memref<200x128xf32, #tpu.memory_space<vmem>>
      %dma_start3A_2542 = arith.constant 0 : i32
      %dma_start3A_2543 = arith.constant 0 : i32
      %dma_start3A_2544 = tpu.memref_slice %dma_start3A_2541[%dma_start3A_2542, %dma_start3A_2543] : memref<200x128xf32, #tpu.memory_space<vmem>> -> memref<50x128xf32, #tpu.memory_space<vmem>>
      tpu.enqueue_dma source(%dma_start3A_2544 : memref<50x128xf32, #tpu.memory_space<vmem>>) target(%dma_start3A_2537 : memref<50x128xf32, #tpu.memory_space<hbm>>) target_semaphore(%arg14 : memref<!tpu.dma_semaphore, #tpu.memory_space<semaphore_mem>>)
      %add3A_2545 = arith.constant 1 : i32
      %add3A_2546 = arith.addi %add3A_2519, %add3A_2545 : i32
      %dma_start3A_2547 = arith.constant 3 : i32
      %dma_start3A_2548 = arith.constant 0 : i32
      %dma_start3A_2549 = arith.constant 0 : i32
      %dma_start3A_2550 = tpu.memref_slice %arg6[%dma_start3A_2547, %dma_start3A_2548, %dma_start3A_2549] : memref<4x200x128xf32, #tpu.memory_space<vmem>> -> memref<1x200x128xf32, #tpu.memory_space<vmem>>
      %dma_start3A_2551 = tpu.memref_squeeze %dma_start3A_2550 : memref<1x200x128xf32, #tpu.memory_space<vmem>> -> memref<200x128xf32, #tpu.memory_space<vmem>>
      %dma_start3A_2552 = arith.constant 50 : i32
      %dma_start3A_2553 = arith.constant 0 : i32
      %dma_start3A_2554 = tpu.memref_slice %dma_start3A_2551[%dma_start3A_2552, %dma_start3A_2553] : memref<200x128xf32, #tpu.memory_space<vmem>> -> memref<50x128xf32, #tpu.memory_space<vmem>>
      %dma_start3A_2555 = arith.constant 0 : i32
      %dma_start3A_2556 = arith.constant 0 : i32
      %dma_start3A_2557 = tpu.memref_slice %arg4[%add3A_2546, %dma_start3A_2555, %dma_start3A_2556] : memref<16384x50x128xf32, #tpu.memory_space<hbm>> -> memref<1x50x128xf32, #tpu.memory_space<hbm>>
      %dma_start3A_2558 = tpu.memref_squeeze %dma_start3A_2557 : memref<1x50x128xf32, #tpu.memory_space<hbm>> -> memref<50x128xf32, #tpu.memory_space<hbm>>
      %dma_start3A_2559 = arith.constant 0 : i32
      %dma_start3A_2560 = arith.constant 0 : i32
      %dma_start3A_2561 = tpu.memref_slice %arg4[%add3A_2546, %dma_start3A_2559, %dma_start3A_2560] : memref<16384x50x128xf32, #tpu.memory_space<hbm>> -> memref<1x50x128xf32, #tpu.memory_space<hbm>>
      %dma_start3A_2562 = tpu.memref_squeeze %dma_start3A_2561 : memref<1x50x128xf32, #tpu.memory_space<hbm>> -> memref<50x128xf32, #tpu.memory_space<hbm>>
      %dma_start3A_2563 = arith.constant 0 : i32
      %dma_start3A_2564 = arith.constant 0 : i32
      %dma_start3A_2565 = tpu.memref_slice %arg6[%dma_start3A_2547, %dma_start3A_2563, %dma_start3A_2564] : memref<4x200x128xf32, #tpu.memory_space<vmem>> -> memref<1x200x128xf32, #tpu.memory_space<vmem>>
      %dma_start3A_2566 = tpu.memref_squeeze %dma_start3A_2565 : memref<1x200x128xf32, #tpu.memory_space<vmem>> -> memref<200x128xf32, #tpu.memory_space<vmem>>
      %dma_start3A_2567 = arith.constant 50 : i32
      %dma_start3A_2568 = arith.constant 0 : i32
      %dma_start3A_2569 = tpu.memref_slice %dma_start3A_2566[%dma_start3A_2567, %dma_start3A_2568] : memref<200x128xf32, #tpu.memory_space<vmem>> -> memref<50x128xf32, #tpu.memory_space<vmem>>
      tpu.enqueue_dma source(%dma_start3A_2569 : memref<50x128xf32, #tpu.memory_space<vmem>>) target(%dma_start3A_2562 : memref<50x128xf32, #tpu.memory_space<hbm>>) target_semaphore(%arg14 : memref<!tpu.dma_semaphore, #tpu.memory_space<semaphore_mem>>)
      %add3A_2570 = arith.constant 2 : i32
      %add3A_2571 = arith.addi %add3A_2519, %add3A_2570 : i32
      %dma_start3A_2572 = arith.constant 3 : i32
      %dma_start3A_2573 = arith.constant 0 : i32
      %dma_start3A_2574 = arith.constant 0 : i32
      %dma_start3A_2575 = tpu.memref_slice %arg6[%dma_start3A_2572, %dma_start3A_2573, %dma_start3A_2574] : memref<4x200x128xf32, #tpu.memory_space<vmem>> -> memref<1x200x128xf32, #tpu.memory_space<vmem>>
      %dma_start3A_2576 = tpu.memref_squeeze %dma_start3A_2575 : memref<1x200x128xf32, #tpu.memory_space<vmem>> -> memref<200x128xf32, #tpu.memory_space<vmem>>
      %dma_start3A_2577 = arith.constant 100 : i32
      %dma_start3A_2578 = arith.constant 0 : i32
      %dma_start3A_2579 = tpu.memref_slice %dma_start3A_2576[%dma_start3A_2577, %dma_start3A_2578] : memref<200x128xf32, #tpu.memory_space<vmem>> -> memref<50x128xf32, #tpu.memory_space<vmem>>
      %dma_start3A_2580 = arith.constant 0 : i32
      %dma_start3A_2581 = arith.constant 0 : i32
      %dma_start3A_2582 = tpu.memref_slice %arg4[%add3A_2571, %dma_start3A_2580, %dma_start3A_2581] : memref<16384x50x128xf32, #tpu.memory_space<hbm>> -> memref<1x50x128xf32, #tpu.memory_space<hbm>>
      %dma_start3A_2583 = tpu.memref_squeeze %dma_start3A_2582 : memref<1x50x128xf32, #tpu.memory_space<hbm>> -> memref<50x128xf32, #tpu.memory_space<hbm>>
      %dma_start3A_2584 = arith.constant 0 : i32
      %dma_start3A_2585 = arith.constant 0 : i32
      %dma_start3A_2586 = tpu.memref_slice %arg4[%add3A_2571, %dma_start3A_2584, %dma_start3A_2585] : memref<16384x50x128xf32, #tpu.memory_space<hbm>> -> memref<1x50x128xf32, #tpu.memory_space<hbm>>
      %dma_start3A_2587 = tpu.memref_squeeze %dma_start3A_2586 : memref<1x50x128xf32, #tpu.memory_space<hbm>> -> memref<50x128xf32, #tpu.memory_space<hbm>>
      %dma_start3A_2588 = arith.constant 0 : i32
      %dma_start3A_2589 = arith.constant 0 : i32
      %dma_start3A_2590 = tpu.memref_slice %arg6[%dma_start3A_2572, %dma_start3A_2588, %dma_start3A_2589] : memref<4x200x128xf32, #tpu.memory_space<vmem>> -> memref<1x200x128xf32, #tpu.memory_space<vmem>>
      %dma_start3A_2591 = tpu.memref_squeeze %dma_start3A_2590 : memref<1x200x128xf32, #tpu.memory_space<vmem>> -> memref<200x128xf32, #tpu.memory_space<vmem>>
      %dma_start3A_2592 = arith.constant 100 : i32
      %dma_start3A_2593 = arith.constant 0 : i32
      %dma_start3A_2594 = tpu.memref_slice %dma_start3A_2591[%dma_start3A_2592, %dma_start3A_2593] : memref<200x128xf32, #tpu.memory_space<vmem>> -> memref<50x128xf32, #tpu.memory_space<vmem>>
      tpu.enqueue_dma source(%dma_start3A_2594 : memref<50x128xf32, #tpu.memory_space<vmem>>) target(%dma_start3A_2587 : memref<50x128xf32, #tpu.memory_space<hbm>>) target_semaphore(%arg14 : memref<!tpu.dma_semaphore, #tpu.memory_space<semaphore_mem>>)
      %add3A_2595 = arith.constant 3 : i32
      %add3A_2596 = arith.addi %add3A_2519, %add3A_2595 : i32
      %dma_start3A_2597 = arith.constant 3 : i32
      %dma_start3A_2598 = arith.constant 0 : i32
      %dma_start3A_2599 = arith.constant 0 : i32
      %dma_start3A_2600 = tpu.memref_slice %arg6[%dma_start3A_2597, %dma_start3A_2598, %dma_start3A_2599] : memref<4x200x128xf32, #tpu.memory_space<vmem>> -> memref<1x200x128xf32, #tpu.memory_space<vmem>>
      %dma_start3A_2601 = tpu.memref_squeeze %dma_start3A_2600 : memref<1x200x128xf32, #tpu.memory_space<vmem>> -> memref<200x128xf32, #tpu.memory_space<vmem>>
      %dma_start3A_2602 = arith.constant 150 : i32
      %dma_start3A_2603 = arith.constant 0 : i32
      %dma_start3A_2604 = tpu.memref_slice %dma_start3A_2601[%dma_start3A_2602, %dma_start3A_2603] : memref<200x128xf32, #tpu.memory_space<vmem>> -> memref<50x128xf32, #tpu.memory_space<vmem>>
      %dma_start3A_2605 = arith.constant 0 : i32
      %dma_start3A_2606 = arith.constant 0 : i32
      %dma_start3A_2607 = tpu.memref_slice %arg4[%add3A_2596, %dma_start3A_2605, %dma_start3A_2606] : memref<16384x50x128xf32, #tpu.memory_space<hbm>> -> memref<1x50x128xf32, #tpu.memory_space<hbm>>
      %dma_start3A_2608 = tpu.memref_squeeze %dma_start3A_2607 : memref<1x50x128xf32, #tpu.memory_space<hbm>> -> memref<50x128xf32, #tpu.memory_space<hbm>>
      %dma_start3A_2609 = arith.constant 0 : i32
      %dma_start3A_2610 = arith.constant 0 : i32
      %dma_start3A_2611 = tpu.memref_slice %arg4[%add3A_2596, %dma_start3A_2609, %dma_start3A_2610] : memref<16384x50x128xf32, #tpu.memory_space<hbm>> -> memref<1x50x128xf32, #tpu.memory_space<hbm>>
      %dma_start3A_2612 = tpu.memref_squeeze %dma_start3A_2611 : memref<1x50x128xf32, #tpu.memory_space<hbm>> -> memref<50x128xf32, #tpu.memory_space<hbm>>
      %dma_start3A_2613 = arith.constant 0 : i32
      %dma_start3A_2614 = arith.constant 0 : i32
      %dma_start3A_2615 = tpu.memref_slice %arg6[%dma_start3A_2597, %dma_start3A_2613, %dma_start3A_2614] : memref<4x200x128xf32, #tpu.memory_space<vmem>> -> memref<1x200x128xf32, #tpu.memory_space<vmem>>
      %dma_start3A_2616 = tpu.memref_squeeze %dma_start3A_2615 : memref<1x200x128xf32, #tpu.memory_space<vmem>> -> memref<200x128xf32, #tpu.memory_space<vmem>>
      %dma_start3A_2617 = arith.constant 150 : i32
      %dma_start3A_2618 = arith.constant 0 : i32
      %dma_start3A_2619 = tpu.memref_slice %dma_start3A_2616[%dma_start3A_2617, %dma_start3A_2618] : memref<200x128xf32, #tpu.memory_space<vmem>> -> memref<50x128xf32, #tpu.memory_space<vmem>>
      tpu.enqueue_dma source(%dma_start3A_2619 : memref<50x128xf32, #tpu.memory_space<vmem>>) target(%dma_start3A_2612 : memref<50x128xf32, #tpu.memory_space<hbm>>) target_semaphore(%arg14 : memref<!tpu.dma_semaphore, #tpu.memory_space<semaphore_mem>>)
      %add3A_2620 = arith.constant 2 : i32
      %add3A_2621 = arith.addi %add3A_2505, %add3A_2620 : i32
      %sub3A_2622 = arith.constant 4 : i32
      %sub3A_2623 = arith.subi %add3A_2621, %sub3A_2622 : i32
      %mul3A_2624 = arith.constant 4 : i32
      %mul3A_2625 = arith.muli %sub3A_2623, %mul3A_2624 : i32
      %add3A_2626 = arith.addi %mul3A_4, %mul3A_2625 : i32
      %add3A_2627 = arith.constant 0 : i32
      %add3A_2628 = arith.addi %add3A_2626, %add3A_2627 : i32
      %dma_wait3A_2629 = arith.constant 1 : i32
      %dma_wait3A_2630 = arith.constant 0 : i32
      %dma_wait3A_2631 = arith.constant 0 : i32
      %dma_wait3A_2632 = tpu.memref_slice %arg6[%dma_wait3A_2629, %dma_wait3A_2630, %dma_wait3A_2631] : memref<4x200x128xf32, #tpu.memory_space<vmem>> -> memref<1x200x128xf32, #tpu.memory_space<vmem>>
      %dma_wait3A_2633 = tpu.memref_squeeze %dma_wait3A_2632 : memref<1x200x128xf32, #tpu.memory_space<vmem>> -> memref<200x128xf32, #tpu.memory_space<vmem>>
      %dma_wait3A_2634 = arith.constant 0 : i32
      %dma_wait3A_2635 = arith.constant 0 : i32
      %dma_wait3A_2636 = tpu.memref_slice %dma_wait3A_2633[%dma_wait3A_2634, %dma_wait3A_2635] : memref<200x128xf32, #tpu.memory_space<vmem>> -> memref<50x128xf32, #tpu.memory_space<vmem>>
      %dma_wait3A_2637 = arith.constant 0 : i32
      %dma_wait3A_2638 = arith.constant 0 : i32
      %dma_wait3A_2639 = tpu.memref_slice %arg4[%add3A_2628, %dma_wait3A_2637, %dma_wait3A_2638] : memref<16384x50x128xf32, #tpu.memory_space<hbm>> -> memref<1x50x128xf32, #tpu.memory_space<hbm>>
      %dma_wait3A_2640 = tpu.memref_squeeze %dma_wait3A_2639 : memref<1x50x128xf32, #tpu.memory_space<hbm>> -> memref<50x128xf32, #tpu.memory_space<hbm>>
      %dma_wait3A_2641 = arith.constant 0 : i32
      %dma_wait3A_2642 = arith.constant 0 : i32
      %dma_wait3A_2643 = tpu.memref_slice %arg4[%add3A_2628, %dma_wait3A_2641, %dma_wait3A_2642] : memref<16384x50x128xf32, #tpu.memory_space<hbm>> -> memref<1x50x128xf32, #tpu.memory_space<hbm>>
      %dma_wait3A_2644 = tpu.memref_squeeze %dma_wait3A_2643 : memref<1x50x128xf32, #tpu.memory_space<hbm>> -> memref<50x128xf32, #tpu.memory_space<hbm>>
      %dma_wait3A_2645 = arith.constant 0 : i32
      %dma_wait3A_2646 = arith.constant 0 : i32
      %dma_wait3A_2647 = tpu.memref_slice %arg6[%dma_wait3A_2629, %dma_wait3A_2645, %dma_wait3A_2646] : memref<4x200x128xf32, #tpu.memory_space<vmem>> -> memref<1x200x128xf32, #tpu.memory_space<vmem>>
      %dma_wait3A_2648 = tpu.memref_squeeze %dma_wait3A_2647 : memref<1x200x128xf32, #tpu.memory_space<vmem>> -> memref<200x128xf32, #tpu.memory_space<vmem>>
      %dma_wait3A_2649 = arith.constant 0 : i32
      %dma_wait3A_2650 = arith.constant 0 : i32
      %dma_wait3A_2651 = tpu.memref_slice %dma_wait3A_2648[%dma_wait3A_2649, %dma_wait3A_2650] : memref<200x128xf32, #tpu.memory_space<vmem>> -> memref<50x128xf32, #tpu.memory_space<vmem>>
      tpu.wait_dma2 semaphore(%arg12 : memref<!tpu.dma_semaphore, #tpu.memory_space<semaphore_mem>>) src(%dma_wait3A_2651 : memref<50x128xf32, #tpu.memory_space<vmem>>) dst(%dma_wait3A_2644 : memref<50x128xf32, #tpu.memory_space<hbm>>)
      %add3A_2652 = arith.constant 1 : i32
      %add3A_2653 = arith.addi %add3A_2626, %add3A_2652 : i32
      %dma_wait3A_2654 = arith.constant 1 : i32
      %dma_wait3A_2655 = arith.constant 0 : i32
      %dma_wait3A_2656 = arith.constant 0 : i32
      %dma_wait3A_2657 = tpu.memref_slice %arg6[%dma_wait3A_2654, %dma_wait3A_2655, %dma_wait3A_2656] : memref<4x200x128xf32, #tpu.memory_space<vmem>> -> memref<1x200x128xf32, #tpu.memory_space<vmem>>
      %dma_wait3A_2658 = tpu.memref_squeeze %dma_wait3A_2657 : memref<1x200x128xf32, #tpu.memory_space<vmem>> -> memref<200x128xf32, #tpu.memory_space<vmem>>
      %dma_wait3A_2659 = arith.constant 50 : i32
      %dma_wait3A_2660 = arith.constant 0 : i32
      %dma_wait3A_2661 = tpu.memref_slice %dma_wait3A_2658[%dma_wait3A_2659, %dma_wait3A_2660] : memref<200x128xf32, #tpu.memory_space<vmem>> -> memref<50x128xf32, #tpu.memory_space<vmem>>
      %dma_wait3A_2662 = arith.constant 0 : i32
      %dma_wait3A_2663 = arith.constant 0 : i32
      %dma_wait3A_2664 = tpu.memref_slice %arg4[%add3A_2653, %dma_wait3A_2662, %dma_wait3A_2663] : memref<16384x50x128xf32, #tpu.memory_space<hbm>> -> memref<1x50x128xf32, #tpu.memory_space<hbm>>
      %dma_wait3A_2665 = tpu.memref_squeeze %dma_wait3A_2664 : memref<1x50x128xf32, #tpu.memory_space<hbm>> -> memref<50x128xf32, #tpu.memory_space<hbm>>
      %dma_wait3A_2666 = arith.constant 0 : i32
      %dma_wait3A_2667 = arith.constant 0 : i32
      %dma_wait3A_2668 = tpu.memref_slice %arg4[%add3A_2653, %dma_wait3A_2666, %dma_wait3A_2667] : memref<16384x50x128xf32, #tpu.memory_space<hbm>> -> memref<1x50x128xf32, #tpu.memory_space<hbm>>
      %dma_wait3A_2669 = tpu.memref_squeeze %dma_wait3A_2668 : memref<1x50x128xf32, #tpu.memory_space<hbm>> -> memref<50x128xf32, #tpu.memory_space<hbm>>
      %dma_wait3A_2670 = arith.constant 0 : i32
      %dma_wait3A_2671 = arith.constant 0 : i32
      %dma_wait3A_2672 = tpu.memref_slice %arg6[%dma_wait3A_2654, %dma_wait3A_2670, %dma_wait3A_2671] : memref<4x200x128xf32, #tpu.memory_space<vmem>> -> memref<1x200x128xf32, #tpu.memory_space<vmem>>
      %dma_wait3A_2673 = tpu.memref_squeeze %dma_wait3A_2672 : memref<1x200x128xf32, #tpu.memory_space<vmem>> -> memref<200x128xf32, #tpu.memory_space<vmem>>
      %dma_wait3A_2674 = arith.constant 50 : i32
      %dma_wait3A_2675 = arith.constant 0 : i32
      %dma_wait3A_2676 = tpu.memref_slice %dma_wait3A_2673[%dma_wait3A_2674, %dma_wait3A_2675] : memref<200x128xf32, #tpu.memory_space<vmem>> -> memref<50x128xf32, #tpu.memory_space<vmem>>
      tpu.wait_dma2 semaphore(%arg12 : memref<!tpu.dma_semaphore, #tpu.memory_space<semaphore_mem>>) src(%dma_wait3A_2676 : memref<50x128xf32, #tpu.memory_space<vmem>>) dst(%dma_wait3A_2669 : memref<50x128xf32, #tpu.memory_space<hbm>>)
      %add3A_2677 = arith.constant 2 : i32
      %add3A_2678 = arith.addi %add3A_2626, %add3A_2677 : i32
      %dma_wait3A_2679 = arith.constant 1 : i32
      %dma_wait3A_2680 = arith.constant 0 : i32
      %dma_wait3A_2681 = arith.constant 0 : i32
      %dma_wait3A_2682 = tpu.memref_slice %arg6[%dma_wait3A_2679, %dma_wait3A_2680, %dma_wait3A_2681] : memref<4x200x128xf32, #tpu.memory_space<vmem>> -> memref<1x200x128xf32, #tpu.memory_space<vmem>>
      %dma_wait3A_2683 = tpu.memref_squeeze %dma_wait3A_2682 : memref<1x200x128xf32, #tpu.memory_space<vmem>> -> memref<200x128xf32, #tpu.memory_space<vmem>>
      %dma_wait3A_2684 = arith.constant 100 : i32
      %dma_wait3A_2685 = arith.constant 0 : i32
      %dma_wait3A_2686 = tpu.memref_slice %dma_wait3A_2683[%dma_wait3A_2684, %dma_wait3A_2685] : memref<200x128xf32, #tpu.memory_space<vmem>> -> memref<50x128xf32, #tpu.memory_space<vmem>>
      %dma_wait3A_2687 = arith.constant 0 : i32
      %dma_wait3A_2688 = arith.constant 0 : i32
      %dma_wait3A_2689 = tpu.memref_slice %arg4[%add3A_2678, %dma_wait3A_2687, %dma_wait3A_2688] : memref<16384x50x128xf32, #tpu.memory_space<hbm>> -> memref<1x50x128xf32, #tpu.memory_space<hbm>>
      %dma_wait3A_2690 = tpu.memref_squeeze %dma_wait3A_2689 : memref<1x50x128xf32, #tpu.memory_space<hbm>> -> memref<50x128xf32, #tpu.memory_space<hbm>>
      %dma_wait3A_2691 = arith.constant 0 : i32
      %dma_wait3A_2692 = arith.constant 0 : i32
      %dma_wait3A_2693 = tpu.memref_slice %arg4[%add3A_2678, %dma_wait3A_2691, %dma_wait3A_2692] : memref<16384x50x128xf32, #tpu.memory_space<hbm>> -> memref<1x50x128xf32, #tpu.memory_space<hbm>>
      %dma_wait3A_2694 = tpu.memref_squeeze %dma_wait3A_2693 : memref<1x50x128xf32, #tpu.memory_space<hbm>> -> memref<50x128xf32, #tpu.memory_space<hbm>>
      %dma_wait3A_2695 = arith.constant 0 : i32
      %dma_wait3A_2696 = arith.constant 0 : i32
      %dma_wait3A_2697 = tpu.memref_slice %arg6[%dma_wait3A_2679, %dma_wait3A_2695, %dma_wait3A_2696] : memref<4x200x128xf32, #tpu.memory_space<vmem>> -> memref<1x200x128xf32, #tpu.memory_space<vmem>>
      %dma_wait3A_2698 = tpu.memref_squeeze %dma_wait3A_2697 : memref<1x200x128xf32, #tpu.memory_space<vmem>> -> memref<200x128xf32, #tpu.memory_space<vmem>>
      %dma_wait3A_2699 = arith.constant 100 : i32
      %dma_wait3A_2700 = arith.constant 0 : i32
      %dma_wait3A_2701 = tpu.memref_slice %dma_wait3A_2698[%dma_wait3A_2699, %dma_wait3A_2700] : memref<200x128xf32, #tpu.memory_space<vmem>> -> memref<50x128xf32, #tpu.memory_space<vmem>>
      tpu.wait_dma2 semaphore(%arg12 : memref<!tpu.dma_semaphore, #tpu.memory_space<semaphore_mem>>) src(%dma_wait3A_2701 : memref<50x128xf32, #tpu.memory_space<vmem>>) dst(%dma_wait3A_2694 : memref<50x128xf32, #tpu.memory_space<hbm>>)
      %add3A_2702 = arith.constant 3 : i32
      %add3A_2703 = arith.addi %add3A_2626, %add3A_2702 : i32
      %dma_wait3A_2704 = arith.constant 1 : i32
      %dma_wait3A_2705 = arith.constant 0 : i32
      %dma_wait3A_2706 = arith.constant 0 : i32
      %dma_wait3A_2707 = tpu.memref_slice %arg6[%dma_wait3A_2704, %dma_wait3A_2705, %dma_wait3A_2706] : memref<4x200x128xf32, #tpu.memory_space<vmem>> -> memref<1x200x128xf32, #tpu.memory_space<vmem>>
      %dma_wait3A_2708 = tpu.memref_squeeze %dma_wait3A_2707 : memref<1x200x128xf32, #tpu.memory_space<vmem>> -> memref<200x128xf32, #tpu.memory_space<vmem>>
      %dma_wait3A_2709 = arith.constant 150 : i32
      %dma_wait3A_2710 = arith.constant 0 : i32
      %dma_wait3A_2711 = tpu.memref_slice %dma_wait3A_2708[%dma_wait3A_2709, %dma_wait3A_2710] : memref<200x128xf32, #tpu.memory_space<vmem>> -> memref<50x128xf32, #tpu.memory_space<vmem>>
      %dma_wait3A_2712 = arith.constant 0 : i32
      %dma_wait3A_2713 = arith.constant 0 : i32
      %dma_wait3A_2714 = tpu.memref_slice %arg4[%add3A_2703, %dma_wait3A_2712, %dma_wait3A_2713] : memref<16384x50x128xf32, #tpu.memory_space<hbm>> -> memref<1x50x128xf32, #tpu.memory_space<hbm>>
      %dma_wait3A_2715 = tpu.memref_squeeze %dma_wait3A_2714 : memref<1x50x128xf32, #tpu.memory_space<hbm>> -> memref<50x128xf32, #tpu.memory_space<hbm>>
      %dma_wait3A_2716 = arith.constant 0 : i32
      %dma_wait3A_2717 = arith.constant 0 : i32
      %dma_wait3A_2718 = tpu.memref_slice %arg4[%add3A_2703, %dma_wait3A_2716, %dma_wait3A_2717] : memref<16384x50x128xf32, #tpu.memory_space<hbm>> -> memref<1x50x128xf32, #tpu.memory_space<hbm>>
      %dma_wait3A_2719 = tpu.memref_squeeze %dma_wait3A_2718 : memref<1x50x128xf32, #tpu.memory_space<hbm>> -> memref<50x128xf32, #tpu.memory_space<hbm>>
      %dma_wait3A_2720 = arith.constant 0 : i32
      %dma_wait3A_2721 = arith.constant 0 : i32
      %dma_wait3A_2722 = tpu.memref_slice %arg6[%dma_wait3A_2704, %dma_wait3A_2720, %dma_wait3A_2721] : memref<4x200x128xf32, #tpu.memory_space<vmem>> -> memref<1x200x128xf32, #tpu.memory_space<vmem>>
      %dma_wait3A_2723 = tpu.memref_squeeze %dma_wait3A_2722 : memref<1x200x128xf32, #tpu.memory_space<vmem>> -> memref<200x128xf32, #tpu.memory_space<vmem>>
      %dma_wait3A_2724 = arith.constant 150 : i32
      %dma_wait3A_2725 = arith.constant 0 : i32
      %dma_wait3A_2726 = tpu.memref_slice %dma_wait3A_2723[%dma_wait3A_2724, %dma_wait3A_2725] : memref<200x128xf32, #tpu.memory_space<vmem>> -> memref<50x128xf32, #tpu.memory_space<vmem>>
      tpu.wait_dma2 semaphore(%arg12 : memref<!tpu.dma_semaphore, #tpu.memory_space<semaphore_mem>>) src(%dma_wait3A_2726 : memref<50x128xf32, #tpu.memory_space<vmem>>) dst(%dma_wait3A_2719 : memref<50x128xf32, #tpu.memory_space<hbm>>)
      %mul3A_2727 = arith.constant 200 : i32
      %mul3A_2728 = arith.muli %add3A_2621, %mul3A_2727 : i32
      %dma_start3A_2729 = arith.constant 1 : i32
      %dma_start3A_2730 = arith.constant 0 : i32
      %dma_start3A_2731 = arith.constant 0 : i32
      %dma_start3A_2732 = tpu.memref_slice %arg6[%dma_start3A_2729, %dma_start3A_2730, %dma_start3A_2731] : memref<4x200x128xf32, #tpu.memory_space<vmem>> -> memref<1x200x128xf32, #tpu.memory_space<vmem>>
      %dma_start3A_2733 = tpu.memref_squeeze %dma_start3A_2732 : memref<1x200x128xf32, #tpu.memory_space<vmem>> -> memref<200x128xf32, #tpu.memory_space<vmem>>
      %dma_start3A_2734 = tpu.memref_slice %arg5[%mul3A_2728] : memref<25600xi32, #tpu.memory_space<vmem>> -> memref<200xi32, #tpu.memory_space<vmem>>
      %dma_start3A_2735 = arith.constant 0 : i32
      %dma_start3A_2736 = arith.constant 0 : i32
      %dma_start3A_2737 = tpu.memref_slice %arg2[%dma_start3A_2735, %dma_start3A_2736] : memref<1000000x128xf32, #tpu.memory_space<hbm>> -> memref<1000000x128xf32, #tpu.memory_space<hbm>>
      tpu.enqueue_indirect_dma source(%dma_start3A_2737 : memref<1000000x128xf32, #tpu.memory_space<hbm>>) target(%dma_start3A_2733 : memref<200x128xf32, #tpu.memory_space<vmem>>) offsets(%dma_start3A_2734 : memref<200xi32, #tpu.memory_space<vmem>>) semaphore(%arg8 : memref<!tpu.dma_semaphore, #tpu.memory_space<semaphore_mem>>)
    }
    %scan3A_719 = arith.constant 30 : i32
    %dma_wait3A_720 = arith.constant 0 : i32
    %dma_wait3A_721 = arith.constant 0 : i32
    %dma_wait3A_722 = arith.constant 0 : i32
    %dma_wait3A_723 = tpu.memref_slice %arg6[%dma_wait3A_720, %dma_wait3A_721, %dma_wait3A_722] : memref<4x200x128xf32, #tpu.memory_space<vmem>> -> memref<1x200x128xf32, #tpu.memory_space<vmem>>
    %dma_wait3A_724 = tpu.memref_squeeze %dma_wait3A_723 : memref<1x200x128xf32, #tpu.memory_space<vmem>> -> memref<200x128xf32, #tpu.memory_space<vmem>>
    %dma_wait3A_725 = arith.constant 24800 : i32
    %dma_wait3A_726 = tpu.memref_slice %arg5[%dma_wait3A_725] : memref<25600xi32, #tpu.memory_space<vmem>> -> memref<200xi32, #tpu.memory_space<vmem>>
    %dma_wait3A_727 = arith.constant 0 : i32
    %dma_wait3A_728 = arith.constant 0 : i32
    %dma_wait3A_729 = tpu.memref_slice %arg2[%dma_wait3A_727, %dma_wait3A_728] : memref<1000000x128xf32, #tpu.memory_space<hbm>> -> memref<1000000x128xf32, #tpu.memory_space<hbm>>
    tpu.wait_indirect_dma semaphore(%arg7 : memref<!tpu.dma_semaphore, #tpu.memory_space<semaphore_mem>>) src(%dma_wait3A_729 : memref<1000000x128xf32, #tpu.memory_space<hbm>>) dst(%dma_wait3A_724 : memref<200x128xf32, #tpu.memory_space<vmem>>)
    %add3A_730 = arith.constant 496 : i32
    %add3A_731 = arith.addi %mul3A_4, %add3A_730 : i32
    %add3A_732 = arith.constant 0 : i32
    %add3A_733 = arith.addi %add3A_731, %add3A_732 : i32
    %dma_start3A_734 = arith.constant 0 : i32
    %dma_start3A_735 = arith.constant 0 : i32
    %dma_start3A_736 = arith.constant 0 : i32
    %dma_start3A_737 = tpu.memref_slice %arg6[%dma_start3A_734, %dma_start3A_735, %dma_start3A_736] : memref<4x200x128xf32, #tpu.memory_space<vmem>> -> memref<1x200x128xf32, #tpu.memory_space<vmem>>
    %dma_start3A_738 = tpu.memref_squeeze %dma_start3A_737 : memref<1x200x128xf32, #tpu.memory_space<vmem>> -> memref<200x128xf32, #tpu.memory_space<vmem>>
    %dma_start3A_739 = arith.constant 0 : i32
    %dma_start3A_740 = arith.constant 0 : i32
    %dma_start3A_741 = tpu.memref_slice %dma_start3A_738[%dma_start3A_739, %dma_start3A_740] : memref<200x128xf32, #tpu.memory_space<vmem>> -> memref<50x128xf32, #tpu.memory_space<vmem>>
    %dma_start3A_742 = arith.constant 0 : i32
    %dma_start3A_743 = arith.constant 0 : i32
    %dma_start3A_744 = tpu.memref_slice %arg4[%add3A_733, %dma_start3A_742, %dma_start3A_743] : memref<16384x50x128xf32, #tpu.memory_space<hbm>> -> memref<1x50x128xf32, #tpu.memory_space<hbm>>
    %dma_start3A_745 = tpu.memref_squeeze %dma_start3A_744 : memref<1x50x128xf32, #tpu.memory_space<hbm>> -> memref<50x128xf32, #tpu.memory_space<hbm>>
    %dma_start3A_746 = arith.constant 0 : i32
    %dma_start3A_747 = arith.constant 0 : i32
    %dma_start3A_748 = tpu.memref_slice %arg4[%add3A_733, %dma_start3A_746, %dma_start3A_747] : memref<16384x50x128xf32, #tpu.memory_space<hbm>> -> memref<1x50x128xf32, #tpu.memory_space<hbm>>
    %dma_start3A_749 = tpu.memref_squeeze %dma_start3A_748 : memref<1x50x128xf32, #tpu.memory_space<hbm>> -> memref<50x128xf32, #tpu.memory_space<hbm>>
    %dma_start3A_750 = arith.constant 0 : i32
    %dma_start3A_751 = arith.constant 0 : i32
    %dma_start3A_752 = tpu.memref_slice %arg6[%dma_start3A_734, %dma_start3A_750, %dma_start3A_751] : memref<4x200x128xf32, #tpu.memory_space<vmem>> -> memref<1x200x128xf32, #tpu.memory_space<vmem>>
    %dma_start3A_753 = tpu.memref_squeeze %dma_start3A_752 : memref<1x200x128xf32, #tpu.memory_space<vmem>> -> memref<200x128xf32, #tpu.memory_space<vmem>>
    %dma_start3A_754 = arith.constant 0 : i32
    %dma_start3A_755 = arith.constant 0 : i32
    %dma_start3A_756 = tpu.memref_slice %dma_start3A_753[%dma_start3A_754, %dma_start3A_755] : memref<200x128xf32, #tpu.memory_space<vmem>> -> memref<50x128xf32, #tpu.memory_space<vmem>>
    tpu.enqueue_dma source(%dma_start3A_756 : memref<50x128xf32, #tpu.memory_space<vmem>>) target(%dma_start3A_749 : memref<50x128xf32, #tpu.memory_space<hbm>>) target_semaphore(%arg11 : memref<!tpu.dma_semaphore, #tpu.memory_space<semaphore_mem>>)
    %add3A_757 = arith.constant 1 : i32
    %add3A_758 = arith.addi %add3A_731, %add3A_757 : i32
    %dma_start3A_759 = arith.constant 0 : i32
    %dma_start3A_760 = arith.constant 0 : i32
    %dma_start3A_761 = arith.constant 0 : i32
    %dma_start3A_762 = tpu.memref_slice %arg6[%dma_start3A_759, %dma_start3A_760, %dma_start3A_761] : memref<4x200x128xf32, #tpu.memory_space<vmem>> -> memref<1x200x128xf32, #tpu.memory_space<vmem>>
    %dma_start3A_763 = tpu.memref_squeeze %dma_start3A_762 : memref<1x200x128xf32, #tpu.memory_space<vmem>> -> memref<200x128xf32, #tpu.memory_space<vmem>>
    %dma_start3A_764 = arith.constant 50 : i32
    %dma_start3A_765 = arith.constant 0 : i32
    %dma_start3A_766 = tpu.memref_slice %dma_start3A_763[%dma_start3A_764, %dma_start3A_765] : memref<200x128xf32, #tpu.memory_space<vmem>> -> memref<50x128xf32, #tpu.memory_space<vmem>>
    %dma_start3A_767 = arith.constant 0 : i32
    %dma_start3A_768 = arith.constant 0 : i32
    %dma_start3A_769 = tpu.memref_slice %arg4[%add3A_758, %dma_start3A_767, %dma_start3A_768] : memref<16384x50x128xf32, #tpu.memory_space<hbm>> -> memref<1x50x128xf32, #tpu.memory_space<hbm>>
    %dma_start3A_770 = tpu.memref_squeeze %dma_start3A_769 : memref<1x50x128xf32, #tpu.memory_space<hbm>> -> memref<50x128xf32, #tpu.memory_space<hbm>>
    %dma_start3A_771 = arith.constant 0 : i32
    %dma_start3A_772 = arith.constant 0 : i32
    %dma_start3A_773 = tpu.memref_slice %arg4[%add3A_758, %dma_start3A_771, %dma_start3A_772] : memref<16384x50x128xf32, #tpu.memory_space<hbm>> -> memref<1x50x128xf32, #tpu.memory_space<hbm>>
    %dma_start3A_774 = tpu.memref_squeeze %dma_start3A_773 : memref<1x50x128xf32, #tpu.memory_space<hbm>> -> memref<50x128xf32, #tpu.memory_space<hbm>>
    %dma_start3A_775 = arith.constant 0 : i32
    %dma_start3A_776 = arith.constant 0 : i32
    %dma_start3A_777 = tpu.memref_slice %arg6[%dma_start3A_759, %dma_start3A_775, %dma_start3A_776] : memref<4x200x128xf32, #tpu.memory_space<vmem>> -> memref<1x200x128xf32, #tpu.memory_space<vmem>>
    %dma_start3A_778 = tpu.memref_squeeze %dma_start3A_777 : memref<1x200x128xf32, #tpu.memory_space<vmem>> -> memref<200x128xf32, #tpu.memory_space<vmem>>
    %dma_start3A_779 = arith.constant 50 : i32
    %dma_start3A_780 = arith.constant 0 : i32
    %dma_start3A_781 = tpu.memref_slice %dma_start3A_778[%dma_start3A_779, %dma_start3A_780] : memref<200x128xf32, #tpu.memory_space<vmem>> -> memref<50x128xf32, #tpu.memory_space<vmem>>
    tpu.enqueue_dma source(%dma_start3A_781 : memref<50x128xf32, #tpu.memory_space<vmem>>) target(%dma_start3A_774 : memref<50x128xf32, #tpu.memory_space<hbm>>) target_semaphore(%arg11 : memref<!tpu.dma_semaphore, #tpu.memory_space<semaphore_mem>>)
    %add3A_782 = arith.constant 2 : i32
    %add3A_783 = arith.addi %add3A_731, %add3A_782 : i32
    %dma_start3A_784 = arith.constant 0 : i32
    %dma_start3A_785 = arith.constant 0 : i32
    %dma_start3A_786 = arith.constant 0 : i32
    %dma_start3A_787 = tpu.memref_slice %arg6[%dma_start3A_784, %dma_start3A_785, %dma_start3A_786] : memref<4x200x128xf32, #tpu.memory_space<vmem>> -> memref<1x200x128xf32, #tpu.memory_space<vmem>>
    %dma_start3A_788 = tpu.memref_squeeze %dma_start3A_787 : memref<1x200x128xf32, #tpu.memory_space<vmem>> -> memref<200x128xf32, #tpu.memory_space<vmem>>
    %dma_start3A_789 = arith.constant 100 : i32
    %dma_start3A_790 = arith.constant 0 : i32
    %dma_start3A_791 = tpu.memref_slice %dma_start3A_788[%dma_start3A_789, %dma_start3A_790] : memref<200x128xf32, #tpu.memory_space<vmem>> -> memref<50x128xf32, #tpu.memory_space<vmem>>
    %dma_start3A_792 = arith.constant 0 : i32
    %dma_start3A_793 = arith.constant 0 : i32
    %dma_start3A_794 = tpu.memref_slice %arg4[%add3A_783, %dma_start3A_792, %dma_start3A_793] : memref<16384x50x128xf32, #tpu.memory_space<hbm>> -> memref<1x50x128xf32, #tpu.memory_space<hbm>>
    %dma_start3A_795 = tpu.memref_squeeze %dma_start3A_794 : memref<1x50x128xf32, #tpu.memory_space<hbm>> -> memref<50x128xf32, #tpu.memory_space<hbm>>
    %dma_start3A_796 = arith.constant 0 : i32
    %dma_start3A_797 = arith.constant 0 : i32
    %dma_start3A_798 = tpu.memref_slice %arg4[%add3A_783, %dma_start3A_796, %dma_start3A_797] : memref<16384x50x128xf32, #tpu.memory_space<hbm>> -> memref<1x50x128xf32, #tpu.memory_space<hbm>>
    %dma_start3A_799 = tpu.memref_squeeze %dma_start3A_798 : memref<1x50x128xf32, #tpu.memory_space<hbm>> -> memref<50x128xf32, #tpu.memory_space<hbm>>
    %dma_start3A_800 = arith.constant 0 : i32
    %dma_start3A_801 = arith.constant 0 : i32
    %dma_start3A_802 = tpu.memref_slice %arg6[%dma_start3A_784, %dma_start3A_800, %dma_start3A_801] : memref<4x200x128xf32, #tpu.memory_space<vmem>> -> memref<1x200x128xf32, #tpu.memory_space<vmem>>
    %dma_start3A_803 = tpu.memref_squeeze %dma_start3A_802 : memref<1x200x128xf32, #tpu.memory_space<vmem>> -> memref<200x128xf32, #tpu.memory_space<vmem>>
    %dma_start3A_804 = arith.constant 100 : i32
    %dma_start3A_805 = arith.constant 0 : i32
    %dma_start3A_806 = tpu.memref_slice %dma_start3A_803[%dma_start3A_804, %dma_start3A_805] : memref<200x128xf32, #tpu.memory_space<vmem>> -> memref<50x128xf32, #tpu.memory_space<vmem>>
    tpu.enqueue_dma source(%dma_start3A_806 : memref<50x128xf32, #tpu.memory_space<vmem>>) target(%dma_start3A_799 : memref<50x128xf32, #tpu.memory_space<hbm>>) target_semaphore(%arg11 : memref<!tpu.dma_semaphore, #tpu.memory_space<semaphore_mem>>)
    %add3A_807 = arith.constant 3 : i32
    %add3A_808 = arith.addi %add3A_731, %add3A_807 : i32
    %dma_start3A_809 = arith.constant 0 : i32
    %dma_start3A_810 = arith.constant 0 : i32
    %dma_start3A_811 = arith.constant 0 : i32
    %dma_start3A_812 = tpu.memref_slice %arg6[%dma_start3A_809, %dma_start3A_810, %dma_start3A_811] : memref<4x200x128xf32, #tpu.memory_space<vmem>> -> memref<1x200x128xf32, #tpu.memory_space<vmem>>
    %dma_start3A_813 = tpu.memref_squeeze %dma_start3A_812 : memref<1x200x128xf32, #tpu.memory_space<vmem>> -> memref<200x128xf32, #tpu.memory_space<vmem>>
    %dma_start3A_814 = arith.constant 150 : i32
    %dma_start3A_815 = arith.constant 0 : i32
    %dma_start3A_816 = tpu.memref_slice %dma_start3A_813[%dma_start3A_814, %dma_start3A_815] : memref<200x128xf32, #tpu.memory_space<vmem>> -> memref<50x128xf32, #tpu.memory_space<vmem>>
    %dma_start3A_817 = arith.constant 0 : i32
    %dma_start3A_818 = arith.constant 0 : i32
    %dma_start3A_819 = tpu.memref_slice %arg4[%add3A_808, %dma_start3A_817, %dma_start3A_818] : memref<16384x50x128xf32, #tpu.memory_space<hbm>> -> memref<1x50x128xf32, #tpu.memory_space<hbm>>
    %dma_start3A_820 = tpu.memref_squeeze %dma_start3A_819 : memref<1x50x128xf32, #tpu.memory_space<hbm>> -> memref<50x128xf32, #tpu.memory_space<hbm>>
    %dma_start3A_821 = arith.constant 0 : i32
    %dma_start3A_822 = arith.constant 0 : i32
    %dma_start3A_823 = tpu.memref_slice %arg4[%add3A_808, %dma_start3A_821, %dma_start3A_822] : memref<16384x50x128xf32, #tpu.memory_space<hbm>> -> memref<1x50x128xf32, #tpu.memory_space<hbm>>
    %dma_start3A_824 = tpu.memref_squeeze %dma_start3A_823 : memref<1x50x128xf32, #tpu.memory_space<hbm>> -> memref<50x128xf32, #tpu.memory_space<hbm>>
    %dma_start3A_825 = arith.constant 0 : i32
    %dma_start3A_826 = arith.constant 0 : i32
    %dma_start3A_827 = tpu.memref_slice %arg6[%dma_start3A_809, %dma_start3A_825, %dma_start3A_826] : memref<4x200x128xf32, #tpu.memory_space<vmem>> -> memref<1x200x128xf32, #tpu.memory_space<vmem>>
    %dma_start3A_828 = tpu.memref_squeeze %dma_start3A_827 : memref<1x200x128xf32, #tpu.memory_space<vmem>> -> memref<200x128xf32, #tpu.memory_space<vmem>>
    %dma_start3A_829 = arith.constant 150 : i32
    %dma_start3A_830 = arith.constant 0 : i32
    %dma_start3A_831 = tpu.memref_slice %dma_start3A_828[%dma_start3A_829, %dma_start3A_830] : memref<200x128xf32, #tpu.memory_space<vmem>> -> memref<50x128xf32, #tpu.memory_space<vmem>>
    tpu.enqueue_dma source(%dma_start3A_831 : memref<50x128xf32, #tpu.memory_space<vmem>>) target(%dma_start3A_824 : memref<50x128xf32, #tpu.memory_space<hbm>>) target_semaphore(%arg11 : memref<!tpu.dma_semaphore, #tpu.memory_space<semaphore_mem>>)
    %add3A_832 = arith.constant 488 : i32
    %add3A_833 = arith.addi %mul3A_4, %add3A_832 : i32
    %add3A_834 = arith.constant 0 : i32
    %add3A_835 = arith.addi %add3A_833, %add3A_834 : i32
    %dma_wait3A_836 = arith.constant 2 : i32
    %dma_wait3A_837 = arith.constant 0 : i32
    %dma_wait3A_838 = arith.constant 0 : i32
    %dma_wait3A_839 = tpu.memref_slice %arg6[%dma_wait3A_836, %dma_wait3A_837, %dma_wait3A_838] : memref<4x200x128xf32, #tpu.memory_space<vmem>> -> memref<1x200x128xf32, #tpu.memory_space<vmem>>
    %dma_wait3A_840 = tpu.memref_squeeze %dma_wait3A_839 : memref<1x200x128xf32, #tpu.memory_space<vmem>> -> memref<200x128xf32, #tpu.memory_space<vmem>>
    %dma_wait3A_841 = arith.constant 0 : i32
    %dma_wait3A_842 = arith.constant 0 : i32
    %dma_wait3A_843 = tpu.memref_slice %dma_wait3A_840[%dma_wait3A_841, %dma_wait3A_842] : memref<200x128xf32, #tpu.memory_space<vmem>> -> memref<50x128xf32, #tpu.memory_space<vmem>>
    %dma_wait3A_844 = arith.constant 0 : i32
    %dma_wait3A_845 = arith.constant 0 : i32
    %dma_wait3A_846 = tpu.memref_slice %arg4[%add3A_835, %dma_wait3A_844, %dma_wait3A_845] : memref<16384x50x128xf32, #tpu.memory_space<hbm>> -> memref<1x50x128xf32, #tpu.memory_space<hbm>>
    %dma_wait3A_847 = tpu.memref_squeeze %dma_wait3A_846 : memref<1x50x128xf32, #tpu.memory_space<hbm>> -> memref<50x128xf32, #tpu.memory_space<hbm>>
    %dma_wait3A_848 = arith.constant 0 : i32
    %dma_wait3A_849 = arith.constant 0 : i32
    %dma_wait3A_850 = tpu.memref_slice %arg4[%add3A_835, %dma_wait3A_848, %dma_wait3A_849] : memref<16384x50x128xf32, #tpu.memory_space<hbm>> -> memref<1x50x128xf32, #tpu.memory_space<hbm>>
    %dma_wait3A_851 = tpu.memref_squeeze %dma_wait3A_850 : memref<1x50x128xf32, #tpu.memory_space<hbm>> -> memref<50x128xf32, #tpu.memory_space<hbm>>
    %dma_wait3A_852 = arith.constant 0 : i32
    %dma_wait3A_853 = arith.constant 0 : i32
    %dma_wait3A_854 = tpu.memref_slice %arg6[%dma_wait3A_836, %dma_wait3A_852, %dma_wait3A_853] : memref<4x200x128xf32, #tpu.memory_space<vmem>> -> memref<1x200x128xf32, #tpu.memory_space<vmem>>
    %dma_wait3A_855 = tpu.memref_squeeze %dma_wait3A_854 : memref<1x200x128xf32, #tpu.memory_space<vmem>> -> memref<200x128xf32, #tpu.memory_space<vmem>>
    %dma_wait3A_856 = arith.constant 0 : i32
    %dma_wait3A_857 = arith.constant 0 : i32
    %dma_wait3A_858 = tpu.memref_slice %dma_wait3A_855[%dma_wait3A_856, %dma_wait3A_857] : memref<200x128xf32, #tpu.memory_space<vmem>> -> memref<50x128xf32, #tpu.memory_space<vmem>>
    tpu.wait_dma2 semaphore(%arg13 : memref<!tpu.dma_semaphore, #tpu.memory_space<semaphore_mem>>) src(%dma_wait3A_858 : memref<50x128xf32, #tpu.memory_space<vmem>>) dst(%dma_wait3A_851 : memref<50x128xf32, #tpu.memory_space<hbm>>)
    %add3A_859 = arith.constant 1 : i32
    %add3A_860 = arith.addi %add3A_833, %add3A_859 : i32
    %dma_wait3A_861 = arith.constant 2 : i32
    %dma_wait3A_862 = arith.constant 0 : i32
    %dma_wait3A_863 = arith.constant 0 : i32
    %dma_wait3A_864 = tpu.memref_slice %arg6[%dma_wait3A_861, %dma_wait3A_862, %dma_wait3A_863] : memref<4x200x128xf32, #tpu.memory_space<vmem>> -> memref<1x200x128xf32, #tpu.memory_space<vmem>>
    %dma_wait3A_865 = tpu.memref_squeeze %dma_wait3A_864 : memref<1x200x128xf32, #tpu.memory_space<vmem>> -> memref<200x128xf32, #tpu.memory_space<vmem>>
    %dma_wait3A_866 = arith.constant 50 : i32
    %dma_wait3A_867 = arith.constant 0 : i32
    %dma_wait3A_868 = tpu.memref_slice %dma_wait3A_865[%dma_wait3A_866, %dma_wait3A_867] : memref<200x128xf32, #tpu.memory_space<vmem>> -> memref<50x128xf32, #tpu.memory_space<vmem>>
    %dma_wait3A_869 = arith.constant 0 : i32
    %dma_wait3A_870 = arith.constant 0 : i32
    %dma_wait3A_871 = tpu.memref_slice %arg4[%add3A_860, %dma_wait3A_869, %dma_wait3A_870] : memref<16384x50x128xf32, #tpu.memory_space<hbm>> -> memref<1x50x128xf32, #tpu.memory_space<hbm>>
    %dma_wait3A_872 = tpu.memref_squeeze %dma_wait3A_871 : memref<1x50x128xf32, #tpu.memory_space<hbm>> -> memref<50x128xf32, #tpu.memory_space<hbm>>
    %dma_wait3A_873 = arith.constant 0 : i32
    %dma_wait3A_874 = arith.constant 0 : i32
    %dma_wait3A_875 = tpu.memref_slice %arg4[%add3A_860, %dma_wait3A_873, %dma_wait3A_874] : memref<16384x50x128xf32, #tpu.memory_space<hbm>> -> memref<1x50x128xf32, #tpu.memory_space<hbm>>
    %dma_wait3A_876 = tpu.memref_squeeze %dma_wait3A_875 : memref<1x50x128xf32, #tpu.memory_space<hbm>> -> memref<50x128xf32, #tpu.memory_space<hbm>>
    %dma_wait3A_877 = arith.constant 0 : i32
    %dma_wait3A_878 = arith.constant 0 : i32
    %dma_wait3A_879 = tpu.memref_slice %arg6[%dma_wait3A_861, %dma_wait3A_877, %dma_wait3A_878] : memref<4x200x128xf32, #tpu.memory_space<vmem>> -> memref<1x200x128xf32, #tpu.memory_space<vmem>>
    %dma_wait3A_880 = tpu.memref_squeeze %dma_wait3A_879 : memref<1x200x128xf32, #tpu.memory_space<vmem>> -> memref<200x128xf32, #tpu.memory_space<vmem>>
    %dma_wait3A_881 = arith.constant 50 : i32
    %dma_wait3A_882 = arith.constant 0 : i32
    %dma_wait3A_883 = tpu.memref_slice %dma_wait3A_880[%dma_wait3A_881, %dma_wait3A_882] : memref<200x128xf32, #tpu.memory_space<vmem>> -> memref<50x128xf32, #tpu.memory_space<vmem>>
    tpu.wait_dma2 semaphore(%arg13 : memref<!tpu.dma_semaphore, #tpu.memory_space<semaphore_mem>>) src(%dma_wait3A_883 : memref<50x128xf32, #tpu.memory_space<vmem>>) dst(%dma_wait3A_876 : memref<50x128xf32, #tpu.memory_space<hbm>>)
    %add3A_884 = arith.constant 2 : i32
    %add3A_885 = arith.addi %add3A_833, %add3A_884 : i32
    %dma_wait3A_886 = arith.constant 2 : i32
    %dma_wait3A_887 = arith.constant 0 : i32
    %dma_wait3A_888 = arith.constant 0 : i32
    %dma_wait3A_889 = tpu.memref_slice %arg6[%dma_wait3A_886, %dma_wait3A_887, %dma_wait3A_888] : memref<4x200x128xf32, #tpu.memory_space<vmem>> -> memref<1x200x128xf32, #tpu.memory_space<vmem>>
    %dma_wait3A_890 = tpu.memref_squeeze %dma_wait3A_889 : memref<1x200x128xf32, #tpu.memory_space<vmem>> -> memref<200x128xf32, #tpu.memory_space<vmem>>
    %dma_wait3A_891 = arith.constant 100 : i32
    %dma_wait3A_892 = arith.constant 0 : i32
    %dma_wait3A_893 = tpu.memref_slice %dma_wait3A_890[%dma_wait3A_891, %dma_wait3A_892] : memref<200x128xf32, #tpu.memory_space<vmem>> -> memref<50x128xf32, #tpu.memory_space<vmem>>
    %dma_wait3A_894 = arith.constant 0 : i32
    %dma_wait3A_895 = arith.constant 0 : i32
    %dma_wait3A_896 = tpu.memref_slice %arg4[%add3A_885, %dma_wait3A_894, %dma_wait3A_895] : memref<16384x50x128xf32, #tpu.memory_space<hbm>> -> memref<1x50x128xf32, #tpu.memory_space<hbm>>
    %dma_wait3A_897 = tpu.memref_squeeze %dma_wait3A_896 : memref<1x50x128xf32, #tpu.memory_space<hbm>> -> memref<50x128xf32, #tpu.memory_space<hbm>>
    %dma_wait3A_898 = arith.constant 0 : i32
    %dma_wait3A_899 = arith.constant 0 : i32
    %dma_wait3A_900 = tpu.memref_slice %arg4[%add3A_885, %dma_wait3A_898, %dma_wait3A_899] : memref<16384x50x128xf32, #tpu.memory_space<hbm>> -> memref<1x50x128xf32, #tpu.memory_space<hbm>>
    %dma_wait3A_901 = tpu.memref_squeeze %dma_wait3A_900 : memref<1x50x128xf32, #tpu.memory_space<hbm>> -> memref<50x128xf32, #tpu.memory_space<hbm>>
    %dma_wait3A_902 = arith.constant 0 : i32
    %dma_wait3A_903 = arith.constant 0 : i32
    %dma_wait3A_904 = tpu.memref_slice %arg6[%dma_wait3A_886, %dma_wait3A_902, %dma_wait3A_903] : memref<4x200x128xf32, #tpu.memory_space<vmem>> -> memref<1x200x128xf32, #tpu.memory_space<vmem>>
    %dma_wait3A_905 = tpu.memref_squeeze %dma_wait3A_904 : memref<1x200x128xf32, #tpu.memory_space<vmem>> -> memref<200x128xf32, #tpu.memory_space<vmem>>
    %dma_wait3A_906 = arith.constant 100 : i32
    %dma_wait3A_907 = arith.constant 0 : i32
    %dma_wait3A_908 = tpu.memref_slice %dma_wait3A_905[%dma_wait3A_906, %dma_wait3A_907] : memref<200x128xf32, #tpu.memory_space<vmem>> -> memref<50x128xf32, #tpu.memory_space<vmem>>
    tpu.wait_dma2 semaphore(%arg13 : memref<!tpu.dma_semaphore, #tpu.memory_space<semaphore_mem>>) src(%dma_wait3A_908 : memref<50x128xf32, #tpu.memory_space<vmem>>) dst(%dma_wait3A_901 : memref<50x128xf32, #tpu.memory_space<hbm>>)
    %add3A_909 = arith.constant 3 : i32
    %add3A_910 = arith.addi %add3A_833, %add3A_909 : i32
    %dma_wait3A_911 = arith.constant 2 : i32
    %dma_wait3A_912 = arith.constant 0 : i32
    %dma_wait3A_913 = arith.constant 0 : i32
    %dma_wait3A_914 = tpu.memref_slice %arg6[%dma_wait3A_911, %dma_wait3A_912, %dma_wait3A_913] : memref<4x200x128xf32, #tpu.memory_space<vmem>> -> memref<1x200x128xf32, #tpu.memory_space<vmem>>
    %dma_wait3A_915 = tpu.memref_squeeze %dma_wait3A_914 : memref<1x200x128xf32, #tpu.memory_space<vmem>> -> memref<200x128xf32, #tpu.memory_space<vmem>>
    %dma_wait3A_916 = arith.constant 150 : i32
    %dma_wait3A_917 = arith.constant 0 : i32
    %dma_wait3A_918 = tpu.memref_slice %dma_wait3A_915[%dma_wait3A_916, %dma_wait3A_917] : memref<200x128xf32, #tpu.memory_space<vmem>> -> memref<50x128xf32, #tpu.memory_space<vmem>>
    %dma_wait3A_919 = arith.constant 0 : i32
    %dma_wait3A_920 = arith.constant 0 : i32
    %dma_wait3A_921 = tpu.memref_slice %arg4[%add3A_910, %dma_wait3A_919, %dma_wait3A_920] : memref<16384x50x128xf32, #tpu.memory_space<hbm>> -> memref<1x50x128xf32, #tpu.memory_space<hbm>>
    %dma_wait3A_922 = tpu.memref_squeeze %dma_wait3A_921 : memref<1x50x128xf32, #tpu.memory_space<hbm>> -> memref<50x128xf32, #tpu.memory_space<hbm>>
    %dma_wait3A_923 = arith.constant 0 : i32
    %dma_wait3A_924 = arith.constant 0 : i32
    %dma_wait3A_925 = tpu.memref_slice %arg4[%add3A_910, %dma_wait3A_923, %dma_wait3A_924] : memref<16384x50x128xf32, #tpu.memory_space<hbm>> -> memref<1x50x128xf32, #tpu.memory_space<hbm>>
    %dma_wait3A_926 = tpu.memref_squeeze %dma_wait3A_925 : memref<1x50x128xf32, #tpu.memory_space<hbm>> -> memref<50x128xf32, #tpu.memory_space<hbm>>
    %dma_wait3A_927 = arith.constant 0 : i32
    %dma_wait3A_928 = arith.constant 0 : i32
    %dma_wait3A_929 = tpu.memref_slice %arg6[%dma_wait3A_911, %dma_wait3A_927, %dma_wait3A_928] : memref<4x200x128xf32, #tpu.memory_space<vmem>> -> memref<1x200x128xf32, #tpu.memory_space<vmem>>
    %dma_wait3A_930 = tpu.memref_squeeze %dma_wait3A_929 : memref<1x200x128xf32, #tpu.memory_space<vmem>> -> memref<200x128xf32, #tpu.memory_space<vmem>>
    %dma_wait3A_931 = arith.constant 150 : i32
    %dma_wait3A_932 = arith.constant 0 : i32
    %dma_wait3A_933 = tpu.memref_slice %dma_wait3A_930[%dma_wait3A_931, %dma_wait3A_932] : memref<200x128xf32, #tpu.memory_space<vmem>> -> memref<50x128xf32, #tpu.memory_space<vmem>>
    tpu.wait_dma2 semaphore(%arg13 : memref<!tpu.dma_semaphore, #tpu.memory_space<semaphore_mem>>) src(%dma_wait3A_933 : memref<50x128xf32, #tpu.memory_space<vmem>>) dst(%dma_wait3A_926 : memref<50x128xf32, #tpu.memory_space<hbm>>)
    %dma_start3A_934 = arith.constant 2 : i32
    %dma_start3A_935 = arith.constant 0 : i32
    %dma_start3A_936 = arith.constant 0 : i32
    %dma_start3A_937 = tpu.memref_slice %arg6[%dma_start3A_934, %dma_start3A_935, %dma_start3A_936] : memref<4x200x128xf32, #tpu.memory_space<vmem>> -> memref<1x200x128xf32, #tpu.memory_space<vmem>>
    %dma_start3A_938 = tpu.memref_squeeze %dma_start3A_937 : memref<1x200x128xf32, #tpu.memory_space<vmem>> -> memref<200x128xf32, #tpu.memory_space<vmem>>
    %dma_start3A_939 = arith.constant 25200 : i32
    %dma_start3A_940 = tpu.memref_slice %arg5[%dma_start3A_939] : memref<25600xi32, #tpu.memory_space<vmem>> -> memref<200xi32, #tpu.memory_space<vmem>>
    %dma_start3A_941 = arith.constant 0 : i32
    %dma_start3A_942 = arith.constant 0 : i32
    %dma_start3A_943 = tpu.memref_slice %arg2[%dma_start3A_941, %dma_start3A_942] : memref<1000000x128xf32, #tpu.memory_space<hbm>> -> memref<1000000x128xf32, #tpu.memory_space<hbm>>
    tpu.enqueue_indirect_dma source(%dma_start3A_943 : memref<1000000x128xf32, #tpu.memory_space<hbm>>) target(%dma_start3A_938 : memref<200x128xf32, #tpu.memory_space<vmem>>) offsets(%dma_start3A_940 : memref<200xi32, #tpu.memory_space<vmem>>) semaphore(%arg9 : memref<!tpu.dma_semaphore, #tpu.memory_space<semaphore_mem>>)
    %dma_wait3A_944 = arith.constant 1 : i32
    %dma_wait3A_945 = arith.constant 0 : i32
    %dma_wait3A_946 = arith.constant 0 : i32
    %dma_wait3A_947 = tpu.memref_slice %arg6[%dma_wait3A_944, %dma_wait3A_945, %dma_wait3A_946] : memref<4x200x128xf32, #tpu.memory_space<vmem>> -> memref<1x200x128xf32, #tpu.memory_space<vmem>>
    %dma_wait3A_948 = tpu.memref_squeeze %dma_wait3A_947 : memref<1x200x128xf32, #tpu.memory_space<vmem>> -> memref<200x128xf32, #tpu.memory_space<vmem>>
    %dma_wait3A_949 = arith.constant 25000 : i32
    %dma_wait3A_950 = tpu.memref_slice %arg5[%dma_wait3A_949] : memref<25600xi32, #tpu.memory_space<vmem>> -> memref<200xi32, #tpu.memory_space<vmem>>
    %dma_wait3A_951 = arith.constant 0 : i32
    %dma_wait3A_952 = arith.constant 0 : i32
    %dma_wait3A_953 = tpu.memref_slice %arg2[%dma_wait3A_951, %dma_wait3A_952] : memref<1000000x128xf32, #tpu.memory_space<hbm>> -> memref<1000000x128xf32, #tpu.memory_space<hbm>>
    tpu.wait_indirect_dma semaphore(%arg8 : memref<!tpu.dma_semaphore, #tpu.memory_space<semaphore_mem>>) src(%dma_wait3A_953 : memref<1000000x128xf32, #tpu.memory_space<hbm>>) dst(%dma_wait3A_948 : memref<200x128xf32, #tpu.memory_space<vmem>>)
    %add3A_954 = arith.constant 500 : i32
    %add3A_955 = arith.addi %mul3A_4, %add3A_954 : i32
    %add3A_956 = arith.constant 0 : i32
    %add3A_957 = arith.addi %add3A_955, %add3A_956 : i32
    %dma_start3A_958 = arith.constant 1 : i32
    %dma_start3A_959 = arith.constant 0 : i32
    %dma_start3A_960 = arith.constant 0 : i32
    %dma_start3A_961 = tpu.memref_slice %arg6[%dma_start3A_958, %dma_start3A_959, %dma_start3A_960] : memref<4x200x128xf32, #tpu.memory_space<vmem>> -> memref<1x200x128xf32, #tpu.memory_space<vmem>>
    %dma_start3A_962 = tpu.memref_squeeze %dma_start3A_961 : memref<1x200x128xf32, #tpu.memory_space<vmem>> -> memref<200x128xf32, #tpu.memory_space<vmem>>
    %dma_start3A_963 = arith.constant 0 : i32
    %dma_start3A_964 = arith.constant 0 : i32
    %dma_start3A_965 = tpu.memref_slice %dma_start3A_962[%dma_start3A_963, %dma_start3A_964] : memref<200x128xf32, #tpu.memory_space<vmem>> -> memref<50x128xf32, #tpu.memory_space<vmem>>
    %dma_start3A_966 = arith.constant 0 : i32
    %dma_start3A_967 = arith.constant 0 : i32
    %dma_start3A_968 = tpu.memref_slice %arg4[%add3A_957, %dma_start3A_966, %dma_start3A_967] : memref<16384x50x128xf32, #tpu.memory_space<hbm>> -> memref<1x50x128xf32, #tpu.memory_space<hbm>>
    %dma_start3A_969 = tpu.memref_squeeze %dma_start3A_968 : memref<1x50x128xf32, #tpu.memory_space<hbm>> -> memref<50x128xf32, #tpu.memory_space<hbm>>
    %dma_start3A_970 = arith.constant 0 : i32
    %dma_start3A_971 = arith.constant 0 : i32
    %dma_start3A_972 = tpu.memref_slice %arg4[%add3A_957, %dma_start3A_970, %dma_start3A_971] : memref<16384x50x128xf32, #tpu.memory_space<hbm>> -> memref<1x50x128xf32, #tpu.memory_space<hbm>>
    %dma_start3A_973 = tpu.memref_squeeze %dma_start3A_972 : memref<1x50x128xf32, #tpu.memory_space<hbm>> -> memref<50x128xf32, #tpu.memory_space<hbm>>
    %dma_start3A_974 = arith.constant 0 : i32
    %dma_start3A_975 = arith.constant 0 : i32
    %dma_start3A_976 = tpu.memref_slice %arg6[%dma_start3A_958, %dma_start3A_974, %dma_start3A_975] : memref<4x200x128xf32, #tpu.memory_space<vmem>> -> memref<1x200x128xf32, #tpu.memory_space<vmem>>
    %dma_start3A_977 = tpu.memref_squeeze %dma_start3A_976 : memref<1x200x128xf32, #tpu.memory_space<vmem>> -> memref<200x128xf32, #tpu.memory_space<vmem>>
    %dma_start3A_978 = arith.constant 0 : i32
    %dma_start3A_979 = arith.constant 0 : i32
    %dma_start3A_980 = tpu.memref_slice %dma_start3A_977[%dma_start3A_978, %dma_start3A_979] : memref<200x128xf32, #tpu.memory_space<vmem>> -> memref<50x128xf32, #tpu.memory_space<vmem>>
    tpu.enqueue_dma source(%dma_start3A_980 : memref<50x128xf32, #tpu.memory_space<vmem>>) target(%dma_start3A_973 : memref<50x128xf32, #tpu.memory_space<hbm>>) target_semaphore(%arg12 : memref<!tpu.dma_semaphore, #tpu.memory_space<semaphore_mem>>)
    %add3A_981 = arith.constant 1 : i32
    %add3A_982 = arith.addi %add3A_955, %add3A_981 : i32
    %dma_start3A_983 = arith.constant 1 : i32
    %dma_start3A_984 = arith.constant 0 : i32
    %dma_start3A_985 = arith.constant 0 : i32
    %dma_start3A_986 = tpu.memref_slice %arg6[%dma_start3A_983, %dma_start3A_984, %dma_start3A_985] : memref<4x200x128xf32, #tpu.memory_space<vmem>> -> memref<1x200x128xf32, #tpu.memory_space<vmem>>
    %dma_start3A_987 = tpu.memref_squeeze %dma_start3A_986 : memref<1x200x128xf32, #tpu.memory_space<vmem>> -> memref<200x128xf32, #tpu.memory_space<vmem>>
    %dma_start3A_988 = arith.constant 50 : i32
    %dma_start3A_989 = arith.constant 0 : i32
    %dma_start3A_990 = tpu.memref_slice %dma_start3A_987[%dma_start3A_988, %dma_start3A_989] : memref<200x128xf32, #tpu.memory_space<vmem>> -> memref<50x128xf32, #tpu.memory_space<vmem>>
    %dma_start3A_991 = arith.constant 0 : i32
    %dma_start3A_992 = arith.constant 0 : i32
    %dma_start3A_993 = tpu.memref_slice %arg4[%add3A_982, %dma_start3A_991, %dma_start3A_992] : memref<16384x50x128xf32, #tpu.memory_space<hbm>> -> memref<1x50x128xf32, #tpu.memory_space<hbm>>
    %dma_start3A_994 = tpu.memref_squeeze %dma_start3A_993 : memref<1x50x128xf32, #tpu.memory_space<hbm>> -> memref<50x128xf32, #tpu.memory_space<hbm>>
    %dma_start3A_995 = arith.constant 0 : i32
    %dma_start3A_996 = arith.constant 0 : i32
    %dma_start3A_997 = tpu.memref_slice %arg4[%add3A_982, %dma_start3A_995, %dma_start3A_996] : memref<16384x50x128xf32, #tpu.memory_space<hbm>> -> memref<1x50x128xf32, #tpu.memory_space<hbm>>
    %dma_start3A_998 = tpu.memref_squeeze %dma_start3A_997 : memref<1x50x128xf32, #tpu.memory_space<hbm>> -> memref<50x128xf32, #tpu.memory_space<hbm>>
    %dma_start3A_999 = arith.constant 0 : i32
    %dma_start3A_1000 = arith.constant 0 : i32
    %dma_start3A_1001 = tpu.memref_slice %arg6[%dma_start3A_983, %dma_start3A_999, %dma_start3A_1000] : memref<4x200x128xf32, #tpu.memory_space<vmem>> -> memref<1x200x128xf32, #tpu.memory_space<vmem>>
    %dma_start3A_1002 = tpu.memref_squeeze %dma_start3A_1001 : memref<1x200x128xf32, #tpu.memory_space<vmem>> -> memref<200x128xf32, #tpu.memory_space<vmem>>
    %dma_start3A_1003 = arith.constant 50 : i32
    %dma_start3A_1004 = arith.constant 0 : i32
    %dma_start3A_1005 = tpu.memref_slice %dma_start3A_1002[%dma_start3A_1003, %dma_start3A_1004] : memref<200x128xf32, #tpu.memory_space<vmem>> -> memref<50x128xf32, #tpu.memory_space<vmem>>
    tpu.enqueue_dma source(%dma_start3A_1005 : memref<50x128xf32, #tpu.memory_space<vmem>>) target(%dma_start3A_998 : memref<50x128xf32, #tpu.memory_space<hbm>>) target_semaphore(%arg12 : memref<!tpu.dma_semaphore, #tpu.memory_space<semaphore_mem>>)
    %add3A_1006 = arith.constant 2 : i32
    %add3A_1007 = arith.addi %add3A_955, %add3A_1006 : i32
    %dma_start3A_1008 = arith.constant 1 : i32
    %dma_start3A_1009 = arith.constant 0 : i32
    %dma_start3A_1010 = arith.constant 0 : i32
    %dma_start3A_1011 = tpu.memref_slice %arg6[%dma_start3A_1008, %dma_start3A_1009, %dma_start3A_1010] : memref<4x200x128xf32, #tpu.memory_space<vmem>> -> memref<1x200x128xf32, #tpu.memory_space<vmem>>
    %dma_start3A_1012 = tpu.memref_squeeze %dma_start3A_1011 : memref<1x200x128xf32, #tpu.memory_space<vmem>> -> memref<200x128xf32, #tpu.memory_space<vmem>>
    %dma_start3A_1013 = arith.constant 100 : i32
    %dma_start3A_1014 = arith.constant 0 : i32
    %dma_start3A_1015 = tpu.memref_slice %dma_start3A_1012[%dma_start3A_1013, %dma_start3A_1014] : memref<200x128xf32, #tpu.memory_space<vmem>> -> memref<50x128xf32, #tpu.memory_space<vmem>>
    %dma_start3A_1016 = arith.constant 0 : i32
    %dma_start3A_1017 = arith.constant 0 : i32
    %dma_start3A_1018 = tpu.memref_slice %arg4[%add3A_1007, %dma_start3A_1016, %dma_start3A_1017] : memref<16384x50x128xf32, #tpu.memory_space<hbm>> -> memref<1x50x128xf32, #tpu.memory_space<hbm>>
    %dma_start3A_1019 = tpu.memref_squeeze %dma_start3A_1018 : memref<1x50x128xf32, #tpu.memory_space<hbm>> -> memref<50x128xf32, #tpu.memory_space<hbm>>
    %dma_start3A_1020 = arith.constant 0 : i32
    %dma_start3A_1021 = arith.constant 0 : i32
    %dma_start3A_1022 = tpu.memref_slice %arg4[%add3A_1007, %dma_start3A_1020, %dma_start3A_1021] : memref<16384x50x128xf32, #tpu.memory_space<hbm>> -> memref<1x50x128xf32, #tpu.memory_space<hbm>>
    %dma_start3A_1023 = tpu.memref_squeeze %dma_start3A_1022 : memref<1x50x128xf32, #tpu.memory_space<hbm>> -> memref<50x128xf32, #tpu.memory_space<hbm>>
    %dma_start3A_1024 = arith.constant 0 : i32
    %dma_start3A_1025 = arith.constant 0 : i32
    %dma_start3A_1026 = tpu.memref_slice %arg6[%dma_start3A_1008, %dma_start3A_1024, %dma_start3A_1025] : memref<4x200x128xf32, #tpu.memory_space<vmem>> -> memref<1x200x128xf32, #tpu.memory_space<vmem>>
    %dma_start3A_1027 = tpu.memref_squeeze %dma_start3A_1026 : memref<1x200x128xf32, #tpu.memory_space<vmem>> -> memref<200x128xf32, #tpu.memory_space<vmem>>
    %dma_start3A_1028 = arith.constant 100 : i32
    %dma_start3A_1029 = arith.constant 0 : i32
    %dma_start3A_1030 = tpu.memref_slice %dma_start3A_1027[%dma_start3A_1028, %dma_start3A_1029] : memref<200x128xf32, #tpu.memory_space<vmem>> -> memref<50x128xf32, #tpu.memory_space<vmem>>
    tpu.enqueue_dma source(%dma_start3A_1030 : memref<50x128xf32, #tpu.memory_space<vmem>>) target(%dma_start3A_1023 : memref<50x128xf32, #tpu.memory_space<hbm>>) target_semaphore(%arg12 : memref<!tpu.dma_semaphore, #tpu.memory_space<semaphore_mem>>)
    %add3A_1031 = arith.constant 3 : i32
    %add3A_1032 = arith.addi %add3A_955, %add3A_1031 : i32
    %dma_start3A_1033 = arith.constant 1 : i32
    %dma_start3A_1034 = arith.constant 0 : i32
    %dma_start3A_1035 = arith.constant 0 : i32
    %dma_start3A_1036 = tpu.memref_slice %arg6[%dma_start3A_1033, %dma_start3A_1034, %dma_start3A_1035] : memref<4x200x128xf32, #tpu.memory_space<vmem>> -> memref<1x200x128xf32, #tpu.memory_space<vmem>>
    %dma_start3A_1037 = tpu.memref_squeeze %dma_start3A_1036 : memref<1x200x128xf32, #tpu.memory_space<vmem>> -> memref<200x128xf32, #tpu.memory_space<vmem>>
    %dma_start3A_1038 = arith.constant 150 : i32
    %dma_start3A_1039 = arith.constant 0 : i32
    %dma_start3A_1040 = tpu.memref_slice %dma_start3A_1037[%dma_start3A_1038, %dma_start3A_1039] : memref<200x128xf32, #tpu.memory_space<vmem>> -> memref<50x128xf32, #tpu.memory_space<vmem>>
    %dma_start3A_1041 = arith.constant 0 : i32
    %dma_start3A_1042 = arith.constant 0 : i32
    %dma_start3A_1043 = tpu.memref_slice %arg4[%add3A_1032, %dma_start3A_1041, %dma_start3A_1042] : memref<16384x50x128xf32, #tpu.memory_space<hbm>> -> memref<1x50x128xf32, #tpu.memory_space<hbm>>
    %dma_start3A_1044 = tpu.memref_squeeze %dma_start3A_1043 : memref<1x50x128xf32, #tpu.memory_space<hbm>> -> memref<50x128xf32, #tpu.memory_space<hbm>>
    %dma_start3A_1045 = arith.constant 0 : i32
    %dma_start3A_1046 = arith.constant 0 : i32
    %dma_start3A_1047 = tpu.memref_slice %arg4[%add3A_1032, %dma_start3A_1045, %dma_start3A_1046] : memref<16384x50x128xf32, #tpu.memory_space<hbm>> -> memref<1x50x128xf32, #tpu.memory_space<hbm>>
    %dma_start3A_1048 = tpu.memref_squeeze %dma_start3A_1047 : memref<1x50x128xf32, #tpu.memory_space<hbm>> -> memref<50x128xf32, #tpu.memory_space<hbm>>
    %dma_start3A_1049 = arith.constant 0 : i32
    %dma_start3A_1050 = arith.constant 0 : i32
    %dma_start3A_1051 = tpu.memref_slice %arg6[%dma_start3A_1033, %dma_start3A_1049, %dma_start3A_1050] : memref<4x200x128xf32, #tpu.memory_space<vmem>> -> memref<1x200x128xf32, #tpu.memory_space<vmem>>
    %dma_start3A_1052 = tpu.memref_squeeze %dma_start3A_1051 : memref<1x200x128xf32, #tpu.memory_space<vmem>> -> memref<200x128xf32, #tpu.memory_space<vmem>>
    %dma_start3A_1053 = arith.constant 150 : i32
    %dma_start3A_1054 = arith.constant 0 : i32
    %dma_start3A_1055 = tpu.memref_slice %dma_start3A_1052[%dma_start3A_1053, %dma_start3A_1054] : memref<200x128xf32, #tpu.memory_space<vmem>> -> memref<50x128xf32, #tpu.memory_space<vmem>>
    tpu.enqueue_dma source(%dma_start3A_1055 : memref<50x128xf32, #tpu.memory_space<vmem>>) target(%dma_start3A_1048 : memref<50x128xf32, #tpu.memory_space<hbm>>) target_semaphore(%arg12 : memref<!tpu.dma_semaphore, #tpu.memory_space<semaphore_mem>>)
    %add3A_1056 = arith.constant 492 : i32
    %add3A_1057 = arith.addi %mul3A_4, %add3A_1056 : i32
    %add3A_1058 = arith.constant 0 : i32
    %add3A_1059 = arith.addi %add3A_1057, %add3A_1058 : i32
    %dma_wait3A_1060 = arith.constant 3 : i32
    %dma_wait3A_1061 = arith.constant 0 : i32
    %dma_wait3A_1062 = arith.constant 0 : i32
    %dma_wait3A_1063 = tpu.memref_slice %arg6[%dma_wait3A_1060, %dma_wait3A_1061, %dma_wait3A_1062] : memref<4x200x128xf32, #tpu.memory_space<vmem>> -> memref<1x200x128xf32, #tpu.memory_space<vmem>>
    %dma_wait3A_1064 = tpu.memref_squeeze %dma_wait3A_1063 : memref<1x200x128xf32, #tpu.memory_space<vmem>> -> memref<200x128xf32, #tpu.memory_space<vmem>>
    %dma_wait3A_1065 = arith.constant 0 : i32
    %dma_wait3A_1066 = arith.constant 0 : i32
    %dma_wait3A_1067 = tpu.memref_slice %dma_wait3A_1064[%dma_wait3A_1065, %dma_wait3A_1066] : memref<200x128xf32, #tpu.memory_space<vmem>> -> memref<50x128xf32, #tpu.memory_space<vmem>>
    %dma_wait3A_1068 = arith.constant 0 : i32
    %dma_wait3A_1069 = arith.constant 0 : i32
    %dma_wait3A_1070 = tpu.memref_slice %arg4[%add3A_1059, %dma_wait3A_1068, %dma_wait3A_1069] : memref<16384x50x128xf32, #tpu.memory_space<hbm>> -> memref<1x50x128xf32, #tpu.memory_space<hbm>>
    %dma_wait3A_1071 = tpu.memref_squeeze %dma_wait3A_1070 : memref<1x50x128xf32, #tpu.memory_space<hbm>> -> memref<50x128xf32, #tpu.memory_space<hbm>>
    %dma_wait3A_1072 = arith.constant 0 : i32
    %dma_wait3A_1073 = arith.constant 0 : i32
    %dma_wait3A_1074 = tpu.memref_slice %arg4[%add3A_1059, %dma_wait3A_1072, %dma_wait3A_1073] : memref<16384x50x128xf32, #tpu.memory_space<hbm>> -> memref<1x50x128xf32, #tpu.memory_space<hbm>>
    %dma_wait3A_1075 = tpu.memref_squeeze %dma_wait3A_1074 : memref<1x50x128xf32, #tpu.memory_space<hbm>> -> memref<50x128xf32, #tpu.memory_space<hbm>>
    %dma_wait3A_1076 = arith.constant 0 : i32
    %dma_wait3A_1077 = arith.constant 0 : i32
    %dma_wait3A_1078 = tpu.memref_slice %arg6[%dma_wait3A_1060, %dma_wait3A_1076, %dma_wait3A_1077] : memref<4x200x128xf32, #tpu.memory_space<vmem>> -> memref<1x200x128xf32, #tpu.memory_space<vmem>>
    %dma_wait3A_1079 = tpu.memref_squeeze %dma_wait3A_1078 : memref<1x200x128xf32, #tpu.memory_space<vmem>> -> memref<200x128xf32, #tpu.memory_space<vmem>>
    %dma_wait3A_1080 = arith.constant 0 : i32
    %dma_wait3A_1081 = arith.constant 0 : i32
    %dma_wait3A_1082 = tpu.memref_slice %dma_wait3A_1079[%dma_wait3A_1080, %dma_wait3A_1081] : memref<200x128xf32, #tpu.memory_space<vmem>> -> memref<50x128xf32, #tpu.memory_space<vmem>>
    tpu.wait_dma2 semaphore(%arg14 : memref<!tpu.dma_semaphore, #tpu.memory_space<semaphore_mem>>) src(%dma_wait3A_1082 : memref<50x128xf32, #tpu.memory_space<vmem>>) dst(%dma_wait3A_1075 : memref<50x128xf32, #tpu.memory_space<hbm>>)
    %add3A_1083 = arith.constant 1 : i32
    %add3A_1084 = arith.addi %add3A_1057, %add3A_1083 : i32
    %dma_wait3A_1085 = arith.constant 3 : i32
    %dma_wait3A_1086 = arith.constant 0 : i32
    %dma_wait3A_1087 = arith.constant 0 : i32
    %dma_wait3A_1088 = tpu.memref_slice %arg6[%dma_wait3A_1085, %dma_wait3A_1086, %dma_wait3A_1087] : memref<4x200x128xf32, #tpu.memory_space<vmem>> -> memref<1x200x128xf32, #tpu.memory_space<vmem>>
    %dma_wait3A_1089 = tpu.memref_squeeze %dma_wait3A_1088 : memref<1x200x128xf32, #tpu.memory_space<vmem>> -> memref<200x128xf32, #tpu.memory_space<vmem>>
    %dma_wait3A_1090 = arith.constant 50 : i32
    %dma_wait3A_1091 = arith.constant 0 : i32
    %dma_wait3A_1092 = tpu.memref_slice %dma_wait3A_1089[%dma_wait3A_1090, %dma_wait3A_1091] : memref<200x128xf32, #tpu.memory_space<vmem>> -> memref<50x128xf32, #tpu.memory_space<vmem>>
    %dma_wait3A_1093 = arith.constant 0 : i32
    %dma_wait3A_1094 = arith.constant 0 : i32
    %dma_wait3A_1095 = tpu.memref_slice %arg4[%add3A_1084, %dma_wait3A_1093, %dma_wait3A_1094] : memref<16384x50x128xf32, #tpu.memory_space<hbm>> -> memref<1x50x128xf32, #tpu.memory_space<hbm>>
    %dma_wait3A_1096 = tpu.memref_squeeze %dma_wait3A_1095 : memref<1x50x128xf32, #tpu.memory_space<hbm>> -> memref<50x128xf32, #tpu.memory_space<hbm>>
    %dma_wait3A_1097 = arith.constant 0 : i32
    %dma_wait3A_1098 = arith.constant 0 : i32
    %dma_wait3A_1099 = tpu.memref_slice %arg4[%add3A_1084, %dma_wait3A_1097, %dma_wait3A_1098] : memref<16384x50x128xf32, #tpu.memory_space<hbm>> -> memref<1x50x128xf32, #tpu.memory_space<hbm>>
    %dma_wait3A_1100 = tpu.memref_squeeze %dma_wait3A_1099 : memref<1x50x128xf32, #tpu.memory_space<hbm>> -> memref<50x128xf32, #tpu.memory_space<hbm>>
    %dma_wait3A_1101 = arith.constant 0 : i32
    %dma_wait3A_1102 = arith.constant 0 : i32
    %dma_wait3A_1103 = tpu.memref_slice %arg6[%dma_wait3A_1085, %dma_wait3A_1101, %dma_wait3A_1102] : memref<4x200x128xf32, #tpu.memory_space<vmem>> -> memref<1x200x128xf32, #tpu.memory_space<vmem>>
    %dma_wait3A_1104 = tpu.memref_squeeze %dma_wait3A_1103 : memref<1x200x128xf32, #tpu.memory_space<vmem>> -> memref<200x128xf32, #tpu.memory_space<vmem>>
    %dma_wait3A_1105 = arith.constant 50 : i32
    %dma_wait3A_1106 = arith.constant 0 : i32
    %dma_wait3A_1107 = tpu.memref_slice %dma_wait3A_1104[%dma_wait3A_1105, %dma_wait3A_1106] : memref<200x128xf32, #tpu.memory_space<vmem>> -> memref<50x128xf32, #tpu.memory_space<vmem>>
    tpu.wait_dma2 semaphore(%arg14 : memref<!tpu.dma_semaphore, #tpu.memory_space<semaphore_mem>>) src(%dma_wait3A_1107 : memref<50x128xf32, #tpu.memory_space<vmem>>) dst(%dma_wait3A_1100 : memref<50x128xf32, #tpu.memory_space<hbm>>)
    %add3A_1108 = arith.constant 2 : i32
    %add3A_1109 = arith.addi %add3A_1057, %add3A_1108 : i32
    %dma_wait3A_1110 = arith.constant 3 : i32
    %dma_wait3A_1111 = arith.constant 0 : i32
    %dma_wait3A_1112 = arith.constant 0 : i32
    %dma_wait3A_1113 = tpu.memref_slice %arg6[%dma_wait3A_1110, %dma_wait3A_1111, %dma_wait3A_1112] : memref<4x200x128xf32, #tpu.memory_space<vmem>> -> memref<1x200x128xf32, #tpu.memory_space<vmem>>
    %dma_wait3A_1114 = tpu.memref_squeeze %dma_wait3A_1113 : memref<1x200x128xf32, #tpu.memory_space<vmem>> -> memref<200x128xf32, #tpu.memory_space<vmem>>
    %dma_wait3A_1115 = arith.constant 100 : i32
    %dma_wait3A_1116 = arith.constant 0 : i32
    %dma_wait3A_1117 = tpu.memref_slice %dma_wait3A_1114[%dma_wait3A_1115, %dma_wait3A_1116] : memref<200x128xf32, #tpu.memory_space<vmem>> -> memref<50x128xf32, #tpu.memory_space<vmem>>
    %dma_wait3A_1118 = arith.constant 0 : i32
    %dma_wait3A_1119 = arith.constant 0 : i32
    %dma_wait3A_1120 = tpu.memref_slice %arg4[%add3A_1109, %dma_wait3A_1118, %dma_wait3A_1119] : memref<16384x50x128xf32, #tpu.memory_space<hbm>> -> memref<1x50x128xf32, #tpu.memory_space<hbm>>
    %dma_wait3A_1121 = tpu.memref_squeeze %dma_wait3A_1120 : memref<1x50x128xf32, #tpu.memory_space<hbm>> -> memref<50x128xf32, #tpu.memory_space<hbm>>
    %dma_wait3A_1122 = arith.constant 0 : i32
    %dma_wait3A_1123 = arith.constant 0 : i32
    %dma_wait3A_1124 = tpu.memref_slice %arg4[%add3A_1109, %dma_wait3A_1122, %dma_wait3A_1123] : memref<16384x50x128xf32, #tpu.memory_space<hbm>> -> memref<1x50x128xf32, #tpu.memory_space<hbm>>
    %dma_wait3A_1125 = tpu.memref_squeeze %dma_wait3A_1124 : memref<1x50x128xf32, #tpu.memory_space<hbm>> -> memref<50x128xf32, #tpu.memory_space<hbm>>
    %dma_wait3A_1126 = arith.constant 0 : i32
    %dma_wait3A_1127 = arith.constant 0 : i32
    %dma_wait3A_1128 = tpu.memref_slice %arg6[%dma_wait3A_1110, %dma_wait3A_1126, %dma_wait3A_1127] : memref<4x200x128xf32, #tpu.memory_space<vmem>> -> memref<1x200x128xf32, #tpu.memory_space<vmem>>
    %dma_wait3A_1129 = tpu.memref_squeeze %dma_wait3A_1128 : memref<1x200x128xf32, #tpu.memory_space<vmem>> -> memref<200x128xf32, #tpu.memory_space<vmem>>
    %dma_wait3A_1130 = arith.constant 100 : i32
    %dma_wait3A_1131 = arith.constant 0 : i32
    %dma_wait3A_1132 = tpu.memref_slice %dma_wait3A_1129[%dma_wait3A_1130, %dma_wait3A_1131] : memref<200x128xf32, #tpu.memory_space<vmem>> -> memref<50x128xf32, #tpu.memory_space<vmem>>
    tpu.wait_dma2 semaphore(%arg14 : memref<!tpu.dma_semaphore, #tpu.memory_space<semaphore_mem>>) src(%dma_wait3A_1132 : memref<50x128xf32, #tpu.memory_space<vmem>>) dst(%dma_wait3A_1125 : memref<50x128xf32, #tpu.memory_space<hbm>>)
    %add3A_1133 = arith.constant 3 : i32
    %add3A_1134 = arith.addi %add3A_1057, %add3A_1133 : i32
    %dma_wait3A_1135 = arith.constant 3 : i32
    %dma_wait3A_1136 = arith.constant 0 : i32
    %dma_wait3A_1137 = arith.constant 0 : i32
    %dma_wait3A_1138 = tpu.memref_slice %arg6[%dma_wait3A_1135, %dma_wait3A_1136, %dma_wait3A_1137] : memref<4x200x128xf32, #tpu.memory_space<vmem>> -> memref<1x200x128xf32, #tpu.memory_space<vmem>>
    %dma_wait3A_1139 = tpu.memref_squeeze %dma_wait3A_1138 : memref<1x200x128xf32, #tpu.memory_space<vmem>> -> memref<200x128xf32, #tpu.memory_space<vmem>>
    %dma_wait3A_1140 = arith.constant 150 : i32
    %dma_wait3A_1141 = arith.constant 0 : i32
    %dma_wait3A_1142 = tpu.memref_slice %dma_wait3A_1139[%dma_wait3A_1140, %dma_wait3A_1141] : memref<200x128xf32, #tpu.memory_space<vmem>> -> memref<50x128xf32, #tpu.memory_space<vmem>>
    %dma_wait3A_1143 = arith.constant 0 : i32
    %dma_wait3A_1144 = arith.constant 0 : i32
    %dma_wait3A_1145 = tpu.memref_slice %arg4[%add3A_1134, %dma_wait3A_1143, %dma_wait3A_1144] : memref<16384x50x128xf32, #tpu.memory_space<hbm>> -> memref<1x50x128xf32, #tpu.memory_space<hbm>>
    %dma_wait3A_1146 = tpu.memref_squeeze %dma_wait3A_1145 : memref<1x50x128xf32, #tpu.memory_space<hbm>> -> memref<50x128xf32, #tpu.memory_space<hbm>>
    %dma_wait3A_1147 = arith.constant 0 : i32
    %dma_wait3A_1148 = arith.constant 0 : i32
    %dma_wait3A_1149 = tpu.memref_slice %arg4[%add3A_1134, %dma_wait3A_1147, %dma_wait3A_1148] : memref<16384x50x128xf32, #tpu.memory_space<hbm>> -> memref<1x50x128xf32, #tpu.memory_space<hbm>>
    %dma_wait3A_1150 = tpu.memref_squeeze %dma_wait3A_1149 : memref<1x50x128xf32, #tpu.memory_space<hbm>> -> memref<50x128xf32, #tpu.memory_space<hbm>>
    %dma_wait3A_1151 = arith.constant 0 : i32
    %dma_wait3A_1152 = arith.constant 0 : i32
    %dma_wait3A_1153 = tpu.memref_slice %arg6[%dma_wait3A_1135, %dma_wait3A_1151, %dma_wait3A_1152] : memref<4x200x128xf32, #tpu.memory_space<vmem>> -> memref<1x200x128xf32, #tpu.memory_space<vmem>>
    %dma_wait3A_1154 = tpu.memref_squeeze %dma_wait3A_1153 : memref<1x200x128xf32, #tpu.memory_space<vmem>> -> memref<200x128xf32, #tpu.memory_space<vmem>>
    %dma_wait3A_1155 = arith.constant 150 : i32
    %dma_wait3A_1156 = arith.constant 0 : i32
    %dma_wait3A_1157 = tpu.memref_slice %dma_wait3A_1154[%dma_wait3A_1155, %dma_wait3A_1156] : memref<200x128xf32, #tpu.memory_space<vmem>> -> memref<50x128xf32, #tpu.memory_space<vmem>>
    tpu.wait_dma2 semaphore(%arg14 : memref<!tpu.dma_semaphore, #tpu.memory_space<semaphore_mem>>) src(%dma_wait3A_1157 : memref<50x128xf32, #tpu.memory_space<vmem>>) dst(%dma_wait3A_1150 : memref<50x128xf32, #tpu.memory_space<hbm>>)
    %dma_start3A_1158 = arith.constant 3 : i32
    %dma_start3A_1159 = arith.constant 0 : i32
    %dma_start3A_1160 = arith.constant 0 : i32
    %dma_start3A_1161 = tpu.memref_slice %arg6[%dma_start3A_1158, %dma_start3A_1159, %dma_start3A_1160] : memref<4x200x128xf32, #tpu.memory_space<vmem>> -> memref<1x200x128xf32, #tpu.memory_space<vmem>>
    %dma_start3A_1162 = tpu.memref_squeeze %dma_start3A_1161 : memref<1x200x128xf32, #tpu.memory_space<vmem>> -> memref<200x128xf32, #tpu.memory_space<vmem>>
    %dma_start3A_1163 = arith.constant 25400 : i32
    %dma_start3A_1164 = tpu.memref_slice %arg5[%dma_start3A_1163] : memref<25600xi32, #tpu.memory_space<vmem>> -> memref<200xi32, #tpu.memory_space<vmem>>
    %dma_start3A_1165 = arith.constant 0 : i32
    %dma_start3A_1166 = arith.constant 0 : i32
    %dma_start3A_1167 = tpu.memref_slice %arg2[%dma_start3A_1165, %dma_start3A_1166] : memref<1000000x128xf32, #tpu.memory_space<hbm>> -> memref<1000000x128xf32, #tpu.memory_space<hbm>>
    tpu.enqueue_indirect_dma source(%dma_start3A_1167 : memref<1000000x128xf32, #tpu.memory_space<hbm>>) target(%dma_start3A_1162 : memref<200x128xf32, #tpu.memory_space<vmem>>) offsets(%dma_start3A_1164 : memref<200xi32, #tpu.memory_space<vmem>>) semaphore(%arg10 : memref<!tpu.dma_semaphore, #tpu.memory_space<semaphore_mem>>)
    %dma_wait3A_1168 = arith.constant 2 : i32
    %dma_wait3A_1169 = arith.constant 0 : i32
    %dma_wait3A_1170 = arith.constant 0 : i32
    %dma_wait3A_1171 = tpu.memref_slice %arg6[%dma_wait3A_1168, %dma_wait3A_1169, %dma_wait3A_1170] : memref<4x200x128xf32, #tpu.memory_space<vmem>> -> memref<1x200x128xf32, #tpu.memory_space<vmem>>
    %dma_wait3A_1172 = tpu.memref_squeeze %dma_wait3A_1171 : memref<1x200x128xf32, #tpu.memory_space<vmem>> -> memref<200x128xf32, #tpu.memory_space<vmem>>
    %dma_wait3A_1173 = arith.constant 25200 : i32
    %dma_wait3A_1174 = tpu.memref_slice %arg5[%dma_wait3A_1173] : memref<25600xi32, #tpu.memory_space<vmem>> -> memref<200xi32, #tpu.memory_space<vmem>>
    %dma_wait3A_1175 = arith.constant 0 : i32
    %dma_wait3A_1176 = arith.constant 0 : i32
    %dma_wait3A_1177 = tpu.memref_slice %arg2[%dma_wait3A_1175, %dma_wait3A_1176] : memref<1000000x128xf32, #tpu.memory_space<hbm>> -> memref<1000000x128xf32, #tpu.memory_space<hbm>>
    tpu.wait_indirect_dma semaphore(%arg9 : memref<!tpu.dma_semaphore, #tpu.memory_space<semaphore_mem>>) src(%dma_wait3A_1177 : memref<1000000x128xf32, #tpu.memory_space<hbm>>) dst(%dma_wait3A_1172 : memref<200x128xf32, #tpu.memory_space<vmem>>)
    %add3A_1178 = arith.constant 504 : i32
    %add3A_1179 = arith.addi %mul3A_4, %add3A_1178 : i32
    %add3A_1180 = arith.constant 0 : i32
    %add3A_1181 = arith.addi %add3A_1179, %add3A_1180 : i32
    %dma_start3A_1182 = arith.constant 2 : i32
    %dma_start3A_1183 = arith.constant 0 : i32
    %dma_start3A_1184 = arith.constant 0 : i32
    %dma_start3A_1185 = tpu.memref_slice %arg6[%dma_start3A_1182, %dma_start3A_1183, %dma_start3A_1184] : memref<4x200x128xf32, #tpu.memory_space<vmem>> -> memref<1x200x128xf32, #tpu.memory_space<vmem>>
    %dma_start3A_1186 = tpu.memref_squeeze %dma_start3A_1185 : memref<1x200x128xf32, #tpu.memory_space<vmem>> -> memref<200x128xf32, #tpu.memory_space<vmem>>
    %dma_start3A_1187 = arith.constant 0 : i32
    %dma_start3A_1188 = arith.constant 0 : i32
    %dma_start3A_1189 = tpu.memref_slice %dma_start3A_1186[%dma_start3A_1187, %dma_start3A_1188] : memref<200x128xf32, #tpu.memory_space<vmem>> -> memref<50x128xf32, #tpu.memory_space<vmem>>
    %dma_start3A_1190 = arith.constant 0 : i32
    %dma_start3A_1191 = arith.constant 0 : i32
    %dma_start3A_1192 = tpu.memref_slice %arg4[%add3A_1181, %dma_start3A_1190, %dma_start3A_1191] : memref<16384x50x128xf32, #tpu.memory_space<hbm>> -> memref<1x50x128xf32, #tpu.memory_space<hbm>>
    %dma_start3A_1193 = tpu.memref_squeeze %dma_start3A_1192 : memref<1x50x128xf32, #tpu.memory_space<hbm>> -> memref<50x128xf32, #tpu.memory_space<hbm>>
    %dma_start3A_1194 = arith.constant 0 : i32
    %dma_start3A_1195 = arith.constant 0 : i32
    %dma_start3A_1196 = tpu.memref_slice %arg4[%add3A_1181, %dma_start3A_1194, %dma_start3A_1195] : memref<16384x50x128xf32, #tpu.memory_space<hbm>> -> memref<1x50x128xf32, #tpu.memory_space<hbm>>
    %dma_start3A_1197 = tpu.memref_squeeze %dma_start3A_1196 : memref<1x50x128xf32, #tpu.memory_space<hbm>> -> memref<50x128xf32, #tpu.memory_space<hbm>>
    %dma_start3A_1198 = arith.constant 0 : i32
    %dma_start3A_1199 = arith.constant 0 : i32
    %dma_start3A_1200 = tpu.memref_slice %arg6[%dma_start3A_1182, %dma_start3A_1198, %dma_start3A_1199] : memref<4x200x128xf32, #tpu.memory_space<vmem>> -> memref<1x200x128xf32, #tpu.memory_space<vmem>>
    %dma_start3A_1201 = tpu.memref_squeeze %dma_start3A_1200 : memref<1x200x128xf32, #tpu.memory_space<vmem>> -> memref<200x128xf32, #tpu.memory_space<vmem>>
    %dma_start3A_1202 = arith.constant 0 : i32
    %dma_start3A_1203 = arith.constant 0 : i32
    %dma_start3A_1204 = tpu.memref_slice %dma_start3A_1201[%dma_start3A_1202, %dma_start3A_1203] : memref<200x128xf32, #tpu.memory_space<vmem>> -> memref<50x128xf32, #tpu.memory_space<vmem>>
    tpu.enqueue_dma source(%dma_start3A_1204 : memref<50x128xf32, #tpu.memory_space<vmem>>) target(%dma_start3A_1197 : memref<50x128xf32, #tpu.memory_space<hbm>>) target_semaphore(%arg13 : memref<!tpu.dma_semaphore, #tpu.memory_space<semaphore_mem>>)
    %add3A_1205 = arith.constant 1 : i32
    %add3A_1206 = arith.addi %add3A_1179, %add3A_1205 : i32
    %dma_start3A_1207 = arith.constant 2 : i32
    %dma_start3A_1208 = arith.constant 0 : i32
    %dma_start3A_1209 = arith.constant 0 : i32
    %dma_start3A_1210 = tpu.memref_slice %arg6[%dma_start3A_1207, %dma_start3A_1208, %dma_start3A_1209] : memref<4x200x128xf32, #tpu.memory_space<vmem>> -> memref<1x200x128xf32, #tpu.memory_space<vmem>>
    %dma_start3A_1211 = tpu.memref_squeeze %dma_start3A_1210 : memref<1x200x128xf32, #tpu.memory_space<vmem>> -> memref<200x128xf32, #tpu.memory_space<vmem>>
    %dma_start3A_1212 = arith.constant 50 : i32
    %dma_start3A_1213 = arith.constant 0 : i32
    %dma_start3A_1214 = tpu.memref_slice %dma_start3A_1211[%dma_start3A_1212, %dma_start3A_1213] : memref<200x128xf32, #tpu.memory_space<vmem>> -> memref<50x128xf32, #tpu.memory_space<vmem>>
    %dma_start3A_1215 = arith.constant 0 : i32
    %dma_start3A_1216 = arith.constant 0 : i32
    %dma_start3A_1217 = tpu.memref_slice %arg4[%add3A_1206, %dma_start3A_1215, %dma_start3A_1216] : memref<16384x50x128xf32, #tpu.memory_space<hbm>> -> memref<1x50x128xf32, #tpu.memory_space<hbm>>
    %dma_start3A_1218 = tpu.memref_squeeze %dma_start3A_1217 : memref<1x50x128xf32, #tpu.memory_space<hbm>> -> memref<50x128xf32, #tpu.memory_space<hbm>>
    %dma_start3A_1219 = arith.constant 0 : i32
    %dma_start3A_1220 = arith.constant 0 : i32
    %dma_start3A_1221 = tpu.memref_slice %arg4[%add3A_1206, %dma_start3A_1219, %dma_start3A_1220] : memref<16384x50x128xf32, #tpu.memory_space<hbm>> -> memref<1x50x128xf32, #tpu.memory_space<hbm>>
    %dma_start3A_1222 = tpu.memref_squeeze %dma_start3A_1221 : memref<1x50x128xf32, #tpu.memory_space<hbm>> -> memref<50x128xf32, #tpu.memory_space<hbm>>
    %dma_start3A_1223 = arith.constant 0 : i32
    %dma_start3A_1224 = arith.constant 0 : i32
    %dma_start3A_1225 = tpu.memref_slice %arg6[%dma_start3A_1207, %dma_start3A_1223, %dma_start3A_1224] : memref<4x200x128xf32, #tpu.memory_space<vmem>> -> memref<1x200x128xf32, #tpu.memory_space<vmem>>
    %dma_start3A_1226 = tpu.memref_squeeze %dma_start3A_1225 : memref<1x200x128xf32, #tpu.memory_space<vmem>> -> memref<200x128xf32, #tpu.memory_space<vmem>>
    %dma_start3A_1227 = arith.constant 50 : i32
    %dma_start3A_1228 = arith.constant 0 : i32
    %dma_start3A_1229 = tpu.memref_slice %dma_start3A_1226[%dma_start3A_1227, %dma_start3A_1228] : memref<200x128xf32, #tpu.memory_space<vmem>> -> memref<50x128xf32, #tpu.memory_space<vmem>>
    tpu.enqueue_dma source(%dma_start3A_1229 : memref<50x128xf32, #tpu.memory_space<vmem>>) target(%dma_start3A_1222 : memref<50x128xf32, #tpu.memory_space<hbm>>) target_semaphore(%arg13 : memref<!tpu.dma_semaphore, #tpu.memory_space<semaphore_mem>>)
    %add3A_1230 = arith.constant 2 : i32
    %add3A_1231 = arith.addi %add3A_1179, %add3A_1230 : i32
    %dma_start3A_1232 = arith.constant 2 : i32
    %dma_start3A_1233 = arith.constant 0 : i32
    %dma_start3A_1234 = arith.constant 0 : i32
    %dma_start3A_1235 = tpu.memref_slice %arg6[%dma_start3A_1232, %dma_start3A_1233, %dma_start3A_1234] : memref<4x200x128xf32, #tpu.memory_space<vmem>> -> memref<1x200x128xf32, #tpu.memory_space<vmem>>
    %dma_start3A_1236 = tpu.memref_squeeze %dma_start3A_1235 : memref<1x200x128xf32, #tpu.memory_space<vmem>> -> memref<200x128xf32, #tpu.memory_space<vmem>>
    %dma_start3A_1237 = arith.constant 100 : i32
    %dma_start3A_1238 = arith.constant 0 : i32
    %dma_start3A_1239 = tpu.memref_slice %dma_start3A_1236[%dma_start3A_1237, %dma_start3A_1238] : memref<200x128xf32, #tpu.memory_space<vmem>> -> memref<50x128xf32, #tpu.memory_space<vmem>>
    %dma_start3A_1240 = arith.constant 0 : i32
    %dma_start3A_1241 = arith.constant 0 : i32
    %dma_start3A_1242 = tpu.memref_slice %arg4[%add3A_1231, %dma_start3A_1240, %dma_start3A_1241] : memref<16384x50x128xf32, #tpu.memory_space<hbm>> -> memref<1x50x128xf32, #tpu.memory_space<hbm>>
    %dma_start3A_1243 = tpu.memref_squeeze %dma_start3A_1242 : memref<1x50x128xf32, #tpu.memory_space<hbm>> -> memref<50x128xf32, #tpu.memory_space<hbm>>
    %dma_start3A_1244 = arith.constant 0 : i32
    %dma_start3A_1245 = arith.constant 0 : i32
    %dma_start3A_1246 = tpu.memref_slice %arg4[%add3A_1231, %dma_start3A_1244, %dma_start3A_1245] : memref<16384x50x128xf32, #tpu.memory_space<hbm>> -> memref<1x50x128xf32, #tpu.memory_space<hbm>>
    %dma_start3A_1247 = tpu.memref_squeeze %dma_start3A_1246 : memref<1x50x128xf32, #tpu.memory_space<hbm>> -> memref<50x128xf32, #tpu.memory_space<hbm>>
    %dma_start3A_1248 = arith.constant 0 : i32
    %dma_start3A_1249 = arith.constant 0 : i32
    %dma_start3A_1250 = tpu.memref_slice %arg6[%dma_start3A_1232, %dma_start3A_1248, %dma_start3A_1249] : memref<4x200x128xf32, #tpu.memory_space<vmem>> -> memref<1x200x128xf32, #tpu.memory_space<vmem>>
    %dma_start3A_1251 = tpu.memref_squeeze %dma_start3A_1250 : memref<1x200x128xf32, #tpu.memory_space<vmem>> -> memref<200x128xf32, #tpu.memory_space<vmem>>
    %dma_start3A_1252 = arith.constant 100 : i32
    %dma_start3A_1253 = arith.constant 0 : i32
    %dma_start3A_1254 = tpu.memref_slice %dma_start3A_1251[%dma_start3A_1252, %dma_start3A_1253] : memref<200x128xf32, #tpu.memory_space<vmem>> -> memref<50x128xf32, #tpu.memory_space<vmem>>
    tpu.enqueue_dma source(%dma_start3A_1254 : memref<50x128xf32, #tpu.memory_space<vmem>>) target(%dma_start3A_1247 : memref<50x128xf32, #tpu.memory_space<hbm>>) target_semaphore(%arg13 : memref<!tpu.dma_semaphore, #tpu.memory_space<semaphore_mem>>)
    %add3A_1255 = arith.constant 3 : i32
    %add3A_1256 = arith.addi %add3A_1179, %add3A_1255 : i32
    %dma_start3A_1257 = arith.constant 2 : i32
    %dma_start3A_1258 = arith.constant 0 : i32
    %dma_start3A_1259 = arith.constant 0 : i32
    %dma_start3A_1260 = tpu.memref_slice %arg6[%dma_start3A_1257, %dma_start3A_1258, %dma_start3A_1259] : memref<4x200x128xf32, #tpu.memory_space<vmem>> -> memref<1x200x128xf32, #tpu.memory_space<vmem>>
    %dma_start3A_1261 = tpu.memref_squeeze %dma_start3A_1260 : memref<1x200x128xf32, #tpu.memory_space<vmem>> -> memref<200x128xf32, #tpu.memory_space<vmem>>
    %dma_start3A_1262 = arith.constant 150 : i32
    %dma_start3A_1263 = arith.constant 0 : i32
    %dma_start3A_1264 = tpu.memref_slice %dma_start3A_1261[%dma_start3A_1262, %dma_start3A_1263] : memref<200x128xf32, #tpu.memory_space<vmem>> -> memref<50x128xf32, #tpu.memory_space<vmem>>
    %dma_start3A_1265 = arith.constant 0 : i32
    %dma_start3A_1266 = arith.constant 0 : i32
    %dma_start3A_1267 = tpu.memref_slice %arg4[%add3A_1256, %dma_start3A_1265, %dma_start3A_1266] : memref<16384x50x128xf32, #tpu.memory_space<hbm>> -> memref<1x50x128xf32, #tpu.memory_space<hbm>>
    %dma_start3A_1268 = tpu.memref_squeeze %dma_start3A_1267 : memref<1x50x128xf32, #tpu.memory_space<hbm>> -> memref<50x128xf32, #tpu.memory_space<hbm>>
    %dma_start3A_1269 = arith.constant 0 : i32
    %dma_start3A_1270 = arith.constant 0 : i32
    %dma_start3A_1271 = tpu.memref_slice %arg4[%add3A_1256, %dma_start3A_1269, %dma_start3A_1270] : memref<16384x50x128xf32, #tpu.memory_space<hbm>> -> memref<1x50x128xf32, #tpu.memory_space<hbm>>
    %dma_start3A_1272 = tpu.memref_squeeze %dma_start3A_1271 : memref<1x50x128xf32, #tpu.memory_space<hbm>> -> memref<50x128xf32, #tpu.memory_space<hbm>>
    %dma_start3A_1273 = arith.constant 0 : i32
    %dma_start3A_1274 = arith.constant 0 : i32
    %dma_start3A_1275 = tpu.memref_slice %arg6[%dma_start3A_1257, %dma_start3A_1273, %dma_start3A_1274] : memref<4x200x128xf32, #tpu.memory_space<vmem>> -> memref<1x200x128xf32, #tpu.memory_space<vmem>>
    %dma_start3A_1276 = tpu.memref_squeeze %dma_start3A_1275 : memref<1x200x128xf32, #tpu.memory_space<vmem>> -> memref<200x128xf32, #tpu.memory_space<vmem>>
    %dma_start3A_1277 = arith.constant 150 : i32
    %dma_start3A_1278 = arith.constant 0 : i32
    %dma_start3A_1279 = tpu.memref_slice %dma_start3A_1276[%dma_start3A_1277, %dma_start3A_1278] : memref<200x128xf32, #tpu.memory_space<vmem>> -> memref<50x128xf32, #tpu.memory_space<vmem>>
    tpu.enqueue_dma source(%dma_start3A_1279 : memref<50x128xf32, #tpu.memory_space<vmem>>) target(%dma_start3A_1272 : memref<50x128xf32, #tpu.memory_space<hbm>>) target_semaphore(%arg13 : memref<!tpu.dma_semaphore, #tpu.memory_space<semaphore_mem>>)
    %dma_wait3A_1280 = arith.constant 3 : i32
    %dma_wait3A_1281 = arith.constant 0 : i32
    %dma_wait3A_1282 = arith.constant 0 : i32
    %dma_wait3A_1283 = tpu.memref_slice %arg6[%dma_wait3A_1280, %dma_wait3A_1281, %dma_wait3A_1282] : memref<4x200x128xf32, #tpu.memory_space<vmem>> -> memref<1x200x128xf32, #tpu.memory_space<vmem>>
    %dma_wait3A_1284 = tpu.memref_squeeze %dma_wait3A_1283 : memref<1x200x128xf32, #tpu.memory_space<vmem>> -> memref<200x128xf32, #tpu.memory_space<vmem>>
    %dma_wait3A_1285 = arith.constant 25400 : i32
    %dma_wait3A_1286 = tpu.memref_slice %arg5[%dma_wait3A_1285] : memref<25600xi32, #tpu.memory_space<vmem>> -> memref<200xi32, #tpu.memory_space<vmem>>
    %dma_wait3A_1287 = arith.constant 0 : i32
    %dma_wait3A_1288 = arith.constant 0 : i32
    %dma_wait3A_1289 = tpu.memref_slice %arg2[%dma_wait3A_1287, %dma_wait3A_1288] : memref<1000000x128xf32, #tpu.memory_space<hbm>> -> memref<1000000x128xf32, #tpu.memory_space<hbm>>
    tpu.wait_indirect_dma semaphore(%arg10 : memref<!tpu.dma_semaphore, #tpu.memory_space<semaphore_mem>>) src(%dma_wait3A_1289 : memref<1000000x128xf32, #tpu.memory_space<hbm>>) dst(%dma_wait3A_1284 : memref<200x128xf32, #tpu.memory_space<vmem>>)
    %add3A_1290 = arith.constant 508 : i32
    %add3A_1291 = arith.addi %mul3A_4, %add3A_1290 : i32
    %add3A_1292 = arith.constant 0 : i32
    %add3A_1293 = arith.addi %add3A_1291, %add3A_1292 : i32
    %dma_start3A_1294 = arith.constant 3 : i32
    %dma_start3A_1295 = arith.constant 0 : i32
    %dma_start3A_1296 = arith.constant 0 : i32
    %dma_start3A_1297 = tpu.memref_slice %arg6[%dma_start3A_1294, %dma_start3A_1295, %dma_start3A_1296] : memref<4x200x128xf32, #tpu.memory_space<vmem>> -> memref<1x200x128xf32, #tpu.memory_space<vmem>>
    %dma_start3A_1298 = tpu.memref_squeeze %dma_start3A_1297 : memref<1x200x128xf32, #tpu.memory_space<vmem>> -> memref<200x128xf32, #tpu.memory_space<vmem>>
    %dma_start3A_1299 = arith.constant 0 : i32
    %dma_start3A_1300 = arith.constant 0 : i32
    %dma_start3A_1301 = tpu.memref_slice %dma_start3A_1298[%dma_start3A_1299, %dma_start3A_1300] : memref<200x128xf32, #tpu.memory_space<vmem>> -> memref<50x128xf32, #tpu.memory_space<vmem>>
    %dma_start3A_1302 = arith.constant 0 : i32
    %dma_start3A_1303 = arith.constant 0 : i32
    %dma_start3A_1304 = tpu.memref_slice %arg4[%add3A_1293, %dma_start3A_1302, %dma_start3A_1303] : memref<16384x50x128xf32, #tpu.memory_space<hbm>> -> memref<1x50x128xf32, #tpu.memory_space<hbm>>
    %dma_start3A_1305 = tpu.memref_squeeze %dma_start3A_1304 : memref<1x50x128xf32, #tpu.memory_space<hbm>> -> memref<50x128xf32, #tpu.memory_space<hbm>>
    %dma_start3A_1306 = arith.constant 0 : i32
    %dma_start3A_1307 = arith.constant 0 : i32
    %dma_start3A_1308 = tpu.memref_slice %arg4[%add3A_1293, %dma_start3A_1306, %dma_start3A_1307] : memref<16384x50x128xf32, #tpu.memory_space<hbm>> -> memref<1x50x128xf32, #tpu.memory_space<hbm>>
    %dma_start3A_1309 = tpu.memref_squeeze %dma_start3A_1308 : memref<1x50x128xf32, #tpu.memory_space<hbm>> -> memref<50x128xf32, #tpu.memory_space<hbm>>
    %dma_start3A_1310 = arith.constant 0 : i32
    %dma_start3A_1311 = arith.constant 0 : i32
    %dma_start3A_1312 = tpu.memref_slice %arg6[%dma_start3A_1294, %dma_start3A_1310, %dma_start3A_1311] : memref<4x200x128xf32, #tpu.memory_space<vmem>> -> memref<1x200x128xf32, #tpu.memory_space<vmem>>
    %dma_start3A_1313 = tpu.memref_squeeze %dma_start3A_1312 : memref<1x200x128xf32, #tpu.memory_space<vmem>> -> memref<200x128xf32, #tpu.memory_space<vmem>>
    %dma_start3A_1314 = arith.constant 0 : i32
    %dma_start3A_1315 = arith.constant 0 : i32
    %dma_start3A_1316 = tpu.memref_slice %dma_start3A_1313[%dma_start3A_1314, %dma_start3A_1315] : memref<200x128xf32, #tpu.memory_space<vmem>> -> memref<50x128xf32, #tpu.memory_space<vmem>>
    tpu.enqueue_dma source(%dma_start3A_1316 : memref<50x128xf32, #tpu.memory_space<vmem>>) target(%dma_start3A_1309 : memref<50x128xf32, #tpu.memory_space<hbm>>) target_semaphore(%arg14 : memref<!tpu.dma_semaphore, #tpu.memory_space<semaphore_mem>>)
    %add3A_1317 = arith.constant 1 : i32
    %add3A_1318 = arith.addi %add3A_1291, %add3A_1317 : i32
    %dma_start3A_1319 = arith.constant 3 : i32
    %dma_start3A_1320 = arith.constant 0 : i32
    %dma_start3A_1321 = arith.constant 0 : i32
    %dma_start3A_1322 = tpu.memref_slice %arg6[%dma_start3A_1319, %dma_start3A_1320, %dma_start3A_1321] : memref<4x200x128xf32, #tpu.memory_space<vmem>> -> memref<1x200x128xf32, #tpu.memory_space<vmem>>
    %dma_start3A_1323 = tpu.memref_squeeze %dma_start3A_1322 : memref<1x200x128xf32, #tpu.memory_space<vmem>> -> memref<200x128xf32, #tpu.memory_space<vmem>>
    %dma_start3A_1324 = arith.constant 50 : i32
    %dma_start3A_1325 = arith.constant 0 : i32
    %dma_start3A_1326 = tpu.memref_slice %dma_start3A_1323[%dma_start3A_1324, %dma_start3A_1325] : memref<200x128xf32, #tpu.memory_space<vmem>> -> memref<50x128xf32, #tpu.memory_space<vmem>>
    %dma_start3A_1327 = arith.constant 0 : i32
    %dma_start3A_1328 = arith.constant 0 : i32
    %dma_start3A_1329 = tpu.memref_slice %arg4[%add3A_1318, %dma_start3A_1327, %dma_start3A_1328] : memref<16384x50x128xf32, #tpu.memory_space<hbm>> -> memref<1x50x128xf32, #tpu.memory_space<hbm>>
    %dma_start3A_1330 = tpu.memref_squeeze %dma_start3A_1329 : memref<1x50x128xf32, #tpu.memory_space<hbm>> -> memref<50x128xf32, #tpu.memory_space<hbm>>
    %dma_start3A_1331 = arith.constant 0 : i32
    %dma_start3A_1332 = arith.constant 0 : i32
    %dma_start3A_1333 = tpu.memref_slice %arg4[%add3A_1318, %dma_start3A_1331, %dma_start3A_1332] : memref<16384x50x128xf32, #tpu.memory_space<hbm>> -> memref<1x50x128xf32, #tpu.memory_space<hbm>>
    %dma_start3A_1334 = tpu.memref_squeeze %dma_start3A_1333 : memref<1x50x128xf32, #tpu.memory_space<hbm>> -> memref<50x128xf32, #tpu.memory_space<hbm>>
    %dma_start3A_1335 = arith.constant 0 : i32
    %dma_start3A_1336 = arith.constant 0 : i32
    %dma_start3A_1337 = tpu.memref_slice %arg6[%dma_start3A_1319, %dma_start3A_1335, %dma_start3A_1336] : memref<4x200x128xf32, #tpu.memory_space<vmem>> -> memref<1x200x128xf32, #tpu.memory_space<vmem>>
    %dma_start3A_1338 = tpu.memref_squeeze %dma_start3A_1337 : memref<1x200x128xf32, #tpu.memory_space<vmem>> -> memref<200x128xf32, #tpu.memory_space<vmem>>
    %dma_start3A_1339 = arith.constant 50 : i32
    %dma_start3A_1340 = arith.constant 0 : i32
    %dma_start3A_1341 = tpu.memref_slice %dma_start3A_1338[%dma_start3A_1339, %dma_start3A_1340] : memref<200x128xf32, #tpu.memory_space<vmem>> -> memref<50x128xf32, #tpu.memory_space<vmem>>
    tpu.enqueue_dma source(%dma_start3A_1341 : memref<50x128xf32, #tpu.memory_space<vmem>>) target(%dma_start3A_1334 : memref<50x128xf32, #tpu.memory_space<hbm>>) target_semaphore(%arg14 : memref<!tpu.dma_semaphore, #tpu.memory_space<semaphore_mem>>)
    %add3A_1342 = arith.constant 2 : i32
    %add3A_1343 = arith.addi %add3A_1291, %add3A_1342 : i32
    %dma_start3A_1344 = arith.constant 3 : i32
    %dma_start3A_1345 = arith.constant 0 : i32
    %dma_start3A_1346 = arith.constant 0 : i32
    %dma_start3A_1347 = tpu.memref_slice %arg6[%dma_start3A_1344, %dma_start3A_1345, %dma_start3A_1346] : memref<4x200x128xf32, #tpu.memory_space<vmem>> -> memref<1x200x128xf32, #tpu.memory_space<vmem>>
    %dma_start3A_1348 = tpu.memref_squeeze %dma_start3A_1347 : memref<1x200x128xf32, #tpu.memory_space<vmem>> -> memref<200x128xf32, #tpu.memory_space<vmem>>
    %dma_start3A_1349 = arith.constant 100 : i32
    %dma_start3A_1350 = arith.constant 0 : i32
    %dma_start3A_1351 = tpu.memref_slice %dma_start3A_1348[%dma_start3A_1349, %dma_start3A_1350] : memref<200x128xf32, #tpu.memory_space<vmem>> -> memref<50x128xf32, #tpu.memory_space<vmem>>
    %dma_start3A_1352 = arith.constant 0 : i32
    %dma_start3A_1353 = arith.constant 0 : i32
    %dma_start3A_1354 = tpu.memref_slice %arg4[%add3A_1343, %dma_start3A_1352, %dma_start3A_1353] : memref<16384x50x128xf32, #tpu.memory_space<hbm>> -> memref<1x50x128xf32, #tpu.memory_space<hbm>>
    %dma_start3A_1355 = tpu.memref_squeeze %dma_start3A_1354 : memref<1x50x128xf32, #tpu.memory_space<hbm>> -> memref<50x128xf32, #tpu.memory_space<hbm>>
    %dma_start3A_1356 = arith.constant 0 : i32
    %dma_start3A_1357 = arith.constant 0 : i32
    %dma_start3A_1358 = tpu.memref_slice %arg4[%add3A_1343, %dma_start3A_1356, %dma_start3A_1357] : memref<16384x50x128xf32, #tpu.memory_space<hbm>> -> memref<1x50x128xf32, #tpu.memory_space<hbm>>
    %dma_start3A_1359 = tpu.memref_squeeze %dma_start3A_1358 : memref<1x50x128xf32, #tpu.memory_space<hbm>> -> memref<50x128xf32, #tpu.memory_space<hbm>>
    %dma_start3A_1360 = arith.constant 0 : i32
    %dma_start3A_1361 = arith.constant 0 : i32
    %dma_start3A_1362 = tpu.memref_slice %arg6[%dma_start3A_1344, %dma_start3A_1360, %dma_start3A_1361] : memref<4x200x128xf32, #tpu.memory_space<vmem>> -> memref<1x200x128xf32, #tpu.memory_space<vmem>>
    %dma_start3A_1363 = tpu.memref_squeeze %dma_start3A_1362 : memref<1x200x128xf32, #tpu.memory_space<vmem>> -> memref<200x128xf32, #tpu.memory_space<vmem>>
    %dma_start3A_1364 = arith.constant 100 : i32
    %dma_start3A_1365 = arith.constant 0 : i32
    %dma_start3A_1366 = tpu.memref_slice %dma_start3A_1363[%dma_start3A_1364, %dma_start3A_1365] : memref<200x128xf32, #tpu.memory_space<vmem>> -> memref<50x128xf32, #tpu.memory_space<vmem>>
    tpu.enqueue_dma source(%dma_start3A_1366 : memref<50x128xf32, #tpu.memory_space<vmem>>) target(%dma_start3A_1359 : memref<50x128xf32, #tpu.memory_space<hbm>>) target_semaphore(%arg14 : memref<!tpu.dma_semaphore, #tpu.memory_space<semaphore_mem>>)
    %add3A_1367 = arith.constant 3 : i32
    %add3A_1368 = arith.addi %add3A_1291, %add3A_1367 : i32
    %dma_start3A_1369 = arith.constant 3 : i32
    %dma_start3A_1370 = arith.constant 0 : i32
    %dma_start3A_1371 = arith.constant 0 : i32
    %dma_start3A_1372 = tpu.memref_slice %arg6[%dma_start3A_1369, %dma_start3A_1370, %dma_start3A_1371] : memref<4x200x128xf32, #tpu.memory_space<vmem>> -> memref<1x200x128xf32, #tpu.memory_space<vmem>>
    %dma_start3A_1373 = tpu.memref_squeeze %dma_start3A_1372 : memref<1x200x128xf32, #tpu.memory_space<vmem>> -> memref<200x128xf32, #tpu.memory_space<vmem>>
    %dma_start3A_1374 = arith.constant 150 : i32
    %dma_start3A_1375 = arith.constant 0 : i32
    %dma_start3A_1376 = tpu.memref_slice %dma_start3A_1373[%dma_start3A_1374, %dma_start3A_1375] : memref<200x128xf32, #tpu.memory_space<vmem>> -> memref<50x128xf32, #tpu.memory_space<vmem>>
    %dma_start3A_1377 = arith.constant 0 : i32
    %dma_start3A_1378 = arith.constant 0 : i32
    %dma_start3A_1379 = tpu.memref_slice %arg4[%add3A_1368, %dma_start3A_1377, %dma_start3A_1378] : memref<16384x50x128xf32, #tpu.memory_space<hbm>> -> memref<1x50x128xf32, #tpu.memory_space<hbm>>
    %dma_start3A_1380 = tpu.memref_squeeze %dma_start3A_1379 : memref<1x50x128xf32, #tpu.memory_space<hbm>> -> memref<50x128xf32, #tpu.memory_space<hbm>>
    %dma_start3A_1381 = arith.constant 0 : i32
    %dma_start3A_1382 = arith.constant 0 : i32
    %dma_start3A_1383 = tpu.memref_slice %arg4[%add3A_1368, %dma_start3A_1381, %dma_start3A_1382] : memref<16384x50x128xf32, #tpu.memory_space<hbm>> -> memref<1x50x128xf32, #tpu.memory_space<hbm>>
    %dma_start3A_1384 = tpu.memref_squeeze %dma_start3A_1383 : memref<1x50x128xf32, #tpu.memory_space<hbm>> -> memref<50x128xf32, #tpu.memory_space<hbm>>
    %dma_start3A_1385 = arith.constant 0 : i32
    %dma_start3A_1386 = arith.constant 0 : i32
    %dma_start3A_1387 = tpu.memref_slice %arg6[%dma_start3A_1369, %dma_start3A_1385, %dma_start3A_1386] : memref<4x200x128xf32, #tpu.memory_space<vmem>> -> memref<1x200x128xf32, #tpu.memory_space<vmem>>
    %dma_start3A_1388 = tpu.memref_squeeze %dma_start3A_1387 : memref<1x200x128xf32, #tpu.memory_space<vmem>> -> memref<200x128xf32, #tpu.memory_space<vmem>>
    %dma_start3A_1389 = arith.constant 150 : i32
    %dma_start3A_1390 = arith.constant 0 : i32
    %dma_start3A_1391 = tpu.memref_slice %dma_start3A_1388[%dma_start3A_1389, %dma_start3A_1390] : memref<200x128xf32, #tpu.memory_space<vmem>> -> memref<50x128xf32, #tpu.memory_space<vmem>>
    tpu.enqueue_dma source(%dma_start3A_1391 : memref<50x128xf32, #tpu.memory_space<vmem>>) target(%dma_start3A_1384 : memref<50x128xf32, #tpu.memory_space<hbm>>) target_semaphore(%arg14 : memref<!tpu.dma_semaphore, #tpu.memory_space<semaphore_mem>>)
    %add3A_1392 = arith.constant 496 : i32
    %add3A_1393 = arith.addi %mul3A_4, %add3A_1392 : i32
    %add3A_1394 = arith.constant 0 : i32
    %add3A_1395 = arith.addi %add3A_1393, %add3A_1394 : i32
    %dma_wait3A_1396 = arith.constant 0 : i32
    %dma_wait3A_1397 = arith.constant 0 : i32
    %dma_wait3A_1398 = arith.constant 0 : i32
    %dma_wait3A_1399 = tpu.memref_slice %arg6[%dma_wait3A_1396, %dma_wait3A_1397, %dma_wait3A_1398] : memref<4x200x128xf32, #tpu.memory_space<vmem>> -> memref<1x200x128xf32, #tpu.memory_space<vmem>>
    %dma_wait3A_1400 = tpu.memref_squeeze %dma_wait3A_1399 : memref<1x200x128xf32, #tpu.memory_space<vmem>> -> memref<200x128xf32, #tpu.memory_space<vmem>>
    %dma_wait3A_1401 = arith.constant 0 : i32
    %dma_wait3A_1402 = arith.constant 0 : i32
    %dma_wait3A_1403 = tpu.memref_slice %dma_wait3A_1400[%dma_wait3A_1401, %dma_wait3A_1402] : memref<200x128xf32, #tpu.memory_space<vmem>> -> memref<50x128xf32, #tpu.memory_space<vmem>>
    %dma_wait3A_1404 = arith.constant 0 : i32
    %dma_wait3A_1405 = arith.constant 0 : i32
    %dma_wait3A_1406 = tpu.memref_slice %arg4[%add3A_1395, %dma_wait3A_1404, %dma_wait3A_1405] : memref<16384x50x128xf32, #tpu.memory_space<hbm>> -> memref<1x50x128xf32, #tpu.memory_space<hbm>>
    %dma_wait3A_1407 = tpu.memref_squeeze %dma_wait3A_1406 : memref<1x50x128xf32, #tpu.memory_space<hbm>> -> memref<50x128xf32, #tpu.memory_space<hbm>>
    %dma_wait3A_1408 = arith.constant 0 : i32
    %dma_wait3A_1409 = arith.constant 0 : i32
    %dma_wait3A_1410 = tpu.memref_slice %arg4[%add3A_1395, %dma_wait3A_1408, %dma_wait3A_1409] : memref<16384x50x128xf32, #tpu.memory_space<hbm>> -> memref<1x50x128xf32, #tpu.memory_space<hbm>>
    %dma_wait3A_1411 = tpu.memref_squeeze %dma_wait3A_1410 : memref<1x50x128xf32, #tpu.memory_space<hbm>> -> memref<50x128xf32, #tpu.memory_space<hbm>>
    %dma_wait3A_1412 = arith.constant 0 : i32
    %dma_wait3A_1413 = arith.constant 0 : i32
    %dma_wait3A_1414 = tpu.memref_slice %arg6[%dma_wait3A_1396, %dma_wait3A_1412, %dma_wait3A_1413] : memref<4x200x128xf32, #tpu.memory_space<vmem>> -> memref<1x200x128xf32, #tpu.memory_space<vmem>>
    %dma_wait3A_1415 = tpu.memref_squeeze %dma_wait3A_1414 : memref<1x200x128xf32, #tpu.memory_space<vmem>> -> memref<200x128xf32, #tpu.memory_space<vmem>>
    %dma_wait3A_1416 = arith.constant 0 : i32
    %dma_wait3A_1417 = arith.constant 0 : i32
    %dma_wait3A_1418 = tpu.memref_slice %dma_wait3A_1415[%dma_wait3A_1416, %dma_wait3A_1417] : memref<200x128xf32, #tpu.memory_space<vmem>> -> memref<50x128xf32, #tpu.memory_space<vmem>>
    tpu.wait_dma2 semaphore(%arg11 : memref<!tpu.dma_semaphore, #tpu.memory_space<semaphore_mem>>) src(%dma_wait3A_1418 : memref<50x128xf32, #tpu.memory_space<vmem>>) dst(%dma_wait3A_1411 : memref<50x128xf32, #tpu.memory_space<hbm>>)
    %add3A_1419 = arith.constant 1 : i32
    %add3A_1420 = arith.addi %add3A_1393, %add3A_1419 : i32
    %dma_wait3A_1421 = arith.constant 0 : i32
    %dma_wait3A_1422 = arith.constant 0 : i32
    %dma_wait3A_1423 = arith.constant 0 : i32
    %dma_wait3A_1424 = tpu.memref_slice %arg6[%dma_wait3A_1421, %dma_wait3A_1422, %dma_wait3A_1423] : memref<4x200x128xf32, #tpu.memory_space<vmem>> -> memref<1x200x128xf32, #tpu.memory_space<vmem>>
    %dma_wait3A_1425 = tpu.memref_squeeze %dma_wait3A_1424 : memref<1x200x128xf32, #tpu.memory_space<vmem>> -> memref<200x128xf32, #tpu.memory_space<vmem>>
    %dma_wait3A_1426 = arith.constant 50 : i32
    %dma_wait3A_1427 = arith.constant 0 : i32
    %dma_wait3A_1428 = tpu.memref_slice %dma_wait3A_1425[%dma_wait3A_1426, %dma_wait3A_1427] : memref<200x128xf32, #tpu.memory_space<vmem>> -> memref<50x128xf32, #tpu.memory_space<vmem>>
    %dma_wait3A_1429 = arith.constant 0 : i32
    %dma_wait3A_1430 = arith.constant 0 : i32
    %dma_wait3A_1431 = tpu.memref_slice %arg4[%add3A_1420, %dma_wait3A_1429, %dma_wait3A_1430] : memref<16384x50x128xf32, #tpu.memory_space<hbm>> -> memref<1x50x128xf32, #tpu.memory_space<hbm>>
    %dma_wait3A_1432 = tpu.memref_squeeze %dma_wait3A_1431 : memref<1x50x128xf32, #tpu.memory_space<hbm>> -> memref<50x128xf32, #tpu.memory_space<hbm>>
    %dma_wait3A_1433 = arith.constant 0 : i32
    %dma_wait3A_1434 = arith.constant 0 : i32
    %dma_wait3A_1435 = tpu.memref_slice %arg4[%add3A_1420, %dma_wait3A_1433, %dma_wait3A_1434] : memref<16384x50x128xf32, #tpu.memory_space<hbm>> -> memref<1x50x128xf32, #tpu.memory_space<hbm>>
    %dma_wait3A_1436 = tpu.memref_squeeze %dma_wait3A_1435 : memref<1x50x128xf32, #tpu.memory_space<hbm>> -> memref<50x128xf32, #tpu.memory_space<hbm>>
    %dma_wait3A_1437 = arith.constant 0 : i32
    %dma_wait3A_1438 = arith.constant 0 : i32
    %dma_wait3A_1439 = tpu.memref_slice %arg6[%dma_wait3A_1421, %dma_wait3A_1437, %dma_wait3A_1438] : memref<4x200x128xf32, #tpu.memory_space<vmem>> -> memref<1x200x128xf32, #tpu.memory_space<vmem>>
    %dma_wait3A_1440 = tpu.memref_squeeze %dma_wait3A_1439 : memref<1x200x128xf32, #tpu.memory_space<vmem>> -> memref<200x128xf32, #tpu.memory_space<vmem>>
    %dma_wait3A_1441 = arith.constant 50 : i32
    %dma_wait3A_1442 = arith.constant 0 : i32
    %dma_wait3A_1443 = tpu.memref_slice %dma_wait3A_1440[%dma_wait3A_1441, %dma_wait3A_1442] : memref<200x128xf32, #tpu.memory_space<vmem>> -> memref<50x128xf32, #tpu.memory_space<vmem>>
    tpu.wait_dma2 semaphore(%arg11 : memref<!tpu.dma_semaphore, #tpu.memory_space<semaphore_mem>>) src(%dma_wait3A_1443 : memref<50x128xf32, #tpu.memory_space<vmem>>) dst(%dma_wait3A_1436 : memref<50x128xf32, #tpu.memory_space<hbm>>)
    %add3A_1444 = arith.constant 2 : i32
    %add3A_1445 = arith.addi %add3A_1393, %add3A_1444 : i32
    %dma_wait3A_1446 = arith.constant 0 : i32
    %dma_wait3A_1447 = arith.constant 0 : i32
    %dma_wait3A_1448 = arith.constant 0 : i32
    %dma_wait3A_1449 = tpu.memref_slice %arg6[%dma_wait3A_1446, %dma_wait3A_1447, %dma_wait3A_1448] : memref<4x200x128xf32, #tpu.memory_space<vmem>> -> memref<1x200x128xf32, #tpu.memory_space<vmem>>
    %dma_wait3A_1450 = tpu.memref_squeeze %dma_wait3A_1449 : memref<1x200x128xf32, #tpu.memory_space<vmem>> -> memref<200x128xf32, #tpu.memory_space<vmem>>
    %dma_wait3A_1451 = arith.constant 100 : i32
    %dma_wait3A_1452 = arith.constant 0 : i32
    %dma_wait3A_1453 = tpu.memref_slice %dma_wait3A_1450[%dma_wait3A_1451, %dma_wait3A_1452] : memref<200x128xf32, #tpu.memory_space<vmem>> -> memref<50x128xf32, #tpu.memory_space<vmem>>
    %dma_wait3A_1454 = arith.constant 0 : i32
    %dma_wait3A_1455 = arith.constant 0 : i32
    %dma_wait3A_1456 = tpu.memref_slice %arg4[%add3A_1445, %dma_wait3A_1454, %dma_wait3A_1455] : memref<16384x50x128xf32, #tpu.memory_space<hbm>> -> memref<1x50x128xf32, #tpu.memory_space<hbm>>
    %dma_wait3A_1457 = tpu.memref_squeeze %dma_wait3A_1456 : memref<1x50x128xf32, #tpu.memory_space<hbm>> -> memref<50x128xf32, #tpu.memory_space<hbm>>
    %dma_wait3A_1458 = arith.constant 0 : i32
    %dma_wait3A_1459 = arith.constant 0 : i32
    %dma_wait3A_1460 = tpu.memref_slice %arg4[%add3A_1445, %dma_wait3A_1458, %dma_wait3A_1459] : memref<16384x50x128xf32, #tpu.memory_space<hbm>> -> memref<1x50x128xf32, #tpu.memory_space<hbm>>
    %dma_wait3A_1461 = tpu.memref_squeeze %dma_wait3A_1460 : memref<1x50x128xf32, #tpu.memory_space<hbm>> -> memref<50x128xf32, #tpu.memory_space<hbm>>
    %dma_wait3A_1462 = arith.constant 0 : i32
    %dma_wait3A_1463 = arith.constant 0 : i32
    %dma_wait3A_1464 = tpu.memref_slice %arg6[%dma_wait3A_1446, %dma_wait3A_1462, %dma_wait3A_1463] : memref<4x200x128xf32, #tpu.memory_space<vmem>> -> memref<1x200x128xf32, #tpu.memory_space<vmem>>
    %dma_wait3A_1465 = tpu.memref_squeeze %dma_wait3A_1464 : memref<1x200x128xf32, #tpu.memory_space<vmem>> -> memref<200x128xf32, #tpu.memory_space<vmem>>
    %dma_wait3A_1466 = arith.constant 100 : i32
    %dma_wait3A_1467 = arith.constant 0 : i32
    %dma_wait3A_1468 = tpu.memref_slice %dma_wait3A_1465[%dma_wait3A_1466, %dma_wait3A_1467] : memref<200x128xf32, #tpu.memory_space<vmem>> -> memref<50x128xf32, #tpu.memory_space<vmem>>
    tpu.wait_dma2 semaphore(%arg11 : memref<!tpu.dma_semaphore, #tpu.memory_space<semaphore_mem>>) src(%dma_wait3A_1468 : memref<50x128xf32, #tpu.memory_space<vmem>>) dst(%dma_wait3A_1461 : memref<50x128xf32, #tpu.memory_space<hbm>>)
    %add3A_1469 = arith.constant 3 : i32
    %add3A_1470 = arith.addi %add3A_1393, %add3A_1469 : i32
    %dma_wait3A_1471 = arith.constant 0 : i32
    %dma_wait3A_1472 = arith.constant 0 : i32
    %dma_wait3A_1473 = arith.constant 0 : i32
    %dma_wait3A_1474 = tpu.memref_slice %arg6[%dma_wait3A_1471, %dma_wait3A_1472, %dma_wait3A_1473] : memref<4x200x128xf32, #tpu.memory_space<vmem>> -> memref<1x200x128xf32, #tpu.memory_space<vmem>>
    %dma_wait3A_1475 = tpu.memref_squeeze %dma_wait3A_1474 : memref<1x200x128xf32, #tpu.memory_space<vmem>> -> memref<200x128xf32, #tpu.memory_space<vmem>>
    %dma_wait3A_1476 = arith.constant 150 : i32
    %dma_wait3A_1477 = arith.constant 0 : i32
    %dma_wait3A_1478 = tpu.memref_slice %dma_wait3A_1475[%dma_wait3A_1476, %dma_wait3A_1477] : memref<200x128xf32, #tpu.memory_space<vmem>> -> memref<50x128xf32, #tpu.memory_space<vmem>>
    %dma_wait3A_1479 = arith.constant 0 : i32
    %dma_wait3A_1480 = arith.constant 0 : i32
    %dma_wait3A_1481 = tpu.memref_slice %arg4[%add3A_1470, %dma_wait3A_1479, %dma_wait3A_1480] : memref<16384x50x128xf32, #tpu.memory_space<hbm>> -> memref<1x50x128xf32, #tpu.memory_space<hbm>>
    %dma_wait3A_1482 = tpu.memref_squeeze %dma_wait3A_1481 : memref<1x50x128xf32, #tpu.memory_space<hbm>> -> memref<50x128xf32, #tpu.memory_space<hbm>>
    %dma_wait3A_1483 = arith.constant 0 : i32
    %dma_wait3A_1484 = arith.constant 0 : i32
    %dma_wait3A_1485 = tpu.memref_slice %arg4[%add3A_1470, %dma_wait3A_1483, %dma_wait3A_1484] : memref<16384x50x128xf32, #tpu.memory_space<hbm>> -> memref<1x50x128xf32, #tpu.memory_space<hbm>>
    %dma_wait3A_1486 = tpu.memref_squeeze %dma_wait3A_1485 : memref<1x50x128xf32, #tpu.memory_space<hbm>> -> memref<50x128xf32, #tpu.memory_space<hbm>>
    %dma_wait3A_1487 = arith.constant 0 : i32
    %dma_wait3A_1488 = arith.constant 0 : i32
    %dma_wait3A_1489 = tpu.memref_slice %arg6[%dma_wait3A_1471, %dma_wait3A_1487, %dma_wait3A_1488] : memref<4x200x128xf32, #tpu.memory_space<vmem>> -> memref<1x200x128xf32, #tpu.memory_space<vmem>>
    %dma_wait3A_1490 = tpu.memref_squeeze %dma_wait3A_1489 : memref<1x200x128xf32, #tpu.memory_space<vmem>> -> memref<200x128xf32, #tpu.memory_space<vmem>>
    %dma_wait3A_1491 = arith.constant 150 : i32
    %dma_wait3A_1492 = arith.constant 0 : i32
    %dma_wait3A_1493 = tpu.memref_slice %dma_wait3A_1490[%dma_wait3A_1491, %dma_wait3A_1492] : memref<200x128xf32, #tpu.memory_space<vmem>> -> memref<50x128xf32, #tpu.memory_space<vmem>>
    tpu.wait_dma2 semaphore(%arg11 : memref<!tpu.dma_semaphore, #tpu.memory_space<semaphore_mem>>) src(%dma_wait3A_1493 : memref<50x128xf32, #tpu.memory_space<vmem>>) dst(%dma_wait3A_1486 : memref<50x128xf32, #tpu.memory_space<hbm>>)
    %add3A_1494 = arith.constant 500 : i32
    %add3A_1495 = arith.addi %mul3A_4, %add3A_1494 : i32
    %add3A_1496 = arith.constant 0 : i32
    %add3A_1497 = arith.addi %add3A_1495, %add3A_1496 : i32
    %dma_wait3A_1498 = arith.constant 1 : i32
    %dma_wait3A_1499 = arith.constant 0 : i32
    %dma_wait3A_1500 = arith.constant 0 : i32
    %dma_wait3A_1501 = tpu.memref_slice %arg6[%dma_wait3A_1498, %dma_wait3A_1499, %dma_wait3A_1500] : memref<4x200x128xf32, #tpu.memory_space<vmem>> -> memref<1x200x128xf32, #tpu.memory_space<vmem>>
    %dma_wait3A_1502 = tpu.memref_squeeze %dma_wait3A_1501 : memref<1x200x128xf32, #tpu.memory_space<vmem>> -> memref<200x128xf32, #tpu.memory_space<vmem>>
    %dma_wait3A_1503 = arith.constant 0 : i32
    %dma_wait3A_1504 = arith.constant 0 : i32
    %dma_wait3A_1505 = tpu.memref_slice %dma_wait3A_1502[%dma_wait3A_1503, %dma_wait3A_1504] : memref<200x128xf32, #tpu.memory_space<vmem>> -> memref<50x128xf32, #tpu.memory_space<vmem>>
    %dma_wait3A_1506 = arith.constant 0 : i32
    %dma_wait3A_1507 = arith.constant 0 : i32
    %dma_wait3A_1508 = tpu.memref_slice %arg4[%add3A_1497, %dma_wait3A_1506, %dma_wait3A_1507] : memref<16384x50x128xf32, #tpu.memory_space<hbm>> -> memref<1x50x128xf32, #tpu.memory_space<hbm>>
    %dma_wait3A_1509 = tpu.memref_squeeze %dma_wait3A_1508 : memref<1x50x128xf32, #tpu.memory_space<hbm>> -> memref<50x128xf32, #tpu.memory_space<hbm>>
    %dma_wait3A_1510 = arith.constant 0 : i32
    %dma_wait3A_1511 = arith.constant 0 : i32
    %dma_wait3A_1512 = tpu.memref_slice %arg4[%add3A_1497, %dma_wait3A_1510, %dma_wait3A_1511] : memref<16384x50x128xf32, #tpu.memory_space<hbm>> -> memref<1x50x128xf32, #tpu.memory_space<hbm>>
    %dma_wait3A_1513 = tpu.memref_squeeze %dma_wait3A_1512 : memref<1x50x128xf32, #tpu.memory_space<hbm>> -> memref<50x128xf32, #tpu.memory_space<hbm>>
    %dma_wait3A_1514 = arith.constant 0 : i32
    %dma_wait3A_1515 = arith.constant 0 : i32
    %dma_wait3A_1516 = tpu.memref_slice %arg6[%dma_wait3A_1498, %dma_wait3A_1514, %dma_wait3A_1515] : memref<4x200x128xf32, #tpu.memory_space<vmem>> -> memref<1x200x128xf32, #tpu.memory_space<vmem>>
    %dma_wait3A_1517 = tpu.memref_squeeze %dma_wait3A_1516 : memref<1x200x128xf32, #tpu.memory_space<vmem>> -> memref<200x128xf32, #tpu.memory_space<vmem>>
    %dma_wait3A_1518 = arith.constant 0 : i32
    %dma_wait3A_1519 = arith.constant 0 : i32
    %dma_wait3A_1520 = tpu.memref_slice %dma_wait3A_1517[%dma_wait3A_1518, %dma_wait3A_1519] : memref<200x128xf32, #tpu.memory_space<vmem>> -> memref<50x128xf32, #tpu.memory_space<vmem>>
    tpu.wait_dma2 semaphore(%arg12 : memref<!tpu.dma_semaphore, #tpu.memory_space<semaphore_mem>>) src(%dma_wait3A_1520 : memref<50x128xf32, #tpu.memory_space<vmem>>) dst(%dma_wait3A_1513 : memref<50x128xf32, #tpu.memory_space<hbm>>)
    %add3A_1521 = arith.constant 1 : i32
    %add3A_1522 = arith.addi %add3A_1495, %add3A_1521 : i32
    %dma_wait3A_1523 = arith.constant 1 : i32
    %dma_wait3A_1524 = arith.constant 0 : i32
    %dma_wait3A_1525 = arith.constant 0 : i32
    %dma_wait3A_1526 = tpu.memref_slice %arg6[%dma_wait3A_1523, %dma_wait3A_1524, %dma_wait3A_1525] : memref<4x200x128xf32, #tpu.memory_space<vmem>> -> memref<1x200x128xf32, #tpu.memory_space<vmem>>
    %dma_wait3A_1527 = tpu.memref_squeeze %dma_wait3A_1526 : memref<1x200x128xf32, #tpu.memory_space<vmem>> -> memref<200x128xf32, #tpu.memory_space<vmem>>
    %dma_wait3A_1528 = arith.constant 50 : i32
    %dma_wait3A_1529 = arith.constant 0 : i32
    %dma_wait3A_1530 = tpu.memref_slice %dma_wait3A_1527[%dma_wait3A_1528, %dma_wait3A_1529] : memref<200x128xf32, #tpu.memory_space<vmem>> -> memref<50x128xf32, #tpu.memory_space<vmem>>
    %dma_wait3A_1531 = arith.constant 0 : i32
    %dma_wait3A_1532 = arith.constant 0 : i32
    %dma_wait3A_1533 = tpu.memref_slice %arg4[%add3A_1522, %dma_wait3A_1531, %dma_wait3A_1532] : memref<16384x50x128xf32, #tpu.memory_space<hbm>> -> memref<1x50x128xf32, #tpu.memory_space<hbm>>
    %dma_wait3A_1534 = tpu.memref_squeeze %dma_wait3A_1533 : memref<1x50x128xf32, #tpu.memory_space<hbm>> -> memref<50x128xf32, #tpu.memory_space<hbm>>
    %dma_wait3A_1535 = arith.constant 0 : i32
    %dma_wait3A_1536 = arith.constant 0 : i32
    %dma_wait3A_1537 = tpu.memref_slice %arg4[%add3A_1522, %dma_wait3A_1535, %dma_wait3A_1536] : memref<16384x50x128xf32, #tpu.memory_space<hbm>> -> memref<1x50x128xf32, #tpu.memory_space<hbm>>
    %dma_wait3A_1538 = tpu.memref_squeeze %dma_wait3A_1537 : memref<1x50x128xf32, #tpu.memory_space<hbm>> -> memref<50x128xf32, #tpu.memory_space<hbm>>
    %dma_wait3A_1539 = arith.constant 0 : i32
    %dma_wait3A_1540 = arith.constant 0 : i32
    %dma_wait3A_1541 = tpu.memref_slice %arg6[%dma_wait3A_1523, %dma_wait3A_1539, %dma_wait3A_1540] : memref<4x200x128xf32, #tpu.memory_space<vmem>> -> memref<1x200x128xf32, #tpu.memory_space<vmem>>
    %dma_wait3A_1542 = tpu.memref_squeeze %dma_wait3A_1541 : memref<1x200x128xf32, #tpu.memory_space<vmem>> -> memref<200x128xf32, #tpu.memory_space<vmem>>
    %dma_wait3A_1543 = arith.constant 50 : i32
    %dma_wait3A_1544 = arith.constant 0 : i32
    %dma_wait3A_1545 = tpu.memref_slice %dma_wait3A_1542[%dma_wait3A_1543, %dma_wait3A_1544] : memref<200x128xf32, #tpu.memory_space<vmem>> -> memref<50x128xf32, #tpu.memory_space<vmem>>
    tpu.wait_dma2 semaphore(%arg12 : memref<!tpu.dma_semaphore, #tpu.memory_space<semaphore_mem>>) src(%dma_wait3A_1545 : memref<50x128xf32, #tpu.memory_space<vmem>>) dst(%dma_wait3A_1538 : memref<50x128xf32, #tpu.memory_space<hbm>>)
    %add3A_1546 = arith.constant 2 : i32
    %add3A_1547 = arith.addi %add3A_1495, %add3A_1546 : i32
    %dma_wait3A_1548 = arith.constant 1 : i32
    %dma_wait3A_1549 = arith.constant 0 : i32
    %dma_wait3A_1550 = arith.constant 0 : i32
    %dma_wait3A_1551 = tpu.memref_slice %arg6[%dma_wait3A_1548, %dma_wait3A_1549, %dma_wait3A_1550] : memref<4x200x128xf32, #tpu.memory_space<vmem>> -> memref<1x200x128xf32, #tpu.memory_space<vmem>>
    %dma_wait3A_1552 = tpu.memref_squeeze %dma_wait3A_1551 : memref<1x200x128xf32, #tpu.memory_space<vmem>> -> memref<200x128xf32, #tpu.memory_space<vmem>>
    %dma_wait3A_1553 = arith.constant 100 : i32
    %dma_wait3A_1554 = arith.constant 0 : i32
    %dma_wait3A_1555 = tpu.memref_slice %dma_wait3A_1552[%dma_wait3A_1553, %dma_wait3A_1554] : memref<200x128xf32, #tpu.memory_space<vmem>> -> memref<50x128xf32, #tpu.memory_space<vmem>>
    %dma_wait3A_1556 = arith.constant 0 : i32
    %dma_wait3A_1557 = arith.constant 0 : i32
    %dma_wait3A_1558 = tpu.memref_slice %arg4[%add3A_1547, %dma_wait3A_1556, %dma_wait3A_1557] : memref<16384x50x128xf32, #tpu.memory_space<hbm>> -> memref<1x50x128xf32, #tpu.memory_space<hbm>>
    %dma_wait3A_1559 = tpu.memref_squeeze %dma_wait3A_1558 : memref<1x50x128xf32, #tpu.memory_space<hbm>> -> memref<50x128xf32, #tpu.memory_space<hbm>>
    %dma_wait3A_1560 = arith.constant 0 : i32
    %dma_wait3A_1561 = arith.constant 0 : i32
    %dma_wait3A_1562 = tpu.memref_slice %arg4[%add3A_1547, %dma_wait3A_1560, %dma_wait3A_1561] : memref<16384x50x128xf32, #tpu.memory_space<hbm>> -> memref<1x50x128xf32, #tpu.memory_space<hbm>>
    %dma_wait3A_1563 = tpu.memref_squeeze %dma_wait3A_1562 : memref<1x50x128xf32, #tpu.memory_space<hbm>> -> memref<50x128xf32, #tpu.memory_space<hbm>>
    %dma_wait3A_1564 = arith.constant 0 : i32
    %dma_wait3A_1565 = arith.constant 0 : i32
    %dma_wait3A_1566 = tpu.memref_slice %arg6[%dma_wait3A_1548, %dma_wait3A_1564, %dma_wait3A_1565] : memref<4x200x128xf32, #tpu.memory_space<vmem>> -> memref<1x200x128xf32, #tpu.memory_space<vmem>>
    %dma_wait3A_1567 = tpu.memref_squeeze %dma_wait3A_1566 : memref<1x200x128xf32, #tpu.memory_space<vmem>> -> memref<200x128xf32, #tpu.memory_space<vmem>>
    %dma_wait3A_1568 = arith.constant 100 : i32
    %dma_wait3A_1569 = arith.constant 0 : i32
    %dma_wait3A_1570 = tpu.memref_slice %dma_wait3A_1567[%dma_wait3A_1568, %dma_wait3A_1569] : memref<200x128xf32, #tpu.memory_space<vmem>> -> memref<50x128xf32, #tpu.memory_space<vmem>>
    tpu.wait_dma2 semaphore(%arg12 : memref<!tpu.dma_semaphore, #tpu.memory_space<semaphore_mem>>) src(%dma_wait3A_1570 : memref<50x128xf32, #tpu.memory_space<vmem>>) dst(%dma_wait3A_1563 : memref<50x128xf32, #tpu.memory_space<hbm>>)
    %add3A_1571 = arith.constant 3 : i32
    %add3A_1572 = arith.addi %add3A_1495, %add3A_1571 : i32
    %dma_wait3A_1573 = arith.constant 1 : i32
    %dma_wait3A_1574 = arith.constant 0 : i32
    %dma_wait3A_1575 = arith.constant 0 : i32
    %dma_wait3A_1576 = tpu.memref_slice %arg6[%dma_wait3A_1573, %dma_wait3A_1574, %dma_wait3A_1575] : memref<4x200x128xf32, #tpu.memory_space<vmem>> -> memref<1x200x128xf32, #tpu.memory_space<vmem>>
    %dma_wait3A_1577 = tpu.memref_squeeze %dma_wait3A_1576 : memref<1x200x128xf32, #tpu.memory_space<vmem>> -> memref<200x128xf32, #tpu.memory_space<vmem>>
    %dma_wait3A_1578 = arith.constant 150 : i32
    %dma_wait3A_1579 = arith.constant 0 : i32
    %dma_wait3A_1580 = tpu.memref_slice %dma_wait3A_1577[%dma_wait3A_1578, %dma_wait3A_1579] : memref<200x128xf32, #tpu.memory_space<vmem>> -> memref<50x128xf32, #tpu.memory_space<vmem>>
    %dma_wait3A_1581 = arith.constant 0 : i32
    %dma_wait3A_1582 = arith.constant 0 : i32
    %dma_wait3A_1583 = tpu.memref_slice %arg4[%add3A_1572, %dma_wait3A_1581, %dma_wait3A_1582] : memref<16384x50x128xf32, #tpu.memory_space<hbm>> -> memref<1x50x128xf32, #tpu.memory_space<hbm>>
    %dma_wait3A_1584 = tpu.memref_squeeze %dma_wait3A_1583 : memref<1x50x128xf32, #tpu.memory_space<hbm>> -> memref<50x128xf32, #tpu.memory_space<hbm>>
    %dma_wait3A_1585 = arith.constant 0 : i32
    %dma_wait3A_1586 = arith.constant 0 : i32
    %dma_wait3A_1587 = tpu.memref_slice %arg4[%add3A_1572, %dma_wait3A_1585, %dma_wait3A_1586] : memref<16384x50x128xf32, #tpu.memory_space<hbm>> -> memref<1x50x128xf32, #tpu.memory_space<hbm>>
    %dma_wait3A_1588 = tpu.memref_squeeze %dma_wait3A_1587 : memref<1x50x128xf32, #tpu.memory_space<hbm>> -> memref<50x128xf32, #tpu.memory_space<hbm>>
    %dma_wait3A_1589 = arith.constant 0 : i32
    %dma_wait3A_1590 = arith.constant 0 : i32
    %dma_wait3A_1591 = tpu.memref_slice %arg6[%dma_wait3A_1573, %dma_wait3A_1589, %dma_wait3A_1590] : memref<4x200x128xf32, #tpu.memory_space<vmem>> -> memref<1x200x128xf32, #tpu.memory_space<vmem>>
    %dma_wait3A_1592 = tpu.memref_squeeze %dma_wait3A_1591 : memref<1x200x128xf32, #tpu.memory_space<vmem>> -> memref<200x128xf32, #tpu.memory_space<vmem>>
    %dma_wait3A_1593 = arith.constant 150 : i32
    %dma_wait3A_1594 = arith.constant 0 : i32
    %dma_wait3A_1595 = tpu.memref_slice %dma_wait3A_1592[%dma_wait3A_1593, %dma_wait3A_1594] : memref<200x128xf32, #tpu.memory_space<vmem>> -> memref<50x128xf32, #tpu.memory_space<vmem>>
    tpu.wait_dma2 semaphore(%arg12 : memref<!tpu.dma_semaphore, #tpu.memory_space<semaphore_mem>>) src(%dma_wait3A_1595 : memref<50x128xf32, #tpu.memory_space<vmem>>) dst(%dma_wait3A_1588 : memref<50x128xf32, #tpu.memory_space<hbm>>)
    %add3A_1596 = arith.constant 504 : i32
    %add3A_1597 = arith.addi %mul3A_4, %add3A_1596 : i32
    %add3A_1598 = arith.constant 0 : i32
    %add3A_1599 = arith.addi %add3A_1597, %add3A_1598 : i32
    %dma_wait3A_1600 = arith.constant 2 : i32
    %dma_wait3A_1601 = arith.constant 0 : i32
    %dma_wait3A_1602 = arith.constant 0 : i32
    %dma_wait3A_1603 = tpu.memref_slice %arg6[%dma_wait3A_1600, %dma_wait3A_1601, %dma_wait3A_1602] : memref<4x200x128xf32, #tpu.memory_space<vmem>> -> memref<1x200x128xf32, #tpu.memory_space<vmem>>
    %dma_wait3A_1604 = tpu.memref_squeeze %dma_wait3A_1603 : memref<1x200x128xf32, #tpu.memory_space<vmem>> -> memref<200x128xf32, #tpu.memory_space<vmem>>
    %dma_wait3A_1605 = arith.constant 0 : i32
    %dma_wait3A_1606 = arith.constant 0 : i32
    %dma_wait3A_1607 = tpu.memref_slice %dma_wait3A_1604[%dma_wait3A_1605, %dma_wait3A_1606] : memref<200x128xf32, #tpu.memory_space<vmem>> -> memref<50x128xf32, #tpu.memory_space<vmem>>
    %dma_wait3A_1608 = arith.constant 0 : i32
    %dma_wait3A_1609 = arith.constant 0 : i32
    %dma_wait3A_1610 = tpu.memref_slice %arg4[%add3A_1599, %dma_wait3A_1608, %dma_wait3A_1609] : memref<16384x50x128xf32, #tpu.memory_space<hbm>> -> memref<1x50x128xf32, #tpu.memory_space<hbm>>
    %dma_wait3A_1611 = tpu.memref_squeeze %dma_wait3A_1610 : memref<1x50x128xf32, #tpu.memory_space<hbm>> -> memref<50x128xf32, #tpu.memory_space<hbm>>
    %dma_wait3A_1612 = arith.constant 0 : i32
    %dma_wait3A_1613 = arith.constant 0 : i32
    %dma_wait3A_1614 = tpu.memref_slice %arg4[%add3A_1599, %dma_wait3A_1612, %dma_wait3A_1613] : memref<16384x50x128xf32, #tpu.memory_space<hbm>> -> memref<1x50x128xf32, #tpu.memory_space<hbm>>
    %dma_wait3A_1615 = tpu.memref_squeeze %dma_wait3A_1614 : memref<1x50x128xf32, #tpu.memory_space<hbm>> -> memref<50x128xf32, #tpu.memory_space<hbm>>
    %dma_wait3A_1616 = arith.constant 0 : i32
    %dma_wait3A_1617 = arith.constant 0 : i32
    %dma_wait3A_1618 = tpu.memref_slice %arg6[%dma_wait3A_1600, %dma_wait3A_1616, %dma_wait3A_1617] : memref<4x200x128xf32, #tpu.memory_space<vmem>> -> memref<1x200x128xf32, #tpu.memory_space<vmem>>
    %dma_wait3A_1619 = tpu.memref_squeeze %dma_wait3A_1618 : memref<1x200x128xf32, #tpu.memory_space<vmem>> -> memref<200x128xf32, #tpu.memory_space<vmem>>
    %dma_wait3A_1620 = arith.constant 0 : i32
    %dma_wait3A_1621 = arith.constant 0 : i32
    %dma_wait3A_1622 = tpu.memref_slice %dma_wait3A_1619[%dma_wait3A_1620, %dma_wait3A_1621] : memref<200x128xf32, #tpu.memory_space<vmem>> -> memref<50x128xf32, #tpu.memory_space<vmem>>
    tpu.wait_dma2 semaphore(%arg13 : memref<!tpu.dma_semaphore, #tpu.memory_space<semaphore_mem>>) src(%dma_wait3A_1622 : memref<50x128xf32, #tpu.memory_space<vmem>>) dst(%dma_wait3A_1615 : memref<50x128xf32, #tpu.memory_space<hbm>>)
    %add3A_1623 = arith.constant 1 : i32
    %add3A_1624 = arith.addi %add3A_1597, %add3A_1623 : i32
    %dma_wait3A_1625 = arith.constant 2 : i32
    %dma_wait3A_1626 = arith.constant 0 : i32
    %dma_wait3A_1627 = arith.constant 0 : i32
    %dma_wait3A_1628 = tpu.memref_slice %arg6[%dma_wait3A_1625, %dma_wait3A_1626, %dma_wait3A_1627] : memref<4x200x128xf32, #tpu.memory_space<vmem>> -> memref<1x200x128xf32, #tpu.memory_space<vmem>>
    %dma_wait3A_1629 = tpu.memref_squeeze %dma_wait3A_1628 : memref<1x200x128xf32, #tpu.memory_space<vmem>> -> memref<200x128xf32, #tpu.memory_space<vmem>>
    %dma_wait3A_1630 = arith.constant 50 : i32
    %dma_wait3A_1631 = arith.constant 0 : i32
    %dma_wait3A_1632 = tpu.memref_slice %dma_wait3A_1629[%dma_wait3A_1630, %dma_wait3A_1631] : memref<200x128xf32, #tpu.memory_space<vmem>> -> memref<50x128xf32, #tpu.memory_space<vmem>>
    %dma_wait3A_1633 = arith.constant 0 : i32
    %dma_wait3A_1634 = arith.constant 0 : i32
    %dma_wait3A_1635 = tpu.memref_slice %arg4[%add3A_1624, %dma_wait3A_1633, %dma_wait3A_1634] : memref<16384x50x128xf32, #tpu.memory_space<hbm>> -> memref<1x50x128xf32, #tpu.memory_space<hbm>>
    %dma_wait3A_1636 = tpu.memref_squeeze %dma_wait3A_1635 : memref<1x50x128xf32, #tpu.memory_space<hbm>> -> memref<50x128xf32, #tpu.memory_space<hbm>>
    %dma_wait3A_1637 = arith.constant 0 : i32
    %dma_wait3A_1638 = arith.constant 0 : i32
    %dma_wait3A_1639 = tpu.memref_slice %arg4[%add3A_1624, %dma_wait3A_1637, %dma_wait3A_1638] : memref<16384x50x128xf32, #tpu.memory_space<hbm>> -> memref<1x50x128xf32, #tpu.memory_space<hbm>>
    %dma_wait3A_1640 = tpu.memref_squeeze %dma_wait3A_1639 : memref<1x50x128xf32, #tpu.memory_space<hbm>> -> memref<50x128xf32, #tpu.memory_space<hbm>>
    %dma_wait3A_1641 = arith.constant 0 : i32
    %dma_wait3A_1642 = arith.constant 0 : i32
    %dma_wait3A_1643 = tpu.memref_slice %arg6[%dma_wait3A_1625, %dma_wait3A_1641, %dma_wait3A_1642] : memref<4x200x128xf32, #tpu.memory_space<vmem>> -> memref<1x200x128xf32, #tpu.memory_space<vmem>>
    %dma_wait3A_1644 = tpu.memref_squeeze %dma_wait3A_1643 : memref<1x200x128xf32, #tpu.memory_space<vmem>> -> memref<200x128xf32, #tpu.memory_space<vmem>>
    %dma_wait3A_1645 = arith.constant 50 : i32
    %dma_wait3A_1646 = arith.constant 0 : i32
    %dma_wait3A_1647 = tpu.memref_slice %dma_wait3A_1644[%dma_wait3A_1645, %dma_wait3A_1646] : memref<200x128xf32, #tpu.memory_space<vmem>> -> memref<50x128xf32, #tpu.memory_space<vmem>>
    tpu.wait_dma2 semaphore(%arg13 : memref<!tpu.dma_semaphore, #tpu.memory_space<semaphore_mem>>) src(%dma_wait3A_1647 : memref<50x128xf32, #tpu.memory_space<vmem>>) dst(%dma_wait3A_1640 : memref<50x128xf32, #tpu.memory_space<hbm>>)
    %add3A_1648 = arith.constant 2 : i32
    %add3A_1649 = arith.addi %add3A_1597, %add3A_1648 : i32
    %dma_wait3A_1650 = arith.constant 2 : i32
    %dma_wait3A_1651 = arith.constant 0 : i32
    %dma_wait3A_1652 = arith.constant 0 : i32
    %dma_wait3A_1653 = tpu.memref_slice %arg6[%dma_wait3A_1650, %dma_wait3A_1651, %dma_wait3A_1652] : memref<4x200x128xf32, #tpu.memory_space<vmem>> -> memref<1x200x128xf32, #tpu.memory_space<vmem>>
    %dma_wait3A_1654 = tpu.memref_squeeze %dma_wait3A_1653 : memref<1x200x128xf32, #tpu.memory_space<vmem>> -> memref<200x128xf32, #tpu.memory_space<vmem>>
    %dma_wait3A_1655 = arith.constant 100 : i32
    %dma_wait3A_1656 = arith.constant 0 : i32
    %dma_wait3A_1657 = tpu.memref_slice %dma_wait3A_1654[%dma_wait3A_1655, %dma_wait3A_1656] : memref<200x128xf32, #tpu.memory_space<vmem>> -> memref<50x128xf32, #tpu.memory_space<vmem>>
    %dma_wait3A_1658 = arith.constant 0 : i32
    %dma_wait3A_1659 = arith.constant 0 : i32
    %dma_wait3A_1660 = tpu.memref_slice %arg4[%add3A_1649, %dma_wait3A_1658, %dma_wait3A_1659] : memref<16384x50x128xf32, #tpu.memory_space<hbm>> -> memref<1x50x128xf32, #tpu.memory_space<hbm>>
    %dma_wait3A_1661 = tpu.memref_squeeze %dma_wait3A_1660 : memref<1x50x128xf32, #tpu.memory_space<hbm>> -> memref<50x128xf32, #tpu.memory_space<hbm>>
    %dma_wait3A_1662 = arith.constant 0 : i32
    %dma_wait3A_1663 = arith.constant 0 : i32
    %dma_wait3A_1664 = tpu.memref_slice %arg4[%add3A_1649, %dma_wait3A_1662, %dma_wait3A_1663] : memref<16384x50x128xf32, #tpu.memory_space<hbm>> -> memref<1x50x128xf32, #tpu.memory_space<hbm>>
    %dma_wait3A_1665 = tpu.memref_squeeze %dma_wait3A_1664 : memref<1x50x128xf32, #tpu.memory_space<hbm>> -> memref<50x128xf32, #tpu.memory_space<hbm>>
    %dma_wait3A_1666 = arith.constant 0 : i32
    %dma_wait3A_1667 = arith.constant 0 : i32
    %dma_wait3A_1668 = tpu.memref_slice %arg6[%dma_wait3A_1650, %dma_wait3A_1666, %dma_wait3A_1667] : memref<4x200x128xf32, #tpu.memory_space<vmem>> -> memref<1x200x128xf32, #tpu.memory_space<vmem>>
    %dma_wait3A_1669 = tpu.memref_squeeze %dma_wait3A_1668 : memref<1x200x128xf32, #tpu.memory_space<vmem>> -> memref<200x128xf32, #tpu.memory_space<vmem>>
    %dma_wait3A_1670 = arith.constant 100 : i32
    %dma_wait3A_1671 = arith.constant 0 : i32
    %dma_wait3A_1672 = tpu.memref_slice %dma_wait3A_1669[%dma_wait3A_1670, %dma_wait3A_1671] : memref<200x128xf32, #tpu.memory_space<vmem>> -> memref<50x128xf32, #tpu.memory_space<vmem>>
    tpu.wait_dma2 semaphore(%arg13 : memref<!tpu.dma_semaphore, #tpu.memory_space<semaphore_mem>>) src(%dma_wait3A_1672 : memref<50x128xf32, #tpu.memory_space<vmem>>) dst(%dma_wait3A_1665 : memref<50x128xf32, #tpu.memory_space<hbm>>)
    %add3A_1673 = arith.constant 3 : i32
    %add3A_1674 = arith.addi %add3A_1597, %add3A_1673 : i32
    %dma_wait3A_1675 = arith.constant 2 : i32
    %dma_wait3A_1676 = arith.constant 0 : i32
    %dma_wait3A_1677 = arith.constant 0 : i32
    %dma_wait3A_1678 = tpu.memref_slice %arg6[%dma_wait3A_1675, %dma_wait3A_1676, %dma_wait3A_1677] : memref<4x200x128xf32, #tpu.memory_space<vmem>> -> memref<1x200x128xf32, #tpu.memory_space<vmem>>
    %dma_wait3A_1679 = tpu.memref_squeeze %dma_wait3A_1678 : memref<1x200x128xf32, #tpu.memory_space<vmem>> -> memref<200x128xf32, #tpu.memory_space<vmem>>
    %dma_wait3A_1680 = arith.constant 150 : i32
    %dma_wait3A_1681 = arith.constant 0 : i32
    %dma_wait3A_1682 = tpu.memref_slice %dma_wait3A_1679[%dma_wait3A_1680, %dma_wait3A_1681] : memref<200x128xf32, #tpu.memory_space<vmem>> -> memref<50x128xf32, #tpu.memory_space<vmem>>
    %dma_wait3A_1683 = arith.constant 0 : i32
    %dma_wait3A_1684 = arith.constant 0 : i32
    %dma_wait3A_1685 = tpu.memref_slice %arg4[%add3A_1674, %dma_wait3A_1683, %dma_wait3A_1684] : memref<16384x50x128xf32, #tpu.memory_space<hbm>> -> memref<1x50x128xf32, #tpu.memory_space<hbm>>
    %dma_wait3A_1686 = tpu.memref_squeeze %dma_wait3A_1685 : memref<1x50x128xf32, #tpu.memory_space<hbm>> -> memref<50x128xf32, #tpu.memory_space<hbm>>
    %dma_wait3A_1687 = arith.constant 0 : i32
    %dma_wait3A_1688 = arith.constant 0 : i32
    %dma_wait3A_1689 = tpu.memref_slice %arg4[%add3A_1674, %dma_wait3A_1687, %dma_wait3A_1688] : memref<16384x50x128xf32, #tpu.memory_space<hbm>> -> memref<1x50x128xf32, #tpu.memory_space<hbm>>
    %dma_wait3A_1690 = tpu.memref_squeeze %dma_wait3A_1689 : memref<1x50x128xf32, #tpu.memory_space<hbm>> -> memref<50x128xf32, #tpu.memory_space<hbm>>
    %dma_wait3A_1691 = arith.constant 0 : i32
    %dma_wait3A_1692 = arith.constant 0 : i32
    %dma_wait3A_1693 = tpu.memref_slice %arg6[%dma_wait3A_1675, %dma_wait3A_1691, %dma_wait3A_1692] : memref<4x200x128xf32, #tpu.memory_space<vmem>> -> memref<1x200x128xf32, #tpu.memory_space<vmem>>
    %dma_wait3A_1694 = tpu.memref_squeeze %dma_wait3A_1693 : memref<1x200x128xf32, #tpu.memory_space<vmem>> -> memref<200x128xf32, #tpu.memory_space<vmem>>
    %dma_wait3A_1695 = arith.constant 150 : i32
    %dma_wait3A_1696 = arith.constant 0 : i32
    %dma_wait3A_1697 = tpu.memref_slice %dma_wait3A_1694[%dma_wait3A_1695, %dma_wait3A_1696] : memref<200x128xf32, #tpu.memory_space<vmem>> -> memref<50x128xf32, #tpu.memory_space<vmem>>
    tpu.wait_dma2 semaphore(%arg13 : memref<!tpu.dma_semaphore, #tpu.memory_space<semaphore_mem>>) src(%dma_wait3A_1697 : memref<50x128xf32, #tpu.memory_space<vmem>>) dst(%dma_wait3A_1690 : memref<50x128xf32, #tpu.memory_space<hbm>>)
    %add3A_1698 = arith.constant 508 : i32
    %add3A_1699 = arith.addi %mul3A_4, %add3A_1698 : i32
    %add3A_1700 = arith.constant 0 : i32
    %add3A_1701 = arith.addi %add3A_1699, %add3A_1700 : i32
    %dma_wait3A_1702 = arith.constant 3 : i32
    %dma_wait3A_1703 = arith.constant 0 : i32
    %dma_wait3A_1704 = arith.constant 0 : i32
    %dma_wait3A_1705 = tpu.memref_slice %arg6[%dma_wait3A_1702, %dma_wait3A_1703, %dma_wait3A_1704] : memref<4x200x128xf32, #tpu.memory_space<vmem>> -> memref<1x200x128xf32, #tpu.memory_space<vmem>>
    %dma_wait3A_1706 = tpu.memref_squeeze %dma_wait3A_1705 : memref<1x200x128xf32, #tpu.memory_space<vmem>> -> memref<200x128xf32, #tpu.memory_space<vmem>>
    %dma_wait3A_1707 = arith.constant 0 : i32
    %dma_wait3A_1708 = arith.constant 0 : i32
    %dma_wait3A_1709 = tpu.memref_slice %dma_wait3A_1706[%dma_wait3A_1707, %dma_wait3A_1708] : memref<200x128xf32, #tpu.memory_space<vmem>> -> memref<50x128xf32, #tpu.memory_space<vmem>>
    %dma_wait3A_1710 = arith.constant 0 : i32
    %dma_wait3A_1711 = arith.constant 0 : i32
    %dma_wait3A_1712 = tpu.memref_slice %arg4[%add3A_1701, %dma_wait3A_1710, %dma_wait3A_1711] : memref<16384x50x128xf32, #tpu.memory_space<hbm>> -> memref<1x50x128xf32, #tpu.memory_space<hbm>>
    %dma_wait3A_1713 = tpu.memref_squeeze %dma_wait3A_1712 : memref<1x50x128xf32, #tpu.memory_space<hbm>> -> memref<50x128xf32, #tpu.memory_space<hbm>>
    %dma_wait3A_1714 = arith.constant 0 : i32
    %dma_wait3A_1715 = arith.constant 0 : i32
    %dma_wait3A_1716 = tpu.memref_slice %arg4[%add3A_1701, %dma_wait3A_1714, %dma_wait3A_1715] : memref<16384x50x128xf32, #tpu.memory_space<hbm>> -> memref<1x50x128xf32, #tpu.memory_space<hbm>>
    %dma_wait3A_1717 = tpu.memref_squeeze %dma_wait3A_1716 : memref<1x50x128xf32, #tpu.memory_space<hbm>> -> memref<50x128xf32, #tpu.memory_space<hbm>>
    %dma_wait3A_1718 = arith.constant 0 : i32
    %dma_wait3A_1719 = arith.constant 0 : i32
    %dma_wait3A_1720 = tpu.memref_slice %arg6[%dma_wait3A_1702, %dma_wait3A_1718, %dma_wait3A_1719] : memref<4x200x128xf32, #tpu.memory_space<vmem>> -> memref<1x200x128xf32, #tpu.memory_space<vmem>>
    %dma_wait3A_1721 = tpu.memref_squeeze %dma_wait3A_1720 : memref<1x200x128xf32, #tpu.memory_space<vmem>> -> memref<200x128xf32, #tpu.memory_space<vmem>>
    %dma_wait3A_1722 = arith.constant 0 : i32
    %dma_wait3A_1723 = arith.constant 0 : i32
    %dma_wait3A_1724 = tpu.memref_slice %dma_wait3A_1721[%dma_wait3A_1722, %dma_wait3A_1723] : memref<200x128xf32, #tpu.memory_space<vmem>> -> memref<50x128xf32, #tpu.memory_space<vmem>>
    tpu.wait_dma2 semaphore(%arg14 : memref<!tpu.dma_semaphore, #tpu.memory_space<semaphore_mem>>) src(%dma_wait3A_1724 : memref<50x128xf32, #tpu.memory_space<vmem>>) dst(%dma_wait3A_1717 : memref<50x128xf32, #tpu.memory_space<hbm>>)
    %add3A_1725 = arith.constant 1 : i32
    %add3A_1726 = arith.addi %add3A_1699, %add3A_1725 : i32
    %dma_wait3A_1727 = arith.constant 3 : i32
    %dma_wait3A_1728 = arith.constant 0 : i32
    %dma_wait3A_1729 = arith.constant 0 : i32
    %dma_wait3A_1730 = tpu.memref_slice %arg6[%dma_wait3A_1727, %dma_wait3A_1728, %dma_wait3A_1729] : memref<4x200x128xf32, #tpu.memory_space<vmem>> -> memref<1x200x128xf32, #tpu.memory_space<vmem>>
    %dma_wait3A_1731 = tpu.memref_squeeze %dma_wait3A_1730 : memref<1x200x128xf32, #tpu.memory_space<vmem>> -> memref<200x128xf32, #tpu.memory_space<vmem>>
    %dma_wait3A_1732 = arith.constant 50 : i32
    %dma_wait3A_1733 = arith.constant 0 : i32
    %dma_wait3A_1734 = tpu.memref_slice %dma_wait3A_1731[%dma_wait3A_1732, %dma_wait3A_1733] : memref<200x128xf32, #tpu.memory_space<vmem>> -> memref<50x128xf32, #tpu.memory_space<vmem>>
    %dma_wait3A_1735 = arith.constant 0 : i32
    %dma_wait3A_1736 = arith.constant 0 : i32
    %dma_wait3A_1737 = tpu.memref_slice %arg4[%add3A_1726, %dma_wait3A_1735, %dma_wait3A_1736] : memref<16384x50x128xf32, #tpu.memory_space<hbm>> -> memref<1x50x128xf32, #tpu.memory_space<hbm>>
    %dma_wait3A_1738 = tpu.memref_squeeze %dma_wait3A_1737 : memref<1x50x128xf32, #tpu.memory_space<hbm>> -> memref<50x128xf32, #tpu.memory_space<hbm>>
    %dma_wait3A_1739 = arith.constant 0 : i32
    %dma_wait3A_1740 = arith.constant 0 : i32
    %dma_wait3A_1741 = tpu.memref_slice %arg4[%add3A_1726, %dma_wait3A_1739, %dma_wait3A_1740] : memref<16384x50x128xf32, #tpu.memory_space<hbm>> -> memref<1x50x128xf32, #tpu.memory_space<hbm>>
    %dma_wait3A_1742 = tpu.memref_squeeze %dma_wait3A_1741 : memref<1x50x128xf32, #tpu.memory_space<hbm>> -> memref<50x128xf32, #tpu.memory_space<hbm>>
    %dma_wait3A_1743 = arith.constant 0 : i32
    %dma_wait3A_1744 = arith.constant 0 : i32
    %dma_wait3A_1745 = tpu.memref_slice %arg6[%dma_wait3A_1727, %dma_wait3A_1743, %dma_wait3A_1744] : memref<4x200x128xf32, #tpu.memory_space<vmem>> -> memref<1x200x128xf32, #tpu.memory_space<vmem>>
    %dma_wait3A_1746 = tpu.memref_squeeze %dma_wait3A_1745 : memref<1x200x128xf32, #tpu.memory_space<vmem>> -> memref<200x128xf32, #tpu.memory_space<vmem>>
    %dma_wait3A_1747 = arith.constant 50 : i32
    %dma_wait3A_1748 = arith.constant 0 : i32
    %dma_wait3A_1749 = tpu.memref_slice %dma_wait3A_1746[%dma_wait3A_1747, %dma_wait3A_1748] : memref<200x128xf32, #tpu.memory_space<vmem>> -> memref<50x128xf32, #tpu.memory_space<vmem>>
    tpu.wait_dma2 semaphore(%arg14 : memref<!tpu.dma_semaphore, #tpu.memory_space<semaphore_mem>>) src(%dma_wait3A_1749 : memref<50x128xf32, #tpu.memory_space<vmem>>) dst(%dma_wait3A_1742 : memref<50x128xf32, #tpu.memory_space<hbm>>)
    %add3A_1750 = arith.constant 2 : i32
    %add3A_1751 = arith.addi %add3A_1699, %add3A_1750 : i32
    %dma_wait3A_1752 = arith.constant 3 : i32
    %dma_wait3A_1753 = arith.constant 0 : i32
    %dma_wait3A_1754 = arith.constant 0 : i32
    %dma_wait3A_1755 = tpu.memref_slice %arg6[%dma_wait3A_1752, %dma_wait3A_1753, %dma_wait3A_1754] : memref<4x200x128xf32, #tpu.memory_space<vmem>> -> memref<1x200x128xf32, #tpu.memory_space<vmem>>
    %dma_wait3A_1756 = tpu.memref_squeeze %dma_wait3A_1755 : memref<1x200x128xf32, #tpu.memory_space<vmem>> -> memref<200x128xf32, #tpu.memory_space<vmem>>
    %dma_wait3A_1757 = arith.constant 100 : i32
    %dma_wait3A_1758 = arith.constant 0 : i32
    %dma_wait3A_1759 = tpu.memref_slice %dma_wait3A_1756[%dma_wait3A_1757, %dma_wait3A_1758] : memref<200x128xf32, #tpu.memory_space<vmem>> -> memref<50x128xf32, #tpu.memory_space<vmem>>
    %dma_wait3A_1760 = arith.constant 0 : i32
    %dma_wait3A_1761 = arith.constant 0 : i32
    %dma_wait3A_1762 = tpu.memref_slice %arg4[%add3A_1751, %dma_wait3A_1760, %dma_wait3A_1761] : memref<16384x50x128xf32, #tpu.memory_space<hbm>> -> memref<1x50x128xf32, #tpu.memory_space<hbm>>
    %dma_wait3A_1763 = tpu.memref_squeeze %dma_wait3A_1762 : memref<1x50x128xf32, #tpu.memory_space<hbm>> -> memref<50x128xf32, #tpu.memory_space<hbm>>
    %dma_wait3A_1764 = arith.constant 0 : i32
    %dma_wait3A_1765 = arith.constant 0 : i32
    %dma_wait3A_1766 = tpu.memref_slice %arg4[%add3A_1751, %dma_wait3A_1764, %dma_wait3A_1765] : memref<16384x50x128xf32, #tpu.memory_space<hbm>> -> memref<1x50x128xf32, #tpu.memory_space<hbm>>
    %dma_wait3A_1767 = tpu.memref_squeeze %dma_wait3A_1766 : memref<1x50x128xf32, #tpu.memory_space<hbm>> -> memref<50x128xf32, #tpu.memory_space<hbm>>
    %dma_wait3A_1768 = arith.constant 0 : i32
    %dma_wait3A_1769 = arith.constant 0 : i32
    %dma_wait3A_1770 = tpu.memref_slice %arg6[%dma_wait3A_1752, %dma_wait3A_1768, %dma_wait3A_1769] : memref<4x200x128xf32, #tpu.memory_space<vmem>> -> memref<1x200x128xf32, #tpu.memory_space<vmem>>
    %dma_wait3A_1771 = tpu.memref_squeeze %dma_wait3A_1770 : memref<1x200x128xf32, #tpu.memory_space<vmem>> -> memref<200x128xf32, #tpu.memory_space<vmem>>
    %dma_wait3A_1772 = arith.constant 100 : i32
    %dma_wait3A_1773 = arith.constant 0 : i32
    %dma_wait3A_1774 = tpu.memref_slice %dma_wait3A_1771[%dma_wait3A_1772, %dma_wait3A_1773] : memref<200x128xf32, #tpu.memory_space<vmem>> -> memref<50x128xf32, #tpu.memory_space<vmem>>
    tpu.wait_dma2 semaphore(%arg14 : memref<!tpu.dma_semaphore, #tpu.memory_space<semaphore_mem>>) src(%dma_wait3A_1774 : memref<50x128xf32, #tpu.memory_space<vmem>>) dst(%dma_wait3A_1767 : memref<50x128xf32, #tpu.memory_space<hbm>>)
    %add3A_1775 = arith.constant 3 : i32
    %add3A_1776 = arith.addi %add3A_1699, %add3A_1775 : i32
    %dma_wait3A_1777 = arith.constant 3 : i32
    %dma_wait3A_1778 = arith.constant 0 : i32
    %dma_wait3A_1779 = arith.constant 0 : i32
    %dma_wait3A_1780 = tpu.memref_slice %arg6[%dma_wait3A_1777, %dma_wait3A_1778, %dma_wait3A_1779] : memref<4x200x128xf32, #tpu.memory_space<vmem>> -> memref<1x200x128xf32, #tpu.memory_space<vmem>>
    %dma_wait3A_1781 = tpu.memref_squeeze %dma_wait3A_1780 : memref<1x200x128xf32, #tpu.memory_space<vmem>> -> memref<200x128xf32, #tpu.memory_space<vmem>>
    %dma_wait3A_1782 = arith.constant 150 : i32
    %dma_wait3A_1783 = arith.constant 0 : i32
    %dma_wait3A_1784 = tpu.memref_slice %dma_wait3A_1781[%dma_wait3A_1782, %dma_wait3A_1783] : memref<200x128xf32, #tpu.memory_space<vmem>> -> memref<50x128xf32, #tpu.memory_space<vmem>>
    %dma_wait3A_1785 = arith.constant 0 : i32
    %dma_wait3A_1786 = arith.constant 0 : i32
    %dma_wait3A_1787 = tpu.memref_slice %arg4[%add3A_1776, %dma_wait3A_1785, %dma_wait3A_1786] : memref<16384x50x128xf32, #tpu.memory_space<hbm>> -> memref<1x50x128xf32, #tpu.memory_space<hbm>>
    %dma_wait3A_1788 = tpu.memref_squeeze %dma_wait3A_1787 : memref<1x50x128xf32, #tpu.memory_space<hbm>> -> memref<50x128xf32, #tpu.memory_space<hbm>>
    %dma_wait3A_1789 = arith.constant 0 : i32
    %dma_wait3A_1790 = arith.constant 0 : i32
    %dma_wait3A_1791 = tpu.memref_slice %arg4[%add3A_1776, %dma_wait3A_1789, %dma_wait3A_1790] : memref<16384x50x128xf32, #tpu.memory_space<hbm>> -> memref<1x50x128xf32, #tpu.memory_space<hbm>>
    %dma_wait3A_1792 = tpu.memref_squeeze %dma_wait3A_1791 : memref<1x50x128xf32, #tpu.memory_space<hbm>> -> memref<50x128xf32, #tpu.memory_space<hbm>>
    %dma_wait3A_1793 = arith.constant 0 : i32
    %dma_wait3A_1794 = arith.constant 0 : i32
    %dma_wait3A_1795 = tpu.memref_slice %arg6[%dma_wait3A_1777, %dma_wait3A_1793, %dma_wait3A_1794] : memref<4x200x128xf32, #tpu.memory_space<vmem>> -> memref<1x200x128xf32, #tpu.memory_space<vmem>>
    %dma_wait3A_1796 = tpu.memref_squeeze %dma_wait3A_1795 : memref<1x200x128xf32, #tpu.memory_space<vmem>> -> memref<200x128xf32, #tpu.memory_space<vmem>>
    %dma_wait3A_1797 = arith.constant 150 : i32
    %dma_wait3A_1798 = arith.constant 0 : i32
    %dma_wait3A_1799 = tpu.memref_slice %dma_wait3A_1796[%dma_wait3A_1797, %dma_wait3A_1798] : memref<200x128xf32, #tpu.memory_space<vmem>> -> memref<50x128xf32, #tpu.memory_space<vmem>>
    tpu.wait_dma2 semaphore(%arg14 : memref<!tpu.dma_semaphore, #tpu.memory_space<semaphore_mem>>) src(%dma_wait3A_1799 : memref<50x128xf32, #tpu.memory_space<vmem>>) dst(%dma_wait3A_1792 : memref<50x128xf32, #tpu.memory_space<hbm>>)
    return
  }
}

module attributes {stable_mosaic.version = 14 : i64} {
  func.func @_pad_body(%arg0: i32, %arg1: memref<64x16384xf32, #tpu.memory_space<vmem>>, %arg2: memref<16384x128xf32, #tpu.memory_space<vmem>>) attributes {dimension_semantics = [#tpu.dimension_semantics<arbitrary>], iteration_bounds = array<i64: 62>, scalar_prefetch = 0 : i64, scratch_operands = 0 : i64, tpu.core_type = #tpu.core_type<tc>, window_params = [{transform_indices = @transform_0, window_bounds = array<i64: 64, 16384>}, {transform_indices = @transform_1, window_bounds = array<i64: 16384, 128>}]} {
    %get3A = arith.constant 0 : index
    %get3A_0 = arith.constant 0 : index
    %get3A_1 = vector.load %arg1[%get3A, %get3A_0] : memref<64x16384xf32, #tpu.memory_space<vmem>>, vector<64x16384xf32>
    %transpose3A = tpu.transpose %get3A_1, [1, 0] : vector<64x16384xf32> -> vector<16384x64xf32>
    %swap3A = arith.constant 0 : index
    %swap3A_2 = arith.constant 0 : index
    %swap3A_3 = vector.load %arg2[%swap3A, %swap3A_2] : memref<16384x128xf32, #tpu.memory_space<vmem>>, vector<16384x64xf32>
    tpu.vector_store %arg2[%swap3A, %swap3A_2], %transpose3A {strides = array<i32>} : memref<16384x128xf32, #tpu.memory_space<vmem>>, vector<16384x64xf32>,
    return
  }
  func.func @transform_0(%arg0: i32) -> (i32, i32) {
    %c0_i32 = arith.constant 0 : i32
    %c0_i32_0 = arith.constant 0 : i32
    return %c0_i32, %arg0 : i32, i32
  }
  func.func @transform_1(%arg0: i32) -> (i32, i32) {
    %c0_i32 = arith.constant 0 : i32
    %c0_i32_0 = arith.constant 0 : i32
    return %arg0, %c0_i32 : i32, i32
  }
}

</mosaic_0001>

<sc_bundles>
// kernel: kernel.4.cloned.1.call-start
scs
__scs_entry_jumppad:
0x0: {  	(pc) =	sbr.rel $0x88, $3  }
0x1: {  	(tag) =	ssettag $0x0;
	lr =	simm.s32 $0x1  }
0x2: {  	[smem:$0x3F9F] =	sst lr;
	_ =	strace $0xD0000000  }
0x3: {  	_ = 	snop  }
0x4: {  	_ = 	snop  }
0x5: {  	_ = 	snop  }
0x6: {  	_ = 	snop  }
0x7: {  	_ = 	snop  }
__scs_overlays_trampoline_lowered:
0x8: {  	[smem:$0x3FAE] =	sst s0  }
0x9: {  	[smem:$0x3FAF] =	sst s1  }
0xa: {  	[smem:$0x3FB0] =	sst s2  }
0xb: {  	[smem:$0x3FB1] =	sst s3  }
0xc: {  	[smem:$0x3FB2] =	sst s4  }
0xd: {  	[smem:$0x3FB3] =	sst s5  }
0xe: {  	[smem:$0x3FB4] =	sst s6  }
0xf: {  	[smem:$0x3FB5] =	sst s7  }
0x10: {  	[smem:$0x3FB6] =	sst s8  }
0x11: {  	[smem:$0x3FB7] =	sst s9;
	s0 =	simm.s32 @!p0 $0x0  }
0x12: {  	s1 =	sld [smem:$0x3F9D];
	s0 =	simm.s32 @p0 $0x1  }
0x13: {  	[smem:$0x3FB8] =	sst s0;
	s0 =	simm.s32 @!p1 $0x0  }
0x14: {  	s2 =	sld [smem:$0x3F9C];
	s0 =	simm.s32 @p1 $0x1  }
0x15: {  	[smem:$0x3FB9] =	sst s0;
	s0 =	simm.s32 @!p2 $0x0  }
0x16: {  	s3 =	sld [smem:$0x3FDB];
	s0 =	simm.s32 @p2 $0x1  }
0x17: {  	s4 =	simm.s32 $0x1BF5;
	[smem:$0x3FBB] =	sst s0  }
0x18: {  	s0 =	sld [smem:$0x3F9E];
	_ =	swait.ge [sflag:s4], $0x0  }
0x19: {  	s7 =	sld [smem:$0x3F9F]  }
0x1a: {  	s8 =	sadd.s32 $0xFFFFE003, lr  }
0x1b: {  	s9 =	sadd.s32 $0xFFFFFEF7, lr;
	s5 =	simm.s32 $0xFFFFFFFF;
	p2 =	slt.u32 s8, $0xFFFFF086  }
0x1c: {  	p1 =	slt.u32 s9, $0xF7A;
	s5 =	simm.s32 @!p2 $0x0  }
0x1d: {  	s5 =	simm.s32 @p1 $0x1;
	p0 =	seq.s32 s7, s2  }
0x1e: {  	s7 =	smul.u32 @!p0 $0xF7A, s2;
	p2 =	seq.s32 @!p0 s5, $0x0  }
0x1f: {  	s9 =	smul.u32 $0xF7A, s1;
	s8 =	simm.s32 @!p0 $0x1BF5;
	p2 =	por !p2, p0  }
0x20: {  	[sflag:s8] =	ssyncset.s32 @!p0 $0xFFFFF086;
	s6 =	sadd.s32 @!p0 s3, s7;
	s7 =	simm.s32 @!p0 $0x108  }
0x21: {  	s3 =	sadd.s32 s3, s9;
	s6 =	sadd.s32 @!p0 $0x88, s6;
	s7 =	simm.s32 @p2 $0x1082  }
0x22: {  	[simem:s7], [sflag:s8] =	dma.local @!p0 [hbm:s6], $0xF7A  }
0x23: {  	s9 =	sor.u32 $0xD0000000, s2;
	s6 =	simm.s32 $0x108;
	_ =	swait.ge @!p0 [sflag:s8], $0x0  }
0x24: {  	s3 =	sadd.s32 $0x88, s3;
	s6 =	simm.s32 @!p1 $0x1082;
	[sflag:s4] =	ssyncset.s32 $0xFFFFF086  }
0x25: {  	[simem:s6], [sflag:s4] =	dma.local [hbm:s3], $0xF7A  }
0x26: {  	[smem:$0x3F9F] =	sst s1;
	(tag) =	ssettag s2;
	_ =	strace s9  }
0x27: {  	s1 =	sld [smem:$0x3FAF]  }
0x28: {  	s2 =	sld [smem:$0x3FB0]  }
0x29: {  	s4 =	sld [smem:$0x3FB2]  }
0x2a: {  	p0 =	seq.s32 s5, $0x0;
	s5 =	sld [smem:$0x3FB3]  }
0x2b: {  	s6 =	sld [smem:$0x3FB4]  }
0x2c: {  	s7 =	sld [smem:$0x3FB5]  }
0x2d: {  	s3 =	simm.s32 $0x108;
	s8 =	sld [smem:$0x3FB6]  }
0x2e: {  	s3 =	simm.s32 @!p0 $0x1082;
	s9 =	sld [smem:$0x3FB7]  }
0x2f: {  	lr =	sadd.s32 s0, s3;
	s0 =	sld [smem:$0x3FAE]  }
0x30: {  	s3 =	sld [smem:$0x3FB1]  }
0x31: {  	[smem:$0x3FBA] =	sst s10  }
0x32: {  	s10 =	sld [smem:$0x3FB8];
	_ =	sdelay $0x3  }
0x33: {  	p0 =	seq.s32 s10, $0x1;
	s10 =	sld [smem:$0x3FBA];
	_ =	sdelay $0x3  }
0x34: {  	[smem:$0x3FBA] =	sst s10  }
0x35: {  	s10 =	sld [smem:$0x3FB9];
	_ =	sdelay $0x3  }
0x36: {  	p1 =	seq.s32 s10, $0x1;
	s10 =	sld [smem:$0x3FBA];
	_ =	sdelay $0x3  }
0x37: {  	[smem:$0x3FBA] =	sst s10  }
0x38: {  	s10 =	sld [smem:$0x3FBB]  }
0x39: {  	_ = 	snop;
	(pc) =	sbr.ind lr, $3  }
0x3a: {  	_ = 	snop  }
0x3b: {  	_ = 	snop  }
0x3c: {  	p2 =	seq.s32 s10, $0x1;
	s10 =	sld [smem:$0x3FBA]  }
0x3d: {  	_ =	shalt  }
0x3e: {  	_ =	shalt  }
0x3f: {  	_ =	shalt  }
0x40: {  	_ =	shalt  }
0x41: {  	_ =	shalt  }
0x42: {  	_ =	shalt  }
0x43: {  	_ =	shalt  }
0x44: {  	_ =	shalt  }
0x45: {  	_ =	shalt  }
0x46: {  	_ =	shalt  }
0x47: {  	_ =	shalt  }
0x48: {  	_ =	shalt  }
0x49: {  	_ =	shalt  }
0x4a: {  	_ =	shalt  }
0x4b: {  	_ =	shalt  }
0x4c: {  	_ =	shalt  }
0x4d: {  	_ =	shalt  }
0x4e: {  	_ =	shalt  }
0x4f: {  	_ =	shalt  }
0x50: {  	_ =	shalt  }
0x51: {  	_ =	shalt  }
0x52: {  	_ =	shalt  }
0x53: {  	_ =	shalt  }
0x54: {  	_ =	shalt  }
0x55: {  	_ =	shalt  }
0x56: {  	_ =	shalt  }
0x57: {  	_ =	shalt  }
0x58: {  	_ =	shalt  }
0x59: {  	_ =	shalt  }
0x5a: {  	_ =	shalt  }
0x5b: {  	_ =	shalt  }
0x5c: {  	_ =	shalt  }
0x5d: {  	_ =	shalt  }
0x5e: {  	_ =	shalt  }
0x5f: {  	_ =	shalt  }
0x60: {  	_ =	shalt  }
0x61: {  	_ =	shalt  }
0x62: {  	_ =	shalt  }
0x63: {  	_ =	shalt  }
0x64: {  	_ =	shalt  }
0x65: {  	_ =	shalt  }
0x66: {  	_ =	shalt  }
0x67: {  	_ =	shalt  }
0x68: {  	_ =	shalt  }
0x69: {  	_ =	shalt  }
0x6a: {  	_ =	shalt  }
0x6b: {  	_ =	shalt  }
0x6c: {  	_ =	shalt  }
0x6d: {  	_ =	shalt  }
0x6e: {  	_ =	shalt  }
0x6f: {  	_ =	shalt  }
0x70: {  	_ =	shalt  }
0x71: {  	_ =	shalt  }
0x72: {  	_ =	shalt  }
0x73: {  	_ =	shalt  }
0x74: {  	_ =	shalt  }
0x75: {  	_ =	shalt  }
0x76: {  	_ =	shalt  }
0x77: {  	_ =	shalt  }
0x78: {  	_ =	shalt  }
0x79: {  	_ =	shalt  }
0x7a: {  	_ =	shalt  }
0x7b: {  	_ =	shalt  }
0x7c: {  	_ =	shalt  }
0x7d: {  	_ =	shalt  }
0x7e: {  	_ =	shalt  }
0x7f: {  	_ =	shalt  }
0x80: {  	_ =	shalt  }
0x81: {  	_ =	shalt  }
0x82: {  	_ =	shalt  }
0x83: {  	_ =	shalt  }
0x84: {  	_ =	shalt  }
0x85: {  	_ =	shalt  }
0x86: {  	_ =	shalt  }
0x87: {  	_ =	shalt  }
.Lfunc_end0:
.L_simem_size_0:
called_computation.1_lowered:
.L_overlay_start_0:
0x88: {  	s2 =	sld [smem:$0x3FD9]  }
0x89: {  	s3 =	sld [smem:$0x3FFE];
	_ =	sdelay $0x1  }
0x8a: {  	s1 =	srdreg.scid  }
0x8b: {  	s0 =	sand.u32 $0x1, s1  }
0x8c: {  	s17 =	sshll.u32 s0, $0xA;
	s2 =	sadd.s32 s3, s2  }
0x8d: {  	s2 =	sadd.s32 s2, s17  }
0x8e: {  	[smem:$0x3FC6] =	sst s2  }
0x8f: {  	_ = 	snop  }
0x90: {  	s2 =	sld [smem:$0x3FD0];
	(tm) =	ssettm $0x1  }
0x91: {  	s18 =	sld [smem:$0x3FFB];
	_ =	sdelay $0x3  }
0x92: {  	_ =	strace s18  }
0x93: {  	s3 =	sld [smem:$0x3FFC];
	_ =	sdelay $0x3  }
0x94: {  	_ =	strace s3  }
0x95: {  	s3 =	sld [smem:$0x3FFD];
	_ =	sdelay $0x3  }
0x96: {  	_ =	strace s3  }
0x97: {  	_ =	strace $0x8FFFFFFF  }
0x98: {  	s19 =	sld [smem:$0x3FDB];
	_ =	sdelay $0x1  }
0x99: {  	s4 =	simm.s32 $_scs_section_size  }
0x9a: {  	s5 =	simm.s32 $_size__tile_overlayer_lowered;
	s6 =	simm.s32 $_tile_overlayer_lowered  }
0x9b: {  	s22 =	simm.s32 $0x1BFF;
	s21 =	sshll.u32 s6, $0x1;
	s3 =	sadd.s32 s4, s19  }
0x9c: {  	s7 =	simm.s32 $0x0;
	s20 =	sshll.u32 s5, $0x1;
	s5 =	sadd.s32 s21, s3  }
0x9d: {  	[timem:s7], [sflag:s22] =	dma.local [hbm:s5], s20  }
0x9e: {  	_ =	swait.ge [sflag:s22], s20  }
0x9f: {  	s4 =	ssub.s32 $0x0, s20;
	[sflag:s22] =	ssyncset.done $0x0  }
0xa0: {  	[sflag:s22] =	ssyncadd.s32 s4;
	_ =	sdelay $0x1  }
0xa1: {  	s23 =	simm.s32 $0x1B8B  }
0xa2: {  	_ =	swait.ge [sflag:s23], $0x1  }
0xa3: {  	[sflag:s23] =	ssyncset.done $0x0  }
0xa4: {  	s25 =	simm.s32 $0x1B8E;
	s24 =	sld [smem:$0x3FFE];
	[sflag:s23] =	ssyncadd.s32 $0xFFFFFFFF  }
0xa5: {  	s26 =	simm.s32 $execute0_lowered;
	[smem:$0x3FD2] =	sst s25  }
0xa6: {  	s5 =	sshll.u32 s26, $0x1;
	_ =	strace $0x80000046;
	[dreg:$0x1] =	wrdreg $0xFFFFFFFF  }
0xa7: {  	s28 =	simm.s32 $_size_execute0_lowered;
	s3 =	sadd.s32 s3, s5;
	[dreg:$0x0] =	wrdreg $0x0  }
0xa8: {  	s5 =	sshll.u32 s28, $0x1;
	[dreg:$0x2] =	wrdreg s3  }
0xa9: {  	[dreg:$0x3] =	wrdreg s5  }
0xaa: {  	[dreg:$0x4] =	wrdreg $0xC0  }
0xab: {  	_ =	task [dreg:s7], $0x5FFFF  }
0xac: {  	[dreg:$0x1] =	wrdreg $0xFFFFFFFF  }
0xad: {  	[dreg:$0x0] =	wrdreg $0x60  }
0xae: {  	[dreg:$0x2] =	wrdreg s24  }
0xaf: {  	[dreg:$0x3] =	wrdreg s2  }
0xb0: {  	[dreg:$0x4] =	wrdreg $0x9  }
0xb1: {  	_ =	task.clear_ibuf [dreg:s7], $0x5FFFF;
	_ =	strace $0x90000046  }
0xb2: {  	s29 =	simm.s32 $0x9;
	_ =	strace $0x80000048  }
0xb3: {  	_ =	swait.ge [sflag:s29], $0x1  }
0xb4: {  	[sflag:s29] =	ssyncadd.s32 $0xFFFFFFFF  }
0xb5: {  	_ =	strace $0x90000048  }
0xb6: {  	_ =	sfence  }
0xb7: {  	s30 =	sld [smem:$0x0];
	_ =	sdelay $0x2  }
0xb8: {  	s31 =	sshll.u32 s1, $0xD;
	s1 =	sshrl.u32 s1, $0x2  }
0xb9: {  	s3 =	sand.u32 $0x4000, s31;
	s1 =	sadd.s32 s1, s30  }
0xba: {  	s0 =	sor.u32 s3, s0;
	s1 =	sshll.u32 s1, $0x11  }
0xbb: {  	s0 =	sor.u32 s1, s0  }
0xbc: {  	s0 =	sadd.s32 $0x8F2B, s0  }
0xbd: {  	[sflag:s0] =	ssyncadd.remote.s32 $0x1  }
0xbe: {  	_ =	sfence.sel $0xFFFF  }
0xbf: {  	[dreg:$0x0] =	wrdreg $0xFFFFFFFF;
	(pc) =	sbr.abs _section_cstart, $3  }
0xc0: {  	[dreg:$0x1] =	wrdreg $0xFFFFFFFF  }
0xc1: {  	_ =	task.clear_ibuf [dreg:s7], $0x2FFFF;
	_ =	strace $0x9FFFFFFF  }
0xc2: {  	(tm) =	ssettm $0x7FFFFFFF  }
0xc3: {  	_ =	shalt  }
tec
execute0_lowered:
.L_overlay_start_1:
0x0: {  	(tag) =	ssettag $0x1  }
0x1: {  	s1 =	srdreg.scid;
	s10 =	stileid.u32  }
0x2: {  	s0 =	rddreg [dreg:$0x0];
	s5 =	sand.u32 $0x1, s1;
	s11 =	sshll.u32 s10, $0x1  }
0x3: {  	s4 =	rddreg [dreg:$0x1];
	s2 =	simm.s32 $0x0;
	s6 =	sor.u32 s5, s11  }
0x4: {  	[smem:$0x7FF] =	sst s2;
	s8 =	ssub.s32 $0x2, s5;
	s7 =	smul.u32 $0xC80, s6  }
0x5: {  	s3 =	sadd.s32 $0x800, s0;
	s1 =	sadd.s32 $0xF42C00, s0;
	s12 =	sshrl.u32 s8, $0x1  }
0x6: {  	s9 =	smul.u32 $0x70000, s6;
	s0 =	ssub.s32 s8, s12;
	s4 =	sadd.s32 s4, s7  }
0x7: {  	_ =	strace $0x80000047;
	s0 =	smax.u32 s0, $0x1;
	[dreg:$0xd] =	wrdreg s4  }
0x8: {  	s6 =	smul.u32 $0x380000, s6;
	s11 =	sadd.s32 s1, s9;
	[smem:$0x7F1] =	sst s0  }
0x9: {  	s13 =	sadd.s32 $0x380, s11;
	[dreg:$0xe] =	wrdreg s11  }
0xa: {  	s14 =	sshrl.u32 s6, $0x3;
	s16 =	sadd.s32 $0x700, s11;
	[dreg:$0xf] =	wrdreg s13  }
0xb: {  	s4 =	sadd.s32 s1, s14;
	s18 =	sadd.s32 $0xA80, s11;
	[dreg:$0x10] =	wrdreg s16  }
0xc: {  	[dreg:$0x11] =	wrdreg s18;
	s19 =	sadd.s32 $0x6C800, s4  }
0xd: {  	s29 =	simm.s32 $0x5;
	s20 =	sadd.s32 $0x6CB80, s4;
	[dreg:$0x12] =	wrdreg s19  }
0xe: {  	s15 =	smul.u32 $0x700000, s10;
	s21 =	sadd.s32 $0x6CF00, s4;
	[dreg:$0x13] =	wrdreg s20  }
0xf: {  	s17 =	smul.u32 $0x380000, s5;
	s22 =	sadd.s32 $0x6D280, s4;
	[dreg:$0x14] =	wrdreg s21  }
0x10: {  	s30 =	simm.s32 $0x4;
	s23 =	sadd.s32 $0x6D600, s4;
	[dreg:$0x15] =	wrdreg s22  }
0x11: {  	s6 =	sadd.s32 s17, s15;
	s24 =	sadd.s32 $0x6D980, s4;
	[dreg:$0x16] =	wrdreg s23  }
0x12: {  	s15 =	smul.u32 $0xE0000, s10;
	s26 =	sadd.s32 $0x6DD00, s4;
	[dreg:$0x17] =	wrdreg s24  }
0x13: {  	s25 =	sor.u32 $0x28400, s6;
	s28 =	sadd.s32 $0x6E080, s4;
	[dreg:$0x18] =	wrdreg s26  }
0x14: {  	s12 =	sor.u32 $0x26800, s6;
	s9 =	sadd.s32 $0x6E400, s4;
	[dreg:$0x19] =	wrdreg s28  }
0x15: {  	s7 =	sshrl.u32 s25, $0x3;
	s25 =	sadd.s32 $0x6EB00, s4;
	[dreg:$0x1a] =	wrdreg s9  }
0x16: {  	s14 =	sor.u32 $0x24C00, s6;
	s10 =	sadd.s32 $0x6EE80, s4;
	[dreg:$0x1c] =	wrdreg s25  }
0x17: {  	s13 =	sshrl.u32 s12, $0x3;
	s12 =	sadd.s32 $0x6F200, s4;
	[dreg:$0x1d] =	wrdreg s10  }
0x18: {  	s8 =	sshrl.u32 s14, $0x3;
	s14 =	sadd.s32 $0x6F900, s4;
	[dreg:$0x1e] =	wrdreg s12  }
0x19: {  	s17 =	sadd.s32 s15, s1;
	s15 =	sadd.s32 $0x6FC80, s4;
	[smem:$0x7EF] =	sst s14  }
0x1a: {  	s31 =	simm.s32 $0x11300;
	s7 =	sadd.s32 s7, s1;
	[smem:$0x7F0] =	sst s15  }
0x1b: {  	s5 =	smul.u32 $0x70000, s5;
	s16 =	sadd.s32 s8, s1;
	[dreg:$0x3] =	wrdreg s7  }
0x1c: {  	s0 =	simm.s32 $0x0;
	s19 =	sadd.s32 $0x6E780, s4;
	[dreg:$0x5] =	wrdreg s16  }
0x1d: {  	s18 =	sor.u32 $0x21400, s6;
	s5 =	sadd.s32 s5, s17;
	[dreg:$0x1b] =	wrdreg s19  }
0x1e: {  	s20 =	sshrl.u32 s18, $0x3;
	s17 =	sadd.s32 $0x1180, s11;
	[dreg:$0x6] =	wrdreg s5  }
0x1f: {  	s22 =	sor.u32 $0x36400, s6;
	s18 =	sadd.s32 $0x1500, s11;
	[smem:$0x7F3] =	sst s17  }
0x20: {  	s24 =	sor.u32 $0x34800, s6;
	s25 =	sadd.s32 $0x2D80, s11;
	[smem:$0x7F4] =	sst s18  }
0x21: {  	s28 =	sor.u32 $0x32C00, s6;
	s7 =	sadd.s32 s13, s1;
	[smem:$0x7FB] =	sst s25  }
0x22: {  	s8 =	sor.u32 $0x2F400, s6;
	s21 =	sadd.s32 s20, s1;
	[dreg:$0x4] =	wrdreg s7  }
0x23: {  	s6 =	sor.u32 $0x2D800, s6;
	s13 =	sadd.s32 $0x6F580, s4;
	[dreg:$0x7] =	wrdreg s21  }
0x24: {  	s12 =	simm.s32 $0x6400;
	s16 =	sadd.s32 $0xE00, s11;
	[dreg:$0x1f] =	wrdreg s13  }
0x25: {  	s14 =	simm.s32 $0x1;
	s19 =	sadd.s32 $0x1880, s11;
	[smem:$0x7F2] =	sst s16  }
0x26: {  	s23 =	sshrl.u32 s22, $0x3;
	s20 =	sadd.s32 $0x1C00, s11;
	[smem:$0x7F5] =	sst s19  }
0x27: {  	s6 =	sshrl.u32 s6, $0x3;
	s22 =	sadd.s32 $0x2300, s11;
	[smem:$0x7F6] =	sst s20  }
0x28: {  	s18 =	simm.s32 $0x12C00;
	s5 =	sadd.s32 s23, s1;
	[smem:$0x7F8] =	sst s22  }
0x29: {  	s4 =	simm.s32 $0x6;
	s21 =	sadd.s32 $0x1F80, s11;
	[dreg:$0x8] =	wrdreg s5  }
0x2a: {  	s7 =	sshrl.u32 s24, $0x3;
	s23 =	sadd.s32 $0x2680, s11;
	[smem:$0x7F7] =	sst s21  }
0x2b: {  	s24 =	sadd.s32 $0x2A00, s11;
	s13 =	simm.s32 $0xC800;
	[smem:$0x7F9] =	sst s23  }
0x2c: {  	s19 =	simm.s32 $0x2;
	s26 =	sadd.s32 s7, s1;
	[smem:$0x7FA] =	sst s24  }
0x2d: {  	s7 =	sshrl.u32 s28, $0x3;
	s28 =	sadd.s32 $0x3480, s11;
	[dreg:$0x9] =	wrdreg s26  }
0x2e: {  	s23 =	simm.s32 $0x19000;
	s5 =	sadd.s32 s7, s1;
	[smem:$0x7FD] =	sst s28  }
0x2f: {  	s7 =	sshrl.u32 s8, $0x3;
	s26 =	sadd.s32 $0x3100, s11;
	[dreg:$0xa] =	wrdreg s5  }
0x30: {  	s24 =	simm.s32 $0x3;
	s9 =	sadd.s32 s7, s1;
	[smem:$0x7FC] =	sst s26  }
0x31: {  	s11 =	simm.s32 $0xC8;
	s1 =	sadd.s32 s6, s1;
	[dreg:$0xb] =	wrdreg s9  }
0x32: {  	s6 =	simm.s32 $0x7;
	s7 =	simm.s32 $0x8;
	[dreg:$0xc] =	wrdreg s1  }
.LBB2_1:
0x33: {  	[smem:$0x7EE] =	sst s0  }
0x34: {  	s5 =	rddreg [dreg:$0xd];
	s21 =	simm.s32 $0x9  }
0x35: {  	[tilespmem:s2], [sflag:$0x9] =	stream.linear.gather [hbm4b:s5+s2], $0x6400, $0x38;
	[tilespmem:$0x1F400] =	vst v63  }
0x36: {  	_ =	swait.ge [sflag:s21], $0x6400  }
0x37: {  	[sflag:s21] =	ssyncset.done $0x0  }
0x38: {  	[sflag:s21] =	ssyncadd.s32 $0xFFFF9C00  }
0x39: {  	[tilespmem:s12], [sflag:$0x1] =	stream.indirect.gather [hbm4b:s3+s11], $0x80, s2, s11, $0xb8;
	[tilespmem:$0x1F400] =	vst v63  }
0x3a: {  	_ = 	snop  }
0x3b: {  	[tilespmem:s13], [sflag:$0x2] =	stream.indirect.gather [hbm4b:s3+s11], $0x80, s11, s11, $0xb8;
	[tilespmem:$0x1F400] =	vst v63  }
0x3c: {  	_ =	swait.ge [sflag:s14], $0x6400  }
0x3d: {  	[sflag:s14] =	ssyncset.done $0x0  }
0x3e: {  	s22 =	rddreg [dreg:$0xe];
	[sflag:s14] =	ssyncadd.s32 $0xFFFF9C00  }
0x3f: {  	[hbm4b:s22+s2] =	stream.linear.scatter [tilespmem:s12], [sflag:$0x5], $0x1900, $0x38;
	[tilespmem:$0x1F400] =	vst v63  }
0x40: {  	s10 =	simm.s32 $0x7D00;
	s25 =	rddreg [dreg:$0xf]  }
0x41: {  	[hbm4b:s25+s2] =	stream.linear.scatter [tilespmem:s10], [sflag:$0x5], $0x1900, $0x38;
	[tilespmem:$0x1F400] =	vst v63  }
0x42: {  	s15 =	simm.s32 $0x9600;
	s26 =	rddreg [dreg:$0x10]  }
0x43: {  	[hbm4b:s26+s2] =	stream.linear.scatter [tilespmem:s15], [sflag:$0x5], $0x1900, $0x38;
	[tilespmem:$0x1F400] =	vst v63  }
0x44: {  	s16 =	simm.s32 $0xAF00;
	s28 =	rddreg [dreg:$0x11]  }
0x45: {  	[hbm4b:s28+s2] =	stream.linear.scatter [tilespmem:s16], [sflag:$0x5], $0x1900, $0x38;
	[tilespmem:$0x1F400] =	vst v63  }
0x46: {  	s0 =	simm.s32 $0x190  }
0x47: {  	[tilespmem:s18], [sflag:$0x3] =	stream.indirect.gather [hbm4b:s3+s11], $0x80, s0, s11, $0xb8;
	[tilespmem:$0x1F400] =	vst v63  }
0x48: {  	_ =	swait.ge [sflag:s19], $0x6400  }
0x49: {  	s1 =	sld [smem:$0x7F2]  }
0x4a: {  	[sflag:s19] =	ssyncset.done $0x0  }
0x4b: {  	s8 =	sld [smem:$0x7F3];
	[sflag:s19] =	ssyncadd.s32 $0xFFFF9C00  }
0x4c: {  	[hbm4b:s1+s2] =	stream.linear.scatter [tilespmem:s13], [sflag:$0x6], $0x1900, $0x38;
	[tilespmem:$0x1F400] =	vst v63  }
0x4d: {  	s17 =	simm.s32 $0xE100;
	s9 =	sld [smem:$0x7F4]  }
0x4e: {  	[hbm4b:s8+s2] =	stream.linear.scatter [tilespmem:s17], [sflag:$0x6], $0x1900, $0x38;
	[tilespmem:$0x1F400] =	vst v63  }
0x4f: {  	s20 =	simm.s32 $0xFA00;
	s21 =	sld [smem:$0x7F5]  }
0x50: {  	[hbm4b:s9+s2] =	stream.linear.scatter [tilespmem:s20], [sflag:$0x6], $0x1900, $0x38;
	[tilespmem:$0x1F400] =	vst v63  }
0x51: {  	s22 =	simm.s32 $0x11300  }
0x52: {  	[hbm4b:s21+s2] =	stream.linear.scatter [tilespmem:s22], [sflag:$0x6], $0x1900, $0x38;
	[tilespmem:$0x1F400] =	vst v63  }
0x53: {  	s25 =	simm.s32 $0x258  }
0x54: {  	[tilespmem:s23], [sflag:$0x4] =	stream.indirect.gather [hbm4b:s3+s11], $0x80, s25, s11, $0xb8;
	[tilespmem:$0x1F400] =	vst v63  }
0x55: {  	_ =	swait.ge [sflag:s24], $0x6400  }
0x56: {  	s26 =	sld [smem:$0x7F6]  }
0x57: {  	[sflag:s24] =	ssyncset.done $0x0  }
0x58: {  	s28 =	sld [smem:$0x7F7];
	[sflag:s24] =	ssyncadd.s32 $0xFFFF9C00  }
0x59: {  	[hbm4b:s26+s2] =	stream.linear.scatter [tilespmem:s18], [sflag:$0x7], $0x1900, $0x38;
	[tilespmem:$0x1F400] =	vst v63  }
0x5a: {  	s1 =	simm.s32 $0x14500;
	s0 =	sld [smem:$0x7F8]  }
0x5b: {  	[hbm4b:s28+s2] =	stream.linear.scatter [tilespmem:s1], [sflag:$0x7], $0x1900, $0x38;
	[tilespmem:$0x1F400] =	vst v63  }
0x5c: {  	s21 =	simm.s32 $0x15E00;
	s8 =	sld [smem:$0x7F9]  }
0x5d: {  	[hbm4b:s0+s2] =	stream.linear.scatter [tilespmem:s21], [sflag:$0x7], $0x1900, $0x38;
	[tilespmem:$0x1F400] =	vst v63  }
0x5e: {  	s22 =	simm.s32 $0x17700  }
0x5f: {  	[hbm4b:s8+s2] =	stream.linear.scatter [tilespmem:s22], [sflag:$0x7], $0x1900, $0x38;
	[tilespmem:$0x1F400] =	vst v63  }
0x60: {  	_ =	swait.ge [sflag:s29], $0x1900  }
0x61: {  	[sflag:s29] =	ssyncset.done $0x0  }
0x62: {  	[sflag:s29] =	ssyncadd.s32 $0xFFFFE700  }
0x63: {  	_ =	swait.ge [sflag:s29], $0x1900  }
0x64: {  	[sflag:s29] =	ssyncset.done $0x0  }
0x65: {  	[sflag:s29] =	ssyncadd.s32 $0xFFFFE700  }
0x66: {  	_ =	swait.ge [sflag:s29], $0x1900  }
0x67: {  	[sflag:s29] =	ssyncset.done $0x0  }
0x68: {  	[sflag:s29] =	ssyncadd.s32 $0xFFFFE700  }
0x69: {  	_ =	swait.ge [sflag:s29], $0x1900  }
0x6a: {  	[sflag:s29] =	ssyncset.done $0x0  }
0x6b: {  	s9 =	simm.s32 $0x320;
	[sflag:s29] =	ssyncadd.s32 $0xFFFFE700  }
0x6c: {  	[tilespmem:s12], [sflag:$0x1] =	stream.indirect.gather [hbm4b:s3+s11], $0x80, s9, s11, $0xb8;
	[tilespmem:$0x1F400] =	vst v63  }
0x6d: {  	_ =	swait.ge [sflag:s30], $0x6400  }
0x6e: {  	s25 =	sld [smem:$0x7FA]  }
0x6f: {  	[sflag:s30] =	ssyncset.done $0x0  }
0x70: {  	s26 =	sld [smem:$0x7FB];
	[sflag:s30] =	ssyncadd.s32 $0xFFFF9C00  }
0x71: {  	[hbm4b:s25+s2] =	stream.linear.scatter [tilespmem:s23], [sflag:$0x8], $0x1900, $0x38;
	[tilespmem:$0x1F400] =	vst v63  }
0x72: {  	s28 =	sld [smem:$0x7FC];
	s25 =	simm.s32 $0x1A900  }
0x73: {  	[hbm4b:s26+s2] =	stream.linear.scatter [tilespmem:s25], [sflag:$0x8], $0x1900, $0x38;
	[tilespmem:$0x1F400] =	vst v63  }
0x74: {  	s0 =	sld [smem:$0x7FD];
	s26 =	simm.s32 $0x1C200  }
0x75: {  	[hbm4b:s28+s2] =	stream.linear.scatter [tilespmem:s26], [sflag:$0x8], $0x1900, $0x38;
	[tilespmem:$0x1F400] =	vst v63  }
0x76: {  	s28 =	simm.s32 $0x1DB00  }
0x77: {  	[hbm4b:s0+s2] =	stream.linear.scatter [tilespmem:s28], [sflag:$0x8], $0x1900, $0x38;
	[tilespmem:$0x1F400] =	vst v63  }
0x78: {  	_ =	swait.ge [sflag:s4], $0x1900  }
0x79: {  	[sflag:s4] =	ssyncset.done $0x0  }
0x7a: {  	[sflag:s4] =	ssyncadd.s32 $0xFFFFE700  }
0x7b: {  	_ =	swait.ge [sflag:s4], $0x1900  }
0x7c: {  	[sflag:s4] =	ssyncset.done $0x0  }
0x7d: {  	[sflag:s4] =	ssyncadd.s32 $0xFFFFE700  }
0x7e: {  	_ =	swait.ge [sflag:s4], $0x1900  }
0x7f: {  	[sflag:s4] =	ssyncset.done $0x0  }
0x80: {  	[sflag:s4] =	ssyncadd.s32 $0xFFFFE700  }
0x81: {  	_ =	swait.ge [sflag:s4], $0x1900  }
0x82: {  	[sflag:s4] =	ssyncset.done $0x0  }
0x83: {  	s8 =	simm.s32 $0x3E8;
	[sflag:s4] =	ssyncadd.s32 $0xFFFFE700  }
0x84: {  	[tilespmem:s13], [sflag:$0x2] =	stream.indirect.gather [hbm4b:s3+s11], $0x80, s8, s11, $0xb8;
	[tilespmem:$0x1F400] =	vst v63  }
0x85: {  	_ =	swait.ge [sflag:s14], $0x6400  }
0x86: {  	s9 =	rddreg [dreg:$0x6]  }
0x87: {  	[sflag:s14] =	ssyncset.done $0x0;
	s5 =	sadd.s32 $0x0, s9  }
0x88: {  	[sflag:s14] =	ssyncadd.s32 $0xFFFF9C00;
	s8 =	sadd.s32 $0x3800, s5  }
0x89: {  	[hbm4b:s8+s2] =	stream.linear.scatter [tilespmem:s12], [sflag:$0x5], $0x1900, $0x38;
	[tilespmem:$0x1F400] =	vst v63  }
0x8a: {  	s0 =	sadd.s32 $0x3B80, s5  }
0x8b: {  	[hbm4b:s0+s2] =	stream.linear.scatter [tilespmem:s10], [sflag:$0x5], $0x1900, $0x38;
	[tilespmem:$0x1F400] =	vst v63  }
0x8c: {  	s9 =	rddreg [dreg:$0x7];
	s10 =	sadd.s32 $0x3F00, s5  }
0x8d: {  	[hbm4b:s10+s2] =	stream.linear.scatter [tilespmem:s15], [sflag:$0x5], $0x1900, $0x38;
	[tilespmem:$0x1F400] =	vst v63  }
0x8e: {  	s0 =	sadd.s32 $0x0, s9  }
0x8f: {  	[hbm4b:s0+s2] =	stream.linear.scatter [tilespmem:s16], [sflag:$0x5], $0x1900, $0x38;
	[tilespmem:$0x1F400] =	vst v63  }
0x90: {  	_ =	swait.ge [sflag:s6], $0x1900  }
0x91: {  	[sflag:s6] =	ssyncset.done $0x0  }
0x92: {  	[sflag:s6] =	ssyncadd.s32 $0xFFFFE700  }
0x93: {  	_ =	swait.ge [sflag:s6], $0x1900  }
0x94: {  	[sflag:s6] =	ssyncset.done $0x0  }
0x95: {  	[sflag:s6] =	ssyncadd.s32 $0xFFFFE700  }
0x96: {  	_ =	swait.ge [sflag:s6], $0x1900  }
0x97: {  	[sflag:s6] =	ssyncset.done $0x0  }
0x98: {  	[sflag:s6] =	ssyncadd.s32 $0xFFFFE700  }
0x99: {  	_ =	swait.ge [sflag:s6], $0x1900  }
0x9a: {  	[sflag:s6] =	ssyncset.done $0x0  }
0x9b: {  	s9 =	simm.s32 $0x4B0;
	[sflag:s6] =	ssyncadd.s32 $0xFFFFE700  }
0x9c: {  	[tilespmem:s18], [sflag:$0x3] =	stream.indirect.gather [hbm4b:s3+s11], $0x80, s9, s11, $0xb8;
	[tilespmem:$0x1F400] =	vst v63  }
0x9d: {  	_ =	swait.ge [sflag:s19], $0x6400  }
0x9e: {  	[sflag:s19] =	ssyncset.done $0x0  }
0x9f: {  	s15 =	sadd.s32 $0x4600, s5;
	s10 =	rddreg [dreg:$0x5];
	[sflag:s19] =	ssyncadd.s32 $0xFFFF9C00  }
0xa0: {  	[hbm4b:s15+s2] =	stream.linear.scatter [tilespmem:s13], [sflag:$0x6], $0x1900, $0x38;
	[tilespmem:$0x1F400] =	vst v63  }
0xa1: {  	s16 =	rddreg [dreg:$0x4];
	s8 =	sadd.s32 $0x0, s10  }
0xa2: {  	[hbm4b:s8+s2] =	stream.linear.scatter [tilespmem:s17], [sflag:$0x6], $0x1900, $0x38;
	[tilespmem:$0x1F400] =	vst v63  }
0xa3: {  	s9 =	sadd.s32 $0x0, s16;
	s17 =	rddreg [dreg:$0x3]  }
0xa4: {  	[hbm4b:s9+s2] =	stream.linear.scatter [tilespmem:s20], [sflag:$0x6], $0x1900, $0x38;
	[tilespmem:$0x1F400] =	vst v63  }
0xa5: {  	s8 =	sadd.s32 $0x0, s17;
	s20 =	simm.s32 $0x11300  }
0xa6: {  	[hbm4b:s8+s2] =	stream.linear.scatter [tilespmem:s20], [sflag:$0x6], $0x1900, $0x38;
	[tilespmem:$0x1F400] =	vst v63  }
0xa7: {  	_ =	swait.ge [sflag:s7], $0x1900  }
0xa8: {  	[sflag:s7] =	ssyncset.done $0x0  }
0xa9: {  	[sflag:s7] =	ssyncadd.s32 $0xFFFFE700  }
0xaa: {  	_ =	swait.ge [sflag:s7], $0x1900  }
0xab: {  	[sflag:s7] =	ssyncset.done $0x0  }
0xac: {  	[sflag:s7] =	ssyncadd.s32 $0xFFFFE700  }
0xad: {  	_ =	swait.ge [sflag:s7], $0x1900  }
0xae: {  	[sflag:s7] =	ssyncset.done $0x0  }
0xaf: {  	[sflag:s7] =	ssyncadd.s32 $0xFFFFE700  }
0xb0: {  	_ =	swait.ge [sflag:s7], $0x1900  }
0xb1: {  	[sflag:s7] =	ssyncset.done $0x0  }
0xb2: {  	s9 =	simm.s32 $0x578;
	[sflag:s7] =	ssyncadd.s32 $0xFFFFE700  }
0xb3: {  	[tilespmem:s23], [sflag:$0x4] =	stream.indirect.gather [hbm4b:s3+s11], $0x80, s9, s11, $0xb8;
	[tilespmem:$0x1F400] =	vst v63  }
0xb4: {  	_ =	swait.ge [sflag:s24], $0x6400  }
0xb5: {  	[sflag:s24] =	ssyncset.done $0x0  }
0xb6: {  	s10 =	sadd.s32 $0x5400, s5;
	[sflag:s24] =	ssyncadd.s32 $0xFFFF9C00  }
0xb7: {  	[hbm4b:s10+s2] =	stream.linear.scatter [tilespmem:s18], [sflag:$0x7], $0x1900, $0x38;
	[tilespmem:$0x1F400] =	vst v63  }
0xb8: {  	s16 =	sadd.s32 $0x5780, s5;
	s15 =	rddreg [dreg:$0xc]  }
0xb9: {  	[hbm4b:s16+s2] =	stream.linear.scatter [tilespmem:s1], [sflag:$0x7], $0x1900, $0x38;
	[tilespmem:$0x1F400] =	vst v63  }
0xba: {  	s17 =	rddreg [dreg:$0xb];
	s8 =	sadd.s32 $0x0, s15  }
0xbb: {  	[hbm4b:s8+s2] =	stream.linear.scatter [tilespmem:s21], [sflag:$0x7], $0x1900, $0x38;
	[tilespmem:$0x1F400] =	vst v63  }
0xbc: {  	s20 =	sadd.s32 $0x0, s17  }
0xbd: {  	[hbm4b:s20+s2] =	stream.linear.scatter [tilespmem:s22], [sflag:$0x7], $0x1900, $0x38;
	[tilespmem:$0x1F400] =	vst v63  }
0xbe: {  	_ =	swait.ge [sflag:s29], $0x1900  }
0xbf: {  	[sflag:s29] =	ssyncset.done $0x0  }
0xc0: {  	[sflag:s29] =	ssyncadd.s32 $0xFFFFE700  }
0xc1: {  	_ =	swait.ge [sflag:s29], $0x1900  }
0xc2: {  	[sflag:s29] =	ssyncset.done $0x0  }
0xc3: {  	[sflag:s29] =	ssyncadd.s32 $0xFFFFE700  }
0xc4: {  	_ =	swait.ge [sflag:s29], $0x1900  }
0xc5: {  	[sflag:s29] =	ssyncset.done $0x0  }
0xc6: {  	[sflag:s29] =	ssyncadd.s32 $0xFFFFE700  }
0xc7: {  	_ =	swait.ge [sflag:s29], $0x1900  }
0xc8: {  	[sflag:s29] =	ssyncset.done $0x0  }
0xc9: {  	s22 =	simm.s32 $0x640;
	[sflag:s29] =	ssyncadd.s32 $0xFFFFE700  }
0xca: {  	[tilespmem:s12], [sflag:$0x1] =	stream.indirect.gather [hbm4b:s3+s11], $0x80, s22, s11, $0xb8;
	[tilespmem:$0x1F400] =	vst v63  }
0xcb: {  	_ =	swait.ge [sflag:s30], $0x6400  }
0xcc: {  	[sflag:s30] =	ssyncset.done $0x0  }
0xcd: {  	s5 =	sadd.s32 $0x6200, s5;
	s9 =	rddreg [dreg:$0xa];
	[sflag:s30] =	ssyncadd.s32 $0xFFFF9C00  }
0xce: {  	[hbm4b:s5+s2] =	stream.linear.scatter [tilespmem:s23], [sflag:$0x8], $0x1900, $0x38;
	[tilespmem:$0x1F400] =	vst v63  }
0xcf: {  	s10 =	rddreg [dreg:$0x9];
	s15 =	sadd.s32 $0x0, s9  }
0xd0: {  	[hbm4b:s15+s2] =	stream.linear.scatter [tilespmem:s25], [sflag:$0x8], $0x1900, $0x38;
	[tilespmem:$0x1F400] =	vst v63  }
0xd1: {  	s16 =	rddreg [dreg:$0x8];
	s17 =	sadd.s32 $0x0, s10  }
0xd2: {  	[hbm4b:s17+s2] =	stream.linear.scatter [tilespmem:s26], [sflag:$0x8], $0x1900, $0x38;
	[tilespmem:$0x1F400] =	vst v63  }
0xd3: {  	s20 =	sadd.s32 $0x0, s16  }
0xd4: {  	[hbm4b:s20+s2] =	stream.linear.scatter [tilespmem:s28], [sflag:$0x8], $0x1900, $0x38;
	[tilespmem:$0x1F400] =	vst v63  }
0xd5: {  	_ =	swait.ge [sflag:s4], $0x1900  }
0xd6: {  	[sflag:s4] =	ssyncset.done $0x0  }
0xd7: {  	[sflag:s4] =	ssyncadd.s32 $0xFFFFE700  }
0xd8: {  	_ =	swait.ge [sflag:s4], $0x1900  }
0xd9: {  	[sflag:s4] =	ssyncset.done $0x0  }
0xda: {  	[sflag:s4] =	ssyncadd.s32 $0xFFFFE700  }
0xdb: {  	_ =	swait.ge [sflag:s4], $0x1900  }
0xdc: {  	s0 =	simm.s32 $0x14500;
	[sflag:s4] =	ssyncset.done $0x0  }
0xdd: {  	s1 =	simm.s32 $0x15E00;
	s21 =	simm.s32 $0x17700;
	[sflag:s4] =	ssyncadd.s32 $0xFFFFE700  }
0xde: {  	s22 =	simm.s32 $0x1A900;
	s9 =	simm.s32 $0x708;
	_ =	swait.ge [sflag:s4], $0x1900  }
0xdf: {  	s10 =	simm.s32 $0xA28;
	s5 =	simm.s32 $0x3800;
	[sflag:s4] =	ssyncset.done $0x0  }
0xe0: {  	s25 =	simm.s32 $0x1C200;
	s26 =	simm.s32 $0x1DB00;
	[sflag:s4] =	ssyncadd.s32 $0xFFFFE700  }
.LBB2_2:
0xe1: {  	[tilespmem:s13], [sflag:$0x2] =	stream.indirect.gather [hbm4b:s3+s11], $0x80, s9, s11, $0xb8;
	[tilespmem:$0x1F400] =	vst v63  }
0xe2: {  	_ =	swait.ge [sflag:s14], $0x6400  }
0xe3: {  	s8 =	smov.u32 s5;
	s15 =	rddreg [dreg:$0x6]  }
0xe4: {  	[sflag:s14] =	ssyncset.done $0x0;
	s15 =	sadd.s32 s8, s15  }
0xe5: {  	[sflag:s14] =	ssyncadd.s32 $0xFFFF9C00;
	s16 =	sadd.s32 $0x3800, s15  }
0xe6: {  	[hbm4b:s16+s2] =	stream.linear.scatter [tilespmem:s12], [sflag:$0x5], $0x1900, $0x38;
	[tilespmem:$0x1F400] =	vst v63  }
0xe7: {  	s20 =	simm.s32 $0x7D00;
	s28 =	sadd.s32 $0x3B80, s15  }
0xe8: {  	[hbm4b:s28+s2] =	stream.linear.scatter [tilespmem:s20], [sflag:$0x5], $0x1900, $0x38;
	[tilespmem:$0x1F400] =	vst v63  }
0xe9: {  	s17 =	rddreg [dreg:$0x7];
	s20 =	sadd.s32 $0x3F00, s15;
	s28 =	simm.s32 $0x9600  }
0xea: {  	[hbm4b:s20+s2] =	stream.linear.scatter [tilespmem:s28], [sflag:$0x5], $0x1900, $0x38;
	[tilespmem:$0x1F400] =	vst v63  }
0xeb: {  	s20 =	sadd.s32 s8, s17;
	s28 =	simm.s32 $0xAF00  }
0xec: {  	[hbm4b:s20+s2] =	stream.linear.scatter [tilespmem:s28], [sflag:$0x5], $0x1900, $0x38;
	[tilespmem:$0x1F400] =	vst v63  }
0xed: {  	_ =	swait.ge [sflag:s6], $0x1900  }
0xee: {  	[sflag:s6] =	ssyncset.done $0x0  }
0xef: {  	[sflag:s6] =	ssyncadd.s32 $0xFFFFE700  }
0xf0: {  	_ =	swait.ge [sflag:s6], $0x1900  }
0xf1: {  	[sflag:s6] =	ssyncset.done $0x0  }
0xf2: {  	[sflag:s6] =	ssyncadd.s32 $0xFFFFE700  }
0xf3: {  	_ =	swait.ge [sflag:s6], $0x1900  }
0xf4: {  	[sflag:s6] =	ssyncset.done $0x0  }
0xf5: {  	[sflag:s6] =	ssyncadd.s32 $0xFFFFE700  }
0xf6: {  	_ =	swait.ge [sflag:s6], $0x1900  }
0xf7: {  	[sflag:s6] =	ssyncset.done $0x0  }
0xf8: {  	s20 =	sadd.s32 $0xFFFFFDA8, s10;
	[sflag:s6] =	ssyncadd.s32 $0xFFFFE700  }
0xf9: {  	[tilespmem:s18], [sflag:$0x3] =	stream.indirect.gather [hbm4b:s3+s11], $0x80, s20, s11, $0xb8;
	[tilespmem:$0x1F400] =	vst v63  }
0xfa: {  	_ =	swait.ge [sflag:s19], $0x6400  }
0xfb: {  	[sflag:s19] =	ssyncset.done $0x0  }
0xfc: {  	s28 =	sadd.s32 $0x4600, s15;
	s16 =	rddreg [dreg:$0x5];
	[sflag:s19] =	ssyncadd.s32 $0xFFFF9C00  }
0xfd: {  	[hbm4b:s28+s2] =	stream.linear.scatter [tilespmem:s13], [sflag:$0x6], $0x1900, $0x38;
	[tilespmem:$0x1F400] =	vst v63  }
0xfe: {  	s20 =	rddreg [dreg:$0x4];
	s16 =	sadd.s32 s8, s16;
	s28 =	simm.s32 $0xE100  }
0xff: {  	[hbm4b:s16+s2] =	stream.linear.scatter [tilespmem:s28], [sflag:$0x6], $0x1900, $0x38;
	[tilespmem:$0x1F400] =	vst v63  }
0x100: {  	s17 =	rddreg [dreg:$0x3];
	s20 =	sadd.s32 s8, s20;
	s28 =	simm.s32 $0xFA00  }
0x101: {  	[hbm4b:s20+s2] =	stream.linear.scatter [tilespmem:s28], [sflag:$0x6], $0x1900, $0x38;
	[tilespmem:$0x1F400] =	vst v63  }
0x102: {  	s17 =	sadd.s32 s8, s17  }
0x103: {  	[hbm4b:s17+s2] =	stream.linear.scatter [tilespmem:s31], [sflag:$0x6], $0x1900, $0x38;
	[tilespmem:$0x1F400] =	vst v63  }
0x104: {  	_ =	swait.ge [sflag:s7], $0x1900  }
0x105: {  	[sflag:s7] =	ssyncset.done $0x0  }
0x106: {  	[sflag:s7] =	ssyncadd.s32 $0xFFFFE700  }
0x107: {  	_ =	swait.ge [sflag:s7], $0x1900  }
0x108: {  	[sflag:s7] =	ssyncset.done $0x0  }
0x109: {  	[sflag:s7] =	ssyncadd.s32 $0xFFFFE700  }
0x10a: {  	_ =	swait.ge [sflag:s7], $0x1900  }
0x10b: {  	[sflag:s7] =	ssyncset.done $0x0  }
0x10c: {  	[sflag:s7] =	ssyncadd.s32 $0xFFFFE700  }
0x10d: {  	_ =	swait.ge [sflag:s7], $0x1900  }
0x10e: {  	[sflag:s7] =	ssyncset.done $0x0  }
0x10f: {  	s20 =	sadd.s32 $0xFFFFFE70, s10;
	[sflag:s7] =	ssyncadd.s32 $0xFFFFE700  }
0x110: {  	[tilespmem:s23], [sflag:$0x4] =	stream.indirect.gather [hbm4b:s3+s11], $0x80, s20, s11, $0xb8;
	[tilespmem:$0x1F400] =	vst v63  }
0x111: {  	_ =	swait.ge [sflag:s24], $0x6400  }
0x112: {  	[sflag:s24] =	ssyncset.done $0x0  }
0x113: {  	s28 =	sadd.s32 $0x5400, s15;
	[sflag:s24] =	ssyncadd.s32 $0xFFFF9C00  }
0x114: {  	[hbm4b:s28+s2] =	stream.linear.scatter [tilespmem:s18], [sflag:$0x7], $0x1900, $0x38;
	[tilespmem:$0x1F400] =	vst v63  }
0x115: {  	s20 =	sadd.s32 $0x5780, s15;
	s17 =	rddreg [dreg:$0xc]  }
0x116: {  	[hbm4b:s20+s2] =	stream.linear.scatter [tilespmem:s0], [sflag:$0x7], $0x1900, $0x38;
	[tilespmem:$0x1F400] =	vst v63  }
0x117: {  	s17 =	sadd.s32 s8, s17;
	s28 =	rddreg [dreg:$0xb]  }
0x118: {  	[hbm4b:s17+s2] =	stream.linear.scatter [tilespmem:s1], [sflag:$0x7], $0x1900, $0x38;
	[tilespmem:$0x1F400] =	vst v63  }
0x119: {  	s28 =	sadd.s32 s8, s28  }
0x11a: {  	[hbm4b:s28+s2] =	stream.linear.scatter [tilespmem:s21], [sflag:$0x7], $0x1900, $0x38;
	[tilespmem:$0x1F400] =	vst v63  }
0x11b: {  	_ =	swait.ge [sflag:s29], $0x1900  }
0x11c: {  	[sflag:s29] =	ssyncset.done $0x0  }
0x11d: {  	[sflag:s29] =	ssyncadd.s32 $0xFFFFE700  }
0x11e: {  	_ =	swait.ge [sflag:s29], $0x1900  }
0x11f: {  	[sflag:s29] =	ssyncset.done $0x0  }
0x120: {  	[sflag:s29] =	ssyncadd.s32 $0xFFFFE700  }
0x121: {  	_ =	swait.ge [sflag:s29], $0x1900  }
0x122: {  	[sflag:s29] =	ssyncset.done $0x0  }
0x123: {  	[sflag:s29] =	ssyncadd.s32 $0xFFFFE700  }
0x124: {  	_ =	swait.ge [sflag:s29], $0x1900  }
0x125: {  	[sflag:s29] =	ssyncset.done $0x0  }
0x126: {  	s17 =	sadd.s32 $0xFFFFFF38, s10;
	[sflag:s29] =	ssyncadd.s32 $0xFFFFE700  }
0x127: {  	[tilespmem:s12], [sflag:$0x1] =	stream.indirect.gather [hbm4b:s3+s11], $0x80, s17, s11, $0xb8;
	[tilespmem:$0x1F400] =	vst v63  }
0x128: {  	_ =	swait.ge [sflag:s30], $0x6400  }
0x129: {  	[sflag:s30] =	ssyncset.done $0x0  }
0x12a: {  	s15 =	sadd.s32 $0x6200, s15;
	s20 =	rddreg [dreg:$0xa];
	[sflag:s30] =	ssyncadd.s32 $0xFFFF9C00  }
0x12b: {  	[hbm4b:s15+s2] =	stream.linear.scatter [tilespmem:s23], [sflag:$0x8], $0x1900, $0x38;
	[tilespmem:$0x1F400] =	vst v63  }
0x12c: {  	s28 =	rddreg [dreg:$0x9];
	s16 =	sadd.s32 s8, s20  }
0x12d: {  	[hbm4b:s16+s2] =	stream.linear.scatter [tilespmem:s22], [sflag:$0x8], $0x1900, $0x38;
	[tilespmem:$0x1F400] =	vst v63  }
0x12e: {  	s20 =	rddreg [dreg:$0x8];
	s28 =	sadd.s32 s8, s28  }
0x12f: {  	[hbm4b:s28+s2] =	stream.linear.scatter [tilespmem:s25], [sflag:$0x8], $0x1900, $0x38;
	[tilespmem:$0x1F400] =	vst v63  }
0x130: {  	s8 =	sadd.s32 s8, s20  }
0x131: {  	[hbm4b:s8+s2] =	stream.linear.scatter [tilespmem:s26], [sflag:$0x8], $0x1900, $0x38;
	[tilespmem:$0x1F400] =	vst v63  }
0x132: {  	_ =	swait.ge [sflag:s4], $0x1900  }
0x133: {  	[sflag:s4] =	ssyncset.done $0x0  }
0x134: {  	[sflag:s4] =	ssyncadd.s32 $0xFFFFE700  }
0x135: {  	_ =	swait.ge [sflag:s4], $0x1900  }
0x136: {  	[sflag:s4] =	ssyncset.done $0x0  }
0x137: {  	[sflag:s4] =	ssyncadd.s32 $0xFFFFE700  }
0x138: {  	p0 =	sne.s32 s5, $0x65800;
	_ =	swait.ge [sflag:s4], $0x1900  }
.Ltmp0:
0x139: {  	[sflag:s4] =	ssyncset.done $0x0;
	(pc) =	sbr.rel @p0 .LBB2_2-.Ltmp0, $4  }
0x13a: {  	[sflag:s4] =	ssyncadd.s32 $0xFFFFE700  }
0x13b: {  	_ =	swait.ge [sflag:s4], $0x1900  }
0x13c: {  	s9 =	smov.u32 s10;
	[sflag:s4] =	ssyncset.done $0x0  }
0x13d: {  	s5 =	sadd.s32 $0x3800, s5;
	s10 =	sadd.s32 $0x320, s10;
	[sflag:s4] =	ssyncadd.s32 $0xFFFFE700  }
0x13e: {  	[tilespmem:s13], [sflag:$0x2] =	stream.indirect.gather [hbm4b:s3+s11], $0x80, s9, s11, $0xb8;
	[tilespmem:$0x1F400] =	vst v63  }
0x13f: {  	_ =	swait.ge [sflag:s14], $0x6400  }
0x140: {  	[sflag:s14] =	ssyncset.done $0x0  }
0x141: {  	s5 =	rddreg [dreg:$0x12];
	[sflag:s14] =	ssyncadd.s32 $0xFFFF9C00  }
0x142: {  	[hbm4b:s5+s2] =	stream.linear.scatter [tilespmem:s12], [sflag:$0x5], $0x1900, $0x38;
	[tilespmem:$0x1F400] =	vst v63  }
0x143: {  	s8 =	simm.s32 $0x7D00;
	s17 =	rddreg [dreg:$0x13]  }
0x144: {  	[hbm4b:s17+s2] =	stream.linear.scatter [tilespmem:s8], [sflag:$0x5], $0x1900, $0x38;
	[tilespmem:$0x1F400] =	vst v63  }
0x145: {  	s28 =	simm.s32 $0x9600;
	s20 =	rddreg [dreg:$0x14]  }
0x146: {  	[hbm4b:s20+s2] =	stream.linear.scatter [tilespmem:s28], [sflag:$0x5], $0x1900, $0x38;
	[tilespmem:$0x1F400] =	vst v63  }
0x147: {  	s9 =	simm.s32 $0xAF00;
	s8 =	rddreg [dreg:$0x15]  }
0x148: {  	[hbm4b:s8+s2] =	stream.linear.scatter [tilespmem:s9], [sflag:$0x5], $0x1900, $0x38;
	[tilespmem:$0x1F400] =	vst v63  }
0x149: {  	_ =	swait.ge [sflag:s6], $0x1900  }
0x14a: {  	[sflag:s6] =	ssyncset.done $0x0  }
0x14b: {  	[sflag:s6] =	ssyncadd.s32 $0xFFFFE700  }
0x14c: {  	_ =	swait.ge [sflag:s6], $0x1900  }
0x14d: {  	[sflag:s6] =	ssyncset.done $0x0  }
0x14e: {  	[sflag:s6] =	ssyncadd.s32 $0xFFFFE700  }
0x14f: {  	_ =	swait.ge [sflag:s6], $0x1900  }
0x150: {  	[sflag:s6] =	ssyncset.done $0x0  }
0x151: {  	[sflag:s6] =	ssyncadd.s32 $0xFFFFE700  }
0x152: {  	_ =	swait.ge [sflag:s6], $0x1900  }
0x153: {  	[sflag:s6] =	ssyncset.done $0x0  }
0x154: {  	s10 =	simm.s32 $0x6270;
	[sflag:s6] =	ssyncadd.s32 $0xFFFFE700  }
0x155: {  	[tilespmem:s18], [sflag:$0x3] =	stream.indirect.gather [hbm4b:s3+s11], $0x80, s10, s11, $0xb8;
	[tilespmem:$0x1F400] =	vst v63  }
0x156: {  	_ =	swait.ge [sflag:s19], $0x6400  }
0x157: {  	[sflag:s19] =	ssyncset.done $0x0  }
0x158: {  	s15 =	rddreg [dreg:$0x16];
	[sflag:s19] =	ssyncadd.s32 $0xFFFF9C00  }
0x159: {  	[hbm4b:s15+s2] =	stream.linear.scatter [tilespmem:s13], [sflag:$0x6], $0x1900, $0x38;
	[tilespmem:$0x1F400] =	vst v63  }
0x15a: {  	s17 =	simm.s32 $0xE100;
	s16 =	rddreg [dreg:$0x17]  }
0x15b: {  	[hbm4b:s16+s2] =	stream.linear.scatter [tilespmem:s17], [sflag:$0x6], $0x1900, $0x38;
	[tilespmem:$0x1F400] =	vst v63  }
0x15c: {  	s28 =	simm.s32 $0xFA00;
	s20 =	rddreg [dreg:$0x18]  }
0x15d: {  	[hbm4b:s20+s2] =	stream.linear.scatter [tilespmem:s28], [sflag:$0x6], $0x1900, $0x38;
	[tilespmem:$0x1F400] =	vst v63  }
0x15e: {  	s8 =	rddreg [dreg:$0x19]  }
0x15f: {  	[hbm4b:s8+s2] =	stream.linear.scatter [tilespmem:s31], [sflag:$0x6], $0x1900, $0x38;
	[tilespmem:$0x1F400] =	vst v63  }
0x160: {  	_ =	swait.ge [sflag:s7], $0x1900  }
0x161: {  	[sflag:s7] =	ssyncset.done $0x0  }
0x162: {  	[sflag:s7] =	ssyncadd.s32 $0xFFFFE700  }
0x163: {  	_ =	swait.ge [sflag:s7], $0x1900  }
0x164: {  	[sflag:s7] =	ssyncset.done $0x0  }
0x165: {  	[sflag:s7] =	ssyncadd.s32 $0xFFFFE700  }
0x166: {  	_ =	swait.ge [sflag:s7], $0x1900  }
0x167: {  	[sflag:s7] =	ssyncset.done $0x0  }
0x168: {  	[sflag:s7] =	ssyncadd.s32 $0xFFFFE700  }
0x169: {  	_ =	swait.ge [sflag:s7], $0x1900  }
0x16a: {  	[sflag:s7] =	ssyncset.done $0x0  }
0x16b: {  	s9 =	simm.s32 $0x6338;
	[sflag:s7] =	ssyncadd.s32 $0xFFFFE700  }
0x16c: {  	[tilespmem:s23], [sflag:$0x4] =	stream.indirect.gather [hbm4b:s3+s11], $0x80, s9, s11, $0xb8;
	[tilespmem:$0x1F400] =	vst v63  }
0x16d: {  	_ =	swait.ge [sflag:s24], $0x6400  }
0x16e: {  	[sflag:s24] =	ssyncset.done $0x0  }
0x16f: {  	s10 =	rddreg [dreg:$0x1a];
	[sflag:s24] =	ssyncadd.s32 $0xFFFF9C00  }
0x170: {  	[hbm4b:s10+s2] =	stream.linear.scatter [tilespmem:s18], [sflag:$0x7], $0x1900, $0x38;
	[tilespmem:$0x1F400] =	vst v63  }
0x171: {  	s15 =	rddreg [dreg:$0x1b]  }
0x172: {  	[hbm4b:s15+s2] =	stream.linear.scatter [tilespmem:s0], [sflag:$0x7], $0x1900, $0x38;
	[tilespmem:$0x1F400] =	vst v63  }
0x173: {  	s16 =	rddreg [dreg:$0x1c]  }
0x174: {  	[hbm4b:s16+s2] =	stream.linear.scatter [tilespmem:s1], [sflag:$0x7], $0x1900, $0x38;
	[tilespmem:$0x1F400] =	vst v63  }
0x175: {  	s17 =	rddreg [dreg:$0x1d]  }
0x176: {  	[hbm4b:s17+s2] =	stream.linear.scatter [tilespmem:s21], [sflag:$0x7], $0x1900, $0x38;
	[tilespmem:$0x1F400] =	vst v63  }
0x177: {  	_ =	swait.ge [sflag:s30], $0x6400  }
0x178: {  	[sflag:s30] =	ssyncset.done $0x0  }
0x179: {  	s20 =	rddreg [dreg:$0x1e];
	[sflag:s30] =	ssyncadd.s32 $0xFFFF9C00  }
0x17a: {  	[hbm4b:s20+s2] =	stream.linear.scatter [tilespmem:s23], [sflag:$0x8], $0x1900, $0x38;
	[tilespmem:$0x1F400] =	vst v63  }
0x17b: {  	s21 =	rddreg [dreg:$0x1f]  }
0x17c: {  	[hbm4b:s21+s2] =	stream.linear.scatter [tilespmem:s22], [sflag:$0x8], $0x1900, $0x38;
	[tilespmem:$0x1F400] =	vst v63  }
0x17d: {  	s22 =	sld [smem:$0x7EF];
	_ =	sdelay $0x2  }
0x17e: {  	[hbm4b:s22+s2] =	stream.linear.scatter [tilespmem:s25], [sflag:$0x8], $0x1900, $0x38;
	[tilespmem:$0x1F400] =	vst v63  }
0x17f: {  	s25 =	sld [smem:$0x7F0];
	_ =	sdelay $0x2  }
0x180: {  	[hbm4b:s25+s2] =	stream.linear.scatter [tilespmem:s26], [sflag:$0x8], $0x1900, $0x38;
	[tilespmem:$0x1F400] =	vst v63  }
0x181: {  	_ =	swait.ge [sflag:s29], $0x1900  }
0x182: {  	[sflag:s29] =	ssyncset.done $0x0  }
0x183: {  	[sflag:s29] =	ssyncadd.s32 $0xFFFFE700  }
0x184: {  	_ =	swait.ge [sflag:s29], $0x1900  }
0x185: {  	[sflag:s29] =	ssyncset.done $0x0  }
0x186: {  	[sflag:s29] =	ssyncadd.s32 $0xFFFFE700  }
0x187: {  	_ =	swait.ge [sflag:s29], $0x1900  }
0x188: {  	[sflag:s29] =	ssyncset.done $0x0  }
0x189: {  	[sflag:s29] =	ssyncadd.s32 $0xFFFFE700  }
0x18a: {  	_ =	swait.ge [sflag:s29], $0x1900  }
0x18b: {  	[sflag:s29] =	ssyncset.done $0x0  }
0x18c: {  	[sflag:s29] =	ssyncadd.s32 $0xFFFFE700  }
0x18d: {  	_ =	swait.ge [sflag:s4], $0x1900  }
0x18e: {  	[sflag:s4] =	ssyncset.done $0x0  }
0x18f: {  	[sflag:s4] =	ssyncadd.s32 $0xFFFFE700  }
0x190: {  	_ =	swait.ge [sflag:s4], $0x1900  }
0x191: {  	[sflag:s4] =	ssyncset.done $0x0  }
0x192: {  	[sflag:s4] =	ssyncadd.s32 $0xFFFFE700  }
0x193: {  	_ =	swait.ge [sflag:s4], $0x1900  }
0x194: {  	[sflag:s4] =	ssyncset.done $0x0  }
0x195: {  	[sflag:s4] =	ssyncadd.s32 $0xFFFFE700  }
0x196: {  	_ =	swait.ge [sflag:s4], $0x1900  }
0x197: {  	[sflag:s4] =	ssyncset.done $0x0  }
0x198: {  	[sflag:s4] =	ssyncadd.s32 $0xFFFFE700  }
0x199: {  	_ =	swait.ge [sflag:s6], $0x1900  }
0x19a: {  	[sflag:s6] =	ssyncset.done $0x0  }
0x19b: {  	[sflag:s6] =	ssyncadd.s32 $0xFFFFE700  }
0x19c: {  	_ =	swait.ge [sflag:s6], $0x1900  }
0x19d: {  	[sflag:s6] =	ssyncset.done $0x0  }
0x19e: {  	[sflag:s6] =	ssyncadd.s32 $0xFFFFE700  }
0x19f: {  	_ =	swait.ge [sflag:s6], $0x1900  }
0x1a0: {  	[sflag:s6] =	ssyncset.done $0x0  }
0x1a1: {  	[sflag:s6] =	ssyncadd.s32 $0xFFFFE700  }
0x1a2: {  	_ =	swait.ge [sflag:s6], $0x1900  }
0x1a3: {  	[sflag:s6] =	ssyncset.done $0x0  }
0x1a4: {  	[sflag:s6] =	ssyncadd.s32 $0xFFFFE700  }
0x1a5: {  	_ =	swait.ge [sflag:s7], $0x1900  }
0x1a6: {  	[sflag:s7] =	ssyncset.done $0x0  }
0x1a7: {  	[sflag:s7] =	ssyncadd.s32 $0xFFFFE700  }
0x1a8: {  	_ =	swait.ge [sflag:s7], $0x1900  }
0x1a9: {  	[sflag:s7] =	ssyncset.done $0x0  }
0x1aa: {  	[sflag:s7] =	ssyncadd.s32 $0xFFFFE700  }
0x1ab: {  	_ =	swait.ge [sflag:s7], $0x1900  }
0x1ac: {  	[sflag:s7] =	ssyncset.done $0x0  }
0x1ad: {  	[sflag:s7] =	ssyncadd.s32 $0xFFFFE700  }
0x1ae: {  	_ =	swait.ge [sflag:s7], $0x1900  }
0x1af: {  	s26 =	sld [smem:$0x7EE]  }
0x1b0: {  	s28 =	sld [smem:$0x7F1];
	_ =	sdelay $0x1  }
0x1b1: {  	s0 =	sadd.s32 $0x1, s26  }
0x1b2: {  	p0 =	sne.s32 s0, s28  }
.Ltmp1:
0x1b3: {  	_ = 	snop;
	(pc) =	sbr.rel @p0 .LBB2_1-.Ltmp1, $3  }
0x1b4: {  	_ =	sdelay $0x1  }
0x1b5: {  	[sflag:s7] =	ssyncset.done $0x0  }
0x1b6: {  	[sflag:s7] =	ssyncadd.s32 $0xFFFFE700  }
0x1b7: {  	_ =	sfence.sel $0x180000  }
0x1b8: {  	[bflag:$0x0] =	sbarrier.arrive $0xFFFF  }
0x1b9: {  	_ =	strace $0x90000047  }
0x1ba: {  	s0 =	stileid.u32;
	[bflag:$0x2] =	sbarrier.arrive $0xFFFF  }
0x1bb: {  	p0 =	sne.s32 s0, $0x0;
	s0 =	rddreg [dreg:$0x2]  }
0x1bc: {  	s0 =	sadd.s32 @!p0 $0x100000, s0  }
0x1bd: {  	[sflag:s0] =	ssyncadd.tile.s32 @!p0 $0x1;
	_ =	shalt  }
.Lfunc_end2:
_tile_overlayer_lowered:
.L_overlay_start_2:
0x1be: {  	(tag) =	ssettag $0x2  }
0x1bf: {  	s0 =	rddreg [dreg:$0x0];
	s2 =	stileid.u32  }
0x1c0: {  	s1 =	rddreg [dreg:$0x1];
	p0 =	sne.s32 s2, $0x0  }
0x1c1: {  	s3 =	rddreg [dreg:$0x2];
	[bflag:$0x3] =	sbarrier.arrive $0xFFFF;
	s2 =	simm.s32 @!p0 $0x1C09  }
0x1c2: {  	[timem:s3], [sflag:s2] =	dma.local @!p0 [hbm:s0], s1  }
0x1c3: {  	s0 =	simm.s32 @!p0 $0x9  }
0x1c4: {  	_ =	swait.ge @!p0 [sflag:s0], s1  }
0x1c5: {  	s1 =	ssub.s32 @!p0 $0x0, s1;
	[sflag:s0] =	ssyncset.done @!p0 $0x0  }
0x1c6: {  	[sflag:s0] =	ssyncadd.s32 @!p0 s1  }
0x1c7: {  	[bflag:$0x3] =	sbarrier.arrive $0xFFFF  }
0x1c8: {  	_ =	shalt  }

// kernel: sparse-core-data-format-call.cloned.1.call-start
scs
called_computation_lowered:
.L_overlay_start_0:
0x0: {  	s2 =	sld [smem:$0x3FD9]  }
0x1: {  	s3 =	sld [smem:$0x3FFE];
	_ =	sdelay $0x1  }
0x2: {  	s1 =	srdreg.scid  }
0x3: {  	s0 =	sand.u32 $0x1, s1  }
0x4: {  	s18 =	sshll.u32 s0, $0xA;
	s2 =	sadd.s32 s3, s2  }
0x5: {  	s2 =	sadd.s32 s2, s18  }
0x6: {  	[smem:$0x3FC6] =	sst s2  }
0x7: {  	_ = 	snop  }
0x8: {  	s2 =	sld [smem:$0x3FD0];
	(tm) =	ssettm $0x1  }
0x9: {  	s19 =	sld [smem:$0x3FFB];
	_ =	sdelay $0x3  }
0xa: {  	_ =	strace s19  }
0xb: {  	s3 =	sld [smem:$0x3FFC];
	_ =	sdelay $0x3  }
0xc: {  	_ =	strace s3  }
0xd: {  	s3 =	sld [smem:$0x3FFD];
	_ =	sdelay $0x3  }
0xe: {  	_ =	strace s3  }
0xf: {  	_ =	strace $0x8FFFFFFF  }
0x10: {  	s20 =	sld [smem:$0x3FDB];
	_ =	sdelay $0x1  }
0x11: {  	s4 =	simm.s32 $_scs_section_size  }
0x12: {  	s5 =	simm.s32 $_size__tile_overlayer_lowered;
	s6 =	simm.s32 $_tile_overlayer_lowered  }
0x13: {  	s23 =	simm.s32 $0x1BFF;
	s22 =	sshll.u32 s6, $0x1;
	s3 =	sadd.s32 s4, s20  }
0x14: {  	s7 =	simm.s32 $0x0;
	s21 =	sshll.u32 s5, $0x1;
	s5 =	sadd.s32 s22, s3  }
0x15: {  	[timem:s7], [sflag:s23] =	dma.local [hbm:s5], s21  }
0x16: {  	_ =	swait.ge [sflag:s23], s21  }
0x17: {  	s4 =	ssub.s32 $0x0, s21;
	[sflag:s23] =	ssyncset.done $0x0  }
0x18: {  	[sflag:s23] =	ssyncadd.s32 s4;
	_ =	sdelay $0x1  }
0x19: {  	s24 =	simm.s32 $0x1B8B  }
0x1a: {  	_ =	swait.ge [sflag:s24], $0x1  }
0x1b: {  	[sflag:s24] =	ssyncset.done $0x0  }
0x1c: {  	s26 =	simm.s32 $0x1B8E;
	s25 =	sld [smem:$0x3FFE];
	[sflag:s24] =	ssyncadd.s32 $0xFFFFFFFF  }
0x1d: {  	s27 =	simm.s32 $execute0_lowered;
	[smem:$0x3FD2] =	sst s26  }
0x1e: {  	s5 =	sshll.u32 s27, $0x1;
	_ =	strace $0x80000049;
	[dreg:$0x1] =	wrdreg $0xFFFFFFFF  }
0x1f: {  	s28 =	simm.s32 $_size_execute0_lowered;
	s3 =	sadd.s32 s3, s5;
	[dreg:$0x0] =	wrdreg $0x0  }
0x20: {  	s5 =	sshll.u32 s28, $0x1;
	[dreg:$0x2] =	wrdreg s3  }
0x21: {  	[dreg:$0x3] =	wrdreg s5  }
0x22: {  	[dreg:$0x4] =	wrdreg $0xC0  }
0x23: {  	_ =	task [dreg:s7], $0x5FFFF  }
0x24: {  	[dreg:$0x1] =	wrdreg $0xFFFFFFFF  }
0x25: {  	[dreg:$0x0] =	wrdreg $0x60  }
0x26: {  	[dreg:$0x2] =	wrdreg s25  }
0x27: {  	[dreg:$0x3] =	wrdreg s2  }
0x28: {  	[dreg:$0x4] =	wrdreg $0x9  }
0x29: {  	_ =	task.clear_ibuf [dreg:s7], $0x5FFFF;
	_ =	strace $0x90000049  }
0x2a: {  	s29 =	simm.s32 $0x9;
	_ =	strace $0x8000004B  }
0x2b: {  	_ =	swait.ge [sflag:s29], $0x1  }
0x2c: {  	[sflag:s29] =	ssyncadd.s32 $0xFFFFFFFF  }
0x2d: {  	_ =	strace $0x9000004B  }
0x2e: {  	_ =	sfence  }
0x2f: {  	s30 =	sld [smem:$0x0];
	_ =	sdelay $0x2  }
0x30: {  	s31 =	sshll.u32 s1, $0xD;
	s1 =	sshrl.u32 s1, $0x2  }
0x31: {  	s3 =	sand.u32 $0x4000, s31;
	s1 =	sadd.s32 s1, s30  }
0x32: {  	s0 =	sor.u32 s3, s0;
	s1 =	sshll.u32 s1, $0x11  }
0x33: {  	s0 =	sor.u32 s1, s0  }
0x34: {  	s0 =	sadd.s32 $0x8F2B, s0  }
0x35: {  	[sflag:s0] =	ssyncadd.remote.s32 $0x1  }
0x36: {  	_ =	sfence.sel $0xFFFF  }
0x37: {  	[dreg:$0x0] =	wrdreg $0xFFFFFFFF;
	(pc) =	sbr.abs _section_cstart, $3  }
0x38: {  	[dreg:$0x1] =	wrdreg $0xFFFFFFFF  }
0x39: {  	_ =	task.clear_ibuf [dreg:s7], $0x2FFFF;
	_ =	strace $0x9FFFFFFF  }
0x3a: {  	(tm) =	ssettm $0x7FFFFFFF  }
0x3b: {  	_ =	shalt  }
tec
execute0_lowered:
.L_overlay_start_1:
0x0: {  	(tag) =	ssettag $0x1  }
0x1: {  	s0 =	srdreg.scid  }
0x2: {  	s1 =	sshll.u32 s0, $0x4  }
0x3: {  	s0 =	stileid.u32;
	s1 =	sand.u32 $0x10, s1  }
0x4: {  	s1 =	sor.u32 s0, s1  }
0x5: {  	s6 =	rddreg [dreg:$0x0];
	s4 =	simm.s32 $0x1;
	s2 =	sshll.u32 s1, $0x7  }
0x6: {  	s7 =	simm.s32 $0x2;
	s12 =	simm.s32 $0x0;
	s1 =	ssub.s32 $0x4000, s2  }
0x7: {  	s8 =	simm.s32 $0x20000;
	s13 =	simm.s32 $0x0;
	s3 =	sand.u32 $0xF80, s1  }
0x8: {  	s9 =	simm.s32 $0x0;
	s5 =	sshrl.u32 s1, $0xC;
	p0 =	sne.s32 s3, $0x0  }
.Ltmp0:
0x9: {  	s1 =	rddreg [dreg:$0x2];
	s4 =	simm.s32 @!p0 $0x0;
	(pc) =	sbr.rel .LBB1_1-.Ltmp0, $4  }
0xa: {  	s11 =	simm.s32 $0x0;
	s3 =	rddreg [dreg:$0x1];
	s5 =	sadd.s32 s4, s5  }
0xb: {  	_ =	strace $0x8000004A;
	s4 =	simm.s32 $0x1;
	s5 =	smul.u32 $0x32, s5  }
0xc: {  	s6 =	sadd.s32 $0xF42C00, s6;
	s10 =	smov.u32 s2;
	[sflag:s4] =	ssyncpa.u1 $0x0  }
0xd: {  	p0 =	por $0x0, $0x0;
	[sflag:s7] =	ssyncpa.u1 $0x0;
	s7 =	sor.u32 $0x1, s5  }
.LBB1_4:
0xe: {  	s16 =	sshll.u32 s13, $0x3;
	s17 =	sand.u32 $0x78, s13  }
0xf: {  	s30 =	sand.u32 $0x1F800, s13;
	s12 =	sshll.u32 s12, $0x11;
	s16 =	sand.u32 $0x3C00, s16  }
0x10: {  	[tilespmem:s15+$0x810 ss:$0x81] =	vst.msk $0xffff, v2;
	s31 =	sand.u32 $0x7, s13;
	s16 =	sor.u32 s17, s16;
	s17 =	sadd.s32 s3, s30  }
0x11: {  	[tilespmem:s15+$0x1020 ss:$0x81] =	vst.msk $0xffff, v0;
	s13 =	sshll.u32 s31, $0x12;
	s12 =	sadd.s32 s12, s17;
	s16 =	sshrl.u32 s16, $0x3  }
0x12: {  	[tilespmem:s15+$0x0 ss:$0x81] =	vst.msk $0xffff, v1;
	s13 =	sor.u32 $0x400, s13;
	s12 =	sadd.s32 s16, s12  }
0x13: {  	[hbm4b:s12+s13] =	stream.strided.scatter [tilespmem:s14], [sflag:$0x2], $0x2000, s8, s13, $0x20;
	[tilespmem:$0x8080] =	vst v63  }
.LBB1_5:
0x14: {  	s14 =	sadd.s32 $0x1, s9  }
0x15: {  	s12 =	sadd.s32 $0x1000, s10;
	s16 =	smov.u32 s10;
	p2 =	sgt.s32 s14, $0x31  }
0x16: {  	s16 =	smov.u32 @p2 s12  }
0x17: {  	s14 =	simm.s32 @p2 $0x0;
	p2 =	sgt.s32 s16, $0x3FFF  }
0x18: {  	s16 =	smov.u32 @p2 s2;
	p2 =	sne.s32 s11, s7  }
.Ltmp1:
0x19: {  	p1 =	slt.u32 s11, $0x2;
	(pc) =	sbr.rel @!p2 .LBB1_6-.Ltmp1, $4  }
0x1a: {  	s15 =	simm.s32 @!p1 $0x2  }
0x1b: {  	s13 =	smov.u32 s10;
	p0 =	por !p0, !p0;
	_ =	swait.ge @!p1 [sflag:s15], $0x2000  }
0x1c: {  	s12 =	smov.u32 s9;
	[sflag:s15] =	ssyncset.done @!p1 $0x0;
	s9 =	smov.u32 s14  }
0x1d: {  	s11 =	sadd.s32 $0x1, s11;
	[sflag:s15] =	ssyncadd.s32 @!p1 $0xFFFFE000;
	s10 =	smov.u32 s16  }
.LBB1_1:
0x1e: {  	p1 =	sge.u32 s11, s5  }
0x1f: {  	s14 =	sand.u32 @!p1 $0x1FFFFFF, s9  }
0x20: {  	s15 =	smulhi.u32 @!p1 $0x4924925, s14;
	_ =	sdelay $0x1  }
0x21: {  	s15 =	smul.u32 @!p1 $0x38, s15  }
0x22: {  	s16 =	sxor.u32 @!p1 $0xFFFFFFFF, s11;
	s17 =	smul.u32 @!p1 $0x380, s10  }
0x23: {  	s31 =	sadd.s32 $0xFFFFFFFF, s11;
	s16 =	sshll.u32 @!p1 s16, $0xD;
	s14 =	ssub.s32 @!p1 s14, s15  }
0x24: {  	s15 =	sand.u32 @!p1 $0x2000, s16;
	s16 =	sadd.s32 @!p1 s6, s17;
	s14 =	sshll.u32 @!p1 s14, $0x4  }
0x25: {  	s17 =	simm.s32 @!p1 $0x1C00;
	s14 =	sadd.s32 @!p1 s14, s16;
	s16 =	simm.s32 @!p1 $0x40  }
0x26: {  	[tilespmem:s15], [sflag:$0x1] =	stream.strided.gather @!p1 [hbm4b:s14+s16], $0x2000, s17, s16, $0x38;
	[tilespmem:$0x8080] =	vst v63  }
0x27: {  	p1 =	sge.u32 s31, s5  }
.Ltmp2:
0x28: {  	_ = 	snop;
	(pc) =	sbr.rel @p1 .LBB1_5-.Ltmp2, $1  }
0x29: {  	_ =	sdelay $0x3  }
0x2a: {  	s14 =	simm.s32 $0x1  }
0x2b: {  	_ =	swait.ge [sflag:s4], $0x2000;
	s14 =	simm.s32 @!p0 $0x0  }
0x2c: {  	[sflag:s4] =	ssyncset.done $0x0;
	s15 =	sshll.u32 s14, $0xD  }
0x2d: {  	[sflag:s4] =	ssyncadd.s32 $0xFFFFE000;
	s18 =	sor.u32 $0x20, s15  }
0x2e: {  	s14 =	smul.u32 $0x8100, s14;
	v3 =	vld [tilespmem:s18+$0x10]  }
0x2f: {  	s30 =	sand.u32 $0x1, s11;
	v2 =	vld [tilespmem:s18+$0xFFFFFFF0]  }
0x30: {  	s15 =	smul.u32 $0x8100, s30;
	s14 =	sshrl.u32 s14, $0x2;
	v0 =	vld [tilespmem:s18+$0x0]  }
0x31: {  	v1 =	vld [tilespmem:s18+$0xFFFFFFE0];
	s16 =	sor.u32 $0x4000, s14  }
0x32: {  	s31 =	sshrl.u32 s15, $0x2;
	s15 =	sadd.s32 $0x0, s16  }
0x33: {  	s17 =	simm.s32 $0x4;
	s18 =	sadd.s32 $0x40, s18;
	s14 =	sor.u32 $0x4000, s31;
	[tilespmem:s15+$0x1830 ss:$0x81] =	vst.msk $0xffff, v3  }
.LBB1_3:
0x34: {  	v3 =	vld [tilespmem:s18+$0x10];
	p1 =	sne.s32 s17, $0x1FC;
	[tilespmem:s15+$0x810 ss:$0x81] =	vst.msk $0xffff, v2;
	s19 =	smov.u32 s17;
	s17 =	sadd.s32 $0x4, s17  }
.Ltmp3:
0x35: {  	v2 =	vld [tilespmem:s18+$0xFFFFFFF0];
	[tilespmem:s15+$0x1020 ss:$0x81] =	vst.msk $0xffff, v0;
	(pc) =	sbr.rel @p1 .LBB1_3-.Ltmp3, $4  }
0x36: {  	v0 =	vld [tilespmem:s18+$0x0];
	[tilespmem:s15+$0x0 ss:$0x81] =	vst.msk $0xffff, v1  }
0x37: {  	s15 =	sshra.s32 s19, $0x2;
	v1 =	vld [tilespmem:s18+$0xFFFFFFE0]  }
0x38: {  	s15 =	sadd.s32 s15, s16  }
0x39: {  	s18 =	sadd.s32 $0x40, s18;
	[tilespmem:s15+$0x1830 ss:$0x81] =	vst.msk $0xffff, v3  }
.Ltmp4:
0x3a: {  	_ = 	snop;
	(pc) =	sbr.rel .LBB1_4-.Ltmp4, $1  }
0x3b: {  	_ =	sdelay $0x3  }
.LBB1_6:
0x3c: {  	_ =	sfence.sel $0x180000  }
0x3d: {  	s2 =	simm.s32 $0x1;
	[bflag:$0x0] =	sbarrier.arrive $0xFFFF  }
0x3e: {  	s31 =	simm.s32 $0x2;
	[sflag:s2] =	ssyncpa.u1 $0x1  }
0x3f: {  	[sflag:s31] =	ssyncpa.u1 $0x1  }
0x40: {  	p0 =	sne.s32 s0, $0x0;
	_ =	strace $0x9000004A  }
0x41: {  	s0 =	sadd.s32 @!p0 $0x100000, s1;
	[bflag:$0x2] =	sbarrier.arrive $0xFFFF  }
0x42: {  	[sflag:s0] =	ssyncadd.tile.s32 @!p0 $0x1;
	_ =	shalt  }
.Lfunc_end1:
_tile_overlayer_lowered:
.L_overlay_start_2:
0x43: {  	(tag) =	ssettag $0x2  }
0x44: {  	s0 =	rddreg [dreg:$0x0];
	s2 =	stileid.u32  }
0x45: {  	s1 =	rddreg [dreg:$0x1];
	p0 =	sne.s32 s2, $0x0  }
0x46: {  	s3 =	rddreg [dreg:$0x2];
	[bflag:$0x3] =	sbarrier.arrive $0xFFFF;
	s2 =	simm.s32 @!p0 $0x1C01  }
0x47: {  	[timem:s3], [sflag:s2] =	dma.local @!p0 [hbm:s0], s1  }
0x48: {  	s0 =	simm.s32 @!p0 $0x1  }
0x49: {  	_ =	swait.ge @!p0 [sflag:s0], s1  }
0x4a: {  	s1 =	ssub.s32 @!p0 $0x0, s1;
	[sflag:s0] =	ssyncset.done @!p0 $0x0  }
0x4b: {  	[sflag:s0] =	ssyncadd.s32 @!p0 s1  }
0x4c: {  	[bflag:$0x3] =	sbarrier.arrive $0xFFFF  }
0x4d: {  	_ =	shalt  }

</sc_bundles>
